<compile_context>
chip_gen: v7x
topology: tpu7x:2x2x1
jax: 0.10.2.dev20260603
libtpu: 0.0.44.dev20260713+nightly
codegen_flags: <defaults>
</compile_context>

<pallas_src>
import jax
import jax.numpy as jnp
from jax import lax
from jax.experimental import pallas as pl
from jax.experimental.pallas import tpu as pltpu
from jax.experimental.pallas import tpu_sc as plsc

N = 10000
E = 160000
DIN, DHID, DOUT = 256, 512, 128
NC, NS = 2, 16
NPAD = 10240
NH = NPAD // 2
TRASH = 64
NACC = NH + TRASH
K = 80
NB = (E // NS) // K
NPT = NPAD // NS
HPT = NPAD // (NC * NS)
RPT = NH // NS
WBR = 80
BN = 1024

_MESH = plsc.VectorSubcoreMesh(
    core_axis_name="c", subcore_axis_name="s", num_cores=NC, num_subcores=NS)


def _deg_body(dst3_h, ones_h, deg_h, dst_v, ones_v, dv_v, deg_sh):
  cid = lax.axis_index("c")
  sid = lax.axis_index("s")
  pltpu.sync_copy(dst3_h.at[sid], dst_v)
  pltpu.sync_copy(ones_h.at[pl.ds(0, NPT)], ones_v)
  pltpu.sync_copy(ones_v, deg_sh.at[pl.ds(sid * NPT, NPT)])
  plsc.subcore_barrier()

  def body(nb, _):
    pltpu.sync_copy(ones_v.at[pl.ds(0, K)], deg_sh.at[dst_v.at[nb]], add=True)
    return ()

  lax.fori_loop(0, NB, body, ())
  plsc.subcore_barrier()

  row0 = (cid * NS + sid) * HPT
  pltpu.sync_copy(deg_sh.at[pl.ds(row0, HPT)], dv_v)
  pltpu.sync_copy(dv_v, deg_h.at[pl.ds(row0, HPT)])


_deg = pl.kernel(
    _deg_body,
    out_type=jax.ShapeDtypeStruct((NPAD,), jnp.float32),
    mesh=_MESH,
    scratch_types=[
        pltpu.VMEM((NB, K), jnp.int32),
        pltpu.VMEM((NPT,), jnp.float32),
        pltpu.VMEM((HPT,), jnp.float32),
        pltpu.VMEM_SHARED((NPAD,), jnp.float32),
    ],
)


def _transform_dst(dst_v, base):

  def row(b, _):
    for j in range(K // 16):
      d = dst_v[b, pl.ds(j * 16, 16)]
      idx = d - base
      ok = (idx >= 0) & (idx < NH)
      dst_v[b, pl.ds(j * 16, 16)] = jnp.where(
          ok, idx, NH + (d & (TRASH - 1)))
    return ()

  lax.fori_loop(0, NB, row, ())


def _edge_loop(tbl, src_v, dstt_v, rows_v, acc_sh, sem0, sem1):
  pltpu.async_copy(tbl.at[src_v.at[0]], rows_v.at[0], sem0)

  def body(t, _):
    b0 = 2 * t
    pltpu.async_copy(tbl.at[src_v.at[b0 + 1]], rows_v.at[1], sem1)
    pltpu.make_async_copy(tbl.at[src_v.at[b0]], rows_v.at[0], sem0).wait()
    pltpu.sync_copy(rows_v.at[0], acc_sh.at[dstt_v.at[b0]], add=True)
    pltpu.async_copy(tbl.at[src_v.at[b0 + 2]], rows_v.at[0], sem0)
    pltpu.make_async_copy(tbl.at[src_v.at[b0 + 1]], rows_v.at[1], sem1).wait()
    pltpu.sync_copy(rows_v.at[1], acc_sh.at[dstt_v.at[b0 + 1]], add=True)
    return ()

  lax.fori_loop(0, (NB - 1) // 2, body, ())
  last = NB - 1
  pltpu.make_async_copy(tbl.at[src_v.at[last]], rows_v.at[0], sem0).wait()
  pltpu.sync_copy(rows_v.at[0], acc_sh.at[dstt_v.at[last]], add=True)


def _one_pass(tbl, out2d, base, sid, dst3_h, src_v, dst_v, rows_v, wb_v,
              acc_sh, sem0, sem1):
  pltpu.sync_copy(dst3_h.at[sid], dst_v)
  _transform_dst(dst_v, base)
  for j in range(RPT // WBR):
    r = pl.multiple_of(base + sid * RPT + j * WBR, 8)
    a = pl.multiple_of(sid * RPT + j * WBR, 8)
    pltpu.sync_copy(tbl.at[pl.ds(r, WBR)], wb_v)
    pltpu.sync_copy(wb_v, acc_sh.at[pl.ds(a, WBR)])
  plsc.subcore_barrier()
  _edge_loop(tbl, src_v, dst_v, rows_v, acc_sh, sem0, sem1)
  plsc.subcore_barrier()
  for j in range(RPT // WBR):
    r = pl.multiple_of(base + sid * RPT + j * WBR, 8)
    a = pl.multiple_of(sid * RPT + j * WBR, 8)
    pltpu.sync_copy(acc_sh.at[pl.ds(a, WBR)], wb_v)
    pltpu.sync_copy(wb_v, out2d.at[pl.ds(r, WBR)])
  plsc.subcore_barrier()


_PROP_SCRATCH = [
    pltpu.VMEM((NB, K), jnp.int32),
    pltpu.VMEM((NB, K), jnp.int32),
    pltpu.VMEM((2, K, 128), jnp.float32),
    pltpu.VMEM((WBR, 128), jnp.float32),
    pltpu.VMEM_SHARED((NACC, 128), jnp.float32),
    pltpu.SemaphoreType.DMA,
    pltpu.SemaphoreType.DMA,
]


def _prop1_body(table_h, src3_h, dst3_h, out_h, src_v, dst_v, rows_v,
                wb_v, acc_sh, sem0, sem1):
  cid = lax.axis_index("c")
  sid = lax.axis_index("s")
  pltpu.sync_copy(src3_h.at[sid], src_v)
  for p in range(2):
    _one_pass(table_h.at[cid], out_h.at[cid], p * NH, sid, dst3_h, src_v,
              dst_v, rows_v, wb_v, acc_sh, sem0, sem1)


_prop1 = pl.kernel(
    _prop1_body,
    out_type=jax.ShapeDtypeStruct((NC, NPAD, DIN // 2), jnp.float32),
    mesh=_MESH,
    scratch_types=_PROP_SCRATCH,
)


def _prop2_body(table_h, src3_h, dst3_h, out_h, src_v, dst_v, rows_v,
                wb_v, acc_sh, sem0, sem1):
  cid = lax.axis_index("c")
  sid = lax.axis_index("s")
  pltpu.sync_copy(src3_h.at[sid], src_v)
  base = pl.multiple_of(cid * NH, 8)
  _one_pass(table_h, out_h, base, sid, dst3_h, src_v, dst_v, rows_v, wb_v,
            acc_sh, sem0, sem1)


_prop2 = pl.kernel(
    _prop2_body,
    out_type=jax.ShapeDtypeStruct((NPAD, DOUT), jnp.float32),
    mesh=_MESH,
    scratch_types=_PROP_SCRATCH,
)


def _scale_body(x_ref, deg_ref, out_ref, dinv_ref):
  dinv = lax.rsqrt(deg_ref[...])
  dinv_ref[...] = dinv
  y = x_ref[...] * dinv
  out_ref[0] = y[:, : DIN // 2]
  out_ref[1] = y[:, DIN // 2 :]


_scale_split = pl.pallas_call(
    _scale_body,
    grid=(NPAD // BN,),
    in_specs=[
        pl.BlockSpec((BN, DIN), lambda i: (i, 0)),
        pl.BlockSpec((BN, 1), lambda i: (i, 0)),
    ],
    out_specs=[
        pl.BlockSpec((NC, BN, DIN // 2), lambda i: (0, i, 0)),
        pl.BlockSpec((BN, 1), lambda i: (i, 0)),
    ],
    out_shape=[
        jax.ShapeDtypeStruct((NC, NPAD, DIN // 2), jnp.float32),
        jax.ShapeDtypeStruct((NPAD, 1), jnp.float32),
    ],
)


def _mid_body(s1_ref, dinv_ref, w1_ref, b1_ref, w2_ref, out_ref):
  s = jnp.concatenate([s1_ref[0], s1_ref[1]], axis=1)
  p = s * dinv_ref[...]
  h = jnp.dot(p, w1_ref[...], preferred_element_type=jnp.float32)
  h = jnp.maximum(h + b1_ref[...][None, :], 0.0)
  y2 = jnp.dot(h, w2_ref[...], preferred_element_type=jnp.float32)
  out_ref[...] = y2 * dinv_ref[...]


_mid = pl.pallas_call(
    _mid_body,
    grid=(NPAD // BN,),
    in_specs=[
        pl.BlockSpec((NC, BN, DIN // 2), lambda i: (0, i, 0)),
        pl.BlockSpec((BN, 1), lambda i: (i, 0)),
        pl.BlockSpec((DIN, DHID), lambda i: (0, 0)),
        pl.BlockSpec((DHID,), lambda i: (0,)),
        pl.BlockSpec((DHID, DOUT), lambda i: (0, 0)),
    ],
    out_specs=pl.BlockSpec((BN, DOUT), lambda i: (i, 0)),
    out_shape=jax.ShapeDtypeStruct((NPAD, DOUT), jnp.float32),
)


def _final_body(s2_ref, dinv_ref, b2_ref, out_ref):
  out_ref[...] = s2_ref[...] * dinv_ref[...] + b2_ref[...][None, :]


_final = pl.pallas_call(
    _final_body,
    grid=(NPAD // BN,),
    in_specs=[
        pl.BlockSpec((BN, DOUT), lambda i: (i, 0)),
        pl.BlockSpec((BN, 1), lambda i: (i, 0)),
        pl.BlockSpec((DOUT,), lambda i: (0,)),
    ],
    out_specs=pl.BlockSpec((BN, DOUT), lambda i: (i, 0)),
    out_shape=jax.ShapeDtypeStruct((N, DOUT), jnp.float32),
)


def kernel(x, edge_index, W1, b1, W2, b2):
  src3 = edge_index[0].reshape(NS, NB, K)
  dst3 = edge_index[1].reshape(NS, NB, K)
  ones = jnp.ones((NPAD,), jnp.float32)

  deg = _deg(dst3, ones)
  deg2 = deg.reshape(NPAD, 1)

  y1, dinv2 = _scale_split(x, deg2)
  s1 = _prop1(y1, src3, dst3)
  y2 = _mid(s1, dinv2, W1, b1, W2)
  s2 = _prop2(y2, src3, dst3)
  return _final(s2, dinv2, b2)

# --- scband reference (transcript-rebuilt; emitter-appended) ---
"""Pipeline reference for scband-dgiencoder-13297218748903 (READ-ONLY COPY).

The authoritative reference and input builder live on the scoring server;
editing this copy changes nothing except your own understanding.
"""

import jax, jax.numpy as jnp
import numpy as np

N = 10000
E = 160000
D_IN = 256
D_HID = 512
D_OUT = 128


def setup_inputs(seed: int = 0) -> dict:
    key = jax.random.key(seed)
    ks = jax.random.split(key, 6)
    x = jax.random.normal(ks[0], (N, D_IN), dtype=jnp.float32)
    edge_index = jax.random.randint(ks[1], (2, E), 0, N, dtype=jnp.int32)
    W1 = jax.random.normal(ks[2], (D_IN, D_HID), dtype=jnp.float32) * (1.0 / np.sqrt(D_IN))
    b1 = jnp.zeros((D_HID,), dtype=jnp.float32)
    W2 = jax.random.normal(ks[3], (D_HID, D_OUT), dtype=jnp.float32) * (1.0 / np.sqrt(D_HID))
    b2 = jnp.zeros((D_OUT,), dtype=jnp.float32)
    return {"x": x, "edge_index": edge_index, "W1": W1, "b1": b1, "W2": W2, "b2": b2}


def gcn_conv(x, edge_index, W, b):
    # PyG GCNConv semantics: add self-loops, symmetric normalization
    src = edge_index[0]
    dst = edge_index[1]
    loop = jnp.arange(N, dtype=edge_index.dtype)
    src = jnp.concatenate([src, loop])
    dst = jnp.concatenate([dst, loop])
    ones = jnp.ones(src.shape, dtype=x.dtype)
    deg = jax.ops.segment_sum(ones, dst, num_segments=N)
    dinv = jnp.where(deg > 0, jax.lax.rsqrt(jnp.maximum(deg, 1e-12)), 0.0)
    norm = dinv[src] * dinv[dst]
    xw = x @ W
    msg = jnp.take(xw, src, axis=0) * norm[:, None]
    out = jax.ops.segment_sum(msg, dst, num_segments=N)
    return out + b


def reference(x, edge_index, W1, b1, W2, b2):
    h = jax.nn.relu(gcn_conv(x, edge_index, W1, b1))
    return gcn_conv(h, edge_index, W2, b2)

if __name__ == "__main__":
    import jax
    _d = setup_inputs()
    print(jax.jit(kernel)(*tuple(_d.values())))

</pallas_src>

<mosaic_0001>
#map = affine_map<(d0, d1) -> (0, 0, 0)>
#map1 = affine_map<(d0, d1) -> (0)>
module attributes {stable_mosaic.version = 14 : i64} {
  func.func @_deg_body(%arg0: i32, %arg1: i32, %arg2: memref<16x125x80xi32, #tpu.memory_space<hbm>>, %arg3: memref<10240xf32, #tpu.memory_space<hbm>>, %arg4: memref<10240xf32, #tpu.memory_space<hbm>>, %arg5: memref<125x80xi32, #tpu.memory_space<vmem>>, %arg6: memref<640xf32, #tpu.memory_space<vmem>>, %arg7: memref<320xf32, #tpu.memory_space<vmem>>, %arg8: memref<10240xf32, #tpu.memory_space<vmem_shared>>) attributes {dimension_semantics = [#tpu.dimension_semantics<core_parallel>, #tpu.dimension_semantics<subcore_parallel>], iteration_bounds = array<i64: 2, 16>, scalar_prefetch = 0 : i64, scratch_operands = 4 : i64, tpu.core_type = #tpu.core_type<sc_vector_subcore>, window_params = [{transform_indices = #map}, {transform_indices = #map1}, {transform_indices = #map1}]} {
    "tpu.region"() ({
      %run_scoped3A = tpu.sem_alloc : memref<!tpu.dma_semaphore, #tpu.memory_space<semaphore_mem>>
      %dma_start3A = arith.constant 0 : i32
      %dma_start3A_10 = arith.constant 0 : i32
      %dma_start3A_11 = tpu.memref_slice %arg2[%arg1, %dma_start3A, %dma_start3A_10] : memref<16x125x80xi32, #tpu.memory_space<hbm>> -> memref<1x125x80xi32, #tpu.memory_space<hbm>>
      %dma_start3A_12 = tpu.memref_squeeze %dma_start3A_11 : memref<1x125x80xi32, #tpu.memory_space<hbm>> -> memref<125x80xi32, #tpu.memory_space<hbm>>
      %dma_start3A_13 = arith.constant 0 : i32
      %dma_start3A_14 = arith.constant 0 : i32
      %dma_start3A_15 = tpu.memref_slice %arg2[%arg1, %dma_start3A_13, %dma_start3A_14] : memref<16x125x80xi32, #tpu.memory_space<hbm>> -> memref<1x125x80xi32, #tpu.memory_space<hbm>>
      %dma_start3A_16 = tpu.memref_squeeze %dma_start3A_15 : memref<1x125x80xi32, #tpu.memory_space<hbm>> -> memref<125x80xi32, #tpu.memory_space<hbm>>
      tpu.enqueue_dma source(%dma_start3A_16 : memref<125x80xi32, #tpu.memory_space<hbm>>) target(%arg5 : memref<125x80xi32, #tpu.memory_space<vmem>>) target_semaphore(%run_scoped3A : memref<!tpu.dma_semaphore, #tpu.memory_space<semaphore_mem>>)
      %dma_wait3A = arith.constant 0 : i32
      %dma_wait3A_17 = arith.constant 0 : i32
      %dma_wait3A_18 = tpu.memref_slice %arg2[%arg1, %dma_wait3A, %dma_wait3A_17] : memref<16x125x80xi32, #tpu.memory_space<hbm>> -> memref<1x125x80xi32, #tpu.memory_space<hbm>>
      %dma_wait3A_19 = tpu.memref_squeeze %dma_wait3A_18 : memref<1x125x80xi32, #tpu.memory_space<hbm>> -> memref<125x80xi32, #tpu.memory_space<hbm>>
      %dma_wait3A_20 = arith.constant 0 : i32
      %dma_wait3A_21 = arith.constant 0 : i32
      %dma_wait3A_22 = tpu.memref_slice %arg2[%arg1, %dma_wait3A_20, %dma_wait3A_21] : memref<16x125x80xi32, #tpu.memory_space<hbm>> -> memref<1x125x80xi32, #tpu.memory_space<hbm>>
      %dma_wait3A_23 = tpu.memref_squeeze %dma_wait3A_22 : memref<1x125x80xi32, #tpu.memory_space<hbm>> -> memref<125x80xi32, #tpu.memory_space<hbm>>
      tpu.wait_dma2 semaphore(%run_scoped3A : memref<!tpu.dma_semaphore, #tpu.memory_space<semaphore_mem>>) src(%dma_wait3A_23 : memref<125x80xi32, #tpu.memory_space<hbm>>) dst(%arg5 : memref<125x80xi32, #tpu.memory_space<vmem>>)
      tpu.yield
    }) : () -> ()
    "tpu.region"() ({
      %run_scoped3A = tpu.sem_alloc : memref<!tpu.dma_semaphore, #tpu.memory_space<semaphore_mem>>
      %dma_start3A = arith.constant 0 : i32
      %dma_start3A_10 = tpu.memref_slice %arg3[%dma_start3A] : memref<10240xf32, #tpu.memory_space<hbm>> -> memref<640xf32, #tpu.memory_space<hbm>>
      %dma_start3A_11 = arith.constant 0 : i32
      %dma_start3A_12 = tpu.memref_slice %arg3[%dma_start3A_11] : memref<10240xf32, #tpu.memory_space<hbm>> -> memref<640xf32, #tpu.memory_space<hbm>>
      tpu.enqueue_dma source(%dma_start3A_12 : memref<640xf32, #tpu.memory_space<hbm>>) target(%arg6 : memref<640xf32, #tpu.memory_space<vmem>>) target_semaphore(%run_scoped3A : memref<!tpu.dma_semaphore, #tpu.memory_space<semaphore_mem>>)
      %dma_wait3A = arith.constant 0 : i32
      %dma_wait3A_13 = tpu.memref_slice %arg3[%dma_wait3A] : memref<10240xf32, #tpu.memory_space<hbm>> -> memref<640xf32, #tpu.memory_space<hbm>>
      %dma_wait3A_14 = arith.constant 0 : i32
      %dma_wait3A_15 = tpu.memref_slice %arg3[%dma_wait3A_14] : memref<10240xf32, #tpu.memory_space<hbm>> -> memref<640xf32, #tpu.memory_space<hbm>>
      tpu.wait_dma2 semaphore(%run_scoped3A : memref<!tpu.dma_semaphore, #tpu.memory_space<semaphore_mem>>) src(%dma_wait3A_15 : memref<640xf32, #tpu.memory_space<hbm>>) dst(%arg6 : memref<640xf32, #tpu.memory_space<vmem>>)
      tpu.yield
    }) : () -> ()
    %mul3A = arith.constant 640 : i32
    %mul3A_0 = arith.muli %arg1, %mul3A : i32
    "tpu.region"() ({
      %run_scoped3A = tpu.sem_alloc : memref<!tpu.dma_semaphore, #tpu.memory_space<semaphore_mem>>
      %dma_start3A = tpu.memref_slice %arg8[%mul3A_0] : memref<10240xf32, #tpu.memory_space<vmem_shared>> -> memref<640xf32, #tpu.memory_space<vmem_shared>>
      %dma_start3A_10 = tpu.memref_slice %arg8[%mul3A_0] : memref<10240xf32, #tpu.memory_space<vmem_shared>> -> memref<640xf32, #tpu.memory_space<vmem_shared>>
      tpu.enqueue_dma source(%arg6 : memref<640xf32, #tpu.memory_space<vmem>>) target(%dma_start3A_10 : memref<640xf32, #tpu.memory_space<vmem_shared>>) target_semaphore(%run_scoped3A : memref<!tpu.dma_semaphore, #tpu.memory_space<semaphore_mem>>)
      %dma_wait3A = tpu.memref_slice %arg8[%mul3A_0] : memref<10240xf32, #tpu.memory_space<vmem_shared>> -> memref<640xf32, #tpu.memory_space<vmem_shared>>
      %dma_wait3A_11 = tpu.memref_slice %arg8[%mul3A_0] : memref<10240xf32, #tpu.memory_space<vmem_shared>> -> memref<640xf32, #tpu.memory_space<vmem_shared>>
      tpu.wait_dma2 semaphore(%run_scoped3A : memref<!tpu.dma_semaphore, #tpu.memory_space<semaphore_mem>>) src(%arg6 : memref<640xf32, #tpu.memory_space<vmem>>) dst(%dma_wait3A_11 : memref<640xf32, #tpu.memory_space<vmem_shared>>)
      tpu.yield
    }) : () -> ()
    %barrier3A = arith.constant 0 : index
    tpu.barrier barrier_id(%barrier3A)
    %scan3A = arith.constant 0 : i32
    %scan3A_1 = arith.constant 125 : i32
    %scan3A_2 = arith.addi %scan3A, %scan3A_1 : i32
    %scan3A_3 = arith.constant 1 : i32
    scf.for %scan3A_10 = %scan3A to %scan3A_2 step %scan3A_3  : i32 {
      "tpu.region"() ({
        %run_scoped3A = tpu.sem_alloc : memref<!tpu.dma_semaphore, #tpu.memory_space<semaphore_mem>>
        %dma_start3A = arith.constant 0 : i32
        %dma_start3A_11 = tpu.memref_slice %arg6[%dma_start3A] : memref<640xf32, #tpu.memory_space<vmem>> -> memref<80xf32, #tpu.memory_space<vmem>>
        %dma_start3A_12 = arith.constant 0 : i32
        %dma_start3A_13 = tpu.memref_slice %arg5[%scan3A_10, %dma_start3A_12] : memref<125x80xi32, #tpu.memory_space<vmem>> -> memref<1x80xi32, #tpu.memory_space<vmem>>
        %dma_start3A_14 = tpu.memref_squeeze %dma_start3A_13 : memref<1x80xi32, #tpu.memory_space<vmem>> -> memref<80xi32, #tpu.memory_space<vmem>>
        %dma_start3A_15 = arith.constant 0 : i32
        %dma_start3A_16 = tpu.memref_slice %arg8[%dma_start3A_15] : memref<10240xf32, #tpu.memory_space<vmem_shared>> -> memref<10240xf32, #tpu.memory_space<vmem_shared>>
        tpu.enqueue_indirect_dma source(%dma_start3A_11 : memref<80xf32, #tpu.memory_space<vmem>>) target(%dma_start3A_16 : memref<10240xf32, #tpu.memory_space<vmem_shared>>) offsets(%dma_start3A_14 : memref<80xi32, #tpu.memory_space<vmem>>) semaphore(%run_scoped3A : memref<!tpu.dma_semaphore, #tpu.memory_space<semaphore_mem>>) {add = true}
        %dma_wait3A = arith.constant 0 : i32
        %dma_wait3A_17 = tpu.memref_slice %arg6[%dma_wait3A] : memref<640xf32, #tpu.memory_space<vmem>> -> memref<80xf32, #tpu.memory_space<vmem>>
        %dma_wait3A_18 = arith.constant 0 : i32
        %dma_wait3A_19 = tpu.memref_slice %arg5[%scan3A_10, %dma_wait3A_18] : memref<125x80xi32, #tpu.memory_space<vmem>> -> memref<1x80xi32, #tpu.memory_space<vmem>>
        %dma_wait3A_20 = tpu.memref_squeeze %dma_wait3A_19 : memref<1x80xi32, #tpu.memory_space<vmem>> -> memref<80xi32, #tpu.memory_space<vmem>>
        %dma_wait3A_21 = arith.constant 0 : i32
        %dma_wait3A_22 = tpu.memref_slice %arg8[%dma_wait3A_21] : memref<10240xf32, #tpu.memory_space<vmem_shared>> -> memref<10240xf32, #tpu.memory_space<vmem_shared>>
        tpu.wait_indirect_dma semaphore(%run_scoped3A : memref<!tpu.dma_semaphore, #tpu.memory_space<semaphore_mem>>) src(%dma_wait3A_17 : memref<80xf32, #tpu.memory_space<vmem>>) dst(%dma_wait3A_22 : memref<10240xf32, #tpu.memory_space<vmem_shared>>)
        tpu.yield
      }) : () -> ()
    }
    %scan3A_4 = arith.constant 125 : i32
    %barrier3A_5 = arith.constant 0 : index
    tpu.barrier barrier_id(%barrier3A_5)
    %mul3A_6 = arith.constant 16 : i32
    %mul3A_7 = arith.muli %arg0, %mul3A_6 : i32
    %add3A = arith.addi %mul3A_7, %arg1 : i32
    %mul3A_8 = arith.constant 320 : i32
    %mul3A_9 = arith.muli %add3A, %mul3A_8 : i32
    "tpu.region"() ({
      %run_scoped3A = tpu.sem_alloc : memref<!tpu.dma_semaphore, #tpu.memory_space<semaphore_mem>>
      %dma_start3A = tpu.memref_slice %arg8[%mul3A_9] : memref<10240xf32, #tpu.memory_space<vmem_shared>> -> memref<320xf32, #tpu.memory_space<vmem_shared>>
      %dma_start3A_10 = tpu.memref_slice %arg8[%mul3A_9] : memref<10240xf32, #tpu.memory_space<vmem_shared>> -> memref<320xf32, #tpu.memory_space<vmem_shared>>
      tpu.enqueue_dma source(%dma_start3A_10 : memref<320xf32, #tpu.memory_space<vmem_shared>>) target(%arg7 : memref<320xf32, #tpu.memory_space<vmem>>) target_semaphore(%run_scoped3A : memref<!tpu.dma_semaphore, #tpu.memory_space<semaphore_mem>>)
      %dma_wait3A = tpu.memref_slice %arg8[%mul3A_9] : memref<10240xf32, #tpu.memory_space<vmem_shared>> -> memref<320xf32, #tpu.memory_space<vmem_shared>>
      %dma_wait3A_11 = tpu.memref_slice %arg8[%mul3A_9] : memref<10240xf32, #tpu.memory_space<vmem_shared>> -> memref<320xf32, #tpu.memory_space<vmem_shared>>
      tpu.wait_dma2 semaphore(%run_scoped3A : memref<!tpu.dma_semaphore, #tpu.memory_space<semaphore_mem>>) src(%dma_wait3A_11 : memref<320xf32, #tpu.memory_space<vmem_shared>>) dst(%arg7 : memref<320xf32, #tpu.memory_space<vmem>>)
      tpu.yield
    }) : () -> ()
    "tpu.region"() ({
      %run_scoped3A = tpu.sem_alloc : memref<!tpu.dma_semaphore, #tpu.memory_space<semaphore_mem>>
      %dma_start3A = tpu.memref_slice %arg4[%mul3A_9] : memref<10240xf32, #tpu.memory_space<hbm>> -> memref<320xf32, #tpu.memory_space<hbm>>
      %dma_start3A_10 = tpu.memref_slice %arg4[%mul3A_9] : memref<10240xf32, #tpu.memory_space<hbm>> -> memref<320xf32, #tpu.memory_space<hbm>>
      tpu.enqueue_dma source(%arg7 : memref<320xf32, #tpu.memory_space<vmem>>) target(%dma_start3A_10 : memref<320xf32, #tpu.memory_space<hbm>>) target_semaphore(%run_scoped3A : memref<!tpu.dma_semaphore, #tpu.memory_space<semaphore_mem>>)
      %dma_wait3A = tpu.memref_slice %arg4[%mul3A_9] : memref<10240xf32, #tpu.memory_space<hbm>> -> memref<320xf32, #tpu.memory_space<hbm>>
      %dma_wait3A_11 = tpu.memref_slice %arg4[%mul3A_9] : memref<10240xf32, #tpu.memory_space<hbm>> -> memref<320xf32, #tpu.memory_space<hbm>>
      tpu.wait_dma2 semaphore(%run_scoped3A : memref<!tpu.dma_semaphore, #tpu.memory_space<semaphore_mem>>) src(%arg7 : memref<320xf32, #tpu.memory_space<vmem>>) dst(%dma_wait3A_11 : memref<320xf32, #tpu.memory_space<hbm>>)
      tpu.yield
    }) : () -> ()
    return
  }
}

#map = affine_map<(d0, d1) -> (0, 0, 0)>
module attributes {stable_mosaic.version = 14 : i64} {
  func.func @_prop1_body(%arg0: i32, %arg1: i32, %arg2: memref<2x10240x128xf32, #tpu.memory_space<hbm>>, %arg3: memref<16x125x80xi32, #tpu.memory_space<hbm>>, %arg4: memref<16x125x80xi32, #tpu.memory_space<hbm>>, %arg5: memref<2x10240x128xf32, #tpu.memory_space<hbm>>, %arg6: memref<125x80xi32, #tpu.memory_space<vmem>>, %arg7: memref<125x80xi32, #tpu.memory_space<vmem>>, %arg8: memref<2x80x128xf32, #tpu.memory_space<vmem>>, %arg9: memref<80x128xf32, #tpu.memory_space<vmem>>, %arg10: memref<5184x128xf32, #tpu.memory_space<vmem_shared>>, %arg11: memref<!tpu.dma_semaphore, #tpu.memory_space<semaphore_mem>>, %arg12: memref<!tpu.dma_semaphore, #tpu.memory_space<semaphore_mem>>) attributes {dimension_semantics = [#tpu.dimension_semantics<core_parallel>, #tpu.dimension_semantics<subcore_parallel>], iteration_bounds = array<i64: 2, 16>, scalar_prefetch = 0 : i64, scratch_operands = 7 : i64, tpu.core_type = #tpu.core_type<sc_vector_subcore>, window_params = [{transform_indices = #map}, {transform_indices = #map}, {transform_indices = #map}, {transform_indices = #map}]} {
    "tpu.region"() ({
      %run_scoped3A_278 = tpu.sem_alloc : memref<!tpu.dma_semaphore, #tpu.memory_space<semaphore_mem>>
      %dma_start3A_279 = arith.constant 0 : i32
      %dma_start3A_280 = arith.constant 0 : i32
      %dma_start3A_281 = tpu.memref_slice %arg3[%arg1, %dma_start3A_279, %dma_start3A_280] : memref<16x125x80xi32, #tpu.memory_space<hbm>> -> memref<1x125x80xi32, #tpu.memory_space<hbm>>
      %dma_start3A_282 = tpu.memref_squeeze %dma_start3A_281 : memref<1x125x80xi32, #tpu.memory_space<hbm>> -> memref<125x80xi32, #tpu.memory_space<hbm>>
      %dma_start3A_283 = arith.constant 0 : i32
      %dma_start3A_284 = arith.constant 0 : i32
      %dma_start3A_285 = tpu.memref_slice %arg3[%arg1, %dma_start3A_283, %dma_start3A_284] : memref<16x125x80xi32, #tpu.memory_space<hbm>> -> memref<1x125x80xi32, #tpu.memory_space<hbm>>
      %dma_start3A_286 = tpu.memref_squeeze %dma_start3A_285 : memref<1x125x80xi32, #tpu.memory_space<hbm>> -> memref<125x80xi32, #tpu.memory_space<hbm>>
      tpu.enqueue_dma source(%dma_start3A_286 : memref<125x80xi32, #tpu.memory_space<hbm>>) target(%arg6 : memref<125x80xi32, #tpu.memory_space<vmem>>) target_semaphore(%run_scoped3A_278 : memref<!tpu.dma_semaphore, #tpu.memory_space<semaphore_mem>>)
      %dma_wait3A_287 = arith.constant 0 : i32
      %dma_wait3A_288 = arith.constant 0 : i32
      %dma_wait3A_289 = tpu.memref_slice %arg3[%arg1, %dma_wait3A_287, %dma_wait3A_288] : memref<16x125x80xi32, #tpu.memory_space<hbm>> -> memref<1x125x80xi32, #tpu.memory_space<hbm>>
      %dma_wait3A_290 = tpu.memref_squeeze %dma_wait3A_289 : memref<1x125x80xi32, #tpu.memory_space<hbm>> -> memref<125x80xi32, #tpu.memory_space<hbm>>
      %dma_wait3A_291 = arith.constant 0 : i32
      %dma_wait3A_292 = arith.constant 0 : i32
      %dma_wait3A_293 = tpu.memref_slice %arg3[%arg1, %dma_wait3A_291, %dma_wait3A_292] : memref<16x125x80xi32, #tpu.memory_space<hbm>> -> memref<1x125x80xi32, #tpu.memory_space<hbm>>
      %dma_wait3A_294 = tpu.memref_squeeze %dma_wait3A_293 : memref<1x125x80xi32, #tpu.memory_space<hbm>> -> memref<125x80xi32, #tpu.memory_space<hbm>>
      tpu.wait_dma2 semaphore(%run_scoped3A_278 : memref<!tpu.dma_semaphore, #tpu.memory_space<semaphore_mem>>) src(%dma_wait3A_294 : memref<125x80xi32, #tpu.memory_space<hbm>>) dst(%arg6 : memref<125x80xi32, #tpu.memory_space<vmem>>)
      tpu.yield
    }) : () -> ()
    "tpu.region"() ({
      %run_scoped3A_278 = tpu.sem_alloc : memref<!tpu.dma_semaphore, #tpu.memory_space<semaphore_mem>>
      %dma_start3A_279 = arith.constant 0 : i32
      %dma_start3A_280 = arith.constant 0 : i32
      %dma_start3A_281 = tpu.memref_slice %arg4[%arg1, %dma_start3A_279, %dma_start3A_280] : memref<16x125x80xi32, #tpu.memory_space<hbm>> -> memref<1x125x80xi32, #tpu.memory_space<hbm>>
      %dma_start3A_282 = tpu.memref_squeeze %dma_start3A_281 : memref<1x125x80xi32, #tpu.memory_space<hbm>> -> memref<125x80xi32, #tpu.memory_space<hbm>>
      %dma_start3A_283 = arith.constant 0 : i32
      %dma_start3A_284 = arith.constant 0 : i32
      %dma_start3A_285 = tpu.memref_slice %arg4[%arg1, %dma_start3A_283, %dma_start3A_284] : memref<16x125x80xi32, #tpu.memory_space<hbm>> -> memref<1x125x80xi32, #tpu.memory_space<hbm>>
      %dma_start3A_286 = tpu.memref_squeeze %dma_start3A_285 : memref<1x125x80xi32, #tpu.memory_space<hbm>> -> memref<125x80xi32, #tpu.memory_space<hbm>>
      tpu.enqueue_dma source(%dma_start3A_286 : memref<125x80xi32, #tpu.memory_space<hbm>>) target(%arg7 : memref<125x80xi32, #tpu.memory_space<vmem>>) target_semaphore(%run_scoped3A_278 : memref<!tpu.dma_semaphore, #tpu.memory_space<semaphore_mem>>)
      %dma_wait3A_287 = arith.constant 0 : i32
      %dma_wait3A_288 = arith.constant 0 : i32
      %dma_wait3A_289 = tpu.memref_slice %arg4[%arg1, %dma_wait3A_287, %dma_wait3A_288] : memref<16x125x80xi32, #tpu.memory_space<hbm>> -> memref<1x125x80xi32, #tpu.memory_space<hbm>>
      %dma_wait3A_290 = tpu.memref_squeeze %dma_wait3A_289 : memref<1x125x80xi32, #tpu.memory_space<hbm>> -> memref<125x80xi32, #tpu.memory_space<hbm>>
      %dma_wait3A_291 = arith.constant 0 : i32
      %dma_wait3A_292 = arith.constant 0 : i32
      %dma_wait3A_293 = tpu.memref_slice %arg4[%arg1, %dma_wait3A_291, %dma_wait3A_292] : memref<16x125x80xi32, #tpu.memory_space<hbm>> -> memref<1x125x80xi32, #tpu.memory_space<hbm>>
      %dma_wait3A_294 = tpu.memref_squeeze %dma_wait3A_293 : memref<1x125x80xi32, #tpu.memory_space<hbm>> -> memref<125x80xi32, #tpu.memory_space<hbm>>
      tpu.wait_dma2 semaphore(%run_scoped3A_278 : memref<!tpu.dma_semaphore, #tpu.memory_space<semaphore_mem>>) src(%dma_wait3A_294 : memref<125x80xi32, #tpu.memory_space<hbm>>) dst(%arg7 : memref<125x80xi32, #tpu.memory_space<vmem>>)
      tpu.yield
    }) : () -> ()
    %scan3A = arith.constant 0 : i32
    %scan3A_0 = arith.constant 125 : i32
    %scan3A_1 = arith.addi %scan3A, %scan3A_0 : i32
    %scan3A_2 = arith.constant 1 : i32
    scf.for %scan3A_278 = %scan3A to %scan3A_1 step %scan3A_2  : i32 {
      %get3A = arith.index_cast %scan3A_278 : i32 to index
      %get3A_279 = arith.constant 0 : index
      %get3A_280 = tpu.vector_load %arg7[%get3A, %get3A_279] {strides = array<i32>} : memref<125x80xi32, #tpu.memory_space<vmem>>, vector<1x16xi32>,
      %get3A_281 = vector.shape_cast %get3A_280 : vector<1x16xi32> to vector<16xi32>
      %sub3A = arith.constant 0 : i32
      %sub3A_282 = vector.broadcast %sub3A : i32 to vector<16xi32>
      %sub3A_283 = arith.subi %get3A_281, %sub3A_282 : vector<16xi32>
      %ge3A = arith.constant 0 : i32
      %ge3A_284 = vector.broadcast %ge3A : i32 to vector<16xi32>
      %ge3A_285 = arith.cmpi sge, %sub3A_283, %ge3A_284 : vector<16xi32>
      %lt3A = arith.constant 5120 : i32
      %lt3A_286 = vector.broadcast %lt3A : i32 to vector<16xi32>
      %lt3A_287 = arith.cmpi slt, %sub3A_283, %lt3A_286 : vector<16xi32>
      %and3A = arith.andi %ge3A_285, %lt3A_287 : vector<16xi1>
      %and3A_288 = arith.constant 63 : i32
      %and3A_289 = vector.broadcast %and3A_288 : i32 to vector<16xi32>
      %and3A_290 = arith.andi %get3A_281, %and3A_289 : vector<16xi32>
      %add3A_291 = arith.constant 5120 : i32
      %add3A_292 = vector.broadcast %add3A_291 : i32 to vector<16xi32>
      %add3A_293 = arith.addi %add3A_292, %and3A_290 : vector<16xi32>
      %select_n3A = arith.select %and3A, %sub3A_283, %add3A_293 : vector<16xi1>, vector<16xi32>
      %swap3A = arith.index_cast %scan3A_278 : i32 to index
      %swap3A_294 = arith.constant 0 : index
      %swap3A_295 = tpu.vector_load %arg7[%swap3A, %swap3A_294] {strides = array<i32>} : memref<125x80xi32, #tpu.memory_space<vmem>>, vector<1x16xi32>,
      %swap3A_296 = vector.shape_cast %swap3A_295 : vector<1x16xi32> to vector<16xi32>
      %swap3A_297 = vector.shape_cast %select_n3A : vector<16xi32> to vector<1x16xi32>
      tpu.vector_store %arg7[%swap3A, %swap3A_294], %swap3A_297 {strides = array<i32>} : memref<125x80xi32, #tpu.memory_space<vmem>>, vector<1x16xi32>,
      %get3A_298 = arith.index_cast %scan3A_278 : i32 to index
      %get3A_299 = arith.constant 16 : index
      %get3A_300 = tpu.vector_load %arg7[%get3A_298, %get3A_299] {strides = array<i32>} : memref<125x80xi32, #tpu.memory_space<vmem>>, vector<1x16xi32>,
      %get3A_301 = vector.shape_cast %get3A_300 : vector<1x16xi32> to vector<16xi32>
      %sub3A_302 = arith.constant 0 : i32
      %sub3A_303 = vector.broadcast %sub3A_302 : i32 to vector<16xi32>
      %sub3A_304 = arith.subi %get3A_301, %sub3A_303 : vector<16xi32>
      %ge3A_305 = arith.constant 0 : i32
      %ge3A_306 = vector.broadcast %ge3A_305 : i32 to vector<16xi32>
      %ge3A_307 = arith.cmpi sge, %sub3A_304, %ge3A_306 : vector<16xi32>
      %lt3A_308 = arith.constant 5120 : i32
      %lt3A_309 = vector.broadcast %lt3A_308 : i32 to vector<16xi32>
      %lt3A_310 = arith.cmpi slt, %sub3A_304, %lt3A_309 : vector<16xi32>
      %and3A_311 = arith.andi %ge3A_307, %lt3A_310 : vector<16xi1>
      %and3A_312 = arith.constant 63 : i32
      %and3A_313 = vector.broadcast %and3A_312 : i32 to vector<16xi32>
      %and3A_314 = arith.andi %get3A_301, %and3A_313 : vector<16xi32>
      %add3A_315 = arith.constant 5120 : i32
      %add3A_316 = vector.broadcast %add3A_315 : i32 to vector<16xi32>
      %add3A_317 = arith.addi %add3A_316, %and3A_314 : vector<16xi32>
      %select_n3A_318 = arith.select %and3A_311, %sub3A_304, %add3A_317 : vector<16xi1>, vector<16xi32>
      %swap3A_319 = arith.index_cast %scan3A_278 : i32 to index
      %swap3A_320 = arith.constant 16 : index
      %swap3A_321 = tpu.vector_load %arg7[%swap3A_319, %swap3A_320] {strides = array<i32>} : memref<125x80xi32, #tpu.memory_space<vmem>>, vector<1x16xi32>,
      %swap3A_322 = vector.shape_cast %swap3A_321 : vector<1x16xi32> to vector<16xi32>
      %swap3A_323 = vector.shape_cast %select_n3A_318 : vector<16xi32> to vector<1x16xi32>
      tpu.vector_store %arg7[%swap3A_319, %swap3A_320], %swap3A_323 {strides = array<i32>} : memref<125x80xi32, #tpu.memory_space<vmem>>, vector<1x16xi32>,
      %get3A_324 = arith.index_cast %scan3A_278 : i32 to index
      %get3A_325 = arith.constant 32 : index
      %get3A_326 = tpu.vector_load %arg7[%get3A_324, %get3A_325] {strides = array<i32>} : memref<125x80xi32, #tpu.memory_space<vmem>>, vector<1x16xi32>,
      %get3A_327 = vector.shape_cast %get3A_326 : vector<1x16xi32> to vector<16xi32>
      %sub3A_328 = arith.constant 0 : i32
      %sub3A_329 = vector.broadcast %sub3A_328 : i32 to vector<16xi32>
      %sub3A_330 = arith.subi %get3A_327, %sub3A_329 : vector<16xi32>
      %ge3A_331 = arith.constant 0 : i32
      %ge3A_332 = vector.broadcast %ge3A_331 : i32 to vector<16xi32>
      %ge3A_333 = arith.cmpi sge, %sub3A_330, %ge3A_332 : vector<16xi32>
      %lt3A_334 = arith.constant 5120 : i32
      %lt3A_335 = vector.broadcast %lt3A_334 : i32 to vector<16xi32>
      %lt3A_336 = arith.cmpi slt, %sub3A_330, %lt3A_335 : vector<16xi32>
      %and3A_337 = arith.andi %ge3A_333, %lt3A_336 : vector<16xi1>
      %and3A_338 = arith.constant 63 : i32
      %and3A_339 = vector.broadcast %and3A_338 : i32 to vector<16xi32>
      %and3A_340 = arith.andi %get3A_327, %and3A_339 : vector<16xi32>
      %add3A_341 = arith.constant 5120 : i32
      %add3A_342 = vector.broadcast %add3A_341 : i32 to vector<16xi32>
      %add3A_343 = arith.addi %add3A_342, %and3A_340 : vector<16xi32>
      %select_n3A_344 = arith.select %and3A_337, %sub3A_330, %add3A_343 : vector<16xi1>, vector<16xi32>
      %swap3A_345 = arith.index_cast %scan3A_278 : i32 to index
      %swap3A_346 = arith.constant 32 : index
      %swap3A_347 = tpu.vector_load %arg7[%swap3A_345, %swap3A_346] {strides = array<i32>} : memref<125x80xi32, #tpu.memory_space<vmem>>, vector<1x16xi32>,
      %swap3A_348 = vector.shape_cast %swap3A_347 : vector<1x16xi32> to vector<16xi32>
      %swap3A_349 = vector.shape_cast %select_n3A_344 : vector<16xi32> to vector<1x16xi32>
      tpu.vector_store %arg7[%swap3A_345, %swap3A_346], %swap3A_349 {strides = array<i32>} : memref<125x80xi32, #tpu.memory_space<vmem>>, vector<1x16xi32>,
      %get3A_350 = arith.index_cast %scan3A_278 : i32 to index
      %get3A_351 = arith.constant 48 : index
      %get3A_352 = tpu.vector_load %arg7[%get3A_350, %get3A_351] {strides = array<i32>} : memref<125x80xi32, #tpu.memory_space<vmem>>, vector<1x16xi32>,
      %get3A_353 = vector.shape_cast %get3A_352 : vector<1x16xi32> to vector<16xi32>
      %sub3A_354 = arith.constant 0 : i32
      %sub3A_355 = vector.broadcast %sub3A_354 : i32 to vector<16xi32>
      %sub3A_356 = arith.subi %get3A_353, %sub3A_355 : vector<16xi32>
      %ge3A_357 = arith.constant 0 : i32
      %ge3A_358 = vector.broadcast %ge3A_357 : i32 to vector<16xi32>
      %ge3A_359 = arith.cmpi sge, %sub3A_356, %ge3A_358 : vector<16xi32>
      %lt3A_360 = arith.constant 5120 : i32
      %lt3A_361 = vector.broadcast %lt3A_360 : i32 to vector<16xi32>
      %lt3A_362 = arith.cmpi slt, %sub3A_356, %lt3A_361 : vector<16xi32>
      %and3A_363 = arith.andi %ge3A_359, %lt3A_362 : vector<16xi1>
      %and3A_364 = arith.constant 63 : i32
      %and3A_365 = vector.broadcast %and3A_364 : i32 to vector<16xi32>
      %and3A_366 = arith.andi %get3A_353, %and3A_365 : vector<16xi32>
      %add3A_367 = arith.constant 5120 : i32
      %add3A_368 = vector.broadcast %add3A_367 : i32 to vector<16xi32>
      %add3A_369 = arith.addi %add3A_368, %and3A_366 : vector<16xi32>
      %select_n3A_370 = arith.select %and3A_363, %sub3A_356, %add3A_369 : vector<16xi1>, vector<16xi32>
      %swap3A_371 = arith.index_cast %scan3A_278 : i32 to index
      %swap3A_372 = arith.constant 48 : index
      %swap3A_373 = tpu.vector_load %arg7[%swap3A_371, %swap3A_372] {strides = array<i32>} : memref<125x80xi32, #tpu.memory_space<vmem>>, vector<1x16xi32>,
      %swap3A_374 = vector.shape_cast %swap3A_373 : vector<1x16xi32> to vector<16xi32>
      %swap3A_375 = vector.shape_cast %select_n3A_370 : vector<16xi32> to vector<1x16xi32>
      tpu.vector_store %arg7[%swap3A_371, %swap3A_372], %swap3A_375 {strides = array<i32>} : memref<125x80xi32, #tpu.memory_space<vmem>>, vector<1x16xi32>,
      %get3A_376 = arith.index_cast %scan3A_278 : i32 to index
      %get3A_377 = arith.constant 64 : index
      %get3A_378 = tpu.vector_load %arg7[%get3A_376, %get3A_377] {strides = array<i32>} : memref<125x80xi32, #tpu.memory_space<vmem>>, vector<1x16xi32>,
      %get3A_379 = vector.shape_cast %get3A_378 : vector<1x16xi32> to vector<16xi32>
      %sub3A_380 = arith.constant 0 : i32
      %sub3A_381 = vector.broadcast %sub3A_380 : i32 to vector<16xi32>
      %sub3A_382 = arith.subi %get3A_379, %sub3A_381 : vector<16xi32>
      %ge3A_383 = arith.constant 0 : i32
      %ge3A_384 = vector.broadcast %ge3A_383 : i32 to vector<16xi32>
      %ge3A_385 = arith.cmpi sge, %sub3A_382, %ge3A_384 : vector<16xi32>
      %lt3A_386 = arith.constant 5120 : i32
      %lt3A_387 = vector.broadcast %lt3A_386 : i32 to vector<16xi32>
      %lt3A_388 = arith.cmpi slt, %sub3A_382, %lt3A_387 : vector<16xi32>
      %and3A_389 = arith.andi %ge3A_385, %lt3A_388 : vector<16xi1>
      %and3A_390 = arith.constant 63 : i32
      %and3A_391 = vector.broadcast %and3A_390 : i32 to vector<16xi32>
      %and3A_392 = arith.andi %get3A_379, %and3A_391 : vector<16xi32>
      %add3A_393 = arith.constant 5120 : i32
      %add3A_394 = vector.broadcast %add3A_393 : i32 to vector<16xi32>
      %add3A_395 = arith.addi %add3A_394, %and3A_392 : vector<16xi32>
      %select_n3A_396 = arith.select %and3A_389, %sub3A_382, %add3A_395 : vector<16xi1>, vector<16xi32>
      %swap3A_397 = arith.index_cast %scan3A_278 : i32 to index
      %swap3A_398 = arith.constant 64 : index
      %swap3A_399 = tpu.vector_load %arg7[%swap3A_397, %swap3A_398] {strides = array<i32>} : memref<125x80xi32, #tpu.memory_space<vmem>>, vector<1x16xi32>,
      %swap3A_400 = vector.shape_cast %swap3A_399 : vector<1x16xi32> to vector<16xi32>
      %swap3A_401 = vector.shape_cast %select_n3A_396 : vector<16xi32> to vector<1x16xi32>
      tpu.vector_store %arg7[%swap3A_397, %swap3A_398], %swap3A_401 {strides = array<i32>} : memref<125x80xi32, #tpu.memory_space<vmem>>, vector<1x16xi32>,
    }
    %scan3A_3 = arith.constant 125 : i32
    %mul3A = arith.constant 320 : i32
    %mul3A_4 = arith.muli %arg1, %mul3A : i32
    %add3A = arith.constant 0 : i32
    %add3A_5 = arith.addi %add3A, %mul3A_4 : i32
    %add3A_6 = arith.constant 0 : i32
    %add3A_7 = arith.addi %add3A_5, %add3A_6 : i32
    %multiple_of3A = tpu.assume_multiple %add3A_7, 8 : i32
    %mul3A_8 = arith.constant 320 : i32
    %mul3A_9 = arith.muli %arg1, %mul3A_8 : i32
    %add3A_10 = arith.constant 0 : i32
    %add3A_11 = arith.addi %mul3A_9, %add3A_10 : i32
    %multiple_of3A_12 = tpu.assume_multiple %add3A_11, 8 : i32
    "tpu.region"() ({
      %run_scoped3A_278 = tpu.sem_alloc : memref<!tpu.dma_semaphore, #tpu.memory_space<semaphore_mem>>
      %dma_start3A_279 = arith.constant 0 : i32
      %dma_start3A_280 = arith.constant 0 : i32
      %dma_start3A_281 = tpu.memref_slice %arg2[%arg0, %dma_start3A_279, %dma_start3A_280] : memref<2x10240x128xf32, #tpu.memory_space<hbm>> -> memref<1x10240x128xf32, #tpu.memory_space<hbm>>
      %dma_start3A_282 = tpu.memref_squeeze %dma_start3A_281 : memref<1x10240x128xf32, #tpu.memory_space<hbm>> -> memref<10240x128xf32, #tpu.memory_space<hbm>>
      %dma_start3A_283 = arith.constant 0 : i32
      %dma_start3A_284 = tpu.memref_slice %dma_start3A_282[%multiple_of3A, %dma_start3A_283] : memref<10240x128xf32, #tpu.memory_space<hbm>> -> memref<80x128xf32, #tpu.memory_space<hbm>>
      %dma_start3A_285 = arith.constant 0 : i32
      %dma_start3A_286 = arith.constant 0 : i32
      %dma_start3A_287 = tpu.memref_slice %arg2[%arg0, %dma_start3A_285, %dma_start3A_286] : memref<2x10240x128xf32, #tpu.memory_space<hbm>> -> memref<1x10240x128xf32, #tpu.memory_space<hbm>>
      %dma_start3A_288 = tpu.memref_squeeze %dma_start3A_287 : memref<1x10240x128xf32, #tpu.memory_space<hbm>> -> memref<10240x128xf32, #tpu.memory_space<hbm>>
      %dma_start3A_289 = arith.constant 0 : i32
      %dma_start3A_290 = tpu.memref_slice %dma_start3A_288[%multiple_of3A, %dma_start3A_289] : memref<10240x128xf32, #tpu.memory_space<hbm>> -> memref<80x128xf32, #tpu.memory_space<hbm>>
      tpu.enqueue_dma source(%dma_start3A_290 : memref<80x128xf32, #tpu.memory_space<hbm>>) target(%arg9 : memref<80x128xf32, #tpu.memory_space<vmem>>) target_semaphore(%run_scoped3A_278 : memref<!tpu.dma_semaphore, #tpu.memory_space<semaphore_mem>>)
      %dma_wait3A_291 = arith.constant 0 : i32
      %dma_wait3A_292 = arith.constant 0 : i32
      %dma_wait3A_293 = tpu.memref_slice %arg2[%arg0, %dma_wait3A_291, %dma_wait3A_292] : memref<2x10240x128xf32, #tpu.memory_space<hbm>> -> memref<1x10240x128xf32, #tpu.memory_space<hbm>>
      %dma_wait3A_294 = tpu.memref_squeeze %dma_wait3A_293 : memref<1x10240x128xf32, #tpu.memory_space<hbm>> -> memref<10240x128xf32, #tpu.memory_space<hbm>>
      %dma_wait3A_295 = arith.constant 0 : i32
      %dma_wait3A_296 = tpu.memref_slice %dma_wait3A_294[%multiple_of3A, %dma_wait3A_295] : memref<10240x128xf32, #tpu.memory_space<hbm>> -> memref<80x128xf32, #tpu.memory_space<hbm>>
      %dma_wait3A_297 = arith.constant 0 : i32
      %dma_wait3A_298 = arith.constant 0 : i32
      %dma_wait3A_299 = tpu.memref_slice %arg2[%arg0, %dma_wait3A_297, %dma_wait3A_298] : memref<2x10240x128xf32, #tpu.memory_space<hbm>> -> memref<1x10240x128xf32, #tpu.memory_space<hbm>>
      %dma_wait3A_300 = tpu.memref_squeeze %dma_wait3A_299 : memref<1x10240x128xf32, #tpu.memory_space<hbm>> -> memref<10240x128xf32, #tpu.memory_space<hbm>>
      %dma_wait3A_301 = arith.constant 0 : i32
      %dma_wait3A_302 = tpu.memref_slice %dma_wait3A_300[%multiple_of3A, %dma_wait3A_301] : memref<10240x128xf32, #tpu.memory_space<hbm>> -> memref<80x128xf32, #tpu.memory_space<hbm>>
      tpu.wait_dma2 semaphore(%run_scoped3A_278 : memref<!tpu.dma_semaphore, #tpu.memory_space<semaphore_mem>>) src(%dma_wait3A_302 : memref<80x128xf32, #tpu.memory_space<hbm>>) dst(%arg9 : memref<80x128xf32, #tpu.memory_space<vmem>>)
      tpu.yield
    }) : () -> ()
    "tpu.region"() ({
      %run_scoped3A_278 = tpu.sem_alloc : memref<!tpu.dma_semaphore, #tpu.memory_space<semaphore_mem>>
      %dma_start3A_279 = arith.constant 0 : i32
      %dma_start3A_280 = tpu.memref_slice %arg10[%multiple_of3A_12, %dma_start3A_279] : memref<5184x128xf32, #tpu.memory_space<vmem_shared>> -> memref<80x128xf32, #tpu.memory_space<vmem_shared>>
      %dma_start3A_281 = arith.constant 0 : i32
      %dma_start3A_282 = tpu.memref_slice %arg10[%multiple_of3A_12, %dma_start3A_281] : memref<5184x128xf32, #tpu.memory_space<vmem_shared>> -> memref<80x128xf32, #tpu.memory_space<vmem_shared>>
      tpu.enqueue_dma source(%arg9 : memref<80x128xf32, #tpu.memory_space<vmem>>) target(%dma_start3A_282 : memref<80x128xf32, #tpu.memory_space<vmem_shared>>) target_semaphore(%run_scoped3A_278 : memref<!tpu.dma_semaphore, #tpu.memory_space<semaphore_mem>>)
      %dma_wait3A_283 = arith.constant 0 : i32
      %dma_wait3A_284 = tpu.memref_slice %arg10[%multiple_of3A_12, %dma_wait3A_283] : memref<5184x128xf32, #tpu.memory_space<vmem_shared>> -> memref<80x128xf32, #tpu.memory_space<vmem_shared>>
      %dma_wait3A_285 = arith.constant 0 : i32
      %dma_wait3A_286 = tpu.memref_slice %arg10[%multiple_of3A_12, %dma_wait3A_285] : memref<5184x128xf32, #tpu.memory_space<vmem_shared>> -> memref<80x128xf32, #tpu.memory_space<vmem_shared>>
      tpu.wait_dma2 semaphore(%run_scoped3A_278 : memref<!tpu.dma_semaphore, #tpu.memory_space<semaphore_mem>>) src(%arg9 : memref<80x128xf32, #tpu.memory_space<vmem>>) dst(%dma_wait3A_286 : memref<80x128xf32, #tpu.memory_space<vmem_shared>>)
      tpu.yield
    }) : () -> ()
    %mul3A_13 = arith.constant 320 : i32
    %mul3A_14 = arith.muli %arg1, %mul3A_13 : i32
    %add3A_15 = arith.constant 0 : i32
    %add3A_16 = arith.addi %add3A_15, %mul3A_14 : i32
    %add3A_17 = arith.constant 80 : i32
    %add3A_18 = arith.addi %add3A_16, %add3A_17 : i32
    %multiple_of3A_19 = tpu.assume_multiple %add3A_18, 8 : i32
    %mul3A_20 = arith.constant 320 : i32
    %mul3A_21 = arith.muli %arg1, %mul3A_20 : i32
    %add3A_22 = arith.constant 80 : i32
    %add3A_23 = arith.addi %mul3A_21, %add3A_22 : i32
    %multiple_of3A_24 = tpu.assume_multiple %add3A_23, 8 : i32
    "tpu.region"() ({
      %run_scoped3A_278 = tpu.sem_alloc : memref<!tpu.dma_semaphore, #tpu.memory_space<semaphore_mem>>
      %dma_start3A_279 = arith.constant 0 : i32
      %dma_start3A_280 = arith.constant 0 : i32
      %dma_start3A_281 = tpu.memref_slice %arg2[%arg0, %dma_start3A_279, %dma_start3A_280] : memref<2x10240x128xf32, #tpu.memory_space<hbm>> -> memref<1x10240x128xf32, #tpu.memory_space<hbm>>
      %dma_start3A_282 = tpu.memref_squeeze %dma_start3A_281 : memref<1x10240x128xf32, #tpu.memory_space<hbm>> -> memref<10240x128xf32, #tpu.memory_space<hbm>>
      %dma_start3A_283 = arith.constant 0 : i32
      %dma_start3A_284 = tpu.memref_slice %dma_start3A_282[%multiple_of3A_19, %dma_start3A_283] : memref<10240x128xf32, #tpu.memory_space<hbm>> -> memref<80x128xf32, #tpu.memory_space<hbm>>
      %dma_start3A_285 = arith.constant 0 : i32
      %dma_start3A_286 = arith.constant 0 : i32
      %dma_start3A_287 = tpu.memref_slice %arg2[%arg0, %dma_start3A_285, %dma_start3A_286] : memref<2x10240x128xf32, #tpu.memory_space<hbm>> -> memref<1x10240x128xf32, #tpu.memory_space<hbm>>
      %dma_start3A_288 = tpu.memref_squeeze %dma_start3A_287 : memref<1x10240x128xf32, #tpu.memory_space<hbm>> -> memref<10240x128xf32, #tpu.memory_space<hbm>>
      %dma_start3A_289 = arith.constant 0 : i32
      %dma_start3A_290 = tpu.memref_slice %dma_start3A_288[%multiple_of3A_19, %dma_start3A_289] : memref<10240x128xf32, #tpu.memory_space<hbm>> -> memref<80x128xf32, #tpu.memory_space<hbm>>
      tpu.enqueue_dma source(%dma_start3A_290 : memref<80x128xf32, #tpu.memory_space<hbm>>) target(%arg9 : memref<80x128xf32, #tpu.memory_space<vmem>>) target_semaphore(%run_scoped3A_278 : memref<!tpu.dma_semaphore, #tpu.memory_space<semaphore_mem>>)
      %dma_wait3A_291 = arith.constant 0 : i32
      %dma_wait3A_292 = arith.constant 0 : i32
      %dma_wait3A_293 = tpu.memref_slice %arg2[%arg0, %dma_wait3A_291, %dma_wait3A_292] : memref<2x10240x128xf32, #tpu.memory_space<hbm>> -> memref<1x10240x128xf32, #tpu.memory_space<hbm>>
      %dma_wait3A_294 = tpu.memref_squeeze %dma_wait3A_293 : memref<1x10240x128xf32, #tpu.memory_space<hbm>> -> memref<10240x128xf32, #tpu.memory_space<hbm>>
      %dma_wait3A_295 = arith.constant 0 : i32
      %dma_wait3A_296 = tpu.memref_slice %dma_wait3A_294[%multiple_of3A_19, %dma_wait3A_295] : memref<10240x128xf32, #tpu.memory_space<hbm>> -> memref<80x128xf32, #tpu.memory_space<hbm>>
      %dma_wait3A_297 = arith.constant 0 : i32
      %dma_wait3A_298 = arith.constant 0 : i32
      %dma_wait3A_299 = tpu.memref_slice %arg2[%arg0, %dma_wait3A_297, %dma_wait3A_298] : memref<2x10240x128xf32, #tpu.memory_space<hbm>> -> memref<1x10240x128xf32, #tpu.memory_space<hbm>>
      %dma_wait3A_300 = tpu.memref_squeeze %dma_wait3A_299 : memref<1x10240x128xf32, #tpu.memory_space<hbm>> -> memref<10240x128xf32, #tpu.memory_space<hbm>>
      %dma_wait3A_301 = arith.constant 0 : i32
      %dma_wait3A_302 = tpu.memref_slice %dma_wait3A_300[%multiple_of3A_19, %dma_wait3A_301] : memref<10240x128xf32, #tpu.memory_space<hbm>> -> memref<80x128xf32, #tpu.memory_space<hbm>>
      tpu.wait_dma2 semaphore(%run_scoped3A_278 : memref<!tpu.dma_semaphore, #tpu.memory_space<semaphore_mem>>) src(%dma_wait3A_302 : memref<80x128xf32, #tpu.memory_space<hbm>>) dst(%arg9 : memref<80x128xf32, #tpu.memory_space<vmem>>)
      tpu.yield
    }) : () -> ()
    "tpu.region"() ({
      %run_scoped3A_278 = tpu.sem_alloc : memref<!tpu.dma_semaphore, #tpu.memory_space<semaphore_mem>>
      %dma_start3A_279 = arith.constant 0 : i32
      %dma_start3A_280 = tpu.memref_slice %arg10[%multiple_of3A_24, %dma_start3A_279] : memref<5184x128xf32, #tpu.memory_space<vmem_shared>> -> memref<80x128xf32, #tpu.memory_space<vmem_shared>>
      %dma_start3A_281 = arith.constant 0 : i32
      %dma_start3A_282 = tpu.memref_slice %arg10[%multiple_of3A_24, %dma_start3A_281] : memref<5184x128xf32, #tpu.memory_space<vmem_shared>> -> memref<80x128xf32, #tpu.memory_space<vmem_shared>>
      tpu.enqueue_dma source(%arg9 : memref<80x128xf32, #tpu.memory_space<vmem>>) target(%dma_start3A_282 : memref<80x128xf32, #tpu.memory_space<vmem_shared>>) target_semaphore(%run_scoped3A_278 : memref<!tpu.dma_semaphore, #tpu.memory_space<semaphore_mem>>)
      %dma_wait3A_283 = arith.constant 0 : i32
      %dma_wait3A_284 = tpu.memref_slice %arg10[%multiple_of3A_24, %dma_wait3A_283] : memref<5184x128xf32, #tpu.memory_space<vmem_shared>> -> memref<80x128xf32, #tpu.memory_space<vmem_shared>>
      %dma_wait3A_285 = arith.constant 0 : i32
      %dma_wait3A_286 = tpu.memref_slice %arg10[%multiple_of3A_24, %dma_wait3A_285] : memref<5184x128xf32, #tpu.memory_space<vmem_shared>> -> memref<80x128xf32, #tpu.memory_space<vmem_shared>>
      tpu.wait_dma2 semaphore(%run_scoped3A_278 : memref<!tpu.dma_semaphore, #tpu.memory_space<semaphore_mem>>) src(%arg9 : memref<80x128xf32, #tpu.memory_space<vmem>>) dst(%dma_wait3A_286 : memref<80x128xf32, #tpu.memory_space<vmem_shared>>)
      tpu.yield
    }) : () -> ()
    %mul3A_25 = arith.constant 320 : i32
    %mul3A_26 = arith.muli %arg1, %mul3A_25 : i32
    %add3A_27 = arith.constant 0 : i32
    %add3A_28 = arith.addi %add3A_27, %mul3A_26 : i32
    %add3A_29 = arith.constant 160 : i32
    %add3A_30 = arith.addi %add3A_28, %add3A_29 : i32
    %multiple_of3A_31 = tpu.assume_multiple %add3A_30, 8 : i32
    %mul3A_32 = arith.constant 320 : i32
    %mul3A_33 = arith.muli %arg1, %mul3A_32 : i32
    %add3A_34 = arith.constant 160 : i32
    %add3A_35 = arith.addi %mul3A_33, %add3A_34 : i32
    %multiple_of3A_36 = tpu.assume_multiple %add3A_35, 8 : i32
    "tpu.region"() ({
      %run_scoped3A_278 = tpu.sem_alloc : memref<!tpu.dma_semaphore, #tpu.memory_space<semaphore_mem>>
      %dma_start3A_279 = arith.constant 0 : i32
      %dma_start3A_280 = arith.constant 0 : i32
      %dma_start3A_281 = tpu.memref_slice %arg2[%arg0, %dma_start3A_279, %dma_start3A_280] : memref<2x10240x128xf32, #tpu.memory_space<hbm>> -> memref<1x10240x128xf32, #tpu.memory_space<hbm>>
      %dma_start3A_282 = tpu.memref_squeeze %dma_start3A_281 : memref<1x10240x128xf32, #tpu.memory_space<hbm>> -> memref<10240x128xf32, #tpu.memory_space<hbm>>
      %dma_start3A_283 = arith.constant 0 : i32
      %dma_start3A_284 = tpu.memref_slice %dma_start3A_282[%multiple_of3A_31, %dma_start3A_283] : memref<10240x128xf32, #tpu.memory_space<hbm>> -> memref<80x128xf32, #tpu.memory_space<hbm>>
      %dma_start3A_285 = arith.constant 0 : i32
      %dma_start3A_286 = arith.constant 0 : i32
      %dma_start3A_287 = tpu.memref_slice %arg2[%arg0, %dma_start3A_285, %dma_start3A_286] : memref<2x10240x128xf32, #tpu.memory_space<hbm>> -> memref<1x10240x128xf32, #tpu.memory_space<hbm>>
      %dma_start3A_288 = tpu.memref_squeeze %dma_start3A_287 : memref<1x10240x128xf32, #tpu.memory_space<hbm>> -> memref<10240x128xf32, #tpu.memory_space<hbm>>
      %dma_start3A_289 = arith.constant 0 : i32
      %dma_start3A_290 = tpu.memref_slice %dma_start3A_288[%multiple_of3A_31, %dma_start3A_289] : memref<10240x128xf32, #tpu.memory_space<hbm>> -> memref<80x128xf32, #tpu.memory_space<hbm>>
      tpu.enqueue_dma source(%dma_start3A_290 : memref<80x128xf32, #tpu.memory_space<hbm>>) target(%arg9 : memref<80x128xf32, #tpu.memory_space<vmem>>) target_semaphore(%run_scoped3A_278 : memref<!tpu.dma_semaphore, #tpu.memory_space<semaphore_mem>>)
      %dma_wait3A_291 = arith.constant 0 : i32
      %dma_wait3A_292 = arith.constant 0 : i32
      %dma_wait3A_293 = tpu.memref_slice %arg2[%arg0, %dma_wait3A_291, %dma_wait3A_292] : memref<2x10240x128xf32, #tpu.memory_space<hbm>> -> memref<1x10240x128xf32, #tpu.memory_space<hbm>>
      %dma_wait3A_294 = tpu.memref_squeeze %dma_wait3A_293 : memref<1x10240x128xf32, #tpu.memory_space<hbm>> -> memref<10240x128xf32, #tpu.memory_space<hbm>>
      %dma_wait3A_295 = arith.constant 0 : i32
      %dma_wait3A_296 = tpu.memref_slice %dma_wait3A_294[%multiple_of3A_31, %dma_wait3A_295] : memref<10240x128xf32, #tpu.memory_space<hbm>> -> memref<80x128xf32, #tpu.memory_space<hbm>>
      %dma_wait3A_297 = arith.constant 0 : i32
      %dma_wait3A_298 = arith.constant 0 : i32
      %dma_wait3A_299 = tpu.memref_slice %arg2[%arg0, %dma_wait3A_297, %dma_wait3A_298] : memref<2x10240x128xf32, #tpu.memory_space<hbm>> -> memref<1x10240x128xf32, #tpu.memory_space<hbm>>
      %dma_wait3A_300 = tpu.memref_squeeze %dma_wait3A_299 : memref<1x10240x128xf32, #tpu.memory_space<hbm>> -> memref<10240x128xf32, #tpu.memory_space<hbm>>
      %dma_wait3A_301 = arith.constant 0 : i32
      %dma_wait3A_302 = tpu.memref_slice %dma_wait3A_300[%multiple_of3A_31, %dma_wait3A_301] : memref<10240x128xf32, #tpu.memory_space<hbm>> -> memref<80x128xf32, #tpu.memory_space<hbm>>
      tpu.wait_dma2 semaphore(%run_scoped3A_278 : memref<!tpu.dma_semaphore, #tpu.memory_space<semaphore_mem>>) src(%dma_wait3A_302 : memref<80x128xf32, #tpu.memory_space<hbm>>) dst(%arg9 : memref<80x128xf32, #tpu.memory_space<vmem>>)
      tpu.yield
    }) : () -> ()
    "tpu.region"() ({
      %run_scoped3A_278 = tpu.sem_alloc : memref<!tpu.dma_semaphore, #tpu.memory_space<semaphore_mem>>
      %dma_start3A_279 = arith.constant 0 : i32
      %dma_start3A_280 = tpu.memref_slice %arg10[%multiple_of3A_36, %dma_start3A_279] : memref<5184x128xf32, #tpu.memory_space<vmem_shared>> -> memref<80x128xf32, #tpu.memory_space<vmem_shared>>
      %dma_start3A_281 = arith.constant 0 : i32
      %dma_start3A_282 = tpu.memref_slice %arg10[%multiple_of3A_36, %dma_start3A_281] : memref<5184x128xf32, #tpu.memory_space<vmem_shared>> -> memref<80x128xf32, #tpu.memory_space<vmem_shared>>
      tpu.enqueue_dma source(%arg9 : memref<80x128xf32, #tpu.memory_space<vmem>>) target(%dma_start3A_282 : memref<80x128xf32, #tpu.memory_space<vmem_shared>>) target_semaphore(%run_scoped3A_278 : memref<!tpu.dma_semaphore, #tpu.memory_space<semaphore_mem>>)
      %dma_wait3A_283 = arith.constant 0 : i32
      %dma_wait3A_284 = tpu.memref_slice %arg10[%multiple_of3A_36, %dma_wait3A_283] : memref<5184x128xf32, #tpu.memory_space<vmem_shared>> -> memref<80x128xf32, #tpu.memory_space<vmem_shared>>
      %dma_wait3A_285 = arith.constant 0 : i32
      %dma_wait3A_286 = tpu.memref_slice %arg10[%multiple_of3A_36, %dma_wait3A_285] : memref<5184x128xf32, #tpu.memory_space<vmem_shared>> -> memref<80x128xf32, #tpu.memory_space<vmem_shared>>
      tpu.wait_dma2 semaphore(%run_scoped3A_278 : memref<!tpu.dma_semaphore, #tpu.memory_space<semaphore_mem>>) src(%arg9 : memref<80x128xf32, #tpu.memory_space<vmem>>) dst(%dma_wait3A_286 : memref<80x128xf32, #tpu.memory_space<vmem_shared>>)
      tpu.yield
    }) : () -> ()
    %mul3A_37 = arith.constant 320 : i32
    %mul3A_38 = arith.muli %arg1, %mul3A_37 : i32
    %add3A_39 = arith.constant 0 : i32
    %add3A_40 = arith.addi %add3A_39, %mul3A_38 : i32
    %add3A_41 = arith.constant 240 : i32
    %add3A_42 = arith.addi %add3A_40, %add3A_41 : i32
    %multiple_of3A_43 = tpu.assume_multiple %add3A_42, 8 : i32
    %mul3A_44 = arith.constant 320 : i32
    %mul3A_45 = arith.muli %arg1, %mul3A_44 : i32
    %add3A_46 = arith.constant 240 : i32
    %add3A_47 = arith.addi %mul3A_45, %add3A_46 : i32
    %multiple_of3A_48 = tpu.assume_multiple %add3A_47, 8 : i32
    "tpu.region"() ({
      %run_scoped3A_278 = tpu.sem_alloc : memref<!tpu.dma_semaphore, #tpu.memory_space<semaphore_mem>>
      %dma_start3A_279 = arith.constant 0 : i32
      %dma_start3A_280 = arith.constant 0 : i32
      %dma_start3A_281 = tpu.memref_slice %arg2[%arg0, %dma_start3A_279, %dma_start3A_280] : memref<2x10240x128xf32, #tpu.memory_space<hbm>> -> memref<1x10240x128xf32, #tpu.memory_space<hbm>>
      %dma_start3A_282 = tpu.memref_squeeze %dma_start3A_281 : memref<1x10240x128xf32, #tpu.memory_space<hbm>> -> memref<10240x128xf32, #tpu.memory_space<hbm>>
      %dma_start3A_283 = arith.constant 0 : i32
      %dma_start3A_284 = tpu.memref_slice %dma_start3A_282[%multiple_of3A_43, %dma_start3A_283] : memref<10240x128xf32, #tpu.memory_space<hbm>> -> memref<80x128xf32, #tpu.memory_space<hbm>>
      %dma_start3A_285 = arith.constant 0 : i32
      %dma_start3A_286 = arith.constant 0 : i32
      %dma_start3A_287 = tpu.memref_slice %arg2[%arg0, %dma_start3A_285, %dma_start3A_286] : memref<2x10240x128xf32, #tpu.memory_space<hbm>> -> memref<1x10240x128xf32, #tpu.memory_space<hbm>>
      %dma_start3A_288 = tpu.memref_squeeze %dma_start3A_287 : memref<1x10240x128xf32, #tpu.memory_space<hbm>> -> memref<10240x128xf32, #tpu.memory_space<hbm>>
      %dma_start3A_289 = arith.constant 0 : i32
      %dma_start3A_290 = tpu.memref_slice %dma_start3A_288[%multiple_of3A_43, %dma_start3A_289] : memref<10240x128xf32, #tpu.memory_space<hbm>> -> memref<80x128xf32, #tpu.memory_space<hbm>>
      tpu.enqueue_dma source(%dma_start3A_290 : memref<80x128xf32, #tpu.memory_space<hbm>>) target(%arg9 : memref<80x128xf32, #tpu.memory_space<vmem>>) target_semaphore(%run_scoped3A_278 : memref<!tpu.dma_semaphore, #tpu.memory_space<semaphore_mem>>)
      %dma_wait3A_291 = arith.constant 0 : i32
      %dma_wait3A_292 = arith.constant 0 : i32
      %dma_wait3A_293 = tpu.memref_slice %arg2[%arg0, %dma_wait3A_291, %dma_wait3A_292] : memref<2x10240x128xf32, #tpu.memory_space<hbm>> -> memref<1x10240x128xf32, #tpu.memory_space<hbm>>
      %dma_wait3A_294 = tpu.memref_squeeze %dma_wait3A_293 : memref<1x10240x128xf32, #tpu.memory_space<hbm>> -> memref<10240x128xf32, #tpu.memory_space<hbm>>
      %dma_wait3A_295 = arith.constant 0 : i32
      %dma_wait3A_296 = tpu.memref_slice %dma_wait3A_294[%multiple_of3A_43, %dma_wait3A_295] : memref<10240x128xf32, #tpu.memory_space<hbm>> -> memref<80x128xf32, #tpu.memory_space<hbm>>
      %dma_wait3A_297 = arith.constant 0 : i32
      %dma_wait3A_298 = arith.constant 0 : i32
      %dma_wait3A_299 = tpu.memref_slice %arg2[%arg0, %dma_wait3A_297, %dma_wait3A_298] : memref<2x10240x128xf32, #tpu.memory_space<hbm>> -> memref<1x10240x128xf32, #tpu.memory_space<hbm>>
      %dma_wait3A_300 = tpu.memref_squeeze %dma_wait3A_299 : memref<1x10240x128xf32, #tpu.memory_space<hbm>> -> memref<10240x128xf32, #tpu.memory_space<hbm>>
      %dma_wait3A_301 = arith.constant 0 : i32
      %dma_wait3A_302 = tpu.memref_slice %dma_wait3A_300[%multiple_of3A_43, %dma_wait3A_301] : memref<10240x128xf32, #tpu.memory_space<hbm>> -> memref<80x128xf32, #tpu.memory_space<hbm>>
      tpu.wait_dma2 semaphore(%run_scoped3A_278 : memref<!tpu.dma_semaphore, #tpu.memory_space<semaphore_mem>>) src(%dma_wait3A_302 : memref<80x128xf32, #tpu.memory_space<hbm>>) dst(%arg9 : memref<80x128xf32, #tpu.memory_space<vmem>>)
      tpu.yield
    }) : () -> ()
    "tpu.region"() ({
      %run_scoped3A_278 = tpu.sem_alloc : memref<!tpu.dma_semaphore, #tpu.memory_space<semaphore_mem>>
      %dma_start3A_279 = arith.constant 0 : i32
      %dma_start3A_280 = tpu.memref_slice %arg10[%multiple_of3A_48, %dma_start3A_279] : memref<5184x128xf32, #tpu.memory_space<vmem_shared>> -> memref<80x128xf32, #tpu.memory_space<vmem_shared>>
      %dma_start3A_281 = arith.constant 0 : i32
      %dma_start3A_282 = tpu.memref_slice %arg10[%multiple_of3A_48, %dma_start3A_281] : memref<5184x128xf32, #tpu.memory_space<vmem_shared>> -> memref<80x128xf32, #tpu.memory_space<vmem_shared>>
      tpu.enqueue_dma source(%arg9 : memref<80x128xf32, #tpu.memory_space<vmem>>) target(%dma_start3A_282 : memref<80x128xf32, #tpu.memory_space<vmem_shared>>) target_semaphore(%run_scoped3A_278 : memref<!tpu.dma_semaphore, #tpu.memory_space<semaphore_mem>>)
      %dma_wait3A_283 = arith.constant 0 : i32
      %dma_wait3A_284 = tpu.memref_slice %arg10[%multiple_of3A_48, %dma_wait3A_283] : memref<5184x128xf32, #tpu.memory_space<vmem_shared>> -> memref<80x128xf32, #tpu.memory_space<vmem_shared>>
      %dma_wait3A_285 = arith.constant 0 : i32
      %dma_wait3A_286 = tpu.memref_slice %arg10[%multiple_of3A_48, %dma_wait3A_285] : memref<5184x128xf32, #tpu.memory_space<vmem_shared>> -> memref<80x128xf32, #tpu.memory_space<vmem_shared>>
      tpu.wait_dma2 semaphore(%run_scoped3A_278 : memref<!tpu.dma_semaphore, #tpu.memory_space<semaphore_mem>>) src(%arg9 : memref<80x128xf32, #tpu.memory_space<vmem>>) dst(%dma_wait3A_286 : memref<80x128xf32, #tpu.memory_space<vmem_shared>>)
      tpu.yield
    }) : () -> ()
    %barrier3A = arith.constant 0 : index
    tpu.barrier barrier_id(%barrier3A)
    %dma_start3A = arith.constant 0 : i32
    %dma_start3A_49 = arith.constant 0 : i32
    %dma_start3A_50 = arith.constant 0 : i32
    %dma_start3A_51 = arith.constant 0 : i32
    %dma_start3A_52 = tpu.memref_slice %arg8[%dma_start3A_49, %dma_start3A_50, %dma_start3A_51] : memref<2x80x128xf32, #tpu.memory_space<vmem>> -> memref<1x80x128xf32, #tpu.memory_space<vmem>>
    %dma_start3A_53 = tpu.memref_squeeze %dma_start3A_52 : memref<1x80x128xf32, #tpu.memory_space<vmem>> -> memref<80x128xf32, #tpu.memory_space<vmem>>
    %dma_start3A_54 = arith.constant 0 : i32
    %dma_start3A_55 = tpu.memref_slice %arg6[%dma_start3A, %dma_start3A_54] : memref<125x80xi32, #tpu.memory_space<vmem>> -> memref<1x80xi32, #tpu.memory_space<vmem>>
    %dma_start3A_56 = tpu.memref_squeeze %dma_start3A_55 : memref<1x80xi32, #tpu.memory_space<vmem>> -> memref<80xi32, #tpu.memory_space<vmem>>
    %dma_start3A_57 = arith.constant 0 : i32
    %dma_start3A_58 = arith.constant 0 : i32
    %dma_start3A_59 = tpu.memref_slice %arg2[%arg0, %dma_start3A_57, %dma_start3A_58] : memref<2x10240x128xf32, #tpu.memory_space<hbm>> -> memref<1x10240x128xf32, #tpu.memory_space<hbm>>
    %dma_start3A_60 = tpu.memref_squeeze %dma_start3A_59 : memref<1x10240x128xf32, #tpu.memory_space<hbm>> -> memref<10240x128xf32, #tpu.memory_space<hbm>>
    %dma_start3A_61 = arith.constant 0 : i32
    %dma_start3A_62 = arith.constant 0 : i32
    %dma_start3A_63 = tpu.memref_slice %dma_start3A_60[%dma_start3A_61, %dma_start3A_62] : memref<10240x128xf32, #tpu.memory_space<hbm>> -> memref<10240x128xf32, #tpu.memory_space<hbm>>
    tpu.enqueue_indirect_dma source(%dma_start3A_63 : memref<10240x128xf32, #tpu.memory_space<hbm>>) target(%dma_start3A_53 : memref<80x128xf32, #tpu.memory_space<vmem>>) offsets(%dma_start3A_56 : memref<80xi32, #tpu.memory_space<vmem>>) semaphore(%arg11 : memref<!tpu.dma_semaphore, #tpu.memory_space<semaphore_mem>>)
    %scan3A_64 = arith.constant 0 : i32
    %scan3A_65 = arith.constant 62 : i32
    %scan3A_66 = arith.addi %scan3A_64, %scan3A_65 : i32
    %scan3A_67 = arith.constant 1 : i32
    scf.for %scan3A_278 = %scan3A_64 to %scan3A_66 step %scan3A_67  : i32 {
      %mul3A_279 = arith.constant 2 : i32
      %mul3A_280 = arith.muli %mul3A_279, %scan3A_278 : i32
      %add3A_281 = arith.constant 1 : i32
      %add3A_282 = arith.addi %mul3A_280, %add3A_281 : i32
      %dma_start3A_283 = arith.constant 1 : i32
      %dma_start3A_284 = arith.constant 0 : i32
      %dma_start3A_285 = arith.constant 0 : i32
      %dma_start3A_286 = tpu.memref_slice %arg8[%dma_start3A_283, %dma_start3A_284, %dma_start3A_285] : memref<2x80x128xf32, #tpu.memory_space<vmem>> -> memref<1x80x128xf32, #tpu.memory_space<vmem>>
      %dma_start3A_287 = tpu.memref_squeeze %dma_start3A_286 : memref<1x80x128xf32, #tpu.memory_space<vmem>> -> memref<80x128xf32, #tpu.memory_space<vmem>>
      %dma_start3A_288 = arith.constant 0 : i32
      %dma_start3A_289 = tpu.memref_slice %arg6[%add3A_282, %dma_start3A_288] : memref<125x80xi32, #tpu.memory_space<vmem>> -> memref<1x80xi32, #tpu.memory_space<vmem>>
      %dma_start3A_290 = tpu.memref_squeeze %dma_start3A_289 : memref<1x80xi32, #tpu.memory_space<vmem>> -> memref<80xi32, #tpu.memory_space<vmem>>
      %dma_start3A_291 = arith.constant 0 : i32
      %dma_start3A_292 = arith.constant 0 : i32
      %dma_start3A_293 = tpu.memref_slice %arg2[%arg0, %dma_start3A_291, %dma_start3A_292] : memref<2x10240x128xf32, #tpu.memory_space<hbm>> -> memref<1x10240x128xf32, #tpu.memory_space<hbm>>
      %dma_start3A_294 = tpu.memref_squeeze %dma_start3A_293 : memref<1x10240x128xf32, #tpu.memory_space<hbm>> -> memref<10240x128xf32, #tpu.memory_space<hbm>>
      %dma_start3A_295 = arith.constant 0 : i32
      %dma_start3A_296 = arith.constant 0 : i32
      %dma_start3A_297 = tpu.memref_slice %dma_start3A_294[%dma_start3A_295, %dma_start3A_296] : memref<10240x128xf32, #tpu.memory_space<hbm>> -> memref<10240x128xf32, #tpu.memory_space<hbm>>
      tpu.enqueue_indirect_dma source(%dma_start3A_297 : memref<10240x128xf32, #tpu.memory_space<hbm>>) target(%dma_start3A_287 : memref<80x128xf32, #tpu.memory_space<vmem>>) offsets(%dma_start3A_290 : memref<80xi32, #tpu.memory_space<vmem>>) semaphore(%arg12 : memref<!tpu.dma_semaphore, #tpu.memory_space<semaphore_mem>>)
      %dma_wait3A_298 = arith.constant 0 : i32
      %dma_wait3A_299 = arith.constant 0 : i32
      %dma_wait3A_300 = arith.constant 0 : i32
      %dma_wait3A_301 = tpu.memref_slice %arg8[%dma_wait3A_298, %dma_wait3A_299, %dma_wait3A_300] : memref<2x80x128xf32, #tpu.memory_space<vmem>> -> memref<1x80x128xf32, #tpu.memory_space<vmem>>
      %dma_wait3A_302 = tpu.memref_squeeze %dma_wait3A_301 : memref<1x80x128xf32, #tpu.memory_space<vmem>> -> memref<80x128xf32, #tpu.memory_space<vmem>>
      %dma_wait3A_303 = arith.constant 0 : i32
      %dma_wait3A_304 = tpu.memref_slice %arg6[%mul3A_280, %dma_wait3A_303] : memref<125x80xi32, #tpu.memory_space<vmem>> -> memref<1x80xi32, #tpu.memory_space<vmem>>
      %dma_wait3A_305 = tpu.memref_squeeze %dma_wait3A_304 : memref<1x80xi32, #tpu.memory_space<vmem>> -> memref<80xi32, #tpu.memory_space<vmem>>
      %dma_wait3A_306 = arith.constant 0 : i32
      %dma_wait3A_307 = arith.constant 0 : i32
      %dma_wait3A_308 = tpu.memref_slice %arg2[%arg0, %dma_wait3A_306, %dma_wait3A_307] : memref<2x10240x128xf32, #tpu.memory_space<hbm>> -> memref<1x10240x128xf32, #tpu.memory_space<hbm>>
      %dma_wait3A_309 = tpu.memref_squeeze %dma_wait3A_308 : memref<1x10240x128xf32, #tpu.memory_space<hbm>> -> memref<10240x128xf32, #tpu.memory_space<hbm>>
      %dma_wait3A_310 = arith.constant 0 : i32
      %dma_wait3A_311 = arith.constant 0 : i32
      %dma_wait3A_312 = tpu.memref_slice %dma_wait3A_309[%dma_wait3A_310, %dma_wait3A_311] : memref<10240x128xf32, #tpu.memory_space<hbm>> -> memref<10240x128xf32, #tpu.memory_space<hbm>>
      tpu.wait_indirect_dma semaphore(%arg11 : memref<!tpu.dma_semaphore, #tpu.memory_space<semaphore_mem>>) src(%dma_wait3A_312 : memref<10240x128xf32, #tpu.memory_space<hbm>>) dst(%dma_wait3A_302 : memref<80x128xf32, #tpu.memory_space<vmem>>)
      %run_scoped3A_313 = arith.constant 0 : i32
      "tpu.region"() ({
        %run_scoped3A_351 = tpu.sem_alloc : memref<!tpu.dma_semaphore, #tpu.memory_space<semaphore_mem>>
        %dma_start3A_352 = arith.constant 0 : i32
        %dma_start3A_353 = arith.constant 0 : i32
        %dma_start3A_354 = tpu.memref_slice %arg8[%run_scoped3A_313, %dma_start3A_352, %dma_start3A_353] : memref<2x80x128xf32, #tpu.memory_space<vmem>> -> memref<1x80x128xf32, #tpu.memory_space<vmem>>
        %dma_start3A_355 = tpu.memref_squeeze %dma_start3A_354 : memref<1x80x128xf32, #tpu.memory_space<vmem>> -> memref<80x128xf32, #tpu.memory_space<vmem>>
        %dma_start3A_356 = arith.constant 0 : i32
        %dma_start3A_357 = tpu.memref_slice %arg7[%mul3A_280, %dma_start3A_356] : memref<125x80xi32, #tpu.memory_space<vmem>> -> memref<1x80xi32, #tpu.memory_space<vmem>>
        %dma_start3A_358 = tpu.memref_squeeze %dma_start3A_357 : memref<1x80xi32, #tpu.memory_space<vmem>> -> memref<80xi32, #tpu.memory_space<vmem>>
        %dma_start3A_359 = arith.constant 0 : i32
        %dma_start3A_360 = arith.constant 0 : i32
        %dma_start3A_361 = tpu.memref_slice %arg10[%dma_start3A_359, %dma_start3A_360] : memref<5184x128xf32, #tpu.memory_space<vmem_shared>> -> memref<5184x128xf32, #tpu.memory_space<vmem_shared>>
        tpu.enqueue_indirect_dma source(%dma_start3A_355 : memref<80x128xf32, #tpu.memory_space<vmem>>) target(%dma_start3A_361 : memref<5184x128xf32, #tpu.memory_space<vmem_shared>>) offsets(%dma_start3A_358 : memref<80xi32, #tpu.memory_space<vmem>>) semaphore(%run_scoped3A_351 : memref<!tpu.dma_semaphore, #tpu.memory_space<semaphore_mem>>) {add = true}
        %dma_wait3A_362 = arith.constant 0 : i32
        %dma_wait3A_363 = arith.constant 0 : i32
        %dma_wait3A_364 = tpu.memref_slice %arg8[%run_scoped3A_313, %dma_wait3A_362, %dma_wait3A_363] : memref<2x80x128xf32, #tpu.memory_space<vmem>> -> memref<1x80x128xf32, #tpu.memory_space<vmem>>
        %dma_wait3A_365 = tpu.memref_squeeze %dma_wait3A_364 : memref<1x80x128xf32, #tpu.memory_space<vmem>> -> memref<80x128xf32, #tpu.memory_space<vmem>>
        %dma_wait3A_366 = arith.constant 0 : i32
        %dma_wait3A_367 = tpu.memref_slice %arg7[%mul3A_280, %dma_wait3A_366] : memref<125x80xi32, #tpu.memory_space<vmem>> -> memref<1x80xi32, #tpu.memory_space<vmem>>
        %dma_wait3A_368 = tpu.memref_squeeze %dma_wait3A_367 : memref<1x80xi32, #tpu.memory_space<vmem>> -> memref<80xi32, #tpu.memory_space<vmem>>
        %dma_wait3A_369 = arith.constant 0 : i32
        %dma_wait3A_370 = arith.constant 0 : i32
        %dma_wait3A_371 = tpu.memref_slice %arg10[%dma_wait3A_369, %dma_wait3A_370] : memref<5184x128xf32, #tpu.memory_space<vmem_shared>> -> memref<5184x128xf32, #tpu.memory_space<vmem_shared>>
        tpu.wait_indirect_dma semaphore(%run_scoped3A_351 : memref<!tpu.dma_semaphore, #tpu.memory_space<semaphore_mem>>) src(%dma_wait3A_365 : memref<80x128xf32, #tpu.memory_space<vmem>>) dst(%dma_wait3A_371 : memref<5184x128xf32, #tpu.memory_space<vmem_shared>>)
        tpu.yield
      }) : () -> ()
      %add3A_314 = arith.constant 2 : i32
      %add3A_315 = arith.addi %mul3A_280, %add3A_314 : i32
      %dma_start3A_316 = arith.constant 0 : i32
      %dma_start3A_317 = arith.constant 0 : i32
      %dma_start3A_318 = arith.constant 0 : i32
      %dma_start3A_319 = tpu.memref_slice %arg8[%dma_start3A_316, %dma_start3A_317, %dma_start3A_318] : memref<2x80x128xf32, #tpu.memory_space<vmem>> -> memref<1x80x128xf32, #tpu.memory_space<vmem>>
      %dma_start3A_320 = tpu.memref_squeeze %dma_start3A_319 : memref<1x80x128xf32, #tpu.memory_space<vmem>> -> memref<80x128xf32, #tpu.memory_space<vmem>>
      %dma_start3A_321 = arith.constant 0 : i32
      %dma_start3A_322 = tpu.memref_slice %arg6[%add3A_315, %dma_start3A_321] : memref<125x80xi32, #tpu.memory_space<vmem>> -> memref<1x80xi32, #tpu.memory_space<vmem>>
      %dma_start3A_323 = tpu.memref_squeeze %dma_start3A_322 : memref<1x80xi32, #tpu.memory_space<vmem>> -> memref<80xi32, #tpu.memory_space<vmem>>
      %dma_start3A_324 = arith.constant 0 : i32
      %dma_start3A_325 = arith.constant 0 : i32
      %dma_start3A_326 = tpu.memref_slice %arg2[%arg0, %dma_start3A_324, %dma_start3A_325] : memref<2x10240x128xf32, #tpu.memory_space<hbm>> -> memref<1x10240x128xf32, #tpu.memory_space<hbm>>
      %dma_start3A_327 = tpu.memref_squeeze %dma_start3A_326 : memref<1x10240x128xf32, #tpu.memory_space<hbm>> -> memref<10240x128xf32, #tpu.memory_space<hbm>>
      %dma_start3A_328 = arith.constant 0 : i32
      %dma_start3A_329 = arith.constant 0 : i32
      %dma_start3A_330 = tpu.memref_slice %dma_start3A_327[%dma_start3A_328, %dma_start3A_329] : memref<10240x128xf32, #tpu.memory_space<hbm>> -> memref<10240x128xf32, #tpu.memory_space<hbm>>
      tpu.enqueue_indirect_dma source(%dma_start3A_330 : memref<10240x128xf32, #tpu.memory_space<hbm>>) target(%dma_start3A_320 : memref<80x128xf32, #tpu.memory_space<vmem>>) offsets(%dma_start3A_323 : memref<80xi32, #tpu.memory_space<vmem>>) semaphore(%arg11 : memref<!tpu.dma_semaphore, #tpu.memory_space<semaphore_mem>>)
      %add3A_331 = arith.constant 1 : i32
      %add3A_332 = arith.addi %mul3A_280, %add3A_331 : i32
      %dma_wait3A_333 = arith.constant 1 : i32
      %dma_wait3A_334 = arith.constant 0 : i32
      %dma_wait3A_335 = arith.constant 0 : i32
      %dma_wait3A_336 = tpu.memref_slice %arg8[%dma_wait3A_333, %dma_wait3A_334, %dma_wait3A_335] : memref<2x80x128xf32, #tpu.memory_space<vmem>> -> memref<1x80x128xf32, #tpu.memory_space<vmem>>
      %dma_wait3A_337 = tpu.memref_squeeze %dma_wait3A_336 : memref<1x80x128xf32, #tpu.memory_space<vmem>> -> memref<80x128xf32, #tpu.memory_space<vmem>>
      %dma_wait3A_338 = arith.constant 0 : i32
      %dma_wait3A_339 = tpu.memref_slice %arg6[%add3A_332, %dma_wait3A_338] : memref<125x80xi32, #tpu.memory_space<vmem>> -> memref<1x80xi32, #tpu.memory_space<vmem>>
      %dma_wait3A_340 = tpu.memref_squeeze %dma_wait3A_339 : memref<1x80xi32, #tpu.memory_space<vmem>> -> memref<80xi32, #tpu.memory_space<vmem>>
      %dma_wait3A_341 = arith.constant 0 : i32
      %dma_wait3A_342 = arith.constant 0 : i32
      %dma_wait3A_343 = tpu.memref_slice %arg2[%arg0, %dma_wait3A_341, %dma_wait3A_342] : memref<2x10240x128xf32, #tpu.memory_space<hbm>> -> memref<1x10240x128xf32, #tpu.memory_space<hbm>>
      %dma_wait3A_344 = tpu.memref_squeeze %dma_wait3A_343 : memref<1x10240x128xf32, #tpu.memory_space<hbm>> -> memref<10240x128xf32, #tpu.memory_space<hbm>>
      %dma_wait3A_345 = arith.constant 0 : i32
      %dma_wait3A_346 = arith.constant 0 : i32
      %dma_wait3A_347 = tpu.memref_slice %dma_wait3A_344[%dma_wait3A_345, %dma_wait3A_346] : memref<10240x128xf32, #tpu.memory_space<hbm>> -> memref<10240x128xf32, #tpu.memory_space<hbm>>
      tpu.wait_indirect_dma semaphore(%arg12 : memref<!tpu.dma_semaphore, #tpu.memory_space<semaphore_mem>>) src(%dma_wait3A_347 : memref<10240x128xf32, #tpu.memory_space<hbm>>) dst(%dma_wait3A_337 : memref<80x128xf32, #tpu.memory_space<vmem>>)
      %add3A_348 = arith.constant 1 : i32
      %add3A_349 = arith.addi %mul3A_280, %add3A_348 : i32
      %run_scoped3A_350 = arith.constant 1 : i32
      "tpu.region"() ({
        %run_scoped3A_351 = tpu.sem_alloc : memref<!tpu.dma_semaphore, #tpu.memory_space<semaphore_mem>>
        %dma_start3A_352 = arith.constant 0 : i32
        %dma_start3A_353 = arith.constant 0 : i32
        %dma_start3A_354 = tpu.memref_slice %arg8[%run_scoped3A_350, %dma_start3A_352, %dma_start3A_353] : memref<2x80x128xf32, #tpu.memory_space<vmem>> -> memref<1x80x128xf32, #tpu.memory_space<vmem>>
        %dma_start3A_355 = tpu.memref_squeeze %dma_start3A_354 : memref<1x80x128xf32, #tpu.memory_space<vmem>> -> memref<80x128xf32, #tpu.memory_space<vmem>>
        %dma_start3A_356 = arith.constant 0 : i32
        %dma_start3A_357 = tpu.memref_slice %arg7[%add3A_349, %dma_start3A_356] : memref<125x80xi32, #tpu.memory_space<vmem>> -> memref<1x80xi32, #tpu.memory_space<vmem>>
        %dma_start3A_358 = tpu.memref_squeeze %dma_start3A_357 : memref<1x80xi32, #tpu.memory_space<vmem>> -> memref<80xi32, #tpu.memory_space<vmem>>
        %dma_start3A_359 = arith.constant 0 : i32
        %dma_start3A_360 = arith.constant 0 : i32
        %dma_start3A_361 = tpu.memref_slice %arg10[%dma_start3A_359, %dma_start3A_360] : memref<5184x128xf32, #tpu.memory_space<vmem_shared>> -> memref<5184x128xf32, #tpu.memory_space<vmem_shared>>
        tpu.enqueue_indirect_dma source(%dma_start3A_355 : memref<80x128xf32, #tpu.memory_space<vmem>>) target(%dma_start3A_361 : memref<5184x128xf32, #tpu.memory_space<vmem_shared>>) offsets(%dma_start3A_358 : memref<80xi32, #tpu.memory_space<vmem>>) semaphore(%run_scoped3A_351 : memref<!tpu.dma_semaphore, #tpu.memory_space<semaphore_mem>>) {add = true}
        %dma_wait3A_362 = arith.constant 0 : i32
        %dma_wait3A_363 = arith.constant 0 : i32
        %dma_wait3A_364 = tpu.memref_slice %arg8[%run_scoped3A_350, %dma_wait3A_362, %dma_wait3A_363] : memref<2x80x128xf32, #tpu.memory_space<vmem>> -> memref<1x80x128xf32, #tpu.memory_space<vmem>>
        %dma_wait3A_365 = tpu.memref_squeeze %dma_wait3A_364 : memref<1x80x128xf32, #tpu.memory_space<vmem>> -> memref<80x128xf32, #tpu.memory_space<vmem>>
        %dma_wait3A_366 = arith.constant 0 : i32
        %dma_wait3A_367 = tpu.memref_slice %arg7[%add3A_349, %dma_wait3A_366] : memref<125x80xi32, #tpu.memory_space<vmem>> -> memref<1x80xi32, #tpu.memory_space<vmem>>
        %dma_wait3A_368 = tpu.memref_squeeze %dma_wait3A_367 : memref<1x80xi32, #tpu.memory_space<vmem>> -> memref<80xi32, #tpu.memory_space<vmem>>
        %dma_wait3A_369 = arith.constant 0 : i32
        %dma_wait3A_370 = arith.constant 0 : i32
        %dma_wait3A_371 = tpu.memref_slice %arg10[%dma_wait3A_369, %dma_wait3A_370] : memref<5184x128xf32, #tpu.memory_space<vmem_shared>> -> memref<5184x128xf32, #tpu.memory_space<vmem_shared>>
        tpu.wait_indirect_dma semaphore(%run_scoped3A_351 : memref<!tpu.dma_semaphore, #tpu.memory_space<semaphore_mem>>) src(%dma_wait3A_365 : memref<80x128xf32, #tpu.memory_space<vmem>>) dst(%dma_wait3A_371 : memref<5184x128xf32, #tpu.memory_space<vmem_shared>>)
        tpu.yield
      }) : () -> ()
    }
    %scan3A_68 = arith.constant 62 : i32
    %dma_wait3A = arith.constant 124 : i32
    %dma_wait3A_69 = arith.constant 0 : i32
    %dma_wait3A_70 = arith.constant 0 : i32
    %dma_wait3A_71 = arith.constant 0 : i32
    %dma_wait3A_72 = tpu.memref_slice %arg8[%dma_wait3A_69, %dma_wait3A_70, %dma_wait3A_71] : memref<2x80x128xf32, #tpu.memory_space<vmem>> -> memref<1x80x128xf32, #tpu.memory_space<vmem>>
    %dma_wait3A_73 = tpu.memref_squeeze %dma_wait3A_72 : memref<1x80x128xf32, #tpu.memory_space<vmem>> -> memref<80x128xf32, #tpu.memory_space<vmem>>
    %dma_wait3A_74 = arith.constant 0 : i32
    %dma_wait3A_75 = tpu.memref_slice %arg6[%dma_wait3A, %dma_wait3A_74] : memref<125x80xi32, #tpu.memory_space<vmem>> -> memref<1x80xi32, #tpu.memory_space<vmem>>
    %dma_wait3A_76 = tpu.memref_squeeze %dma_wait3A_75 : memref<1x80xi32, #tpu.memory_space<vmem>> -> memref<80xi32, #tpu.memory_space<vmem>>
    %dma_wait3A_77 = arith.constant 0 : i32
    %dma_wait3A_78 = arith.constant 0 : i32
    %dma_wait3A_79 = tpu.memref_slice %arg2[%arg0, %dma_wait3A_77, %dma_wait3A_78] : memref<2x10240x128xf32, #tpu.memory_space<hbm>> -> memref<1x10240x128xf32, #tpu.memory_space<hbm>>
    %dma_wait3A_80 = tpu.memref_squeeze %dma_wait3A_79 : memref<1x10240x128xf32, #tpu.memory_space<hbm>> -> memref<10240x128xf32, #tpu.memory_space<hbm>>
    %dma_wait3A_81 = arith.constant 0 : i32
    %dma_wait3A_82 = arith.constant 0 : i32
    %dma_wait3A_83 = tpu.memref_slice %dma_wait3A_80[%dma_wait3A_81, %dma_wait3A_82] : memref<10240x128xf32, #tpu.memory_space<hbm>> -> memref<10240x128xf32, #tpu.memory_space<hbm>>
    tpu.wait_indirect_dma semaphore(%arg11 : memref<!tpu.dma_semaphore, #tpu.memory_space<semaphore_mem>>) src(%dma_wait3A_83 : memref<10240x128xf32, #tpu.memory_space<hbm>>) dst(%dma_wait3A_73 : memref<80x128xf32, #tpu.memory_space<vmem>>)
    %run_scoped3A = arith.constant 0 : i32
    %run_scoped3A_84 = arith.constant 124 : i32
    "tpu.region"() ({
      %run_scoped3A_278 = tpu.sem_alloc : memref<!tpu.dma_semaphore, #tpu.memory_space<semaphore_mem>>
      %dma_start3A_279 = arith.constant 0 : i32
      %dma_start3A_280 = arith.constant 0 : i32
      %dma_start3A_281 = tpu.memref_slice %arg8[%run_scoped3A, %dma_start3A_279, %dma_start3A_280] : memref<2x80x128xf32, #tpu.memory_space<vmem>> -> memref<1x80x128xf32, #tpu.memory_space<vmem>>
      %dma_start3A_282 = tpu.memref_squeeze %dma_start3A_281 : memref<1x80x128xf32, #tpu.memory_space<vmem>> -> memref<80x128xf32, #tpu.memory_space<vmem>>
      %dma_start3A_283 = arith.constant 0 : i32
      %dma_start3A_284 = tpu.memref_slice %arg7[%run_scoped3A_84, %dma_start3A_283] : memref<125x80xi32, #tpu.memory_space<vmem>> -> memref<1x80xi32, #tpu.memory_space<vmem>>
      %dma_start3A_285 = tpu.memref_squeeze %dma_start3A_284 : memref<1x80xi32, #tpu.memory_space<vmem>> -> memref<80xi32, #tpu.memory_space<vmem>>
      %dma_start3A_286 = arith.constant 0 : i32
      %dma_start3A_287 = arith.constant 0 : i32
      %dma_start3A_288 = tpu.memref_slice %arg10[%dma_start3A_286, %dma_start3A_287] : memref<5184x128xf32, #tpu.memory_space<vmem_shared>> -> memref<5184x128xf32, #tpu.memory_space<vmem_shared>>
      tpu.enqueue_indirect_dma source(%dma_start3A_282 : memref<80x128xf32, #tpu.memory_space<vmem>>) target(%dma_start3A_288 : memref<5184x128xf32, #tpu.memory_space<vmem_shared>>) offsets(%dma_start3A_285 : memref<80xi32, #tpu.memory_space<vmem>>) semaphore(%run_scoped3A_278 : memref<!tpu.dma_semaphore, #tpu.memory_space<semaphore_mem>>) {add = true}
      %dma_wait3A_289 = arith.constant 0 : i32
      %dma_wait3A_290 = arith.constant 0 : i32
      %dma_wait3A_291 = tpu.memref_slice %arg8[%run_scoped3A, %dma_wait3A_289, %dma_wait3A_290] : memref<2x80x128xf32, #tpu.memory_space<vmem>> -> memref<1x80x128xf32, #tpu.memory_space<vmem>>
      %dma_wait3A_292 = tpu.memref_squeeze %dma_wait3A_291 : memref<1x80x128xf32, #tpu.memory_space<vmem>> -> memref<80x128xf32, #tpu.memory_space<vmem>>
      %dma_wait3A_293 = arith.constant 0 : i32
      %dma_wait3A_294 = tpu.memref_slice %arg7[%run_scoped3A_84, %dma_wait3A_293] : memref<125x80xi32, #tpu.memory_space<vmem>> -> memref<1x80xi32, #tpu.memory_space<vmem>>
      %dma_wait3A_295 = tpu.memref_squeeze %dma_wait3A_294 : memref<1x80xi32, #tpu.memory_space<vmem>> -> memref<80xi32, #tpu.memory_space<vmem>>
      %dma_wait3A_296 = arith.constant 0 : i32
      %dma_wait3A_297 = arith.constant 0 : i32
      %dma_wait3A_298 = tpu.memref_slice %arg10[%dma_wait3A_296, %dma_wait3A_297] : memref<5184x128xf32, #tpu.memory_space<vmem_shared>> -> memref<5184x128xf32, #tpu.memory_space<vmem_shared>>
      tpu.wait_indirect_dma semaphore(%run_scoped3A_278 : memref<!tpu.dma_semaphore, #tpu.memory_space<semaphore_mem>>) src(%dma_wait3A_292 : memref<80x128xf32, #tpu.memory_space<vmem>>) dst(%dma_wait3A_298 : memref<5184x128xf32, #tpu.memory_space<vmem_shared>>)
      tpu.yield
    }) : () -> ()
    %barrier3A_85 = arith.constant 0 : index
    tpu.barrier barrier_id(%barrier3A_85)
    %mul3A_86 = arith.constant 320 : i32
    %mul3A_87 = arith.muli %arg1, %mul3A_86 : i32
    %add3A_88 = arith.constant 0 : i32
    %add3A_89 = arith.addi %add3A_88, %mul3A_87 : i32
    %add3A_90 = arith.constant 0 : i32
    %add3A_91 = arith.addi %add3A_89, %add3A_90 : i32
    %multiple_of3A_92 = tpu.assume_multiple %add3A_91, 8 : i32
    %mul3A_93 = arith.constant 320 : i32
    %mul3A_94 = arith.muli %arg1, %mul3A_93 : i32
    %add3A_95 = arith.constant 0 : i32
    %add3A_96 = arith.addi %mul3A_94, %add3A_95 : i32
    %multiple_of3A_97 = tpu.assume_multiple %add3A_96, 8 : i32
    "tpu.region"() ({
      %run_scoped3A_278 = tpu.sem_alloc : memref<!tpu.dma_semaphore, #tpu.memory_space<semaphore_mem>>
      %dma_start3A_279 = arith.constant 0 : i32
      %dma_start3A_280 = tpu.memref_slice %arg10[%multiple_of3A_97, %dma_start3A_279] : memref<5184x128xf32, #tpu.memory_space<vmem_shared>> -> memref<80x128xf32, #tpu.memory_space<vmem_shared>>
      %dma_start3A_281 = arith.constant 0 : i32
      %dma_start3A_282 = tpu.memref_slice %arg10[%multiple_of3A_97, %dma_start3A_281] : memref<5184x128xf32, #tpu.memory_space<vmem_shared>> -> memref<80x128xf32, #tpu.memory_space<vmem_shared>>
      tpu.enqueue_dma source(%dma_start3A_282 : memref<80x128xf32, #tpu.memory_space<vmem_shared>>) target(%arg9 : memref<80x128xf32, #tpu.memory_space<vmem>>) target_semaphore(%run_scoped3A_278 : memref<!tpu.dma_semaphore, #tpu.memory_space<semaphore_mem>>)
      %dma_wait3A_283 = arith.constant 0 : i32
      %dma_wait3A_284 = tpu.memref_slice %arg10[%multiple_of3A_97, %dma_wait3A_283] : memref<5184x128xf32, #tpu.memory_space<vmem_shared>> -> memref<80x128xf32, #tpu.memory_space<vmem_shared>>
      %dma_wait3A_285 = arith.constant 0 : i32
      %dma_wait3A_286 = tpu.memref_slice %arg10[%multiple_of3A_97, %dma_wait3A_285] : memref<5184x128xf32, #tpu.memory_space<vmem_shared>> -> memref<80x128xf32, #tpu.memory_space<vmem_shared>>
      tpu.wait_dma2 semaphore(%run_scoped3A_278 : memref<!tpu.dma_semaphore, #tpu.memory_space<semaphore_mem>>) src(%dma_wait3A_286 : memref<80x128xf32, #tpu.memory_space<vmem_shared>>) dst(%arg9 : memref<80x128xf32, #tpu.memory_space<vmem>>)
      tpu.yield
    }) : () -> ()
    "tpu.region"() ({
      %run_scoped3A_278 = tpu.sem_alloc : memref<!tpu.dma_semaphore, #tpu.memory_space<semaphore_mem>>
      %dma_start3A_279 = arith.constant 0 : i32
      %dma_start3A_280 = arith.constant 0 : i32
      %dma_start3A_281 = tpu.memref_slice %arg5[%arg0, %dma_start3A_279, %dma_start3A_280] : memref<2x10240x128xf32, #tpu.memory_space<hbm>> -> memref<1x10240x128xf32, #tpu.memory_space<hbm>>
      %dma_start3A_282 = tpu.memref_squeeze %dma_start3A_281 : memref<1x10240x128xf32, #tpu.memory_space<hbm>> -> memref<10240x128xf32, #tpu.memory_space<hbm>>
      %dma_start3A_283 = arith.constant 0 : i32
      %dma_start3A_284 = tpu.memref_slice %dma_start3A_282[%multiple_of3A_92, %dma_start3A_283] : memref<10240x128xf32, #tpu.memory_space<hbm>> -> memref<80x128xf32, #tpu.memory_space<hbm>>
      %dma_start3A_285 = arith.constant 0 : i32
      %dma_start3A_286 = arith.constant 0 : i32
      %dma_start3A_287 = tpu.memref_slice %arg5[%arg0, %dma_start3A_285, %dma_start3A_286] : memref<2x10240x128xf32, #tpu.memory_space<hbm>> -> memref<1x10240x128xf32, #tpu.memory_space<hbm>>
      %dma_start3A_288 = tpu.memref_squeeze %dma_start3A_287 : memref<1x10240x128xf32, #tpu.memory_space<hbm>> -> memref<10240x128xf32, #tpu.memory_space<hbm>>
      %dma_start3A_289 = arith.constant 0 : i32
      %dma_start3A_290 = tpu.memref_slice %dma_start3A_288[%multiple_of3A_92, %dma_start3A_289] : memref<10240x128xf32, #tpu.memory_space<hbm>> -> memref<80x128xf32, #tpu.memory_space<hbm>>
      tpu.enqueue_dma source(%arg9 : memref<80x128xf32, #tpu.memory_space<vmem>>) target(%dma_start3A_290 : memref<80x128xf32, #tpu.memory_space<hbm>>) target_semaphore(%run_scoped3A_278 : memref<!tpu.dma_semaphore, #tpu.memory_space<semaphore_mem>>)
      %dma_wait3A_291 = arith.constant 0 : i32
      %dma_wait3A_292 = arith.constant 0 : i32
      %dma_wait3A_293 = tpu.memref_slice %arg5[%arg0, %dma_wait3A_291, %dma_wait3A_292] : memref<2x10240x128xf32, #tpu.memory_space<hbm>> -> memref<1x10240x128xf32, #tpu.memory_space<hbm>>
      %dma_wait3A_294 = tpu.memref_squeeze %dma_wait3A_293 : memref<1x10240x128xf32, #tpu.memory_space<hbm>> -> memref<10240x128xf32, #tpu.memory_space<hbm>>
      %dma_wait3A_295 = arith.constant 0 : i32
      %dma_wait3A_296 = tpu.memref_slice %dma_wait3A_294[%multiple_of3A_92, %dma_wait3A_295] : memref<10240x128xf32, #tpu.memory_space<hbm>> -> memref<80x128xf32, #tpu.memory_space<hbm>>
      %dma_wait3A_297 = arith.constant 0 : i32
      %dma_wait3A_298 = arith.constant 0 : i32
      %dma_wait3A_299 = tpu.memref_slice %arg5[%arg0, %dma_wait3A_297, %dma_wait3A_298] : memref<2x10240x128xf32, #tpu.memory_space<hbm>> -> memref<1x10240x128xf32, #tpu.memory_space<hbm>>
      %dma_wait3A_300 = tpu.memref_squeeze %dma_wait3A_299 : memref<1x10240x128xf32, #tpu.memory_space<hbm>> -> memref<10240x128xf32, #tpu.memory_space<hbm>>
      %dma_wait3A_301 = arith.constant 0 : i32
      %dma_wait3A_302 = tpu.memref_slice %dma_wait3A_300[%multiple_of3A_92, %dma_wait3A_301] : memref<10240x128xf32, #tpu.memory_space<hbm>> -> memref<80x128xf32, #tpu.memory_space<hbm>>
      tpu.wait_dma2 semaphore(%run_scoped3A_278 : memref<!tpu.dma_semaphore, #tpu.memory_space<semaphore_mem>>) src(%arg9 : memref<80x128xf32, #tpu.memory_space<vmem>>) dst(%dma_wait3A_302 : memref<80x128xf32, #tpu.memory_space<hbm>>)
      tpu.yield
    }) : () -> ()
    %mul3A_98 = arith.constant 320 : i32
    %mul3A_99 = arith.muli %arg1, %mul3A_98 : i32
    %add3A_100 = arith.constant 0 : i32
    %add3A_101 = arith.addi %add3A_100, %mul3A_99 : i32
    %add3A_102 = arith.constant 80 : i32
    %add3A_103 = arith.addi %add3A_101, %add3A_102 : i32
    %multiple_of3A_104 = tpu.assume_multiple %add3A_103, 8 : i32
    %mul3A_105 = arith.constant 320 : i32
    %mul3A_106 = arith.muli %arg1, %mul3A_105 : i32
    %add3A_107 = arith.constant 80 : i32
    %add3A_108 = arith.addi %mul3A_106, %add3A_107 : i32
    %multiple_of3A_109 = tpu.assume_multiple %add3A_108, 8 : i32
    "tpu.region"() ({
      %run_scoped3A_278 = tpu.sem_alloc : memref<!tpu.dma_semaphore, #tpu.memory_space<semaphore_mem>>
      %dma_start3A_279 = arith.constant 0 : i32
      %dma_start3A_280 = tpu.memref_slice %arg10[%multiple_of3A_109, %dma_start3A_279] : memref<5184x128xf32, #tpu.memory_space<vmem_shared>> -> memref<80x128xf32, #tpu.memory_space<vmem_shared>>
      %dma_start3A_281 = arith.constant 0 : i32
      %dma_start3A_282 = tpu.memref_slice %arg10[%multiple_of3A_109, %dma_start3A_281] : memref<5184x128xf32, #tpu.memory_space<vmem_shared>> -> memref<80x128xf32, #tpu.memory_space<vmem_shared>>
      tpu.enqueue_dma source(%dma_start3A_282 : memref<80x128xf32, #tpu.memory_space<vmem_shared>>) target(%arg9 : memref<80x128xf32, #tpu.memory_space<vmem>>) target_semaphore(%run_scoped3A_278 : memref<!tpu.dma_semaphore, #tpu.memory_space<semaphore_mem>>)
      %dma_wait3A_283 = arith.constant 0 : i32
      %dma_wait3A_284 = tpu.memref_slice %arg10[%multiple_of3A_109, %dma_wait3A_283] : memref<5184x128xf32, #tpu.memory_space<vmem_shared>> -> memref<80x128xf32, #tpu.memory_space<vmem_shared>>
      %dma_wait3A_285 = arith.constant 0 : i32
      %dma_wait3A_286 = tpu.memref_slice %arg10[%multiple_of3A_109, %dma_wait3A_285] : memref<5184x128xf32, #tpu.memory_space<vmem_shared>> -> memref<80x128xf32, #tpu.memory_space<vmem_shared>>
      tpu.wait_dma2 semaphore(%run_scoped3A_278 : memref<!tpu.dma_semaphore, #tpu.memory_space<semaphore_mem>>) src(%dma_wait3A_286 : memref<80x128xf32, #tpu.memory_space<vmem_shared>>) dst(%arg9 : memref<80x128xf32, #tpu.memory_space<vmem>>)
      tpu.yield
    }) : () -> ()
    "tpu.region"() ({
      %run_scoped3A_278 = tpu.sem_alloc : memref<!tpu.dma_semaphore, #tpu.memory_space<semaphore_mem>>
      %dma_start3A_279 = arith.constant 0 : i32
      %dma_start3A_280 = arith.constant 0 : i32
      %dma_start3A_281 = tpu.memref_slice %arg5[%arg0, %dma_start3A_279, %dma_start3A_280] : memref<2x10240x128xf32, #tpu.memory_space<hbm>> -> memref<1x10240x128xf32, #tpu.memory_space<hbm>>
      %dma_start3A_282 = tpu.memref_squeeze %dma_start3A_281 : memref<1x10240x128xf32, #tpu.memory_space<hbm>> -> memref<10240x128xf32, #tpu.memory_space<hbm>>
      %dma_start3A_283 = arith.constant 0 : i32
      %dma_start3A_284 = tpu.memref_slice %dma_start3A_282[%multiple_of3A_104, %dma_start3A_283] : memref<10240x128xf32, #tpu.memory_space<hbm>> -> memref<80x128xf32, #tpu.memory_space<hbm>>
      %dma_start3A_285 = arith.constant 0 : i32
      %dma_start3A_286 = arith.constant 0 : i32
      %dma_start3A_287 = tpu.memref_slice %arg5[%arg0, %dma_start3A_285, %dma_start3A_286] : memref<2x10240x128xf32, #tpu.memory_space<hbm>> -> memref<1x10240x128xf32, #tpu.memory_space<hbm>>
      %dma_start3A_288 = tpu.memref_squeeze %dma_start3A_287 : memref<1x10240x128xf32, #tpu.memory_space<hbm>> -> memref<10240x128xf32, #tpu.memory_space<hbm>>
      %dma_start3A_289 = arith.constant 0 : i32
      %dma_start3A_290 = tpu.memref_slice %dma_start3A_288[%multiple_of3A_104, %dma_start3A_289] : memref<10240x128xf32, #tpu.memory_space<hbm>> -> memref<80x128xf32, #tpu.memory_space<hbm>>
      tpu.enqueue_dma source(%arg9 : memref<80x128xf32, #tpu.memory_space<vmem>>) target(%dma_start3A_290 : memref<80x128xf32, #tpu.memory_space<hbm>>) target_semaphore(%run_scoped3A_278 : memref<!tpu.dma_semaphore, #tpu.memory_space<semaphore_mem>>)
      %dma_wait3A_291 = arith.constant 0 : i32
      %dma_wait3A_292 = arith.constant 0 : i32
      %dma_wait3A_293 = tpu.memref_slice %arg5[%arg0, %dma_wait3A_291, %dma_wait3A_292] : memref<2x10240x128xf32, #tpu.memory_space<hbm>> -> memref<1x10240x128xf32, #tpu.memory_space<hbm>>
      %dma_wait3A_294 = tpu.memref_squeeze %dma_wait3A_293 : memref<1x10240x128xf32, #tpu.memory_space<hbm>> -> memref<10240x128xf32, #tpu.memory_space<hbm>>
      %dma_wait3A_295 = arith.constant 0 : i32
      %dma_wait3A_296 = tpu.memref_slice %dma_wait3A_294[%multiple_of3A_104, %dma_wait3A_295] : memref<10240x128xf32, #tpu.memory_space<hbm>> -> memref<80x128xf32, #tpu.memory_space<hbm>>
      %dma_wait3A_297 = arith.constant 0 : i32
      %dma_wait3A_298 = arith.constant 0 : i32
      %dma_wait3A_299 = tpu.memref_slice %arg5[%arg0, %dma_wait3A_297, %dma_wait3A_298] : memref<2x10240x128xf32, #tpu.memory_space<hbm>> -> memref<1x10240x128xf32, #tpu.memory_space<hbm>>
      %dma_wait3A_300 = tpu.memref_squeeze %dma_wait3A_299 : memref<1x10240x128xf32, #tpu.memory_space<hbm>> -> memref<10240x128xf32, #tpu.memory_space<hbm>>
      %dma_wait3A_301 = arith.constant 0 : i32
      %dma_wait3A_302 = tpu.memref_slice %dma_wait3A_300[%multiple_of3A_104, %dma_wait3A_301] : memref<10240x128xf32, #tpu.memory_space<hbm>> -> memref<80x128xf32, #tpu.memory_space<hbm>>
      tpu.wait_dma2 semaphore(%run_scoped3A_278 : memref<!tpu.dma_semaphore, #tpu.memory_space<semaphore_mem>>) src(%arg9 : memref<80x128xf32, #tpu.memory_space<vmem>>) dst(%dma_wait3A_302 : memref<80x128xf32, #tpu.memory_space<hbm>>)
      tpu.yield
    }) : () -> ()
    %mul3A_110 = arith.constant 320 : i32
    %mul3A_111 = arith.muli %arg1, %mul3A_110 : i32
    %add3A_112 = arith.constant 0 : i32
    %add3A_113 = arith.addi %add3A_112, %mul3A_111 : i32
    %add3A_114 = arith.constant 160 : i32
    %add3A_115 = arith.addi %add3A_113, %add3A_114 : i32
    %multiple_of3A_116 = tpu.assume_multiple %add3A_115, 8 : i32
    %mul3A_117 = arith.constant 320 : i32
    %mul3A_118 = arith.muli %arg1, %mul3A_117 : i32
    %add3A_119 = arith.constant 160 : i32
    %add3A_120 = arith.addi %mul3A_118, %add3A_119 : i32
    %multiple_of3A_121 = tpu.assume_multiple %add3A_120, 8 : i32
    "tpu.region"() ({
      %run_scoped3A_278 = tpu.sem_alloc : memref<!tpu.dma_semaphore, #tpu.memory_space<semaphore_mem>>
      %dma_start3A_279 = arith.constant 0 : i32
      %dma_start3A_280 = tpu.memref_slice %arg10[%multiple_of3A_121, %dma_start3A_279] : memref<5184x128xf32, #tpu.memory_space<vmem_shared>> -> memref<80x128xf32, #tpu.memory_space<vmem_shared>>
      %dma_start3A_281 = arith.constant 0 : i32
      %dma_start3A_282 = tpu.memref_slice %arg10[%multiple_of3A_121, %dma_start3A_281] : memref<5184x128xf32, #tpu.memory_space<vmem_shared>> -> memref<80x128xf32, #tpu.memory_space<vmem_shared>>
      tpu.enqueue_dma source(%dma_start3A_282 : memref<80x128xf32, #tpu.memory_space<vmem_shared>>) target(%arg9 : memref<80x128xf32, #tpu.memory_space<vmem>>) target_semaphore(%run_scoped3A_278 : memref<!tpu.dma_semaphore, #tpu.memory_space<semaphore_mem>>)
      %dma_wait3A_283 = arith.constant 0 : i32
      %dma_wait3A_284 = tpu.memref_slice %arg10[%multiple_of3A_121, %dma_wait3A_283] : memref<5184x128xf32, #tpu.memory_space<vmem_shared>> -> memref<80x128xf32, #tpu.memory_space<vmem_shared>>
      %dma_wait3A_285 = arith.constant 0 : i32
      %dma_wait3A_286 = tpu.memref_slice %arg10[%multiple_of3A_121, %dma_wait3A_285] : memref<5184x128xf32, #tpu.memory_space<vmem_shared>> -> memref<80x128xf32, #tpu.memory_space<vmem_shared>>
      tpu.wait_dma2 semaphore(%run_scoped3A_278 : memref<!tpu.dma_semaphore, #tpu.memory_space<semaphore_mem>>) src(%dma_wait3A_286 : memref<80x128xf32, #tpu.memory_space<vmem_shared>>) dst(%arg9 : memref<80x128xf32, #tpu.memory_space<vmem>>)
      tpu.yield
    }) : () -> ()
    "tpu.region"() ({
      %run_scoped3A_278 = tpu.sem_alloc : memref<!tpu.dma_semaphore, #tpu.memory_space<semaphore_mem>>
      %dma_start3A_279 = arith.constant 0 : i32
      %dma_start3A_280 = arith.constant 0 : i32
      %dma_start3A_281 = tpu.memref_slice %arg5[%arg0, %dma_start3A_279, %dma_start3A_280] : memref<2x10240x128xf32, #tpu.memory_space<hbm>> -> memref<1x10240x128xf32, #tpu.memory_space<hbm>>
      %dma_start3A_282 = tpu.memref_squeeze %dma_start3A_281 : memref<1x10240x128xf32, #tpu.memory_space<hbm>> -> memref<10240x128xf32, #tpu.memory_space<hbm>>
      %dma_start3A_283 = arith.constant 0 : i32
      %dma_start3A_284 = tpu.memref_slice %dma_start3A_282[%multiple_of3A_116, %dma_start3A_283] : memref<10240x128xf32, #tpu.memory_space<hbm>> -> memref<80x128xf32, #tpu.memory_space<hbm>>
      %dma_start3A_285 = arith.constant 0 : i32
      %dma_start3A_286 = arith.constant 0 : i32
      %dma_start3A_287 = tpu.memref_slice %arg5[%arg0, %dma_start3A_285, %dma_start3A_286] : memref<2x10240x128xf32, #tpu.memory_space<hbm>> -> memref<1x10240x128xf32, #tpu.memory_space<hbm>>
      %dma_start3A_288 = tpu.memref_squeeze %dma_start3A_287 : memref<1x10240x128xf32, #tpu.memory_space<hbm>> -> memref<10240x128xf32, #tpu.memory_space<hbm>>
      %dma_start3A_289 = arith.constant 0 : i32
      %dma_start3A_290 = tpu.memref_slice %dma_start3A_288[%multiple_of3A_116, %dma_start3A_289] : memref<10240x128xf32, #tpu.memory_space<hbm>> -> memref<80x128xf32, #tpu.memory_space<hbm>>
      tpu.enqueue_dma source(%arg9 : memref<80x128xf32, #tpu.memory_space<vmem>>) target(%dma_start3A_290 : memref<80x128xf32, #tpu.memory_space<hbm>>) target_semaphore(%run_scoped3A_278 : memref<!tpu.dma_semaphore, #tpu.memory_space<semaphore_mem>>)
      %dma_wait3A_291 = arith.constant 0 : i32
      %dma_wait3A_292 = arith.constant 0 : i32
      %dma_wait3A_293 = tpu.memref_slice %arg5[%arg0, %dma_wait3A_291, %dma_wait3A_292] : memref<2x10240x128xf32, #tpu.memory_space<hbm>> -> memref<1x10240x128xf32, #tpu.memory_space<hbm>>
      %dma_wait3A_294 = tpu.memref_squeeze %dma_wait3A_293 : memref<1x10240x128xf32, #tpu.memory_space<hbm>> -> memref<10240x128xf32, #tpu.memory_space<hbm>>
      %dma_wait3A_295 = arith.constant 0 : i32
      %dma_wait3A_296 = tpu.memref_slice %dma_wait3A_294[%multiple_of3A_116, %dma_wait3A_295] : memref<10240x128xf32, #tpu.memory_space<hbm>> -> memref<80x128xf32, #tpu.memory_space<hbm>>
      %dma_wait3A_297 = arith.constant 0 : i32
      %dma_wait3A_298 = arith.constant 0 : i32
      %dma_wait3A_299 = tpu.memref_slice %arg5[%arg0, %dma_wait3A_297, %dma_wait3A_298] : memref<2x10240x128xf32, #tpu.memory_space<hbm>> -> memref<1x10240x128xf32, #tpu.memory_space<hbm>>
      %dma_wait3A_300 = tpu.memref_squeeze %dma_wait3A_299 : memref<1x10240x128xf32, #tpu.memory_space<hbm>> -> memref<10240x128xf32, #tpu.memory_space<hbm>>
      %dma_wait3A_301 = arith.constant 0 : i32
      %dma_wait3A_302 = tpu.memref_slice %dma_wait3A_300[%multiple_of3A_116, %dma_wait3A_301] : memref<10240x128xf32, #tpu.memory_space<hbm>> -> memref<80x128xf32, #tpu.memory_space<hbm>>
      tpu.wait_dma2 semaphore(%run_scoped3A_278 : memref<!tpu.dma_semaphore, #tpu.memory_space<semaphore_mem>>) src(%arg9 : memref<80x128xf32, #tpu.memory_space<vmem>>) dst(%dma_wait3A_302 : memref<80x128xf32, #tpu.memory_space<hbm>>)
      tpu.yield
    }) : () -> ()
    %mul3A_122 = arith.constant 320 : i32
    %mul3A_123 = arith.muli %arg1, %mul3A_122 : i32
    %add3A_124 = arith.constant 0 : i32
    %add3A_125 = arith.addi %add3A_124, %mul3A_123 : i32
    %add3A_126 = arith.constant 240 : i32
    %add3A_127 = arith.addi %add3A_125, %add3A_126 : i32
    %multiple_of3A_128 = tpu.assume_multiple %add3A_127, 8 : i32
    %mul3A_129 = arith.constant 320 : i32
    %mul3A_130 = arith.muli %arg1, %mul3A_129 : i32
    %add3A_131 = arith.constant 240 : i32
    %add3A_132 = arith.addi %mul3A_130, %add3A_131 : i32
    %multiple_of3A_133 = tpu.assume_multiple %add3A_132, 8 : i32
    "tpu.region"() ({
      %run_scoped3A_278 = tpu.sem_alloc : memref<!tpu.dma_semaphore, #tpu.memory_space<semaphore_mem>>
      %dma_start3A_279 = arith.constant 0 : i32
      %dma_start3A_280 = tpu.memref_slice %arg10[%multiple_of3A_133, %dma_start3A_279] : memref<5184x128xf32, #tpu.memory_space<vmem_shared>> -> memref<80x128xf32, #tpu.memory_space<vmem_shared>>
      %dma_start3A_281 = arith.constant 0 : i32
      %dma_start3A_282 = tpu.memref_slice %arg10[%multiple_of3A_133, %dma_start3A_281] : memref<5184x128xf32, #tpu.memory_space<vmem_shared>> -> memref<80x128xf32, #tpu.memory_space<vmem_shared>>
      tpu.enqueue_dma source(%dma_start3A_282 : memref<80x128xf32, #tpu.memory_space<vmem_shared>>) target(%arg9 : memref<80x128xf32, #tpu.memory_space<vmem>>) target_semaphore(%run_scoped3A_278 : memref<!tpu.dma_semaphore, #tpu.memory_space<semaphore_mem>>)
      %dma_wait3A_283 = arith.constant 0 : i32
      %dma_wait3A_284 = tpu.memref_slice %arg10[%multiple_of3A_133, %dma_wait3A_283] : memref<5184x128xf32, #tpu.memory_space<vmem_shared>> -> memref<80x128xf32, #tpu.memory_space<vmem_shared>>
      %dma_wait3A_285 = arith.constant 0 : i32
      %dma_wait3A_286 = tpu.memref_slice %arg10[%multiple_of3A_133, %dma_wait3A_285] : memref<5184x128xf32, #tpu.memory_space<vmem_shared>> -> memref<80x128xf32, #tpu.memory_space<vmem_shared>>
      tpu.wait_dma2 semaphore(%run_scoped3A_278 : memref<!tpu.dma_semaphore, #tpu.memory_space<semaphore_mem>>) src(%dma_wait3A_286 : memref<80x128xf32, #tpu.memory_space<vmem_shared>>) dst(%arg9 : memref<80x128xf32, #tpu.memory_space<vmem>>)
      tpu.yield
    }) : () -> ()
    "tpu.region"() ({
      %run_scoped3A_278 = tpu.sem_alloc : memref<!tpu.dma_semaphore, #tpu.memory_space<semaphore_mem>>
      %dma_start3A_279 = arith.constant 0 : i32
      %dma_start3A_280 = arith.constant 0 : i32
      %dma_start3A_281 = tpu.memref_slice %arg5[%arg0, %dma_start3A_279, %dma_start3A_280] : memref<2x10240x128xf32, #tpu.memory_space<hbm>> -> memref<1x10240x128xf32, #tpu.memory_space<hbm>>
      %dma_start3A_282 = tpu.memref_squeeze %dma_start3A_281 : memref<1x10240x128xf32, #tpu.memory_space<hbm>> -> memref<10240x128xf32, #tpu.memory_space<hbm>>
      %dma_start3A_283 = arith.constant 0 : i32
      %dma_start3A_284 = tpu.memref_slice %dma_start3A_282[%multiple_of3A_128, %dma_start3A_283] : memref<10240x128xf32, #tpu.memory_space<hbm>> -> memref<80x128xf32, #tpu.memory_space<hbm>>
      %dma_start3A_285 = arith.constant 0 : i32
      %dma_start3A_286 = arith.constant 0 : i32
      %dma_start3A_287 = tpu.memref_slice %arg5[%arg0, %dma_start3A_285, %dma_start3A_286] : memref<2x10240x128xf32, #tpu.memory_space<hbm>> -> memref<1x10240x128xf32, #tpu.memory_space<hbm>>
      %dma_start3A_288 = tpu.memref_squeeze %dma_start3A_287 : memref<1x10240x128xf32, #tpu.memory_space<hbm>> -> memref<10240x128xf32, #tpu.memory_space<hbm>>
      %dma_start3A_289 = arith.constant 0 : i32
      %dma_start3A_290 = tpu.memref_slice %dma_start3A_288[%multiple_of3A_128, %dma_start3A_289] : memref<10240x128xf32, #tpu.memory_space<hbm>> -> memref<80x128xf32, #tpu.memory_space<hbm>>
      tpu.enqueue_dma source(%arg9 : memref<80x128xf32, #tpu.memory_space<vmem>>) target(%dma_start3A_290 : memref<80x128xf32, #tpu.memory_space<hbm>>) target_semaphore(%run_scoped3A_278 : memref<!tpu.dma_semaphore, #tpu.memory_space<semaphore_mem>>)
      %dma_wait3A_291 = arith.constant 0 : i32
      %dma_wait3A_292 = arith.constant 0 : i32
      %dma_wait3A_293 = tpu.memref_slice %arg5[%arg0, %dma_wait3A_291, %dma_wait3A_292] : memref<2x10240x128xf32, #tpu.memory_space<hbm>> -> memref<1x10240x128xf32, #tpu.memory_space<hbm>>
      %dma_wait3A_294 = tpu.memref_squeeze %dma_wait3A_293 : memref<1x10240x128xf32, #tpu.memory_space<hbm>> -> memref<10240x128xf32, #tpu.memory_space<hbm>>
      %dma_wait3A_295 = arith.constant 0 : i32
      %dma_wait3A_296 = tpu.memref_slice %dma_wait3A_294[%multiple_of3A_128, %dma_wait3A_295] : memref<10240x128xf32, #tpu.memory_space<hbm>> -> memref<80x128xf32, #tpu.memory_space<hbm>>
      %dma_wait3A_297 = arith.constant 0 : i32
      %dma_wait3A_298 = arith.constant 0 : i32
      %dma_wait3A_299 = tpu.memref_slice %arg5[%arg0, %dma_wait3A_297, %dma_wait3A_298] : memref<2x10240x128xf32, #tpu.memory_space<hbm>> -> memref<1x10240x128xf32, #tpu.memory_space<hbm>>
      %dma_wait3A_300 = tpu.memref_squeeze %dma_wait3A_299 : memref<1x10240x128xf32, #tpu.memory_space<hbm>> -> memref<10240x128xf32, #tpu.memory_space<hbm>>
      %dma_wait3A_301 = arith.constant 0 : i32
      %dma_wait3A_302 = tpu.memref_slice %dma_wait3A_300[%multiple_of3A_128, %dma_wait3A_301] : memref<10240x128xf32, #tpu.memory_space<hbm>> -> memref<80x128xf32, #tpu.memory_space<hbm>>
      tpu.wait_dma2 semaphore(%run_scoped3A_278 : memref<!tpu.dma_semaphore, #tpu.memory_space<semaphore_mem>>) src(%arg9 : memref<80x128xf32, #tpu.memory_space<vmem>>) dst(%dma_wait3A_302 : memref<80x128xf32, #tpu.memory_space<hbm>>)
      tpu.yield
    }) : () -> ()
    %barrier3A_134 = arith.constant 0 : index
    tpu.barrier barrier_id(%barrier3A_134)
    "tpu.region"() ({
      %run_scoped3A_278 = tpu.sem_alloc : memref<!tpu.dma_semaphore, #tpu.memory_space<semaphore_mem>>
      %dma_start3A_279 = arith.constant 0 : i32
      %dma_start3A_280 = arith.constant 0 : i32
      %dma_start3A_281 = tpu.memref_slice %arg4[%arg1, %dma_start3A_279, %dma_start3A_280] : memref<16x125x80xi32, #tpu.memory_space<hbm>> -> memref<1x125x80xi32, #tpu.memory_space<hbm>>
      %dma_start3A_282 = tpu.memref_squeeze %dma_start3A_281 : memref<1x125x80xi32, #tpu.memory_space<hbm>> -> memref<125x80xi32, #tpu.memory_space<hbm>>
      %dma_start3A_283 = arith.constant 0 : i32
      %dma_start3A_284 = arith.constant 0 : i32
      %dma_start3A_285 = tpu.memref_slice %arg4[%arg1, %dma_start3A_283, %dma_start3A_284] : memref<16x125x80xi32, #tpu.memory_space<hbm>> -> memref<1x125x80xi32, #tpu.memory_space<hbm>>
      %dma_start3A_286 = tpu.memref_squeeze %dma_start3A_285 : memref<1x125x80xi32, #tpu.memory_space<hbm>> -> memref<125x80xi32, #tpu.memory_space<hbm>>
      tpu.enqueue_dma source(%dma_start3A_286 : memref<125x80xi32, #tpu.memory_space<hbm>>) target(%arg7 : memref<125x80xi32, #tpu.memory_space<vmem>>) target_semaphore(%run_scoped3A_278 : memref<!tpu.dma_semaphore, #tpu.memory_space<semaphore_mem>>)
      %dma_wait3A_287 = arith.constant 0 : i32
      %dma_wait3A_288 = arith.constant 0 : i32
      %dma_wait3A_289 = tpu.memref_slice %arg4[%arg1, %dma_wait3A_287, %dma_wait3A_288] : memref<16x125x80xi32, #tpu.memory_space<hbm>> -> memref<1x125x80xi32, #tpu.memory_space<hbm>>
      %dma_wait3A_290 = tpu.memref_squeeze %dma_wait3A_289 : memref<1x125x80xi32, #tpu.memory_space<hbm>> -> memref<125x80xi32, #tpu.memory_space<hbm>>
      %dma_wait3A_291 = arith.constant 0 : i32
      %dma_wait3A_292 = arith.constant 0 : i32
      %dma_wait3A_293 = tpu.memref_slice %arg4[%arg1, %dma_wait3A_291, %dma_wait3A_292] : memref<16x125x80xi32, #tpu.memory_space<hbm>> -> memref<1x125x80xi32, #tpu.memory_space<hbm>>
      %dma_wait3A_294 = tpu.memref_squeeze %dma_wait3A_293 : memref<1x125x80xi32, #tpu.memory_space<hbm>> -> memref<125x80xi32, #tpu.memory_space<hbm>>
      tpu.wait_dma2 semaphore(%run_scoped3A_278 : memref<!tpu.dma_semaphore, #tpu.memory_space<semaphore_mem>>) src(%dma_wait3A_294 : memref<125x80xi32, #tpu.memory_space<hbm>>) dst(%arg7 : memref<125x80xi32, #tpu.memory_space<vmem>>)
      tpu.yield
    }) : () -> ()
    %scan3A_135 = arith.constant 0 : i32
    %scan3A_136 = arith.constant 125 : i32
    %scan3A_137 = arith.addi %scan3A_135, %scan3A_136 : i32
    %scan3A_138 = arith.constant 1 : i32
    scf.for %scan3A_278 = %scan3A_135 to %scan3A_137 step %scan3A_138  : i32 {
      %get3A = arith.index_cast %scan3A_278 : i32 to index
      %get3A_279 = arith.constant 0 : index
      %get3A_280 = tpu.vector_load %arg7[%get3A, %get3A_279] {strides = array<i32>} : memref<125x80xi32, #tpu.memory_space<vmem>>, vector<1x16xi32>,
      %get3A_281 = vector.shape_cast %get3A_280 : vector<1x16xi32> to vector<16xi32>
      %sub3A = arith.constant 5120 : i32
      %sub3A_282 = vector.broadcast %sub3A : i32 to vector<16xi32>
      %sub3A_283 = arith.subi %get3A_281, %sub3A_282 : vector<16xi32>
      %ge3A = arith.constant 0 : i32
      %ge3A_284 = vector.broadcast %ge3A : i32 to vector<16xi32>
      %ge3A_285 = arith.cmpi sge, %sub3A_283, %ge3A_284 : vector<16xi32>
      %lt3A = arith.constant 5120 : i32
      %lt3A_286 = vector.broadcast %lt3A : i32 to vector<16xi32>
      %lt3A_287 = arith.cmpi slt, %sub3A_283, %lt3A_286 : vector<16xi32>
      %and3A = arith.andi %ge3A_285, %lt3A_287 : vector<16xi1>
      %and3A_288 = arith.constant 63 : i32
      %and3A_289 = vector.broadcast %and3A_288 : i32 to vector<16xi32>
      %and3A_290 = arith.andi %get3A_281, %and3A_289 : vector<16xi32>
      %add3A_291 = arith.constant 5120 : i32
      %add3A_292 = vector.broadcast %add3A_291 : i32 to vector<16xi32>
      %add3A_293 = arith.addi %add3A_292, %and3A_290 : vector<16xi32>
      %select_n3A = arith.select %and3A, %sub3A_283, %add3A_293 : vector<16xi1>, vector<16xi32>
      %swap3A = arith.index_cast %scan3A_278 : i32 to index
      %swap3A_294 = arith.constant 0 : index
      %swap3A_295 = tpu.vector_load %arg7[%swap3A, %swap3A_294] {strides = array<i32>} : memref<125x80xi32, #tpu.memory_space<vmem>>, vector<1x16xi32>,
      %swap3A_296 = vector.shape_cast %swap3A_295 : vector<1x16xi32> to vector<16xi32>
      %swap3A_297 = vector.shape_cast %select_n3A : vector<16xi32> to vector<1x16xi32>
      tpu.vector_store %arg7[%swap3A, %swap3A_294], %swap3A_297 {strides = array<i32>} : memref<125x80xi32, #tpu.memory_space<vmem>>, vector<1x16xi32>,
      %get3A_298 = arith.index_cast %scan3A_278 : i32 to index
      %get3A_299 = arith.constant 16 : index
      %get3A_300 = tpu.vector_load %arg7[%get3A_298, %get3A_299] {strides = array<i32>} : memref<125x80xi32, #tpu.memory_space<vmem>>, vector<1x16xi32>,
      %get3A_301 = vector.shape_cast %get3A_300 : vector<1x16xi32> to vector<16xi32>
      %sub3A_302 = arith.constant 5120 : i32
      %sub3A_303 = vector.broadcast %sub3A_302 : i32 to vector<16xi32>
      %sub3A_304 = arith.subi %get3A_301, %sub3A_303 : vector<16xi32>
      %ge3A_305 = arith.constant 0 : i32
      %ge3A_306 = vector.broadcast %ge3A_305 : i32 to vector<16xi32>
      %ge3A_307 = arith.cmpi sge, %sub3A_304, %ge3A_306 : vector<16xi32>
      %lt3A_308 = arith.constant 5120 : i32
      %lt3A_309 = vector.broadcast %lt3A_308 : i32 to vector<16xi32>
      %lt3A_310 = arith.cmpi slt, %sub3A_304, %lt3A_309 : vector<16xi32>
      %and3A_311 = arith.andi %ge3A_307, %lt3A_310 : vector<16xi1>
      %and3A_312 = arith.constant 63 : i32
      %and3A_313 = vector.broadcast %and3A_312 : i32 to vector<16xi32>
      %and3A_314 = arith.andi %get3A_301, %and3A_313 : vector<16xi32>
      %add3A_315 = arith.constant 5120 : i32
      %add3A_316 = vector.broadcast %add3A_315 : i32 to vector<16xi32>
      %add3A_317 = arith.addi %add3A_316, %and3A_314 : vector<16xi32>
      %select_n3A_318 = arith.select %and3A_311, %sub3A_304, %add3A_317 : vector<16xi1>, vector<16xi32>
      %swap3A_319 = arith.index_cast %scan3A_278 : i32 to index
      %swap3A_320 = arith.constant 16 : index
      %swap3A_321 = tpu.vector_load %arg7[%swap3A_319, %swap3A_320] {strides = array<i32>} : memref<125x80xi32, #tpu.memory_space<vmem>>, vector<1x16xi32>,
      %swap3A_322 = vector.shape_cast %swap3A_321 : vector<1x16xi32> to vector<16xi32>
      %swap3A_323 = vector.shape_cast %select_n3A_318 : vector<16xi32> to vector<1x16xi32>
      tpu.vector_store %arg7[%swap3A_319, %swap3A_320], %swap3A_323 {strides = array<i32>} : memref<125x80xi32, #tpu.memory_space<vmem>>, vector<1x16xi32>,
      %get3A_324 = arith.index_cast %scan3A_278 : i32 to index
      %get3A_325 = arith.constant 32 : index
      %get3A_326 = tpu.vector_load %arg7[%get3A_324, %get3A_325] {strides = array<i32>} : memref<125x80xi32, #tpu.memory_space<vmem>>, vector<1x16xi32>,
      %get3A_327 = vector.shape_cast %get3A_326 : vector<1x16xi32> to vector<16xi32>
      %sub3A_328 = arith.constant 5120 : i32
      %sub3A_329 = vector.broadcast %sub3A_328 : i32 to vector<16xi32>
      %sub3A_330 = arith.subi %get3A_327, %sub3A_329 : vector<16xi32>
      %ge3A_331 = arith.constant 0 : i32
      %ge3A_332 = vector.broadcast %ge3A_331 : i32 to vector<16xi32>
      %ge3A_333 = arith.cmpi sge, %sub3A_330, %ge3A_332 : vector<16xi32>
      %lt3A_334 = arith.constant 5120 : i32
      %lt3A_335 = vector.broadcast %lt3A_334 : i32 to vector<16xi32>
      %lt3A_336 = arith.cmpi slt, %sub3A_330, %lt3A_335 : vector<16xi32>
      %and3A_337 = arith.andi %ge3A_333, %lt3A_336 : vector<16xi1>
      %and3A_338 = arith.constant 63 : i32
      %and3A_339 = vector.broadcast %and3A_338 : i32 to vector<16xi32>
      %and3A_340 = arith.andi %get3A_327, %and3A_339 : vector<16xi32>
      %add3A_341 = arith.constant 5120 : i32
      %add3A_342 = vector.broadcast %add3A_341 : i32 to vector<16xi32>
      %add3A_343 = arith.addi %add3A_342, %and3A_340 : vector<16xi32>
      %select_n3A_344 = arith.select %and3A_337, %sub3A_330, %add3A_343 : vector<16xi1>, vector<16xi32>
      %swap3A_345 = arith.index_cast %scan3A_278 : i32 to index
      %swap3A_346 = arith.constant 32 : index
      %swap3A_347 = tpu.vector_load %arg7[%swap3A_345, %swap3A_346] {strides = array<i32>} : memref<125x80xi32, #tpu.memory_space<vmem>>, vector<1x16xi32>,
      %swap3A_348 = vector.shape_cast %swap3A_347 : vector<1x16xi32> to vector<16xi32>
      %swap3A_349 = vector.shape_cast %select_n3A_344 : vector<16xi32> to vector<1x16xi32>
      tpu.vector_store %arg7[%swap3A_345, %swap3A_346], %swap3A_349 {strides = array<i32>} : memref<125x80xi32, #tpu.memory_space<vmem>>, vector<1x16xi32>,
      %get3A_350 = arith.index_cast %scan3A_278 : i32 to index
      %get3A_351 = arith.constant 48 : index
      %get3A_352 = tpu.vector_load %arg7[%get3A_350, %get3A_351] {strides = array<i32>} : memref<125x80xi32, #tpu.memory_space<vmem>>, vector<1x16xi32>,
      %get3A_353 = vector.shape_cast %get3A_352 : vector<1x16xi32> to vector<16xi32>
      %sub3A_354 = arith.constant 5120 : i32
      %sub3A_355 = vector.broadcast %sub3A_354 : i32 to vector<16xi32>
      %sub3A_356 = arith.subi %get3A_353, %sub3A_355 : vector<16xi32>
      %ge3A_357 = arith.constant 0 : i32
      %ge3A_358 = vector.broadcast %ge3A_357 : i32 to vector<16xi32>
      %ge3A_359 = arith.cmpi sge, %sub3A_356, %ge3A_358 : vector<16xi32>
      %lt3A_360 = arith.constant 5120 : i32
      %lt3A_361 = vector.broadcast %lt3A_360 : i32 to vector<16xi32>
      %lt3A_362 = arith.cmpi slt, %sub3A_356, %lt3A_361 : vector<16xi32>
      %and3A_363 = arith.andi %ge3A_359, %lt3A_362 : vector<16xi1>
      %and3A_364 = arith.constant 63 : i32
      %and3A_365 = vector.broadcast %and3A_364 : i32 to vector<16xi32>
      %and3A_366 = arith.andi %get3A_353, %and3A_365 : vector<16xi32>
      %add3A_367 = arith.constant 5120 : i32
      %add3A_368 = vector.broadcast %add3A_367 : i32 to vector<16xi32>
      %add3A_369 = arith.addi %add3A_368, %and3A_366 : vector<16xi32>
      %select_n3A_370 = arith.select %and3A_363, %sub3A_356, %add3A_369 : vector<16xi1>, vector<16xi32>
      %swap3A_371 = arith.index_cast %scan3A_278 : i32 to index
      %swap3A_372 = arith.constant 48 : index
      %swap3A_373 = tpu.vector_load %arg7[%swap3A_371, %swap3A_372] {strides = array<i32>} : memref<125x80xi32, #tpu.memory_space<vmem>>, vector<1x16xi32>,
      %swap3A_374 = vector.shape_cast %swap3A_373 : vector<1x16xi32> to vector<16xi32>
      %swap3A_375 = vector.shape_cast %select_n3A_370 : vector<16xi32> to vector<1x16xi32>
      tpu.vector_store %arg7[%swap3A_371, %swap3A_372], %swap3A_375 {strides = array<i32>} : memref<125x80xi32, #tpu.memory_space<vmem>>, vector<1x16xi32>,
      %get3A_376 = arith.index_cast %scan3A_278 : i32 to index
      %get3A_377 = arith.constant 64 : index
      %get3A_378 = tpu.vector_load %arg7[%get3A_376, %get3A_377] {strides = array<i32>} : memref<125x80xi32, #tpu.memory_space<vmem>>, vector<1x16xi32>,
      %get3A_379 = vector.shape_cast %get3A_378 : vector<1x16xi32> to vector<16xi32>
      %sub3A_380 = arith.constant 5120 : i32
      %sub3A_381 = vector.broadcast %sub3A_380 : i32 to vector<16xi32>
      %sub3A_382 = arith.subi %get3A_379, %sub3A_381 : vector<16xi32>
      %ge3A_383 = arith.constant 0 : i32
      %ge3A_384 = vector.broadcast %ge3A_383 : i32 to vector<16xi32>
      %ge3A_385 = arith.cmpi sge, %sub3A_382, %ge3A_384 : vector<16xi32>
      %lt3A_386 = arith.constant 5120 : i32
      %lt3A_387 = vector.broadcast %lt3A_386 : i32 to vector<16xi32>
      %lt3A_388 = arith.cmpi slt, %sub3A_382, %lt3A_387 : vector<16xi32>
      %and3A_389 = arith.andi %ge3A_385, %lt3A_388 : vector<16xi1>
      %and3A_390 = arith.constant 63 : i32
      %and3A_391 = vector.broadcast %and3A_390 : i32 to vector<16xi32>
      %and3A_392 = arith.andi %get3A_379, %and3A_391 : vector<16xi32>
      %add3A_393 = arith.constant 5120 : i32
      %add3A_394 = vector.broadcast %add3A_393 : i32 to vector<16xi32>
      %add3A_395 = arith.addi %add3A_394, %and3A_392 : vector<16xi32>
      %select_n3A_396 = arith.select %and3A_389, %sub3A_382, %add3A_395 : vector<16xi1>, vector<16xi32>
      %swap3A_397 = arith.index_cast %scan3A_278 : i32 to index
      %swap3A_398 = arith.constant 64 : index
      %swap3A_399 = tpu.vector_load %arg7[%swap3A_397, %swap3A_398] {strides = array<i32>} : memref<125x80xi32, #tpu.memory_space<vmem>>, vector<1x16xi32>,
      %swap3A_400 = vector.shape_cast %swap3A_399 : vector<1x16xi32> to vector<16xi32>
      %swap3A_401 = vector.shape_cast %select_n3A_396 : vector<16xi32> to vector<1x16xi32>
      tpu.vector_store %arg7[%swap3A_397, %swap3A_398], %swap3A_401 {strides = array<i32>} : memref<125x80xi32, #tpu.memory_space<vmem>>, vector<1x16xi32>,
    }
    %scan3A_139 = arith.constant 125 : i32
    %mul3A_140 = arith.constant 320 : i32
    %mul3A_141 = arith.muli %arg1, %mul3A_140 : i32
    %add3A_142 = arith.constant 5120 : i32
    %add3A_143 = arith.addi %add3A_142, %mul3A_141 : i32
    %add3A_144 = arith.constant 0 : i32
    %add3A_145 = arith.addi %add3A_143, %add3A_144 : i32
    %multiple_of3A_146 = tpu.assume_multiple %add3A_145, 8 : i32
    %mul3A_147 = arith.constant 320 : i32
    %mul3A_148 = arith.muli %arg1, %mul3A_147 : i32
    %add3A_149 = arith.constant 0 : i32
    %add3A_150 = arith.addi %mul3A_148, %add3A_149 : i32
    %multiple_of3A_151 = tpu.assume_multiple %add3A_150, 8 : i32
    "tpu.region"() ({
      %run_scoped3A_278 = tpu.sem_alloc : memref<!tpu.dma_semaphore, #tpu.memory_space<semaphore_mem>>
      %dma_start3A_279 = arith.constant 0 : i32
      %dma_start3A_280 = arith.constant 0 : i32
      %dma_start3A_281 = tpu.memref_slice %arg2[%arg0, %dma_start3A_279, %dma_start3A_280] : memref<2x10240x128xf32, #tpu.memory_space<hbm>> -> memref<1x10240x128xf32, #tpu.memory_space<hbm>>
      %dma_start3A_282 = tpu.memref_squeeze %dma_start3A_281 : memref<1x10240x128xf32, #tpu.memory_space<hbm>> -> memref<10240x128xf32, #tpu.memory_space<hbm>>
      %dma_start3A_283 = arith.constant 0 : i32
      %dma_start3A_284 = tpu.memref_slice %dma_start3A_282[%multiple_of3A_146, %dma_start3A_283] : memref<10240x128xf32, #tpu.memory_space<hbm>> -> memref<80x128xf32, #tpu.memory_space<hbm>>
      %dma_start3A_285 = arith.constant 0 : i32
      %dma_start3A_286 = arith.constant 0 : i32
      %dma_start3A_287 = tpu.memref_slice %arg2[%arg0, %dma_start3A_285, %dma_start3A_286] : memref<2x10240x128xf32, #tpu.memory_space<hbm>> -> memref<1x10240x128xf32, #tpu.memory_space<hbm>>
      %dma_start3A_288 = tpu.memref_squeeze %dma_start3A_287 : memref<1x10240x128xf32, #tpu.memory_space<hbm>> -> memref<10240x128xf32, #tpu.memory_space<hbm>>
      %dma_start3A_289 = arith.constant 0 : i32
      %dma_start3A_290 = tpu.memref_slice %dma_start3A_288[%multiple_of3A_146, %dma_start3A_289] : memref<10240x128xf32, #tpu.memory_space<hbm>> -> memref<80x128xf32, #tpu.memory_space<hbm>>
      tpu.enqueue_dma source(%dma_start3A_290 : memref<80x128xf32, #tpu.memory_space<hbm>>) target(%arg9 : memref<80x128xf32, #tpu.memory_space<vmem>>) target_semaphore(%run_scoped3A_278 : memref<!tpu.dma_semaphore, #tpu.memory_space<semaphore_mem>>)
      %dma_wait3A_291 = arith.constant 0 : i32
      %dma_wait3A_292 = arith.constant 0 : i32
      %dma_wait3A_293 = tpu.memref_slice %arg2[%arg0, %dma_wait3A_291, %dma_wait3A_292] : memref<2x10240x128xf32, #tpu.memory_space<hbm>> -> memref<1x10240x128xf32, #tpu.memory_space<hbm>>
      %dma_wait3A_294 = tpu.memref_squeeze %dma_wait3A_293 : memref<1x10240x128xf32, #tpu.memory_space<hbm>> -> memref<10240x128xf32, #tpu.memory_space<hbm>>
      %dma_wait3A_295 = arith.constant 0 : i32
      %dma_wait3A_296 = tpu.memref_slice %dma_wait3A_294[%multiple_of3A_146, %dma_wait3A_295] : memref<10240x128xf32, #tpu.memory_space<hbm>> -> memref<80x128xf32, #tpu.memory_space<hbm>>
      %dma_wait3A_297 = arith.constant 0 : i32
      %dma_wait3A_298 = arith.constant 0 : i32
      %dma_wait3A_299 = tpu.memref_slice %arg2[%arg0, %dma_wait3A_297, %dma_wait3A_298] : memref<2x10240x128xf32, #tpu.memory_space<hbm>> -> memref<1x10240x128xf32, #tpu.memory_space<hbm>>
      %dma_wait3A_300 = tpu.memref_squeeze %dma_wait3A_299 : memref<1x10240x128xf32, #tpu.memory_space<hbm>> -> memref<10240x128xf32, #tpu.memory_space<hbm>>
      %dma_wait3A_301 = arith.constant 0 : i32
      %dma_wait3A_302 = tpu.memref_slice %dma_wait3A_300[%multiple_of3A_146, %dma_wait3A_301] : memref<10240x128xf32, #tpu.memory_space<hbm>> -> memref<80x128xf32, #tpu.memory_space<hbm>>
      tpu.wait_dma2 semaphore(%run_scoped3A_278 : memref<!tpu.dma_semaphore, #tpu.memory_space<semaphore_mem>>) src(%dma_wait3A_302 : memref<80x128xf32, #tpu.memory_space<hbm>>) dst(%arg9 : memref<80x128xf32, #tpu.memory_space<vmem>>)
      tpu.yield
    }) : () -> ()
    "tpu.region"() ({
      %run_scoped3A_278 = tpu.sem_alloc : memref<!tpu.dma_semaphore, #tpu.memory_space<semaphore_mem>>
      %dma_start3A_279 = arith.constant 0 : i32
      %dma_start3A_280 = tpu.memref_slice %arg10[%multiple_of3A_151, %dma_start3A_279] : memref<5184x128xf32, #tpu.memory_space<vmem_shared>> -> memref<80x128xf32, #tpu.memory_space<vmem_shared>>
      %dma_start3A_281 = arith.constant 0 : i32
      %dma_start3A_282 = tpu.memref_slice %arg10[%multiple_of3A_151, %dma_start3A_281] : memref<5184x128xf32, #tpu.memory_space<vmem_shared>> -> memref<80x128xf32, #tpu.memory_space<vmem_shared>>
      tpu.enqueue_dma source(%arg9 : memref<80x128xf32, #tpu.memory_space<vmem>>) target(%dma_start3A_282 : memref<80x128xf32, #tpu.memory_space<vmem_shared>>) target_semaphore(%run_scoped3A_278 : memref<!tpu.dma_semaphore, #tpu.memory_space<semaphore_mem>>)
      %dma_wait3A_283 = arith.constant 0 : i32
      %dma_wait3A_284 = tpu.memref_slice %arg10[%multiple_of3A_151, %dma_wait3A_283] : memref<5184x128xf32, #tpu.memory_space<vmem_shared>> -> memref<80x128xf32, #tpu.memory_space<vmem_shared>>
      %dma_wait3A_285 = arith.constant 0 : i32
      %dma_wait3A_286 = tpu.memref_slice %arg10[%multiple_of3A_151, %dma_wait3A_285] : memref<5184x128xf32, #tpu.memory_space<vmem_shared>> -> memref<80x128xf32, #tpu.memory_space<vmem_shared>>
      tpu.wait_dma2 semaphore(%run_scoped3A_278 : memref<!tpu.dma_semaphore, #tpu.memory_space<semaphore_mem>>) src(%arg9 : memref<80x128xf32, #tpu.memory_space<vmem>>) dst(%dma_wait3A_286 : memref<80x128xf32, #tpu.memory_space<vmem_shared>>)
      tpu.yield
    }) : () -> ()
    %mul3A_152 = arith.constant 320 : i32
    %mul3A_153 = arith.muli %arg1, %mul3A_152 : i32
    %add3A_154 = arith.constant 5120 : i32
    %add3A_155 = arith.addi %add3A_154, %mul3A_153 : i32
    %add3A_156 = arith.constant 80 : i32
    %add3A_157 = arith.addi %add3A_155, %add3A_156 : i32
    %multiple_of3A_158 = tpu.assume_multiple %add3A_157, 8 : i32
    %mul3A_159 = arith.constant 320 : i32
    %mul3A_160 = arith.muli %arg1, %mul3A_159 : i32
    %add3A_161 = arith.constant 80 : i32
    %add3A_162 = arith.addi %mul3A_160, %add3A_161 : i32
    %multiple_of3A_163 = tpu.assume_multiple %add3A_162, 8 : i32
    "tpu.region"() ({
      %run_scoped3A_278 = tpu.sem_alloc : memref<!tpu.dma_semaphore, #tpu.memory_space<semaphore_mem>>
      %dma_start3A_279 = arith.constant 0 : i32
      %dma_start3A_280 = arith.constant 0 : i32
      %dma_start3A_281 = tpu.memref_slice %arg2[%arg0, %dma_start3A_279, %dma_start3A_280] : memref<2x10240x128xf32, #tpu.memory_space<hbm>> -> memref<1x10240x128xf32, #tpu.memory_space<hbm>>
      %dma_start3A_282 = tpu.memref_squeeze %dma_start3A_281 : memref<1x10240x128xf32, #tpu.memory_space<hbm>> -> memref<10240x128xf32, #tpu.memory_space<hbm>>
      %dma_start3A_283 = arith.constant 0 : i32
      %dma_start3A_284 = tpu.memref_slice %dma_start3A_282[%multiple_of3A_158, %dma_start3A_283] : memref<10240x128xf32, #tpu.memory_space<hbm>> -> memref<80x128xf32, #tpu.memory_space<hbm>>
      %dma_start3A_285 = arith.constant 0 : i32
      %dma_start3A_286 = arith.constant 0 : i32
      %dma_start3A_287 = tpu.memref_slice %arg2[%arg0, %dma_start3A_285, %dma_start3A_286] : memref<2x10240x128xf32, #tpu.memory_space<hbm>> -> memref<1x10240x128xf32, #tpu.memory_space<hbm>>
      %dma_start3A_288 = tpu.memref_squeeze %dma_start3A_287 : memref<1x10240x128xf32, #tpu.memory_space<hbm>> -> memref<10240x128xf32, #tpu.memory_space<hbm>>
      %dma_start3A_289 = arith.constant 0 : i32
      %dma_start3A_290 = tpu.memref_slice %dma_start3A_288[%multiple_of3A_158, %dma_start3A_289] : memref<10240x128xf32, #tpu.memory_space<hbm>> -> memref<80x128xf32, #tpu.memory_space<hbm>>
      tpu.enqueue_dma source(%dma_start3A_290 : memref<80x128xf32, #tpu.memory_space<hbm>>) target(%arg9 : memref<80x128xf32, #tpu.memory_space<vmem>>) target_semaphore(%run_scoped3A_278 : memref<!tpu.dma_semaphore, #tpu.memory_space<semaphore_mem>>)
      %dma_wait3A_291 = arith.constant 0 : i32
      %dma_wait3A_292 = arith.constant 0 : i32
      %dma_wait3A_293 = tpu.memref_slice %arg2[%arg0, %dma_wait3A_291, %dma_wait3A_292] : memref<2x10240x128xf32, #tpu.memory_space<hbm>> -> memref<1x10240x128xf32, #tpu.memory_space<hbm>>
      %dma_wait3A_294 = tpu.memref_squeeze %dma_wait3A_293 : memref<1x10240x128xf32, #tpu.memory_space<hbm>> -> memref<10240x128xf32, #tpu.memory_space<hbm>>
      %dma_wait3A_295 = arith.constant 0 : i32
      %dma_wait3A_296 = tpu.memref_slice %dma_wait3A_294[%multiple_of3A_158, %dma_wait3A_295] : memref<10240x128xf32, #tpu.memory_space<hbm>> -> memref<80x128xf32, #tpu.memory_space<hbm>>
      %dma_wait3A_297 = arith.constant 0 : i32
      %dma_wait3A_298 = arith.constant 0 : i32
      %dma_wait3A_299 = tpu.memref_slice %arg2[%arg0, %dma_wait3A_297, %dma_wait3A_298] : memref<2x10240x128xf32, #tpu.memory_space<hbm>> -> memref<1x10240x128xf32, #tpu.memory_space<hbm>>
      %dma_wait3A_300 = tpu.memref_squeeze %dma_wait3A_299 : memref<1x10240x128xf32, #tpu.memory_space<hbm>> -> memref<10240x128xf32, #tpu.memory_space<hbm>>
      %dma_wait3A_301 = arith.constant 0 : i32
      %dma_wait3A_302 = tpu.memref_slice %dma_wait3A_300[%multiple_of3A_158, %dma_wait3A_301] : memref<10240x128xf32, #tpu.memory_space<hbm>> -> memref<80x128xf32, #tpu.memory_space<hbm>>
      tpu.wait_dma2 semaphore(%run_scoped3A_278 : memref<!tpu.dma_semaphore, #tpu.memory_space<semaphore_mem>>) src(%dma_wait3A_302 : memref<80x128xf32, #tpu.memory_space<hbm>>) dst(%arg9 : memref<80x128xf32, #tpu.memory_space<vmem>>)
      tpu.yield
    }) : () -> ()
    "tpu.region"() ({
      %run_scoped3A_278 = tpu.sem_alloc : memref<!tpu.dma_semaphore, #tpu.memory_space<semaphore_mem>>
      %dma_start3A_279 = arith.constant 0 : i32
      %dma_start3A_280 = tpu.memref_slice %arg10[%multiple_of3A_163, %dma_start3A_279] : memref<5184x128xf32, #tpu.memory_space<vmem_shared>> -> memref<80x128xf32, #tpu.memory_space<vmem_shared>>
      %dma_start3A_281 = arith.constant 0 : i32
      %dma_start3A_282 = tpu.memref_slice %arg10[%multiple_of3A_163, %dma_start3A_281] : memref<5184x128xf32, #tpu.memory_space<vmem_shared>> -> memref<80x128xf32, #tpu.memory_space<vmem_shared>>
      tpu.enqueue_dma source(%arg9 : memref<80x128xf32, #tpu.memory_space<vmem>>) target(%dma_start3A_282 : memref<80x128xf32, #tpu.memory_space<vmem_shared>>) target_semaphore(%run_scoped3A_278 : memref<!tpu.dma_semaphore, #tpu.memory_space<semaphore_mem>>)
      %dma_wait3A_283 = arith.constant 0 : i32
      %dma_wait3A_284 = tpu.memref_slice %arg10[%multiple_of3A_163, %dma_wait3A_283] : memref<5184x128xf32, #tpu.memory_space<vmem_shared>> -> memref<80x128xf32, #tpu.memory_space<vmem_shared>>
      %dma_wait3A_285 = arith.constant 0 : i32
      %dma_wait3A_286 = tpu.memref_slice %arg10[%multiple_of3A_163, %dma_wait3A_285] : memref<5184x128xf32, #tpu.memory_space<vmem_shared>> -> memref<80x128xf32, #tpu.memory_space<vmem_shared>>
      tpu.wait_dma2 semaphore(%run_scoped3A_278 : memref<!tpu.dma_semaphore, #tpu.memory_space<semaphore_mem>>) src(%arg9 : memref<80x128xf32, #tpu.memory_space<vmem>>) dst(%dma_wait3A_286 : memref<80x128xf32, #tpu.memory_space<vmem_shared>>)
      tpu.yield
    }) : () -> ()
    %mul3A_164 = arith.constant 320 : i32
    %mul3A_165 = arith.muli %arg1, %mul3A_164 : i32
    %add3A_166 = arith.constant 5120 : i32
    %add3A_167 = arith.addi %add3A_166, %mul3A_165 : i32
    %add3A_168 = arith.constant 160 : i32
    %add3A_169 = arith.addi %add3A_167, %add3A_168 : i32
    %multiple_of3A_170 = tpu.assume_multiple %add3A_169, 8 : i32
    %mul3A_171 = arith.constant 320 : i32
    %mul3A_172 = arith.muli %arg1, %mul3A_171 : i32
    %add3A_173 = arith.constant 160 : i32
    %add3A_174 = arith.addi %mul3A_172, %add3A_173 : i32
    %multiple_of3A_175 = tpu.assume_multiple %add3A_174, 8 : i32
    "tpu.region"() ({
      %run_scoped3A_278 = tpu.sem_alloc : memref<!tpu.dma_semaphore, #tpu.memory_space<semaphore_mem>>
      %dma_start3A_279 = arith.constant 0 : i32
      %dma_start3A_280 = arith.constant 0 : i32
      %dma_start3A_281 = tpu.memref_slice %arg2[%arg0, %dma_start3A_279, %dma_start3A_280] : memref<2x10240x128xf32, #tpu.memory_space<hbm>> -> memref<1x10240x128xf32, #tpu.memory_space<hbm>>
      %dma_start3A_282 = tpu.memref_squeeze %dma_start3A_281 : memref<1x10240x128xf32, #tpu.memory_space<hbm>> -> memref<10240x128xf32, #tpu.memory_space<hbm>>
      %dma_start3A_283 = arith.constant 0 : i32
      %dma_start3A_284 = tpu.memref_slice %dma_start3A_282[%multiple_of3A_170, %dma_start3A_283] : memref<10240x128xf32, #tpu.memory_space<hbm>> -> memref<80x128xf32, #tpu.memory_space<hbm>>
      %dma_start3A_285 = arith.constant 0 : i32
      %dma_start3A_286 = arith.constant 0 : i32
      %dma_start3A_287 = tpu.memref_slice %arg2[%arg0, %dma_start3A_285, %dma_start3A_286] : memref<2x10240x128xf32, #tpu.memory_space<hbm>> -> memref<1x10240x128xf32, #tpu.memory_space<hbm>>
      %dma_start3A_288 = tpu.memref_squeeze %dma_start3A_287 : memref<1x10240x128xf32, #tpu.memory_space<hbm>> -> memref<10240x128xf32, #tpu.memory_space<hbm>>
      %dma_start3A_289 = arith.constant 0 : i32
      %dma_start3A_290 = tpu.memref_slice %dma_start3A_288[%multiple_of3A_170, %dma_start3A_289] : memref<10240x128xf32, #tpu.memory_space<hbm>> -> memref<80x128xf32, #tpu.memory_space<hbm>>
      tpu.enqueue_dma source(%dma_start3A_290 : memref<80x128xf32, #tpu.memory_space<hbm>>) target(%arg9 : memref<80x128xf32, #tpu.memory_space<vmem>>) target_semaphore(%run_scoped3A_278 : memref<!tpu.dma_semaphore, #tpu.memory_space<semaphore_mem>>)
      %dma_wait3A_291 = arith.constant 0 : i32
      %dma_wait3A_292 = arith.constant 0 : i32
      %dma_wait3A_293 = tpu.memref_slice %arg2[%arg0, %dma_wait3A_291, %dma_wait3A_292] : memref<2x10240x128xf32, #tpu.memory_space<hbm>> -> memref<1x10240x128xf32, #tpu.memory_space<hbm>>
      %dma_wait3A_294 = tpu.memref_squeeze %dma_wait3A_293 : memref<1x10240x128xf32, #tpu.memory_space<hbm>> -> memref<10240x128xf32, #tpu.memory_space<hbm>>
      %dma_wait3A_295 = arith.constant 0 : i32
      %dma_wait3A_296 = tpu.memref_slice %dma_wait3A_294[%multiple_of3A_170, %dma_wait3A_295] : memref<10240x128xf32, #tpu.memory_space<hbm>> -> memref<80x128xf32, #tpu.memory_space<hbm>>
      %dma_wait3A_297 = arith.constant 0 : i32
      %dma_wait3A_298 = arith.constant 0 : i32
      %dma_wait3A_299 = tpu.memref_slice %arg2[%arg0, %dma_wait3A_297, %dma_wait3A_298] : memref<2x10240x128xf32, #tpu.memory_space<hbm>> -> memref<1x10240x128xf32, #tpu.memory_space<hbm>>
      %dma_wait3A_300 = tpu.memref_squeeze %dma_wait3A_299 : memref<1x10240x128xf32, #tpu.memory_space<hbm>> -> memref<10240x128xf32, #tpu.memory_space<hbm>>
      %dma_wait3A_301 = arith.constant 0 : i32
      %dma_wait3A_302 = tpu.memref_slice %dma_wait3A_300[%multiple_of3A_170, %dma_wait3A_301] : memref<10240x128xf32, #tpu.memory_space<hbm>> -> memref<80x128xf32, #tpu.memory_space<hbm>>
      tpu.wait_dma2 semaphore(%run_scoped3A_278 : memref<!tpu.dma_semaphore, #tpu.memory_space<semaphore_mem>>) src(%dma_wait3A_302 : memref<80x128xf32, #tpu.memory_space<hbm>>) dst(%arg9 : memref<80x128xf32, #tpu.memory_space<vmem>>)
      tpu.yield
    }) : () -> ()
    "tpu.region"() ({
      %run_scoped3A_278 = tpu.sem_alloc : memref<!tpu.dma_semaphore, #tpu.memory_space<semaphore_mem>>
      %dma_start3A_279 = arith.constant 0 : i32
      %dma_start3A_280 = tpu.memref_slice %arg10[%multiple_of3A_175, %dma_start3A_279] : memref<5184x128xf32, #tpu.memory_space<vmem_shared>> -> memref<80x128xf32, #tpu.memory_space<vmem_shared>>
      %dma_start3A_281 = arith.constant 0 : i32
      %dma_start3A_282 = tpu.memref_slice %arg10[%multiple_of3A_175, %dma_start3A_281] : memref<5184x128xf32, #tpu.memory_space<vmem_shared>> -> memref<80x128xf32, #tpu.memory_space<vmem_shared>>
      tpu.enqueue_dma source(%arg9 : memref<80x128xf32, #tpu.memory_space<vmem>>) target(%dma_start3A_282 : memref<80x128xf32, #tpu.memory_space<vmem_shared>>) target_semaphore(%run_scoped3A_278 : memref<!tpu.dma_semaphore, #tpu.memory_space<semaphore_mem>>)
      %dma_wait3A_283 = arith.constant 0 : i32
      %dma_wait3A_284 = tpu.memref_slice %arg10[%multiple_of3A_175, %dma_wait3A_283] : memref<5184x128xf32, #tpu.memory_space<vmem_shared>> -> memref<80x128xf32, #tpu.memory_space<vmem_shared>>
      %dma_wait3A_285 = arith.constant 0 : i32
      %dma_wait3A_286 = tpu.memref_slice %arg10[%multiple_of3A_175, %dma_wait3A_285] : memref<5184x128xf32, #tpu.memory_space<vmem_shared>> -> memref<80x128xf32, #tpu.memory_space<vmem_shared>>
      tpu.wait_dma2 semaphore(%run_scoped3A_278 : memref<!tpu.dma_semaphore, #tpu.memory_space<semaphore_mem>>) src(%arg9 : memref<80x128xf32, #tpu.memory_space<vmem>>) dst(%dma_wait3A_286 : memref<80x128xf32, #tpu.memory_space<vmem_shared>>)
      tpu.yield
    }) : () -> ()
    %mul3A_176 = arith.constant 320 : i32
    %mul3A_177 = arith.muli %arg1, %mul3A_176 : i32
    %add3A_178 = arith.constant 5120 : i32
    %add3A_179 = arith.addi %add3A_178, %mul3A_177 : i32
    %add3A_180 = arith.constant 240 : i32
    %add3A_181 = arith.addi %add3A_179, %add3A_180 : i32
    %multiple_of3A_182 = tpu.assume_multiple %add3A_181, 8 : i32
    %mul3A_183 = arith.constant 320 : i32
    %mul3A_184 = arith.muli %arg1, %mul3A_183 : i32
    %add3A_185 = arith.constant 240 : i32
    %add3A_186 = arith.addi %mul3A_184, %add3A_185 : i32
    %multiple_of3A_187 = tpu.assume_multiple %add3A_186, 8 : i32
    "tpu.region"() ({
      %run_scoped3A_278 = tpu.sem_alloc : memref<!tpu.dma_semaphore, #tpu.memory_space<semaphore_mem>>
      %dma_start3A_279 = arith.constant 0 : i32
      %dma_start3A_280 = arith.constant 0 : i32
      %dma_start3A_281 = tpu.memref_slice %arg2[%arg0, %dma_start3A_279, %dma_start3A_280] : memref<2x10240x128xf32, #tpu.memory_space<hbm>> -> memref<1x10240x128xf32, #tpu.memory_space<hbm>>
      %dma_start3A_282 = tpu.memref_squeeze %dma_start3A_281 : memref<1x10240x128xf32, #tpu.memory_space<hbm>> -> memref<10240x128xf32, #tpu.memory_space<hbm>>
      %dma_start3A_283 = arith.constant 0 : i32
      %dma_start3A_284 = tpu.memref_slice %dma_start3A_282[%multiple_of3A_182, %dma_start3A_283] : memref<10240x128xf32, #tpu.memory_space<hbm>> -> memref<80x128xf32, #tpu.memory_space<hbm>>
      %dma_start3A_285 = arith.constant 0 : i32
      %dma_start3A_286 = arith.constant 0 : i32
      %dma_start3A_287 = tpu.memref_slice %arg2[%arg0, %dma_start3A_285, %dma_start3A_286] : memref<2x10240x128xf32, #tpu.memory_space<hbm>> -> memref<1x10240x128xf32, #tpu.memory_space<hbm>>
      %dma_start3A_288 = tpu.memref_squeeze %dma_start3A_287 : memref<1x10240x128xf32, #tpu.memory_space<hbm>> -> memref<10240x128xf32, #tpu.memory_space<hbm>>
      %dma_start3A_289 = arith.constant 0 : i32
      %dma_start3A_290 = tpu.memref_slice %dma_start3A_288[%multiple_of3A_182, %dma_start3A_289] : memref<10240x128xf32, #tpu.memory_space<hbm>> -> memref<80x128xf32, #tpu.memory_space<hbm>>
      tpu.enqueue_dma source(%dma_start3A_290 : memref<80x128xf32, #tpu.memory_space<hbm>>) target(%arg9 : memref<80x128xf32, #tpu.memory_space<vmem>>) target_semaphore(%run_scoped3A_278 : memref<!tpu.dma_semaphore, #tpu.memory_space<semaphore_mem>>)
      %dma_wait3A_291 = arith.constant 0 : i32
      %dma_wait3A_292 = arith.constant 0 : i32
      %dma_wait3A_293 = tpu.memref_slice %arg2[%arg0, %dma_wait3A_291, %dma_wait3A_292] : memref<2x10240x128xf32, #tpu.memory_space<hbm>> -> memref<1x10240x128xf32, #tpu.memory_space<hbm>>
      %dma_wait3A_294 = tpu.memref_squeeze %dma_wait3A_293 : memref<1x10240x128xf32, #tpu.memory_space<hbm>> -> memref<10240x128xf32, #tpu.memory_space<hbm>>
      %dma_wait3A_295 = arith.constant 0 : i32
      %dma_wait3A_296 = tpu.memref_slice %dma_wait3A_294[%multiple_of3A_182, %dma_wait3A_295] : memref<10240x128xf32, #tpu.memory_space<hbm>> -> memref<80x128xf32, #tpu.memory_space<hbm>>
      %dma_wait3A_297 = arith.constant 0 : i32
      %dma_wait3A_298 = arith.constant 0 : i32
      %dma_wait3A_299 = tpu.memref_slice %arg2[%arg0, %dma_wait3A_297, %dma_wait3A_298] : memref<2x10240x128xf32, #tpu.memory_space<hbm>> -> memref<1x10240x128xf32, #tpu.memory_space<hbm>>
      %dma_wait3A_300 = tpu.memref_squeeze %dma_wait3A_299 : memref<1x10240x128xf32, #tpu.memory_space<hbm>> -> memref<10240x128xf32, #tpu.memory_space<hbm>>
      %dma_wait3A_301 = arith.constant 0 : i32
      %dma_wait3A_302 = tpu.memref_slice %dma_wait3A_300[%multiple_of3A_182, %dma_wait3A_301] : memref<10240x128xf32, #tpu.memory_space<hbm>> -> memref<80x128xf32, #tpu.memory_space<hbm>>
      tpu.wait_dma2 semaphore(%run_scoped3A_278 : memref<!tpu.dma_semaphore, #tpu.memory_space<semaphore_mem>>) src(%dma_wait3A_302 : memref<80x128xf32, #tpu.memory_space<hbm>>) dst(%arg9 : memref<80x128xf32, #tpu.memory_space<vmem>>)
      tpu.yield
    }) : () -> ()
    "tpu.region"() ({
      %run_scoped3A_278 = tpu.sem_alloc : memref<!tpu.dma_semaphore, #tpu.memory_space<semaphore_mem>>
      %dma_start3A_279 = arith.constant 0 : i32
      %dma_start3A_280 = tpu.memref_slice %arg10[%multiple_of3A_187, %dma_start3A_279] : memref<5184x128xf32, #tpu.memory_space<vmem_shared>> -> memref<80x128xf32, #tpu.memory_space<vmem_shared>>
      %dma_start3A_281 = arith.constant 0 : i32
      %dma_start3A_282 = tpu.memref_slice %arg10[%multiple_of3A_187, %dma_start3A_281] : memref<5184x128xf32, #tpu.memory_space<vmem_shared>> -> memref<80x128xf32, #tpu.memory_space<vmem_shared>>
      tpu.enqueue_dma source(%arg9 : memref<80x128xf32, #tpu.memory_space<vmem>>) target(%dma_start3A_282 : memref<80x128xf32, #tpu.memory_space<vmem_shared>>) target_semaphore(%run_scoped3A_278 : memref<!tpu.dma_semaphore, #tpu.memory_space<semaphore_mem>>)
      %dma_wait3A_283 = arith.constant 0 : i32
      %dma_wait3A_284 = tpu.memref_slice %arg10[%multiple_of3A_187, %dma_wait3A_283] : memref<5184x128xf32, #tpu.memory_space<vmem_shared>> -> memref<80x128xf32, #tpu.memory_space<vmem_shared>>
      %dma_wait3A_285 = arith.constant 0 : i32
      %dma_wait3A_286 = tpu.memref_slice %arg10[%multiple_of3A_187, %dma_wait3A_285] : memref<5184x128xf32, #tpu.memory_space<vmem_shared>> -> memref<80x128xf32, #tpu.memory_space<vmem_shared>>
      tpu.wait_dma2 semaphore(%run_scoped3A_278 : memref<!tpu.dma_semaphore, #tpu.memory_space<semaphore_mem>>) src(%arg9 : memref<80x128xf32, #tpu.memory_space<vmem>>) dst(%dma_wait3A_286 : memref<80x128xf32, #tpu.memory_space<vmem_shared>>)
      tpu.yield
    }) : () -> ()
    %barrier3A_188 = arith.constant 0 : index
    tpu.barrier barrier_id(%barrier3A_188)
    %dma_start3A_189 = arith.constant 0 : i32
    %dma_start3A_190 = arith.constant 0 : i32
    %dma_start3A_191 = arith.constant 0 : i32
    %dma_start3A_192 = arith.constant 0 : i32
    %dma_start3A_193 = tpu.memref_slice %arg8[%dma_start3A_190, %dma_start3A_191, %dma_start3A_192] : memref<2x80x128xf32, #tpu.memory_space<vmem>> -> memref<1x80x128xf32, #tpu.memory_space<vmem>>
    %dma_start3A_194 = tpu.memref_squeeze %dma_start3A_193 : memref<1x80x128xf32, #tpu.memory_space<vmem>> -> memref<80x128xf32, #tpu.memory_space<vmem>>
    %dma_start3A_195 = arith.constant 0 : i32
    %dma_start3A_196 = tpu.memref_slice %arg6[%dma_start3A_189, %dma_start3A_195] : memref<125x80xi32, #tpu.memory_space<vmem>> -> memref<1x80xi32, #tpu.memory_space<vmem>>
    %dma_start3A_197 = tpu.memref_squeeze %dma_start3A_196 : memref<1x80xi32, #tpu.memory_space<vmem>> -> memref<80xi32, #tpu.memory_space<vmem>>
    %dma_start3A_198 = arith.constant 0 : i32
    %dma_start3A_199 = arith.constant 0 : i32
    %dma_start3A_200 = tpu.memref_slice %arg2[%arg0, %dma_start3A_198, %dma_start3A_199] : memref<2x10240x128xf32, #tpu.memory_space<hbm>> -> memref<1x10240x128xf32, #tpu.memory_space<hbm>>
    %dma_start3A_201 = tpu.memref_squeeze %dma_start3A_200 : memref<1x10240x128xf32, #tpu.memory_space<hbm>> -> memref<10240x128xf32, #tpu.memory_space<hbm>>
    %dma_start3A_202 = arith.constant 0 : i32
    %dma_start3A_203 = arith.constant 0 : i32
    %dma_start3A_204 = tpu.memref_slice %dma_start3A_201[%dma_start3A_202, %dma_start3A_203] : memref<10240x128xf32, #tpu.memory_space<hbm>> -> memref<10240x128xf32, #tpu.memory_space<hbm>>
    tpu.enqueue_indirect_dma source(%dma_start3A_204 : memref<10240x128xf32, #tpu.memory_space<hbm>>) target(%dma_start3A_194 : memref<80x128xf32, #tpu.memory_space<vmem>>) offsets(%dma_start3A_197 : memref<80xi32, #tpu.memory_space<vmem>>) semaphore(%arg11 : memref<!tpu.dma_semaphore, #tpu.memory_space<semaphore_mem>>)
    %scan3A_205 = arith.constant 0 : i32
    %scan3A_206 = arith.constant 62 : i32
    %scan3A_207 = arith.addi %scan3A_205, %scan3A_206 : i32
    %scan3A_208 = arith.constant 1 : i32
    scf.for %scan3A_278 = %scan3A_205 to %scan3A_207 step %scan3A_208  : i32 {
      %mul3A_279 = arith.constant 2 : i32
      %mul3A_280 = arith.muli %mul3A_279, %scan3A_278 : i32
      %add3A_281 = arith.constant 1 : i32
      %add3A_282 = arith.addi %mul3A_280, %add3A_281 : i32
      %dma_start3A_283 = arith.constant 1 : i32
      %dma_start3A_284 = arith.constant 0 : i32
      %dma_start3A_285 = arith.constant 0 : i32
      %dma_start3A_286 = tpu.memref_slice %arg8[%dma_start3A_283, %dma_start3A_284, %dma_start3A_285] : memref<2x80x128xf32, #tpu.memory_space<vmem>> -> memref<1x80x128xf32, #tpu.memory_space<vmem>>
      %dma_start3A_287 = tpu.memref_squeeze %dma_start3A_286 : memref<1x80x128xf32, #tpu.memory_space<vmem>> -> memref<80x128xf32, #tpu.memory_space<vmem>>
      %dma_start3A_288 = arith.constant 0 : i32
      %dma_start3A_289 = tpu.memref_slice %arg6[%add3A_282, %dma_start3A_288] : memref<125x80xi32, #tpu.memory_space<vmem>> -> memref<1x80xi32, #tpu.memory_space<vmem>>
      %dma_start3A_290 = tpu.memref_squeeze %dma_start3A_289 : memref<1x80xi32, #tpu.memory_space<vmem>> -> memref<80xi32, #tpu.memory_space<vmem>>
      %dma_start3A_291 = arith.constant 0 : i32
      %dma_start3A_292 = arith.constant 0 : i32
      %dma_start3A_293 = tpu.memref_slice %arg2[%arg0, %dma_start3A_291, %dma_start3A_292] : memref<2x10240x128xf32, #tpu.memory_space<hbm>> -> memref<1x10240x128xf32, #tpu.memory_space<hbm>>
      %dma_start3A_294 = tpu.memref_squeeze %dma_start3A_293 : memref<1x10240x128xf32, #tpu.memory_space<hbm>> -> memref<10240x128xf32, #tpu.memory_space<hbm>>
      %dma_start3A_295 = arith.constant 0 : i32
      %dma_start3A_296 = arith.constant 0 : i32
      %dma_start3A_297 = tpu.memref_slice %dma_start3A_294[%dma_start3A_295, %dma_start3A_296] : memref<10240x128xf32, #tpu.memory_space<hbm>> -> memref<10240x128xf32, #tpu.memory_space<hbm>>
      tpu.enqueue_indirect_dma source(%dma_start3A_297 : memref<10240x128xf32, #tpu.memory_space<hbm>>) target(%dma_start3A_287 : memref<80x128xf32, #tpu.memory_space<vmem>>) offsets(%dma_start3A_290 : memref<80xi32, #tpu.memory_space<vmem>>) semaphore(%arg12 : memref<!tpu.dma_semaphore, #tpu.memory_space<semaphore_mem>>)
      %dma_wait3A_298 = arith.constant 0 : i32
      %dma_wait3A_299 = arith.constant 0 : i32
      %dma_wait3A_300 = arith.constant 0 : i32
      %dma_wait3A_301 = tpu.memref_slice %arg8[%dma_wait3A_298, %dma_wait3A_299, %dma_wait3A_300] : memref<2x80x128xf32, #tpu.memory_space<vmem>> -> memref<1x80x128xf32, #tpu.memory_space<vmem>>
      %dma_wait3A_302 = tpu.memref_squeeze %dma_wait3A_301 : memref<1x80x128xf32, #tpu.memory_space<vmem>> -> memref<80x128xf32, #tpu.memory_space<vmem>>
      %dma_wait3A_303 = arith.constant 0 : i32
      %dma_wait3A_304 = tpu.memref_slice %arg6[%mul3A_280, %dma_wait3A_303] : memref<125x80xi32, #tpu.memory_space<vmem>> -> memref<1x80xi32, #tpu.memory_space<vmem>>
      %dma_wait3A_305 = tpu.memref_squeeze %dma_wait3A_304 : memref<1x80xi32, #tpu.memory_space<vmem>> -> memref<80xi32, #tpu.memory_space<vmem>>
      %dma_wait3A_306 = arith.constant 0 : i32
      %dma_wait3A_307 = arith.constant 0 : i32
      %dma_wait3A_308 = tpu.memref_slice %arg2[%arg0, %dma_wait3A_306, %dma_wait3A_307] : memref<2x10240x128xf32, #tpu.memory_space<hbm>> -> memref<1x10240x128xf32, #tpu.memory_space<hbm>>
      %dma_wait3A_309 = tpu.memref_squeeze %dma_wait3A_308 : memref<1x10240x128xf32, #tpu.memory_space<hbm>> -> memref<10240x128xf32, #tpu.memory_space<hbm>>
      %dma_wait3A_310 = arith.constant 0 : i32
      %dma_wait3A_311 = arith.constant 0 : i32
      %dma_wait3A_312 = tpu.memref_slice %dma_wait3A_309[%dma_wait3A_310, %dma_wait3A_311] : memref<10240x128xf32, #tpu.memory_space<hbm>> -> memref<10240x128xf32, #tpu.memory_space<hbm>>
      tpu.wait_indirect_dma semaphore(%arg11 : memref<!tpu.dma_semaphore, #tpu.memory_space<semaphore_mem>>) src(%dma_wait3A_312 : memref<10240x128xf32, #tpu.memory_space<hbm>>) dst(%dma_wait3A_302 : memref<80x128xf32, #tpu.memory_space<vmem>>)
      %run_scoped3A_313 = arith.constant 0 : i32
      "tpu.region"() ({
        %run_scoped3A_351 = tpu.sem_alloc : memref<!tpu.dma_semaphore, #tpu.memory_space<semaphore_mem>>
        %dma_start3A_352 = arith.constant 0 : i32
        %dma_start3A_353 = arith.constant 0 : i32
        %dma_start3A_354 = tpu.memref_slice %arg8[%run_scoped3A_313, %dma_start3A_352, %dma_start3A_353] : memref<2x80x128xf32, #tpu.memory_space<vmem>> -> memref<1x80x128xf32, #tpu.memory_space<vmem>>
        %dma_start3A_355 = tpu.memref_squeeze %dma_start3A_354 : memref<1x80x128xf32, #tpu.memory_space<vmem>> -> memref<80x128xf32, #tpu.memory_space<vmem>>
        %dma_start3A_356 = arith.constant 0 : i32
        %dma_start3A_357 = tpu.memref_slice %arg7[%mul3A_280, %dma_start3A_356] : memref<125x80xi32, #tpu.memory_space<vmem>> -> memref<1x80xi32, #tpu.memory_space<vmem>>
        %dma_start3A_358 = tpu.memref_squeeze %dma_start3A_357 : memref<1x80xi32, #tpu.memory_space<vmem>> -> memref<80xi32, #tpu.memory_space<vmem>>
        %dma_start3A_359 = arith.constant 0 : i32
        %dma_start3A_360 = arith.constant 0 : i32
        %dma_start3A_361 = tpu.memref_slice %arg10[%dma_start3A_359, %dma_start3A_360] : memref<5184x128xf32, #tpu.memory_space<vmem_shared>> -> memref<5184x128xf32, #tpu.memory_space<vmem_shared>>
        tpu.enqueue_indirect_dma source(%dma_start3A_355 : memref<80x128xf32, #tpu.memory_space<vmem>>) target(%dma_start3A_361 : memref<5184x128xf32, #tpu.memory_space<vmem_shared>>) offsets(%dma_start3A_358 : memref<80xi32, #tpu.memory_space<vmem>>) semaphore(%run_scoped3A_351 : memref<!tpu.dma_semaphore, #tpu.memory_space<semaphore_mem>>) {add = true}
        %dma_wait3A_362 = arith.constant 0 : i32
        %dma_wait3A_363 = arith.constant 0 : i32
        %dma_wait3A_364 = tpu.memref_slice %arg8[%run_scoped3A_313, %dma_wait3A_362, %dma_wait3A_363] : memref<2x80x128xf32, #tpu.memory_space<vmem>> -> memref<1x80x128xf32, #tpu.memory_space<vmem>>
        %dma_wait3A_365 = tpu.memref_squeeze %dma_wait3A_364 : memref<1x80x128xf32, #tpu.memory_space<vmem>> -> memref<80x128xf32, #tpu.memory_space<vmem>>
        %dma_wait3A_366 = arith.constant 0 : i32
        %dma_wait3A_367 = tpu.memref_slice %arg7[%mul3A_280, %dma_wait3A_366] : memref<125x80xi32, #tpu.memory_space<vmem>> -> memref<1x80xi32, #tpu.memory_space<vmem>>
        %dma_wait3A_368 = tpu.memref_squeeze %dma_wait3A_367 : memref<1x80xi32, #tpu.memory_space<vmem>> -> memref<80xi32, #tpu.memory_space<vmem>>
        %dma_wait3A_369 = arith.constant 0 : i32
        %dma_wait3A_370 = arith.constant 0 : i32
        %dma_wait3A_371 = tpu.memref_slice %arg10[%dma_wait3A_369, %dma_wait3A_370] : memref<5184x128xf32, #tpu.memory_space<vmem_shared>> -> memref<5184x128xf32, #tpu.memory_space<vmem_shared>>
        tpu.wait_indirect_dma semaphore(%run_scoped3A_351 : memref<!tpu.dma_semaphore, #tpu.memory_space<semaphore_mem>>) src(%dma_wait3A_365 : memref<80x128xf32, #tpu.memory_space<vmem>>) dst(%dma_wait3A_371 : memref<5184x128xf32, #tpu.memory_space<vmem_shared>>)
        tpu.yield
      }) : () -> ()
      %add3A_314 = arith.constant 2 : i32
      %add3A_315 = arith.addi %mul3A_280, %add3A_314 : i32
      %dma_start3A_316 = arith.constant 0 : i32
      %dma_start3A_317 = arith.constant 0 : i32
      %dma_start3A_318 = arith.constant 0 : i32
      %dma_start3A_319 = tpu.memref_slice %arg8[%dma_start3A_316, %dma_start3A_317, %dma_start3A_318] : memref<2x80x128xf32, #tpu.memory_space<vmem>> -> memref<1x80x128xf32, #tpu.memory_space<vmem>>
      %dma_start3A_320 = tpu.memref_squeeze %dma_start3A_319 : memref<1x80x128xf32, #tpu.memory_space<vmem>> -> memref<80x128xf32, #tpu.memory_space<vmem>>
      %dma_start3A_321 = arith.constant 0 : i32
      %dma_start3A_322 = tpu.memref_slice %arg6[%add3A_315, %dma_start3A_321] : memref<125x80xi32, #tpu.memory_space<vmem>> -> memref<1x80xi32, #tpu.memory_space<vmem>>
      %dma_start3A_323 = tpu.memref_squeeze %dma_start3A_322 : memref<1x80xi32, #tpu.memory_space<vmem>> -> memref<80xi32, #tpu.memory_space<vmem>>
      %dma_start3A_324 = arith.constant 0 : i32
      %dma_start3A_325 = arith.constant 0 : i32
      %dma_start3A_326 = tpu.memref_slice %arg2[%arg0, %dma_start3A_324, %dma_start3A_325] : memref<2x10240x128xf32, #tpu.memory_space<hbm>> -> memref<1x10240x128xf32, #tpu.memory_space<hbm>>
      %dma_start3A_327 = tpu.memref_squeeze %dma_start3A_326 : memref<1x10240x128xf32, #tpu.memory_space<hbm>> -> memref<10240x128xf32, #tpu.memory_space<hbm>>
      %dma_start3A_328 = arith.constant 0 : i32
      %dma_start3A_329 = arith.constant 0 : i32
      %dma_start3A_330 = tpu.memref_slice %dma_start3A_327[%dma_start3A_328, %dma_start3A_329] : memref<10240x128xf32, #tpu.memory_space<hbm>> -> memref<10240x128xf32, #tpu.memory_space<hbm>>
      tpu.enqueue_indirect_dma source(%dma_start3A_330 : memref<10240x128xf32, #tpu.memory_space<hbm>>) target(%dma_start3A_320 : memref<80x128xf32, #tpu.memory_space<vmem>>) offsets(%dma_start3A_323 : memref<80xi32, #tpu.memory_space<vmem>>) semaphore(%arg11 : memref<!tpu.dma_semaphore, #tpu.memory_space<semaphore_mem>>)
      %add3A_331 = arith.constant 1 : i32
      %add3A_332 = arith.addi %mul3A_280, %add3A_331 : i32
      %dma_wait3A_333 = arith.constant 1 : i32
      %dma_wait3A_334 = arith.constant 0 : i32
      %dma_wait3A_335 = arith.constant 0 : i32
      %dma_wait3A_336 = tpu.memref_slice %arg8[%dma_wait3A_333, %dma_wait3A_334, %dma_wait3A_335] : memref<2x80x128xf32, #tpu.memory_space<vmem>> -> memref<1x80x128xf32, #tpu.memory_space<vmem>>
      %dma_wait3A_337 = tpu.memref_squeeze %dma_wait3A_336 : memref<1x80x128xf32, #tpu.memory_space<vmem>> -> memref<80x128xf32, #tpu.memory_space<vmem>>
      %dma_wait3A_338 = arith.constant 0 : i32
      %dma_wait3A_339 = tpu.memref_slice %arg6[%add3A_332, %dma_wait3A_338] : memref<125x80xi32, #tpu.memory_space<vmem>> -> memref<1x80xi32, #tpu.memory_space<vmem>>
      %dma_wait3A_340 = tpu.memref_squeeze %dma_wait3A_339 : memref<1x80xi32, #tpu.memory_space<vmem>> -> memref<80xi32, #tpu.memory_space<vmem>>
      %dma_wait3A_341 = arith.constant 0 : i32
      %dma_wait3A_342 = arith.constant 0 : i32
      %dma_wait3A_343 = tpu.memref_slice %arg2[%arg0, %dma_wait3A_341, %dma_wait3A_342] : memref<2x10240x128xf32, #tpu.memory_space<hbm>> -> memref<1x10240x128xf32, #tpu.memory_space<hbm>>
      %dma_wait3A_344 = tpu.memref_squeeze %dma_wait3A_343 : memref<1x10240x128xf32, #tpu.memory_space<hbm>> -> memref<10240x128xf32, #tpu.memory_space<hbm>>
      %dma_wait3A_345 = arith.constant 0 : i32
      %dma_wait3A_346 = arith.constant 0 : i32
      %dma_wait3A_347 = tpu.memref_slice %dma_wait3A_344[%dma_wait3A_345, %dma_wait3A_346] : memref<10240x128xf32, #tpu.memory_space<hbm>> -> memref<10240x128xf32, #tpu.memory_space<hbm>>
      tpu.wait_indirect_dma semaphore(%arg12 : memref<!tpu.dma_semaphore, #tpu.memory_space<semaphore_mem>>) src(%dma_wait3A_347 : memref<10240x128xf32, #tpu.memory_space<hbm>>) dst(%dma_wait3A_337 : memref<80x128xf32, #tpu.memory_space<vmem>>)
      %add3A_348 = arith.constant 1 : i32
      %add3A_349 = arith.addi %mul3A_280, %add3A_348 : i32
      %run_scoped3A_350 = arith.constant 1 : i32
      "tpu.region"() ({
        %run_scoped3A_351 = tpu.sem_alloc : memref<!tpu.dma_semaphore, #tpu.memory_space<semaphore_mem>>
        %dma_start3A_352 = arith.constant 0 : i32
        %dma_start3A_353 = arith.constant 0 : i32
        %dma_start3A_354 = tpu.memref_slice %arg8[%run_scoped3A_350, %dma_start3A_352, %dma_start3A_353] : memref<2x80x128xf32, #tpu.memory_space<vmem>> -> memref<1x80x128xf32, #tpu.memory_space<vmem>>
        %dma_start3A_355 = tpu.memref_squeeze %dma_start3A_354 : memref<1x80x128xf32, #tpu.memory_space<vmem>> -> memref<80x128xf32, #tpu.memory_space<vmem>>
        %dma_start3A_356 = arith.constant 0 : i32
        %dma_start3A_357 = tpu.memref_slice %arg7[%add3A_349, %dma_start3A_356] : memref<125x80xi32, #tpu.memory_space<vmem>> -> memref<1x80xi32, #tpu.memory_space<vmem>>
        %dma_start3A_358 = tpu.memref_squeeze %dma_start3A_357 : memref<1x80xi32, #tpu.memory_space<vmem>> -> memref<80xi32, #tpu.memory_space<vmem>>
        %dma_start3A_359 = arith.constant 0 : i32
        %dma_start3A_360 = arith.constant 0 : i32
        %dma_start3A_361 = tpu.memref_slice %arg10[%dma_start3A_359, %dma_start3A_360] : memref<5184x128xf32, #tpu.memory_space<vmem_shared>> -> memref<5184x128xf32, #tpu.memory_space<vmem_shared>>
        tpu.enqueue_indirect_dma source(%dma_start3A_355 : memref<80x128xf32, #tpu.memory_space<vmem>>) target(%dma_start3A_361 : memref<5184x128xf32, #tpu.memory_space<vmem_shared>>) offsets(%dma_start3A_358 : memref<80xi32, #tpu.memory_space<vmem>>) semaphore(%run_scoped3A_351 : memref<!tpu.dma_semaphore, #tpu.memory_space<semaphore_mem>>) {add = true}
        %dma_wait3A_362 = arith.constant 0 : i32
        %dma_wait3A_363 = arith.constant 0 : i32
        %dma_wait3A_364 = tpu.memref_slice %arg8[%run_scoped3A_350, %dma_wait3A_362, %dma_wait3A_363] : memref<2x80x128xf32, #tpu.memory_space<vmem>> -> memref<1x80x128xf32, #tpu.memory_space<vmem>>
        %dma_wait3A_365 = tpu.memref_squeeze %dma_wait3A_364 : memref<1x80x128xf32, #tpu.memory_space<vmem>> -> memref<80x128xf32, #tpu.memory_space<vmem>>
        %dma_wait3A_366 = arith.constant 0 : i32
        %dma_wait3A_367 = tpu.memref_slice %arg7[%add3A_349, %dma_wait3A_366] : memref<125x80xi32, #tpu.memory_space<vmem>> -> memref<1x80xi32, #tpu.memory_space<vmem>>
        %dma_wait3A_368 = tpu.memref_squeeze %dma_wait3A_367 : memref<1x80xi32, #tpu.memory_space<vmem>> -> memref<80xi32, #tpu.memory_space<vmem>>
        %dma_wait3A_369 = arith.constant 0 : i32
        %dma_wait3A_370 = arith.constant 0 : i32
        %dma_wait3A_371 = tpu.memref_slice %arg10[%dma_wait3A_369, %dma_wait3A_370] : memref<5184x128xf32, #tpu.memory_space<vmem_shared>> -> memref<5184x128xf32, #tpu.memory_space<vmem_shared>>
        tpu.wait_indirect_dma semaphore(%run_scoped3A_351 : memref<!tpu.dma_semaphore, #tpu.memory_space<semaphore_mem>>) src(%dma_wait3A_365 : memref<80x128xf32, #tpu.memory_space<vmem>>) dst(%dma_wait3A_371 : memref<5184x128xf32, #tpu.memory_space<vmem_shared>>)
        tpu.yield
      }) : () -> ()
    }
    %scan3A_209 = arith.constant 62 : i32
    %dma_wait3A_210 = arith.constant 124 : i32
    %dma_wait3A_211 = arith.constant 0 : i32
    %dma_wait3A_212 = arith.constant 0 : i32
    %dma_wait3A_213 = arith.constant 0 : i32
    %dma_wait3A_214 = tpu.memref_slice %arg8[%dma_wait3A_211, %dma_wait3A_212, %dma_wait3A_213] : memref<2x80x128xf32, #tpu.memory_space<vmem>> -> memref<1x80x128xf32, #tpu.memory_space<vmem>>
    %dma_wait3A_215 = tpu.memref_squeeze %dma_wait3A_214 : memref<1x80x128xf32, #tpu.memory_space<vmem>> -> memref<80x128xf32, #tpu.memory_space<vmem>>
    %dma_wait3A_216 = arith.constant 0 : i32
    %dma_wait3A_217 = tpu.memref_slice %arg6[%dma_wait3A_210, %dma_wait3A_216] : memref<125x80xi32, #tpu.memory_space<vmem>> -> memref<1x80xi32, #tpu.memory_space<vmem>>
    %dma_wait3A_218 = tpu.memref_squeeze %dma_wait3A_217 : memref<1x80xi32, #tpu.memory_space<vmem>> -> memref<80xi32, #tpu.memory_space<vmem>>
    %dma_wait3A_219 = arith.constant 0 : i32
    %dma_wait3A_220 = arith.constant 0 : i32
    %dma_wait3A_221 = tpu.memref_slice %arg2[%arg0, %dma_wait3A_219, %dma_wait3A_220] : memref<2x10240x128xf32, #tpu.memory_space<hbm>> -> memref<1x10240x128xf32, #tpu.memory_space<hbm>>
    %dma_wait3A_222 = tpu.memref_squeeze %dma_wait3A_221 : memref<1x10240x128xf32, #tpu.memory_space<hbm>> -> memref<10240x128xf32, #tpu.memory_space<hbm>>
    %dma_wait3A_223 = arith.constant 0 : i32
    %dma_wait3A_224 = arith.constant 0 : i32
    %dma_wait3A_225 = tpu.memref_slice %dma_wait3A_222[%dma_wait3A_223, %dma_wait3A_224] : memref<10240x128xf32, #tpu.memory_space<hbm>> -> memref<10240x128xf32, #tpu.memory_space<hbm>>
    tpu.wait_indirect_dma semaphore(%arg11 : memref<!tpu.dma_semaphore, #tpu.memory_space<semaphore_mem>>) src(%dma_wait3A_225 : memref<10240x128xf32, #tpu.memory_space<hbm>>) dst(%dma_wait3A_215 : memref<80x128xf32, #tpu.memory_space<vmem>>)
    %run_scoped3A_226 = arith.constant 0 : i32
    %run_scoped3A_227 = arith.constant 124 : i32
    "tpu.region"() ({
      %run_scoped3A_278 = tpu.sem_alloc : memref<!tpu.dma_semaphore, #tpu.memory_space<semaphore_mem>>
      %dma_start3A_279 = arith.constant 0 : i32
      %dma_start3A_280 = arith.constant 0 : i32
      %dma_start3A_281 = tpu.memref_slice %arg8[%run_scoped3A_226, %dma_start3A_279, %dma_start3A_280] : memref<2x80x128xf32, #tpu.memory_space<vmem>> -> memref<1x80x128xf32, #tpu.memory_space<vmem>>
      %dma_start3A_282 = tpu.memref_squeeze %dma_start3A_281 : memref<1x80x128xf32, #tpu.memory_space<vmem>> -> memref<80x128xf32, #tpu.memory_space<vmem>>
      %dma_start3A_283 = arith.constant 0 : i32
      %dma_start3A_284 = tpu.memref_slice %arg7[%run_scoped3A_227, %dma_start3A_283] : memref<125x80xi32, #tpu.memory_space<vmem>> -> memref<1x80xi32, #tpu.memory_space<vmem>>
      %dma_start3A_285 = tpu.memref_squeeze %dma_start3A_284 : memref<1x80xi32, #tpu.memory_space<vmem>> -> memref<80xi32, #tpu.memory_space<vmem>>
      %dma_start3A_286 = arith.constant 0 : i32
      %dma_start3A_287 = arith.constant 0 : i32
      %dma_start3A_288 = tpu.memref_slice %arg10[%dma_start3A_286, %dma_start3A_287] : memref<5184x128xf32, #tpu.memory_space<vmem_shared>> -> memref<5184x128xf32, #tpu.memory_space<vmem_shared>>
      tpu.enqueue_indirect_dma source(%dma_start3A_282 : memref<80x128xf32, #tpu.memory_space<vmem>>) target(%dma_start3A_288 : memref<5184x128xf32, #tpu.memory_space<vmem_shared>>) offsets(%dma_start3A_285 : memref<80xi32, #tpu.memory_space<vmem>>) semaphore(%run_scoped3A_278 : memref<!tpu.dma_semaphore, #tpu.memory_space<semaphore_mem>>) {add = true}
      %dma_wait3A_289 = arith.constant 0 : i32
      %dma_wait3A_290 = arith.constant 0 : i32
      %dma_wait3A_291 = tpu.memref_slice %arg8[%run_scoped3A_226, %dma_wait3A_289, %dma_wait3A_290] : memref<2x80x128xf32, #tpu.memory_space<vmem>> -> memref<1x80x128xf32, #tpu.memory_space<vmem>>
      %dma_wait3A_292 = tpu.memref_squeeze %dma_wait3A_291 : memref<1x80x128xf32, #tpu.memory_space<vmem>> -> memref<80x128xf32, #tpu.memory_space<vmem>>
      %dma_wait3A_293 = arith.constant 0 : i32
      %dma_wait3A_294 = tpu.memref_slice %arg7[%run_scoped3A_227, %dma_wait3A_293] : memref<125x80xi32, #tpu.memory_space<vmem>> -> memref<1x80xi32, #tpu.memory_space<vmem>>
      %dma_wait3A_295 = tpu.memref_squeeze %dma_wait3A_294 : memref<1x80xi32, #tpu.memory_space<vmem>> -> memref<80xi32, #tpu.memory_space<vmem>>
      %dma_wait3A_296 = arith.constant 0 : i32
      %dma_wait3A_297 = arith.constant 0 : i32
      %dma_wait3A_298 = tpu.memref_slice %arg10[%dma_wait3A_296, %dma_wait3A_297] : memref<5184x128xf32, #tpu.memory_space<vmem_shared>> -> memref<5184x128xf32, #tpu.memory_space<vmem_shared>>
      tpu.wait_indirect_dma semaphore(%run_scoped3A_278 : memref<!tpu.dma_semaphore, #tpu.memory_space<semaphore_mem>>) src(%dma_wait3A_292 : memref<80x128xf32, #tpu.memory_space<vmem>>) dst(%dma_wait3A_298 : memref<5184x128xf32, #tpu.memory_space<vmem_shared>>)
      tpu.yield
    }) : () -> ()
    %barrier3A_228 = arith.constant 0 : index
    tpu.barrier barrier_id(%barrier3A_228)
    %mul3A_229 = arith.constant 320 : i32
    %mul3A_230 = arith.muli %arg1, %mul3A_229 : i32
    %add3A_231 = arith.constant 5120 : i32
    %add3A_232 = arith.addi %add3A_231, %mul3A_230 : i32
    %add3A_233 = arith.constant 0 : i32
    %add3A_234 = arith.addi %add3A_232, %add3A_233 : i32
    %multiple_of3A_235 = tpu.assume_multiple %add3A_234, 8 : i32
    %mul3A_236 = arith.constant 320 : i32
    %mul3A_237 = arith.muli %arg1, %mul3A_236 : i32
    %add3A_238 = arith.constant 0 : i32
    %add3A_239 = arith.addi %mul3A_237, %add3A_238 : i32
    %multiple_of3A_240 = tpu.assume_multiple %add3A_239, 8 : i32
    "tpu.region"() ({
      %run_scoped3A_278 = tpu.sem_alloc : memref<!tpu.dma_semaphore, #tpu.memory_space<semaphore_mem>>
      %dma_start3A_279 = arith.constant 0 : i32
      %dma_start3A_280 = tpu.memref_slice %arg10[%multiple_of3A_240, %dma_start3A_279] : memref<5184x128xf32, #tpu.memory_space<vmem_shared>> -> memref<80x128xf32, #tpu.memory_space<vmem_shared>>
      %dma_start3A_281 = arith.constant 0 : i32
      %dma_start3A_282 = tpu.memref_slice %arg10[%multiple_of3A_240, %dma_start3A_281] : memref<5184x128xf32, #tpu.memory_space<vmem_shared>> -> memref<80x128xf32, #tpu.memory_space<vmem_shared>>
      tpu.enqueue_dma source(%dma_start3A_282 : memref<80x128xf32, #tpu.memory_space<vmem_shared>>) target(%arg9 : memref<80x128xf32, #tpu.memory_space<vmem>>) target_semaphore(%run_scoped3A_278 : memref<!tpu.dma_semaphore, #tpu.memory_space<semaphore_mem>>)
      %dma_wait3A_283 = arith.constant 0 : i32
      %dma_wait3A_284 = tpu.memref_slice %arg10[%multiple_of3A_240, %dma_wait3A_283] : memref<5184x128xf32, #tpu.memory_space<vmem_shared>> -> memref<80x128xf32, #tpu.memory_space<vmem_shared>>
      %dma_wait3A_285 = arith.constant 0 : i32
      %dma_wait3A_286 = tpu.memref_slice %arg10[%multiple_of3A_240, %dma_wait3A_285] : memref<5184x128xf32, #tpu.memory_space<vmem_shared>> -> memref<80x128xf32, #tpu.memory_space<vmem_shared>>
      tpu.wait_dma2 semaphore(%run_scoped3A_278 : memref<!tpu.dma_semaphore, #tpu.memory_space<semaphore_mem>>) src(%dma_wait3A_286 : memref<80x128xf32, #tpu.memory_space<vmem_shared>>) dst(%arg9 : memref<80x128xf32, #tpu.memory_space<vmem>>)
      tpu.yield
    }) : () -> ()
    "tpu.region"() ({
      %run_scoped3A_278 = tpu.sem_alloc : memref<!tpu.dma_semaphore, #tpu.memory_space<semaphore_mem>>
      %dma_start3A_279 = arith.constant 0 : i32
      %dma_start3A_280 = arith.constant 0 : i32
      %dma_start3A_281 = tpu.memref_slice %arg5[%arg0, %dma_start3A_279, %dma_start3A_280] : memref<2x10240x128xf32, #tpu.memory_space<hbm>> -> memref<1x10240x128xf32, #tpu.memory_space<hbm>>
      %dma_start3A_282 = tpu.memref_squeeze %dma_start3A_281 : memref<1x10240x128xf32, #tpu.memory_space<hbm>> -> memref<10240x128xf32, #tpu.memory_space<hbm>>
      %dma_start3A_283 = arith.constant 0 : i32
      %dma_start3A_284 = tpu.memref_slice %dma_start3A_282[%multiple_of3A_235, %dma_start3A_283] : memref<10240x128xf32, #tpu.memory_space<hbm>> -> memref<80x128xf32, #tpu.memory_space<hbm>>
      %dma_start3A_285 = arith.constant 0 : i32
      %dma_start3A_286 = arith.constant 0 : i32
      %dma_start3A_287 = tpu.memref_slice %arg5[%arg0, %dma_start3A_285, %dma_start3A_286] : memref<2x10240x128xf32, #tpu.memory_space<hbm>> -> memref<1x10240x128xf32, #tpu.memory_space<hbm>>
      %dma_start3A_288 = tpu.memref_squeeze %dma_start3A_287 : memref<1x10240x128xf32, #tpu.memory_space<hbm>> -> memref<10240x128xf32, #tpu.memory_space<hbm>>
      %dma_start3A_289 = arith.constant 0 : i32
      %dma_start3A_290 = tpu.memref_slice %dma_start3A_288[%multiple_of3A_235, %dma_start3A_289] : memref<10240x128xf32, #tpu.memory_space<hbm>> -> memref<80x128xf32, #tpu.memory_space<hbm>>
      tpu.enqueue_dma source(%arg9 : memref<80x128xf32, #tpu.memory_space<vmem>>) target(%dma_start3A_290 : memref<80x128xf32, #tpu.memory_space<hbm>>) target_semaphore(%run_scoped3A_278 : memref<!tpu.dma_semaphore, #tpu.memory_space<semaphore_mem>>)
      %dma_wait3A_291 = arith.constant 0 : i32
      %dma_wait3A_292 = arith.constant 0 : i32
      %dma_wait3A_293 = tpu.memref_slice %arg5[%arg0, %dma_wait3A_291, %dma_wait3A_292] : memref<2x10240x128xf32, #tpu.memory_space<hbm>> -> memref<1x10240x128xf32, #tpu.memory_space<hbm>>
      %dma_wait3A_294 = tpu.memref_squeeze %dma_wait3A_293 : memref<1x10240x128xf32, #tpu.memory_space<hbm>> -> memref<10240x128xf32, #tpu.memory_space<hbm>>
      %dma_wait3A_295 = arith.constant 0 : i32
      %dma_wait3A_296 = tpu.memref_slice %dma_wait3A_294[%multiple_of3A_235, %dma_wait3A_295] : memref<10240x128xf32, #tpu.memory_space<hbm>> -> memref<80x128xf32, #tpu.memory_space<hbm>>
      %dma_wait3A_297 = arith.constant 0 : i32
      %dma_wait3A_298 = arith.constant 0 : i32
      %dma_wait3A_299 = tpu.memref_slice %arg5[%arg0, %dma_wait3A_297, %dma_wait3A_298] : memref<2x10240x128xf32, #tpu.memory_space<hbm>> -> memref<1x10240x128xf32, #tpu.memory_space<hbm>>
      %dma_wait3A_300 = tpu.memref_squeeze %dma_wait3A_299 : memref<1x10240x128xf32, #tpu.memory_space<hbm>> -> memref<10240x128xf32, #tpu.memory_space<hbm>>
      %dma_wait3A_301 = arith.constant 0 : i32
      %dma_wait3A_302 = tpu.memref_slice %dma_wait3A_300[%multiple_of3A_235, %dma_wait3A_301] : memref<10240x128xf32, #tpu.memory_space<hbm>> -> memref<80x128xf32, #tpu.memory_space<hbm>>
      tpu.wait_dma2 semaphore(%run_scoped3A_278 : memref<!tpu.dma_semaphore, #tpu.memory_space<semaphore_mem>>) src(%arg9 : memref<80x128xf32, #tpu.memory_space<vmem>>) dst(%dma_wait3A_302 : memref<80x128xf32, #tpu.memory_space<hbm>>)
      tpu.yield
    }) : () -> ()
    %mul3A_241 = arith.constant 320 : i32
    %mul3A_242 = arith.muli %arg1, %mul3A_241 : i32
    %add3A_243 = arith.constant 5120 : i32
    %add3A_244 = arith.addi %add3A_243, %mul3A_242 : i32
    %add3A_245 = arith.constant 80 : i32
    %add3A_246 = arith.addi %add3A_244, %add3A_245 : i32
    %multiple_of3A_247 = tpu.assume_multiple %add3A_246, 8 : i32
    %mul3A_248 = arith.constant 320 : i32
    %mul3A_249 = arith.muli %arg1, %mul3A_248 : i32
    %add3A_250 = arith.constant 80 : i32
    %add3A_251 = arith.addi %mul3A_249, %add3A_250 : i32
    %multiple_of3A_252 = tpu.assume_multiple %add3A_251, 8 : i32
    "tpu.region"() ({
      %run_scoped3A_278 = tpu.sem_alloc : memref<!tpu.dma_semaphore, #tpu.memory_space<semaphore_mem>>
      %dma_start3A_279 = arith.constant 0 : i32
      %dma_start3A_280 = tpu.memref_slice %arg10[%multiple_of3A_252, %dma_start3A_279] : memref<5184x128xf32, #tpu.memory_space<vmem_shared>> -> memref<80x128xf32, #tpu.memory_space<vmem_shared>>
      %dma_start3A_281 = arith.constant 0 : i32
      %dma_start3A_282 = tpu.memref_slice %arg10[%multiple_of3A_252, %dma_start3A_281] : memref<5184x128xf32, #tpu.memory_space<vmem_shared>> -> memref<80x128xf32, #tpu.memory_space<vmem_shared>>
      tpu.enqueue_dma source(%dma_start3A_282 : memref<80x128xf32, #tpu.memory_space<vmem_shared>>) target(%arg9 : memref<80x128xf32, #tpu.memory_space<vmem>>) target_semaphore(%run_scoped3A_278 : memref<!tpu.dma_semaphore, #tpu.memory_space<semaphore_mem>>)
      %dma_wait3A_283 = arith.constant 0 : i32
      %dma_wait3A_284 = tpu.memref_slice %arg10[%multiple_of3A_252, %dma_wait3A_283] : memref<5184x128xf32, #tpu.memory_space<vmem_shared>> -> memref<80x128xf32, #tpu.memory_space<vmem_shared>>
      %dma_wait3A_285 = arith.constant 0 : i32
      %dma_wait3A_286 = tpu.memref_slice %arg10[%multiple_of3A_252, %dma_wait3A_285] : memref<5184x128xf32, #tpu.memory_space<vmem_shared>> -> memref<80x128xf32, #tpu.memory_space<vmem_shared>>
      tpu.wait_dma2 semaphore(%run_scoped3A_278 : memref<!tpu.dma_semaphore, #tpu.memory_space<semaphore_mem>>) src(%dma_wait3A_286 : memref<80x128xf32, #tpu.memory_space<vmem_shared>>) dst(%arg9 : memref<80x128xf32, #tpu.memory_space<vmem>>)
      tpu.yield
    }) : () -> ()
    "tpu.region"() ({
      %run_scoped3A_278 = tpu.sem_alloc : memref<!tpu.dma_semaphore, #tpu.memory_space<semaphore_mem>>
      %dma_start3A_279 = arith.constant 0 : i32
      %dma_start3A_280 = arith.constant 0 : i32
      %dma_start3A_281 = tpu.memref_slice %arg5[%arg0, %dma_start3A_279, %dma_start3A_280] : memref<2x10240x128xf32, #tpu.memory_space<hbm>> -> memref<1x10240x128xf32, #tpu.memory_space<hbm>>
      %dma_start3A_282 = tpu.memref_squeeze %dma_start3A_281 : memref<1x10240x128xf32, #tpu.memory_space<hbm>> -> memref<10240x128xf32, #tpu.memory_space<hbm>>
      %dma_start3A_283 = arith.constant 0 : i32
      %dma_start3A_284 = tpu.memref_slice %dma_start3A_282[%multiple_of3A_247, %dma_start3A_283] : memref<10240x128xf32, #tpu.memory_space<hbm>> -> memref<80x128xf32, #tpu.memory_space<hbm>>
      %dma_start3A_285 = arith.constant 0 : i32
      %dma_start3A_286 = arith.constant 0 : i32
      %dma_start3A_287 = tpu.memref_slice %arg5[%arg0, %dma_start3A_285, %dma_start3A_286] : memref<2x10240x128xf32, #tpu.memory_space<hbm>> -> memref<1x10240x128xf32, #tpu.memory_space<hbm>>
      %dma_start3A_288 = tpu.memref_squeeze %dma_start3A_287 : memref<1x10240x128xf32, #tpu.memory_space<hbm>> -> memref<10240x128xf32, #tpu.memory_space<hbm>>
      %dma_start3A_289 = arith.constant 0 : i32
      %dma_start3A_290 = tpu.memref_slice %dma_start3A_288[%multiple_of3A_247, %dma_start3A_289] : memref<10240x128xf32, #tpu.memory_space<hbm>> -> memref<80x128xf32, #tpu.memory_space<hbm>>
      tpu.enqueue_dma source(%arg9 : memref<80x128xf32, #tpu.memory_space<vmem>>) target(%dma_start3A_290 : memref<80x128xf32, #tpu.memory_space<hbm>>) target_semaphore(%run_scoped3A_278 : memref<!tpu.dma_semaphore, #tpu.memory_space<semaphore_mem>>)
      %dma_wait3A_291 = arith.constant 0 : i32
      %dma_wait3A_292 = arith.constant 0 : i32
      %dma_wait3A_293 = tpu.memref_slice %arg5[%arg0, %dma_wait3A_291, %dma_wait3A_292] : memref<2x10240x128xf32, #tpu.memory_space<hbm>> -> memref<1x10240x128xf32, #tpu.memory_space<hbm>>
      %dma_wait3A_294 = tpu.memref_squeeze %dma_wait3A_293 : memref<1x10240x128xf32, #tpu.memory_space<hbm>> -> memref<10240x128xf32, #tpu.memory_space<hbm>>
      %dma_wait3A_295 = arith.constant 0 : i32
      %dma_wait3A_296 = tpu.memref_slice %dma_wait3A_294[%multiple_of3A_247, %dma_wait3A_295] : memref<10240x128xf32, #tpu.memory_space<hbm>> -> memref<80x128xf32, #tpu.memory_space<hbm>>
      %dma_wait3A_297 = arith.constant 0 : i32
      %dma_wait3A_298 = arith.constant 0 : i32
      %dma_wait3A_299 = tpu.memref_slice %arg5[%arg0, %dma_wait3A_297, %dma_wait3A_298] : memref<2x10240x128xf32, #tpu.memory_space<hbm>> -> memref<1x10240x128xf32, #tpu.memory_space<hbm>>
      %dma_wait3A_300 = tpu.memref_squeeze %dma_wait3A_299 : memref<1x10240x128xf32, #tpu.memory_space<hbm>> -> memref<10240x128xf32, #tpu.memory_space<hbm>>
      %dma_wait3A_301 = arith.constant 0 : i32
      %dma_wait3A_302 = tpu.memref_slice %dma_wait3A_300[%multiple_of3A_247, %dma_wait3A_301] : memref<10240x128xf32, #tpu.memory_space<hbm>> -> memref<80x128xf32, #tpu.memory_space<hbm>>
      tpu.wait_dma2 semaphore(%run_scoped3A_278 : memref<!tpu.dma_semaphore, #tpu.memory_space<semaphore_mem>>) src(%arg9 : memref<80x128xf32, #tpu.memory_space<vmem>>) dst(%dma_wait3A_302 : memref<80x128xf32, #tpu.memory_space<hbm>>)
      tpu.yield
    }) : () -> ()
    %mul3A_253 = arith.constant 320 : i32
    %mul3A_254 = arith.muli %arg1, %mul3A_253 : i32
    %add3A_255 = arith.constant 5120 : i32
    %add3A_256 = arith.addi %add3A_255, %mul3A_254 : i32
    %add3A_257 = arith.constant 160 : i32
    %add3A_258 = arith.addi %add3A_256, %add3A_257 : i32
    %multiple_of3A_259 = tpu.assume_multiple %add3A_258, 8 : i32
    %mul3A_260 = arith.constant 320 : i32
    %mul3A_261 = arith.muli %arg1, %mul3A_260 : i32
    %add3A_262 = arith.constant 160 : i32
    %add3A_263 = arith.addi %mul3A_261, %add3A_262 : i32
    %multiple_of3A_264 = tpu.assume_multiple %add3A_263, 8 : i32
    "tpu.region"() ({
      %run_scoped3A_278 = tpu.sem_alloc : memref<!tpu.dma_semaphore, #tpu.memory_space<semaphore_mem>>
      %dma_start3A_279 = arith.constant 0 : i32
      %dma_start3A_280 = tpu.memref_slice %arg10[%multiple_of3A_264, %dma_start3A_279] : memref<5184x128xf32, #tpu.memory_space<vmem_shared>> -> memref<80x128xf32, #tpu.memory_space<vmem_shared>>
      %dma_start3A_281 = arith.constant 0 : i32
      %dma_start3A_282 = tpu.memref_slice %arg10[%multiple_of3A_264, %dma_start3A_281] : memref<5184x128xf32, #tpu.memory_space<vmem_shared>> -> memref<80x128xf32, #tpu.memory_space<vmem_shared>>
      tpu.enqueue_dma source(%dma_start3A_282 : memref<80x128xf32, #tpu.memory_space<vmem_shared>>) target(%arg9 : memref<80x128xf32, #tpu.memory_space<vmem>>) target_semaphore(%run_scoped3A_278 : memref<!tpu.dma_semaphore, #tpu.memory_space<semaphore_mem>>)
      %dma_wait3A_283 = arith.constant 0 : i32
      %dma_wait3A_284 = tpu.memref_slice %arg10[%multiple_of3A_264, %dma_wait3A_283] : memref<5184x128xf32, #tpu.memory_space<vmem_shared>> -> memref<80x128xf32, #tpu.memory_space<vmem_shared>>
      %dma_wait3A_285 = arith.constant 0 : i32
      %dma_wait3A_286 = tpu.memref_slice %arg10[%multiple_of3A_264, %dma_wait3A_285] : memref<5184x128xf32, #tpu.memory_space<vmem_shared>> -> memref<80x128xf32, #tpu.memory_space<vmem_shared>>
      tpu.wait_dma2 semaphore(%run_scoped3A_278 : memref<!tpu.dma_semaphore, #tpu.memory_space<semaphore_mem>>) src(%dma_wait3A_286 : memref<80x128xf32, #tpu.memory_space<vmem_shared>>) dst(%arg9 : memref<80x128xf32, #tpu.memory_space<vmem>>)
      tpu.yield
    }) : () -> ()
    "tpu.region"() ({
      %run_scoped3A_278 = tpu.sem_alloc : memref<!tpu.dma_semaphore, #tpu.memory_space<semaphore_mem>>
      %dma_start3A_279 = arith.constant 0 : i32
      %dma_start3A_280 = arith.constant 0 : i32
      %dma_start3A_281 = tpu.memref_slice %arg5[%arg0, %dma_start3A_279, %dma_start3A_280] : memref<2x10240x128xf32, #tpu.memory_space<hbm>> -> memref<1x10240x128xf32, #tpu.memory_space<hbm>>
      %dma_start3A_282 = tpu.memref_squeeze %dma_start3A_281 : memref<1x10240x128xf32, #tpu.memory_space<hbm>> -> memref<10240x128xf32, #tpu.memory_space<hbm>>
      %dma_start3A_283 = arith.constant 0 : i32
      %dma_start3A_284 = tpu.memref_slice %dma_start3A_282[%multiple_of3A_259, %dma_start3A_283] : memref<10240x128xf32, #tpu.memory_space<hbm>> -> memref<80x128xf32, #tpu.memory_space<hbm>>
      %dma_start3A_285 = arith.constant 0 : i32
      %dma_start3A_286 = arith.constant 0 : i32
      %dma_start3A_287 = tpu.memref_slice %arg5[%arg0, %dma_start3A_285, %dma_start3A_286] : memref<2x10240x128xf32, #tpu.memory_space<hbm>> -> memref<1x10240x128xf32, #tpu.memory_space<hbm>>
      %dma_start3A_288 = tpu.memref_squeeze %dma_start3A_287 : memref<1x10240x128xf32, #tpu.memory_space<hbm>> -> memref<10240x128xf32, #tpu.memory_space<hbm>>
      %dma_start3A_289 = arith.constant 0 : i32
      %dma_start3A_290 = tpu.memref_slice %dma_start3A_288[%multiple_of3A_259, %dma_start3A_289] : memref<10240x128xf32, #tpu.memory_space<hbm>> -> memref<80x128xf32, #tpu.memory_space<hbm>>
      tpu.enqueue_dma source(%arg9 : memref<80x128xf32, #tpu.memory_space<vmem>>) target(%dma_start3A_290 : memref<80x128xf32, #tpu.memory_space<hbm>>) target_semaphore(%run_scoped3A_278 : memref<!tpu.dma_semaphore, #tpu.memory_space<semaphore_mem>>)
      %dma_wait3A_291 = arith.constant 0 : i32
      %dma_wait3A_292 = arith.constant 0 : i32
      %dma_wait3A_293 = tpu.memref_slice %arg5[%arg0, %dma_wait3A_291, %dma_wait3A_292] : memref<2x10240x128xf32, #tpu.memory_space<hbm>> -> memref<1x10240x128xf32, #tpu.memory_space<hbm>>
      %dma_wait3A_294 = tpu.memref_squeeze %dma_wait3A_293 : memref<1x10240x128xf32, #tpu.memory_space<hbm>> -> memref<10240x128xf32, #tpu.memory_space<hbm>>
      %dma_wait3A_295 = arith.constant 0 : i32
      %dma_wait3A_296 = tpu.memref_slice %dma_wait3A_294[%multiple_of3A_259, %dma_wait3A_295] : memref<10240x128xf32, #tpu.memory_space<hbm>> -> memref<80x128xf32, #tpu.memory_space<hbm>>
      %dma_wait3A_297 = arith.constant 0 : i32
      %dma_wait3A_298 = arith.constant 0 : i32
      %dma_wait3A_299 = tpu.memref_slice %arg5[%arg0, %dma_wait3A_297, %dma_wait3A_298] : memref<2x10240x128xf32, #tpu.memory_space<hbm>> -> memref<1x10240x128xf32, #tpu.memory_space<hbm>>
      %dma_wait3A_300 = tpu.memref_squeeze %dma_wait3A_299 : memref<1x10240x128xf32, #tpu.memory_space<hbm>> -> memref<10240x128xf32, #tpu.memory_space<hbm>>
      %dma_wait3A_301 = arith.constant 0 : i32
      %dma_wait3A_302 = tpu.memref_slice %dma_wait3A_300[%multiple_of3A_259, %dma_wait3A_301] : memref<10240x128xf32, #tpu.memory_space<hbm>> -> memref<80x128xf32, #tpu.memory_space<hbm>>
      tpu.wait_dma2 semaphore(%run_scoped3A_278 : memref<!tpu.dma_semaphore, #tpu.memory_space<semaphore_mem>>) src(%arg9 : memref<80x128xf32, #tpu.memory_space<vmem>>) dst(%dma_wait3A_302 : memref<80x128xf32, #tpu.memory_space<hbm>>)
      tpu.yield
    }) : () -> ()
    %mul3A_265 = arith.constant 320 : i32
    %mul3A_266 = arith.muli %arg1, %mul3A_265 : i32
    %add3A_267 = arith.constant 5120 : i32
    %add3A_268 = arith.addi %add3A_267, %mul3A_266 : i32
    %add3A_269 = arith.constant 240 : i32
    %add3A_270 = arith.addi %add3A_268, %add3A_269 : i32
    %multiple_of3A_271 = tpu.assume_multiple %add3A_270, 8 : i32
    %mul3A_272 = arith.constant 320 : i32
    %mul3A_273 = arith.muli %arg1, %mul3A_272 : i32
    %add3A_274 = arith.constant 240 : i32
    %add3A_275 = arith.addi %mul3A_273, %add3A_274 : i32
    %multiple_of3A_276 = tpu.assume_multiple %add3A_275, 8 : i32
    "tpu.region"() ({
      %run_scoped3A_278 = tpu.sem_alloc : memref<!tpu.dma_semaphore, #tpu.memory_space<semaphore_mem>>
      %dma_start3A_279 = arith.constant 0 : i32
      %dma_start3A_280 = tpu.memref_slice %arg10[%multiple_of3A_276, %dma_start3A_279] : memref<5184x128xf32, #tpu.memory_space<vmem_shared>> -> memref<80x128xf32, #tpu.memory_space<vmem_shared>>
      %dma_start3A_281 = arith.constant 0 : i32
      %dma_start3A_282 = tpu.memref_slice %arg10[%multiple_of3A_276, %dma_start3A_281] : memref<5184x128xf32, #tpu.memory_space<vmem_shared>> -> memref<80x128xf32, #tpu.memory_space<vmem_shared>>
      tpu.enqueue_dma source(%dma_start3A_282 : memref<80x128xf32, #tpu.memory_space<vmem_shared>>) target(%arg9 : memref<80x128xf32, #tpu.memory_space<vmem>>) target_semaphore(%run_scoped3A_278 : memref<!tpu.dma_semaphore, #tpu.memory_space<semaphore_mem>>)
      %dma_wait3A_283 = arith.constant 0 : i32
      %dma_wait3A_284 = tpu.memref_slice %arg10[%multiple_of3A_276, %dma_wait3A_283] : memref<5184x128xf32, #tpu.memory_space<vmem_shared>> -> memref<80x128xf32, #tpu.memory_space<vmem_shared>>
      %dma_wait3A_285 = arith.constant 0 : i32
      %dma_wait3A_286 = tpu.memref_slice %arg10[%multiple_of3A_276, %dma_wait3A_285] : memref<5184x128xf32, #tpu.memory_space<vmem_shared>> -> memref<80x128xf32, #tpu.memory_space<vmem_shared>>
      tpu.wait_dma2 semaphore(%run_scoped3A_278 : memref<!tpu.dma_semaphore, #tpu.memory_space<semaphore_mem>>) src(%dma_wait3A_286 : memref<80x128xf32, #tpu.memory_space<vmem_shared>>) dst(%arg9 : memref<80x128xf32, #tpu.memory_space<vmem>>)
      tpu.yield
    }) : () -> ()
    "tpu.region"() ({
      %run_scoped3A_278 = tpu.sem_alloc : memref<!tpu.dma_semaphore, #tpu.memory_space<semaphore_mem>>
      %dma_start3A_279 = arith.constant 0 : i32
      %dma_start3A_280 = arith.constant 0 : i32
      %dma_start3A_281 = tpu.memref_slice %arg5[%arg0, %dma_start3A_279, %dma_start3A_280] : memref<2x10240x128xf32, #tpu.memory_space<hbm>> -> memref<1x10240x128xf32, #tpu.memory_space<hbm>>
      %dma_start3A_282 = tpu.memref_squeeze %dma_start3A_281 : memref<1x10240x128xf32, #tpu.memory_space<hbm>> -> memref<10240x128xf32, #tpu.memory_space<hbm>>
      %dma_start3A_283 = arith.constant 0 : i32
      %dma_start3A_284 = tpu.memref_slice %dma_start3A_282[%multiple_of3A_271, %dma_start3A_283] : memref<10240x128xf32, #tpu.memory_space<hbm>> -> memref<80x128xf32, #tpu.memory_space<hbm>>
      %dma_start3A_285 = arith.constant 0 : i32
      %dma_start3A_286 = arith.constant 0 : i32
      %dma_start3A_287 = tpu.memref_slice %arg5[%arg0, %dma_start3A_285, %dma_start3A_286] : memref<2x10240x128xf32, #tpu.memory_space<hbm>> -> memref<1x10240x128xf32, #tpu.memory_space<hbm>>
      %dma_start3A_288 = tpu.memref_squeeze %dma_start3A_287 : memref<1x10240x128xf32, #tpu.memory_space<hbm>> -> memref<10240x128xf32, #tpu.memory_space<hbm>>
      %dma_start3A_289 = arith.constant 0 : i32
      %dma_start3A_290 = tpu.memref_slice %dma_start3A_288[%multiple_of3A_271, %dma_start3A_289] : memref<10240x128xf32, #tpu.memory_space<hbm>> -> memref<80x128xf32, #tpu.memory_space<hbm>>
      tpu.enqueue_dma source(%arg9 : memref<80x128xf32, #tpu.memory_space<vmem>>) target(%dma_start3A_290 : memref<80x128xf32, #tpu.memory_space<hbm>>) target_semaphore(%run_scoped3A_278 : memref<!tpu.dma_semaphore, #tpu.memory_space<semaphore_mem>>)
      %dma_wait3A_291 = arith.constant 0 : i32
      %dma_wait3A_292 = arith.constant 0 : i32
      %dma_wait3A_293 = tpu.memref_slice %arg5[%arg0, %dma_wait3A_291, %dma_wait3A_292] : memref<2x10240x128xf32, #tpu.memory_space<hbm>> -> memref<1x10240x128xf32, #tpu.memory_space<hbm>>
      %dma_wait3A_294 = tpu.memref_squeeze %dma_wait3A_293 : memref<1x10240x128xf32, #tpu.memory_space<hbm>> -> memref<10240x128xf32, #tpu.memory_space<hbm>>
      %dma_wait3A_295 = arith.constant 0 : i32
      %dma_wait3A_296 = tpu.memref_slice %dma_wait3A_294[%multiple_of3A_271, %dma_wait3A_295] : memref<10240x128xf32, #tpu.memory_space<hbm>> -> memref<80x128xf32, #tpu.memory_space<hbm>>
      %dma_wait3A_297 = arith.constant 0 : i32
      %dma_wait3A_298 = arith.constant 0 : i32
      %dma_wait3A_299 = tpu.memref_slice %arg5[%arg0, %dma_wait3A_297, %dma_wait3A_298] : memref<2x10240x128xf32, #tpu.memory_space<hbm>> -> memref<1x10240x128xf32, #tpu.memory_space<hbm>>
      %dma_wait3A_300 = tpu.memref_squeeze %dma_wait3A_299 : memref<1x10240x128xf32, #tpu.memory_space<hbm>> -> memref<10240x128xf32, #tpu.memory_space<hbm>>
      %dma_wait3A_301 = arith.constant 0 : i32
      %dma_wait3A_302 = tpu.memref_slice %dma_wait3A_300[%multiple_of3A_271, %dma_wait3A_301] : memref<10240x128xf32, #tpu.memory_space<hbm>> -> memref<80x128xf32, #tpu.memory_space<hbm>>
      tpu.wait_dma2 semaphore(%run_scoped3A_278 : memref<!tpu.dma_semaphore, #tpu.memory_space<semaphore_mem>>) src(%arg9 : memref<80x128xf32, #tpu.memory_space<vmem>>) dst(%dma_wait3A_302 : memref<80x128xf32, #tpu.memory_space<hbm>>)
      tpu.yield
    }) : () -> ()
    %barrier3A_277 = arith.constant 0 : index
    tpu.barrier barrier_id(%barrier3A_277)
    return
  }
}

#map = affine_map<(d0, d1) -> (0, 0)>
#map1 = affine_map<(d0, d1) -> (0, 0, 0)>
module attributes {stable_mosaic.version = 14 : i64} {
  func.func @_prop2_body(%arg0: i32, %arg1: i32, %arg2: memref<10240x128xf32, #tpu.memory_space<hbm>>, %arg3: memref<16x125x80xi32, #tpu.memory_space<hbm>>, %arg4: memref<16x125x80xi32, #tpu.memory_space<hbm>>, %arg5: memref<10240x128xf32, #tpu.memory_space<hbm>>, %arg6: memref<125x80xi32, #tpu.memory_space<vmem>>, %arg7: memref<125x80xi32, #tpu.memory_space<vmem>>, %arg8: memref<2x80x128xf32, #tpu.memory_space<vmem>>, %arg9: memref<80x128xf32, #tpu.memory_space<vmem>>, %arg10: memref<5184x128xf32, #tpu.memory_space<vmem_shared>>, %arg11: memref<!tpu.dma_semaphore, #tpu.memory_space<semaphore_mem>>, %arg12: memref<!tpu.dma_semaphore, #tpu.memory_space<semaphore_mem>>) attributes {dimension_semantics = [#tpu.dimension_semantics<core_parallel>, #tpu.dimension_semantics<subcore_parallel>], iteration_bounds = array<i64: 2, 16>, scalar_prefetch = 0 : i64, scratch_operands = 7 : i64, tpu.core_type = #tpu.core_type<sc_vector_subcore>, window_params = [{transform_indices = #map}, {transform_indices = #map1}, {transform_indices = #map1}, {transform_indices = #map}]} {
    "tpu.region"() ({
      %run_scoped3A_122 = tpu.sem_alloc : memref<!tpu.dma_semaphore, #tpu.memory_space<semaphore_mem>>
      %dma_start3A_123 = arith.constant 0 : i32
      %dma_start3A_124 = arith.constant 0 : i32
      %dma_start3A_125 = tpu.memref_slice %arg3[%arg1, %dma_start3A_123, %dma_start3A_124] : memref<16x125x80xi32, #tpu.memory_space<hbm>> -> memref<1x125x80xi32, #tpu.memory_space<hbm>>
      %dma_start3A_126 = tpu.memref_squeeze %dma_start3A_125 : memref<1x125x80xi32, #tpu.memory_space<hbm>> -> memref<125x80xi32, #tpu.memory_space<hbm>>
      %dma_start3A_127 = arith.constant 0 : i32
      %dma_start3A_128 = arith.constant 0 : i32
      %dma_start3A_129 = tpu.memref_slice %arg3[%arg1, %dma_start3A_127, %dma_start3A_128] : memref<16x125x80xi32, #tpu.memory_space<hbm>> -> memref<1x125x80xi32, #tpu.memory_space<hbm>>
      %dma_start3A_130 = tpu.memref_squeeze %dma_start3A_129 : memref<1x125x80xi32, #tpu.memory_space<hbm>> -> memref<125x80xi32, #tpu.memory_space<hbm>>
      tpu.enqueue_dma source(%dma_start3A_130 : memref<125x80xi32, #tpu.memory_space<hbm>>) target(%arg6 : memref<125x80xi32, #tpu.memory_space<vmem>>) target_semaphore(%run_scoped3A_122 : memref<!tpu.dma_semaphore, #tpu.memory_space<semaphore_mem>>)
      %dma_wait3A_131 = arith.constant 0 : i32
      %dma_wait3A_132 = arith.constant 0 : i32
      %dma_wait3A_133 = tpu.memref_slice %arg3[%arg1, %dma_wait3A_131, %dma_wait3A_132] : memref<16x125x80xi32, #tpu.memory_space<hbm>> -> memref<1x125x80xi32, #tpu.memory_space<hbm>>
      %dma_wait3A_134 = tpu.memref_squeeze %dma_wait3A_133 : memref<1x125x80xi32, #tpu.memory_space<hbm>> -> memref<125x80xi32, #tpu.memory_space<hbm>>
      %dma_wait3A_135 = arith.constant 0 : i32
      %dma_wait3A_136 = arith.constant 0 : i32
      %dma_wait3A_137 = tpu.memref_slice %arg3[%arg1, %dma_wait3A_135, %dma_wait3A_136] : memref<16x125x80xi32, #tpu.memory_space<hbm>> -> memref<1x125x80xi32, #tpu.memory_space<hbm>>
      %dma_wait3A_138 = tpu.memref_squeeze %dma_wait3A_137 : memref<1x125x80xi32, #tpu.memory_space<hbm>> -> memref<125x80xi32, #tpu.memory_space<hbm>>
      tpu.wait_dma2 semaphore(%run_scoped3A_122 : memref<!tpu.dma_semaphore, #tpu.memory_space<semaphore_mem>>) src(%dma_wait3A_138 : memref<125x80xi32, #tpu.memory_space<hbm>>) dst(%arg6 : memref<125x80xi32, #tpu.memory_space<vmem>>)
      tpu.yield
    }) : () -> ()
    %mul3A = arith.constant 5120 : i32
    %mul3A_0 = arith.muli %arg0, %mul3A : i32
    %multiple_of3A = tpu.assume_multiple %mul3A_0, 8 : i32
    "tpu.region"() ({
      %run_scoped3A_122 = tpu.sem_alloc : memref<!tpu.dma_semaphore, #tpu.memory_space<semaphore_mem>>
      %dma_start3A_123 = arith.constant 0 : i32
      %dma_start3A_124 = arith.constant 0 : i32
      %dma_start3A_125 = tpu.memref_slice %arg4[%arg1, %dma_start3A_123, %dma_start3A_124] : memref<16x125x80xi32, #tpu.memory_space<hbm>> -> memref<1x125x80xi32, #tpu.memory_space<hbm>>
      %dma_start3A_126 = tpu.memref_squeeze %dma_start3A_125 : memref<1x125x80xi32, #tpu.memory_space<hbm>> -> memref<125x80xi32, #tpu.memory_space<hbm>>
      %dma_start3A_127 = arith.constant 0 : i32
      %dma_start3A_128 = arith.constant 0 : i32
      %dma_start3A_129 = tpu.memref_slice %arg4[%arg1, %dma_start3A_127, %dma_start3A_128] : memref<16x125x80xi32, #tpu.memory_space<hbm>> -> memref<1x125x80xi32, #tpu.memory_space<hbm>>
      %dma_start3A_130 = tpu.memref_squeeze %dma_start3A_129 : memref<1x125x80xi32, #tpu.memory_space<hbm>> -> memref<125x80xi32, #tpu.memory_space<hbm>>
      tpu.enqueue_dma source(%dma_start3A_130 : memref<125x80xi32, #tpu.memory_space<hbm>>) target(%arg7 : memref<125x80xi32, #tpu.memory_space<vmem>>) target_semaphore(%run_scoped3A_122 : memref<!tpu.dma_semaphore, #tpu.memory_space<semaphore_mem>>)
      %dma_wait3A_131 = arith.constant 0 : i32
      %dma_wait3A_132 = arith.constant 0 : i32
      %dma_wait3A_133 = tpu.memref_slice %arg4[%arg1, %dma_wait3A_131, %dma_wait3A_132] : memref<16x125x80xi32, #tpu.memory_space<hbm>> -> memref<1x125x80xi32, #tpu.memory_space<hbm>>
      %dma_wait3A_134 = tpu.memref_squeeze %dma_wait3A_133 : memref<1x125x80xi32, #tpu.memory_space<hbm>> -> memref<125x80xi32, #tpu.memory_space<hbm>>
      %dma_wait3A_135 = arith.constant 0 : i32
      %dma_wait3A_136 = arith.constant 0 : i32
      %dma_wait3A_137 = tpu.memref_slice %arg4[%arg1, %dma_wait3A_135, %dma_wait3A_136] : memref<16x125x80xi32, #tpu.memory_space<hbm>> -> memref<1x125x80xi32, #tpu.memory_space<hbm>>
      %dma_wait3A_138 = tpu.memref_squeeze %dma_wait3A_137 : memref<1x125x80xi32, #tpu.memory_space<hbm>> -> memref<125x80xi32, #tpu.memory_space<hbm>>
      tpu.wait_dma2 semaphore(%run_scoped3A_122 : memref<!tpu.dma_semaphore, #tpu.memory_space<semaphore_mem>>) src(%dma_wait3A_138 : memref<125x80xi32, #tpu.memory_space<hbm>>) dst(%arg7 : memref<125x80xi32, #tpu.memory_space<vmem>>)
      tpu.yield
    }) : () -> ()
    %scan3A = arith.constant 0 : i32
    %scan3A_1 = arith.constant 125 : i32
    %scan3A_2 = arith.addi %scan3A, %scan3A_1 : i32
    %scan3A_3 = arith.constant 1 : i32
    scf.for %scan3A_122 = %scan3A to %scan3A_2 step %scan3A_3  : i32 {
      %get3A = arith.index_cast %scan3A_122 : i32 to index
      %get3A_123 = arith.constant 0 : index
      %get3A_124 = tpu.vector_load %arg7[%get3A, %get3A_123] {strides = array<i32>} : memref<125x80xi32, #tpu.memory_space<vmem>>, vector<1x16xi32>,
      %get3A_125 = vector.shape_cast %get3A_124 : vector<1x16xi32> to vector<16xi32>
      %sub3A = vector.broadcast %multiple_of3A : i32 to vector<16xi32>
      %sub3A_126 = arith.subi %get3A_125, %sub3A : vector<16xi32>
      %ge3A = arith.constant 0 : i32
      %ge3A_127 = vector.broadcast %ge3A : i32 to vector<16xi32>
      %ge3A_128 = arith.cmpi sge, %sub3A_126, %ge3A_127 : vector<16xi32>
      %lt3A = arith.constant 5120 : i32
      %lt3A_129 = vector.broadcast %lt3A : i32 to vector<16xi32>
      %lt3A_130 = arith.cmpi slt, %sub3A_126, %lt3A_129 : vector<16xi32>
      %and3A = arith.andi %ge3A_128, %lt3A_130 : vector<16xi1>
      %and3A_131 = arith.constant 63 : i32
      %and3A_132 = vector.broadcast %and3A_131 : i32 to vector<16xi32>
      %and3A_133 = arith.andi %get3A_125, %and3A_132 : vector<16xi32>
      %add3A_134 = arith.constant 5120 : i32
      %add3A_135 = vector.broadcast %add3A_134 : i32 to vector<16xi32>
      %add3A_136 = arith.addi %add3A_135, %and3A_133 : vector<16xi32>
      %select_n3A = arith.select %and3A, %sub3A_126, %add3A_136 : vector<16xi1>, vector<16xi32>
      %swap3A = arith.index_cast %scan3A_122 : i32 to index
      %swap3A_137 = arith.constant 0 : index
      %swap3A_138 = tpu.vector_load %arg7[%swap3A, %swap3A_137] {strides = array<i32>} : memref<125x80xi32, #tpu.memory_space<vmem>>, vector<1x16xi32>,
      %swap3A_139 = vector.shape_cast %swap3A_138 : vector<1x16xi32> to vector<16xi32>
      %swap3A_140 = vector.shape_cast %select_n3A : vector<16xi32> to vector<1x16xi32>
      tpu.vector_store %arg7[%swap3A, %swap3A_137], %swap3A_140 {strides = array<i32>} : memref<125x80xi32, #tpu.memory_space<vmem>>, vector<1x16xi32>,
      %get3A_141 = arith.index_cast %scan3A_122 : i32 to index
      %get3A_142 = arith.constant 16 : index
      %get3A_143 = tpu.vector_load %arg7[%get3A_141, %get3A_142] {strides = array<i32>} : memref<125x80xi32, #tpu.memory_space<vmem>>, vector<1x16xi32>,
      %get3A_144 = vector.shape_cast %get3A_143 : vector<1x16xi32> to vector<16xi32>
      %sub3A_145 = vector.broadcast %multiple_of3A : i32 to vector<16xi32>
      %sub3A_146 = arith.subi %get3A_144, %sub3A_145 : vector<16xi32>
      %ge3A_147 = arith.constant 0 : i32
      %ge3A_148 = vector.broadcast %ge3A_147 : i32 to vector<16xi32>
      %ge3A_149 = arith.cmpi sge, %sub3A_146, %ge3A_148 : vector<16xi32>
      %lt3A_150 = arith.constant 5120 : i32
      %lt3A_151 = vector.broadcast %lt3A_150 : i32 to vector<16xi32>
      %lt3A_152 = arith.cmpi slt, %sub3A_146, %lt3A_151 : vector<16xi32>
      %and3A_153 = arith.andi %ge3A_149, %lt3A_152 : vector<16xi1>
      %and3A_154 = arith.constant 63 : i32
      %and3A_155 = vector.broadcast %and3A_154 : i32 to vector<16xi32>
      %and3A_156 = arith.andi %get3A_144, %and3A_155 : vector<16xi32>
      %add3A_157 = arith.constant 5120 : i32
      %add3A_158 = vector.broadcast %add3A_157 : i32 to vector<16xi32>
      %add3A_159 = arith.addi %add3A_158, %and3A_156 : vector<16xi32>
      %select_n3A_160 = arith.select %and3A_153, %sub3A_146, %add3A_159 : vector<16xi1>, vector<16xi32>
      %swap3A_161 = arith.index_cast %scan3A_122 : i32 to index
      %swap3A_162 = arith.constant 16 : index
      %swap3A_163 = tpu.vector_load %arg7[%swap3A_161, %swap3A_162] {strides = array<i32>} : memref<125x80xi32, #tpu.memory_space<vmem>>, vector<1x16xi32>,
      %swap3A_164 = vector.shape_cast %swap3A_163 : vector<1x16xi32> to vector<16xi32>
      %swap3A_165 = vector.shape_cast %select_n3A_160 : vector<16xi32> to vector<1x16xi32>
      tpu.vector_store %arg7[%swap3A_161, %swap3A_162], %swap3A_165 {strides = array<i32>} : memref<125x80xi32, #tpu.memory_space<vmem>>, vector<1x16xi32>,
      %get3A_166 = arith.index_cast %scan3A_122 : i32 to index
      %get3A_167 = arith.constant 32 : index
      %get3A_168 = tpu.vector_load %arg7[%get3A_166, %get3A_167] {strides = array<i32>} : memref<125x80xi32, #tpu.memory_space<vmem>>, vector<1x16xi32>,
      %get3A_169 = vector.shape_cast %get3A_168 : vector<1x16xi32> to vector<16xi32>
      %sub3A_170 = vector.broadcast %multiple_of3A : i32 to vector<16xi32>
      %sub3A_171 = arith.subi %get3A_169, %sub3A_170 : vector<16xi32>
      %ge3A_172 = arith.constant 0 : i32
      %ge3A_173 = vector.broadcast %ge3A_172 : i32 to vector<16xi32>
      %ge3A_174 = arith.cmpi sge, %sub3A_171, %ge3A_173 : vector<16xi32>
      %lt3A_175 = arith.constant 5120 : i32
      %lt3A_176 = vector.broadcast %lt3A_175 : i32 to vector<16xi32>
      %lt3A_177 = arith.cmpi slt, %sub3A_171, %lt3A_176 : vector<16xi32>
      %and3A_178 = arith.andi %ge3A_174, %lt3A_177 : vector<16xi1>
      %and3A_179 = arith.constant 63 : i32
      %and3A_180 = vector.broadcast %and3A_179 : i32 to vector<16xi32>
      %and3A_181 = arith.andi %get3A_169, %and3A_180 : vector<16xi32>
      %add3A_182 = arith.constant 5120 : i32
      %add3A_183 = vector.broadcast %add3A_182 : i32 to vector<16xi32>
      %add3A_184 = arith.addi %add3A_183, %and3A_181 : vector<16xi32>
      %select_n3A_185 = arith.select %and3A_178, %sub3A_171, %add3A_184 : vector<16xi1>, vector<16xi32>
      %swap3A_186 = arith.index_cast %scan3A_122 : i32 to index
      %swap3A_187 = arith.constant 32 : index
      %swap3A_188 = tpu.vector_load %arg7[%swap3A_186, %swap3A_187] {strides = array<i32>} : memref<125x80xi32, #tpu.memory_space<vmem>>, vector<1x16xi32>,
      %swap3A_189 = vector.shape_cast %swap3A_188 : vector<1x16xi32> to vector<16xi32>
      %swap3A_190 = vector.shape_cast %select_n3A_185 : vector<16xi32> to vector<1x16xi32>
      tpu.vector_store %arg7[%swap3A_186, %swap3A_187], %swap3A_190 {strides = array<i32>} : memref<125x80xi32, #tpu.memory_space<vmem>>, vector<1x16xi32>,
      %get3A_191 = arith.index_cast %scan3A_122 : i32 to index
      %get3A_192 = arith.constant 48 : index
      %get3A_193 = tpu.vector_load %arg7[%get3A_191, %get3A_192] {strides = array<i32>} : memref<125x80xi32, #tpu.memory_space<vmem>>, vector<1x16xi32>,
      %get3A_194 = vector.shape_cast %get3A_193 : vector<1x16xi32> to vector<16xi32>
      %sub3A_195 = vector.broadcast %multiple_of3A : i32 to vector<16xi32>
      %sub3A_196 = arith.subi %get3A_194, %sub3A_195 : vector<16xi32>
      %ge3A_197 = arith.constant 0 : i32
      %ge3A_198 = vector.broadcast %ge3A_197 : i32 to vector<16xi32>
      %ge3A_199 = arith.cmpi sge, %sub3A_196, %ge3A_198 : vector<16xi32>
      %lt3A_200 = arith.constant 5120 : i32
      %lt3A_201 = vector.broadcast %lt3A_200 : i32 to vector<16xi32>
      %lt3A_202 = arith.cmpi slt, %sub3A_196, %lt3A_201 : vector<16xi32>
      %and3A_203 = arith.andi %ge3A_199, %lt3A_202 : vector<16xi1>
      %and3A_204 = arith.constant 63 : i32
      %and3A_205 = vector.broadcast %and3A_204 : i32 to vector<16xi32>
      %and3A_206 = arith.andi %get3A_194, %and3A_205 : vector<16xi32>
      %add3A_207 = arith.constant 5120 : i32
      %add3A_208 = vector.broadcast %add3A_207 : i32 to vector<16xi32>
      %add3A_209 = arith.addi %add3A_208, %and3A_206 : vector<16xi32>
      %select_n3A_210 = arith.select %and3A_203, %sub3A_196, %add3A_209 : vector<16xi1>, vector<16xi32>
      %swap3A_211 = arith.index_cast %scan3A_122 : i32 to index
      %swap3A_212 = arith.constant 48 : index
      %swap3A_213 = tpu.vector_load %arg7[%swap3A_211, %swap3A_212] {strides = array<i32>} : memref<125x80xi32, #tpu.memory_space<vmem>>, vector<1x16xi32>,
      %swap3A_214 = vector.shape_cast %swap3A_213 : vector<1x16xi32> to vector<16xi32>
      %swap3A_215 = vector.shape_cast %select_n3A_210 : vector<16xi32> to vector<1x16xi32>
      tpu.vector_store %arg7[%swap3A_211, %swap3A_212], %swap3A_215 {strides = array<i32>} : memref<125x80xi32, #tpu.memory_space<vmem>>, vector<1x16xi32>,
      %get3A_216 = arith.index_cast %scan3A_122 : i32 to index
      %get3A_217 = arith.constant 64 : index
      %get3A_218 = tpu.vector_load %arg7[%get3A_216, %get3A_217] {strides = array<i32>} : memref<125x80xi32, #tpu.memory_space<vmem>>, vector<1x16xi32>,
      %get3A_219 = vector.shape_cast %get3A_218 : vector<1x16xi32> to vector<16xi32>
      %sub3A_220 = vector.broadcast %multiple_of3A : i32 to vector<16xi32>
      %sub3A_221 = arith.subi %get3A_219, %sub3A_220 : vector<16xi32>
      %ge3A_222 = arith.constant 0 : i32
      %ge3A_223 = vector.broadcast %ge3A_222 : i32 to vector<16xi32>
      %ge3A_224 = arith.cmpi sge, %sub3A_221, %ge3A_223 : vector<16xi32>
      %lt3A_225 = arith.constant 5120 : i32
      %lt3A_226 = vector.broadcast %lt3A_225 : i32 to vector<16xi32>
      %lt3A_227 = arith.cmpi slt, %sub3A_221, %lt3A_226 : vector<16xi32>
      %and3A_228 = arith.andi %ge3A_224, %lt3A_227 : vector<16xi1>
      %and3A_229 = arith.constant 63 : i32
      %and3A_230 = vector.broadcast %and3A_229 : i32 to vector<16xi32>
      %and3A_231 = arith.andi %get3A_219, %and3A_230 : vector<16xi32>
      %add3A_232 = arith.constant 5120 : i32
      %add3A_233 = vector.broadcast %add3A_232 : i32 to vector<16xi32>
      %add3A_234 = arith.addi %add3A_233, %and3A_231 : vector<16xi32>
      %select_n3A_235 = arith.select %and3A_228, %sub3A_221, %add3A_234 : vector<16xi1>, vector<16xi32>
      %swap3A_236 = arith.index_cast %scan3A_122 : i32 to index
      %swap3A_237 = arith.constant 64 : index
      %swap3A_238 = tpu.vector_load %arg7[%swap3A_236, %swap3A_237] {strides = array<i32>} : memref<125x80xi32, #tpu.memory_space<vmem>>, vector<1x16xi32>,
      %swap3A_239 = vector.shape_cast %swap3A_238 : vector<1x16xi32> to vector<16xi32>
      %swap3A_240 = vector.shape_cast %select_n3A_235 : vector<16xi32> to vector<1x16xi32>
      tpu.vector_store %arg7[%swap3A_236, %swap3A_237], %swap3A_240 {strides = array<i32>} : memref<125x80xi32, #tpu.memory_space<vmem>>, vector<1x16xi32>,
    }
    %scan3A_4 = arith.constant 125 : i32
    %mul3A_5 = arith.constant 320 : i32
    %mul3A_6 = arith.muli %arg1, %mul3A_5 : i32
    %add3A = arith.addi %multiple_of3A, %mul3A_6 : i32
    %add3A_7 = arith.constant 0 : i32
    %add3A_8 = arith.addi %add3A, %add3A_7 : i32
    %multiple_of3A_9 = tpu.assume_multiple %add3A_8, 8 : i32
    %mul3A_10 = arith.constant 320 : i32
    %mul3A_11 = arith.muli %arg1, %mul3A_10 : i32
    %add3A_12 = arith.constant 0 : i32
    %add3A_13 = arith.addi %mul3A_11, %add3A_12 : i32
    %multiple_of3A_14 = tpu.assume_multiple %add3A_13, 8 : i32
    "tpu.region"() ({
      %run_scoped3A_122 = tpu.sem_alloc : memref<!tpu.dma_semaphore, #tpu.memory_space<semaphore_mem>>
      %dma_start3A_123 = arith.constant 0 : i32
      %dma_start3A_124 = tpu.memref_slice %arg2[%multiple_of3A_9, %dma_start3A_123] : memref<10240x128xf32, #tpu.memory_space<hbm>> -> memref<80x128xf32, #tpu.memory_space<hbm>>
      %dma_start3A_125 = arith.constant 0 : i32
      %dma_start3A_126 = tpu.memref_slice %arg2[%multiple_of3A_9, %dma_start3A_125] : memref<10240x128xf32, #tpu.memory_space<hbm>> -> memref<80x128xf32, #tpu.memory_space<hbm>>
      tpu.enqueue_dma source(%dma_start3A_126 : memref<80x128xf32, #tpu.memory_space<hbm>>) target(%arg9 : memref<80x128xf32, #tpu.memory_space<vmem>>) target_semaphore(%run_scoped3A_122 : memref<!tpu.dma_semaphore, #tpu.memory_space<semaphore_mem>>)
      %dma_wait3A_127 = arith.constant 0 : i32
      %dma_wait3A_128 = tpu.memref_slice %arg2[%multiple_of3A_9, %dma_wait3A_127] : memref<10240x128xf32, #tpu.memory_space<hbm>> -> memref<80x128xf32, #tpu.memory_space<hbm>>
      %dma_wait3A_129 = arith.constant 0 : i32
      %dma_wait3A_130 = tpu.memref_slice %arg2[%multiple_of3A_9, %dma_wait3A_129] : memref<10240x128xf32, #tpu.memory_space<hbm>> -> memref<80x128xf32, #tpu.memory_space<hbm>>
      tpu.wait_dma2 semaphore(%run_scoped3A_122 : memref<!tpu.dma_semaphore, #tpu.memory_space<semaphore_mem>>) src(%dma_wait3A_130 : memref<80x128xf32, #tpu.memory_space<hbm>>) dst(%arg9 : memref<80x128xf32, #tpu.memory_space<vmem>>)
      tpu.yield
    }) : () -> ()
    "tpu.region"() ({
      %run_scoped3A_122 = tpu.sem_alloc : memref<!tpu.dma_semaphore, #tpu.memory_space<semaphore_mem>>
      %dma_start3A_123 = arith.constant 0 : i32
      %dma_start3A_124 = tpu.memref_slice %arg10[%multiple_of3A_14, %dma_start3A_123] : memref<5184x128xf32, #tpu.memory_space<vmem_shared>> -> memref<80x128xf32, #tpu.memory_space<vmem_shared>>
      %dma_start3A_125 = arith.constant 0 : i32
      %dma_start3A_126 = tpu.memref_slice %arg10[%multiple_of3A_14, %dma_start3A_125] : memref<5184x128xf32, #tpu.memory_space<vmem_shared>> -> memref<80x128xf32, #tpu.memory_space<vmem_shared>>
      tpu.enqueue_dma source(%arg9 : memref<80x128xf32, #tpu.memory_space<vmem>>) target(%dma_start3A_126 : memref<80x128xf32, #tpu.memory_space<vmem_shared>>) target_semaphore(%run_scoped3A_122 : memref<!tpu.dma_semaphore, #tpu.memory_space<semaphore_mem>>)
      %dma_wait3A_127 = arith.constant 0 : i32
      %dma_wait3A_128 = tpu.memref_slice %arg10[%multiple_of3A_14, %dma_wait3A_127] : memref<5184x128xf32, #tpu.memory_space<vmem_shared>> -> memref<80x128xf32, #tpu.memory_space<vmem_shared>>
      %dma_wait3A_129 = arith.constant 0 : i32
      %dma_wait3A_130 = tpu.memref_slice %arg10[%multiple_of3A_14, %dma_wait3A_129] : memref<5184x128xf32, #tpu.memory_space<vmem_shared>> -> memref<80x128xf32, #tpu.memory_space<vmem_shared>>
      tpu.wait_dma2 semaphore(%run_scoped3A_122 : memref<!tpu.dma_semaphore, #tpu.memory_space<semaphore_mem>>) src(%arg9 : memref<80x128xf32, #tpu.memory_space<vmem>>) dst(%dma_wait3A_130 : memref<80x128xf32, #tpu.memory_space<vmem_shared>>)
      tpu.yield
    }) : () -> ()
    %mul3A_15 = arith.constant 320 : i32
    %mul3A_16 = arith.muli %arg1, %mul3A_15 : i32
    %add3A_17 = arith.addi %multiple_of3A, %mul3A_16 : i32
    %add3A_18 = arith.constant 80 : i32
    %add3A_19 = arith.addi %add3A_17, %add3A_18 : i32
    %multiple_of3A_20 = tpu.assume_multiple %add3A_19, 8 : i32
    %mul3A_21 = arith.constant 320 : i32
    %mul3A_22 = arith.muli %arg1, %mul3A_21 : i32
    %add3A_23 = arith.constant 80 : i32
    %add3A_24 = arith.addi %mul3A_22, %add3A_23 : i32
    %multiple_of3A_25 = tpu.assume_multiple %add3A_24, 8 : i32
    "tpu.region"() ({
      %run_scoped3A_122 = tpu.sem_alloc : memref<!tpu.dma_semaphore, #tpu.memory_space<semaphore_mem>>
      %dma_start3A_123 = arith.constant 0 : i32
      %dma_start3A_124 = tpu.memref_slice %arg2[%multiple_of3A_20, %dma_start3A_123] : memref<10240x128xf32, #tpu.memory_space<hbm>> -> memref<80x128xf32, #tpu.memory_space<hbm>>
      %dma_start3A_125 = arith.constant 0 : i32
      %dma_start3A_126 = tpu.memref_slice %arg2[%multiple_of3A_20, %dma_start3A_125] : memref<10240x128xf32, #tpu.memory_space<hbm>> -> memref<80x128xf32, #tpu.memory_space<hbm>>
      tpu.enqueue_dma source(%dma_start3A_126 : memref<80x128xf32, #tpu.memory_space<hbm>>) target(%arg9 : memref<80x128xf32, #tpu.memory_space<vmem>>) target_semaphore(%run_scoped3A_122 : memref<!tpu.dma_semaphore, #tpu.memory_space<semaphore_mem>>)
      %dma_wait3A_127 = arith.constant 0 : i32
      %dma_wait3A_128 = tpu.memref_slice %arg2[%multiple_of3A_20, %dma_wait3A_127] : memref<10240x128xf32, #tpu.memory_space<hbm>> -> memref<80x128xf32, #tpu.memory_space<hbm>>
      %dma_wait3A_129 = arith.constant 0 : i32
      %dma_wait3A_130 = tpu.memref_slice %arg2[%multiple_of3A_20, %dma_wait3A_129] : memref<10240x128xf32, #tpu.memory_space<hbm>> -> memref<80x128xf32, #tpu.memory_space<hbm>>
      tpu.wait_dma2 semaphore(%run_scoped3A_122 : memref<!tpu.dma_semaphore, #tpu.memory_space<semaphore_mem>>) src(%dma_wait3A_130 : memref<80x128xf32, #tpu.memory_space<hbm>>) dst(%arg9 : memref<80x128xf32, #tpu.memory_space<vmem>>)
      tpu.yield
    }) : () -> ()
    "tpu.region"() ({
      %run_scoped3A_122 = tpu.sem_alloc : memref<!tpu.dma_semaphore, #tpu.memory_space<semaphore_mem>>
      %dma_start3A_123 = arith.constant 0 : i32
      %dma_start3A_124 = tpu.memref_slice %arg10[%multiple_of3A_25, %dma_start3A_123] : memref<5184x128xf32, #tpu.memory_space<vmem_shared>> -> memref<80x128xf32, #tpu.memory_space<vmem_shared>>
      %dma_start3A_125 = arith.constant 0 : i32
      %dma_start3A_126 = tpu.memref_slice %arg10[%multiple_of3A_25, %dma_start3A_125] : memref<5184x128xf32, #tpu.memory_space<vmem_shared>> -> memref<80x128xf32, #tpu.memory_space<vmem_shared>>
      tpu.enqueue_dma source(%arg9 : memref<80x128xf32, #tpu.memory_space<vmem>>) target(%dma_start3A_126 : memref<80x128xf32, #tpu.memory_space<vmem_shared>>) target_semaphore(%run_scoped3A_122 : memref<!tpu.dma_semaphore, #tpu.memory_space<semaphore_mem>>)
      %dma_wait3A_127 = arith.constant 0 : i32
      %dma_wait3A_128 = tpu.memref_slice %arg10[%multiple_of3A_25, %dma_wait3A_127] : memref<5184x128xf32, #tpu.memory_space<vmem_shared>> -> memref<80x128xf32, #tpu.memory_space<vmem_shared>>
      %dma_wait3A_129 = arith.constant 0 : i32
      %dma_wait3A_130 = tpu.memref_slice %arg10[%multiple_of3A_25, %dma_wait3A_129] : memref<5184x128xf32, #tpu.memory_space<vmem_shared>> -> memref<80x128xf32, #tpu.memory_space<vmem_shared>>
      tpu.wait_dma2 semaphore(%run_scoped3A_122 : memref<!tpu.dma_semaphore, #tpu.memory_space<semaphore_mem>>) src(%arg9 : memref<80x128xf32, #tpu.memory_space<vmem>>) dst(%dma_wait3A_130 : memref<80x128xf32, #tpu.memory_space<vmem_shared>>)
      tpu.yield
    }) : () -> ()
    %mul3A_26 = arith.constant 320 : i32
    %mul3A_27 = arith.muli %arg1, %mul3A_26 : i32
    %add3A_28 = arith.addi %multiple_of3A, %mul3A_27 : i32
    %add3A_29 = arith.constant 160 : i32
    %add3A_30 = arith.addi %add3A_28, %add3A_29 : i32
    %multiple_of3A_31 = tpu.assume_multiple %add3A_30, 8 : i32
    %mul3A_32 = arith.constant 320 : i32
    %mul3A_33 = arith.muli %arg1, %mul3A_32 : i32
    %add3A_34 = arith.constant 160 : i32
    %add3A_35 = arith.addi %mul3A_33, %add3A_34 : i32
    %multiple_of3A_36 = tpu.assume_multiple %add3A_35, 8 : i32
    "tpu.region"() ({
      %run_scoped3A_122 = tpu.sem_alloc : memref<!tpu.dma_semaphore, #tpu.memory_space<semaphore_mem>>
      %dma_start3A_123 = arith.constant 0 : i32
      %dma_start3A_124 = tpu.memref_slice %arg2[%multiple_of3A_31, %dma_start3A_123] : memref<10240x128xf32, #tpu.memory_space<hbm>> -> memref<80x128xf32, #tpu.memory_space<hbm>>
      %dma_start3A_125 = arith.constant 0 : i32
      %dma_start3A_126 = tpu.memref_slice %arg2[%multiple_of3A_31, %dma_start3A_125] : memref<10240x128xf32, #tpu.memory_space<hbm>> -> memref<80x128xf32, #tpu.memory_space<hbm>>
      tpu.enqueue_dma source(%dma_start3A_126 : memref<80x128xf32, #tpu.memory_space<hbm>>) target(%arg9 : memref<80x128xf32, #tpu.memory_space<vmem>>) target_semaphore(%run_scoped3A_122 : memref<!tpu.dma_semaphore, #tpu.memory_space<semaphore_mem>>)
      %dma_wait3A_127 = arith.constant 0 : i32
      %dma_wait3A_128 = tpu.memref_slice %arg2[%multiple_of3A_31, %dma_wait3A_127] : memref<10240x128xf32, #tpu.memory_space<hbm>> -> memref<80x128xf32, #tpu.memory_space<hbm>>
      %dma_wait3A_129 = arith.constant 0 : i32
      %dma_wait3A_130 = tpu.memref_slice %arg2[%multiple_of3A_31, %dma_wait3A_129] : memref<10240x128xf32, #tpu.memory_space<hbm>> -> memref<80x128xf32, #tpu.memory_space<hbm>>
      tpu.wait_dma2 semaphore(%run_scoped3A_122 : memref<!tpu.dma_semaphore, #tpu.memory_space<semaphore_mem>>) src(%dma_wait3A_130 : memref<80x128xf32, #tpu.memory_space<hbm>>) dst(%arg9 : memref<80x128xf32, #tpu.memory_space<vmem>>)
      tpu.yield
    }) : () -> ()
    "tpu.region"() ({
      %run_scoped3A_122 = tpu.sem_alloc : memref<!tpu.dma_semaphore, #tpu.memory_space<semaphore_mem>>
      %dma_start3A_123 = arith.constant 0 : i32
      %dma_start3A_124 = tpu.memref_slice %arg10[%multiple_of3A_36, %dma_start3A_123] : memref<5184x128xf32, #tpu.memory_space<vmem_shared>> -> memref<80x128xf32, #tpu.memory_space<vmem_shared>>
      %dma_start3A_125 = arith.constant 0 : i32
      %dma_start3A_126 = tpu.memref_slice %arg10[%multiple_of3A_36, %dma_start3A_125] : memref<5184x128xf32, #tpu.memory_space<vmem_shared>> -> memref<80x128xf32, #tpu.memory_space<vmem_shared>>
      tpu.enqueue_dma source(%arg9 : memref<80x128xf32, #tpu.memory_space<vmem>>) target(%dma_start3A_126 : memref<80x128xf32, #tpu.memory_space<vmem_shared>>) target_semaphore(%run_scoped3A_122 : memref<!tpu.dma_semaphore, #tpu.memory_space<semaphore_mem>>)
      %dma_wait3A_127 = arith.constant 0 : i32
      %dma_wait3A_128 = tpu.memref_slice %arg10[%multiple_of3A_36, %dma_wait3A_127] : memref<5184x128xf32, #tpu.memory_space<vmem_shared>> -> memref<80x128xf32, #tpu.memory_space<vmem_shared>>
      %dma_wait3A_129 = arith.constant 0 : i32
      %dma_wait3A_130 = tpu.memref_slice %arg10[%multiple_of3A_36, %dma_wait3A_129] : memref<5184x128xf32, #tpu.memory_space<vmem_shared>> -> memref<80x128xf32, #tpu.memory_space<vmem_shared>>
      tpu.wait_dma2 semaphore(%run_scoped3A_122 : memref<!tpu.dma_semaphore, #tpu.memory_space<semaphore_mem>>) src(%arg9 : memref<80x128xf32, #tpu.memory_space<vmem>>) dst(%dma_wait3A_130 : memref<80x128xf32, #tpu.memory_space<vmem_shared>>)
      tpu.yield
    }) : () -> ()
    %mul3A_37 = arith.constant 320 : i32
    %mul3A_38 = arith.muli %arg1, %mul3A_37 : i32
    %add3A_39 = arith.addi %multiple_of3A, %mul3A_38 : i32
    %add3A_40 = arith.constant 240 : i32
    %add3A_41 = arith.addi %add3A_39, %add3A_40 : i32
    %multiple_of3A_42 = tpu.assume_multiple %add3A_41, 8 : i32
    %mul3A_43 = arith.constant 320 : i32
    %mul3A_44 = arith.muli %arg1, %mul3A_43 : i32
    %add3A_45 = arith.constant 240 : i32
    %add3A_46 = arith.addi %mul3A_44, %add3A_45 : i32
    %multiple_of3A_47 = tpu.assume_multiple %add3A_46, 8 : i32
    "tpu.region"() ({
      %run_scoped3A_122 = tpu.sem_alloc : memref<!tpu.dma_semaphore, #tpu.memory_space<semaphore_mem>>
      %dma_start3A_123 = arith.constant 0 : i32
      %dma_start3A_124 = tpu.memref_slice %arg2[%multiple_of3A_42, %dma_start3A_123] : memref<10240x128xf32, #tpu.memory_space<hbm>> -> memref<80x128xf32, #tpu.memory_space<hbm>>
      %dma_start3A_125 = arith.constant 0 : i32
      %dma_start3A_126 = tpu.memref_slice %arg2[%multiple_of3A_42, %dma_start3A_125] : memref<10240x128xf32, #tpu.memory_space<hbm>> -> memref<80x128xf32, #tpu.memory_space<hbm>>
      tpu.enqueue_dma source(%dma_start3A_126 : memref<80x128xf32, #tpu.memory_space<hbm>>) target(%arg9 : memref<80x128xf32, #tpu.memory_space<vmem>>) target_semaphore(%run_scoped3A_122 : memref<!tpu.dma_semaphore, #tpu.memory_space<semaphore_mem>>)
      %dma_wait3A_127 = arith.constant 0 : i32
      %dma_wait3A_128 = tpu.memref_slice %arg2[%multiple_of3A_42, %dma_wait3A_127] : memref<10240x128xf32, #tpu.memory_space<hbm>> -> memref<80x128xf32, #tpu.memory_space<hbm>>
      %dma_wait3A_129 = arith.constant 0 : i32
      %dma_wait3A_130 = tpu.memref_slice %arg2[%multiple_of3A_42, %dma_wait3A_129] : memref<10240x128xf32, #tpu.memory_space<hbm>> -> memref<80x128xf32, #tpu.memory_space<hbm>>
      tpu.wait_dma2 semaphore(%run_scoped3A_122 : memref<!tpu.dma_semaphore, #tpu.memory_space<semaphore_mem>>) src(%dma_wait3A_130 : memref<80x128xf32, #tpu.memory_space<hbm>>) dst(%arg9 : memref<80x128xf32, #tpu.memory_space<vmem>>)
      tpu.yield
    }) : () -> ()
    "tpu.region"() ({
      %run_scoped3A_122 = tpu.sem_alloc : memref<!tpu.dma_semaphore, #tpu.memory_space<semaphore_mem>>
      %dma_start3A_123 = arith.constant 0 : i32
      %dma_start3A_124 = tpu.memref_slice %arg10[%multiple_of3A_47, %dma_start3A_123] : memref<5184x128xf32, #tpu.memory_space<vmem_shared>> -> memref<80x128xf32, #tpu.memory_space<vmem_shared>>
      %dma_start3A_125 = arith.constant 0 : i32
      %dma_start3A_126 = tpu.memref_slice %arg10[%multiple_of3A_47, %dma_start3A_125] : memref<5184x128xf32, #tpu.memory_space<vmem_shared>> -> memref<80x128xf32, #tpu.memory_space<vmem_shared>>
      tpu.enqueue_dma source(%arg9 : memref<80x128xf32, #tpu.memory_space<vmem>>) target(%dma_start3A_126 : memref<80x128xf32, #tpu.memory_space<vmem_shared>>) target_semaphore(%run_scoped3A_122 : memref<!tpu.dma_semaphore, #tpu.memory_space<semaphore_mem>>)
      %dma_wait3A_127 = arith.constant 0 : i32
      %dma_wait3A_128 = tpu.memref_slice %arg10[%multiple_of3A_47, %dma_wait3A_127] : memref<5184x128xf32, #tpu.memory_space<vmem_shared>> -> memref<80x128xf32, #tpu.memory_space<vmem_shared>>
      %dma_wait3A_129 = arith.constant 0 : i32
      %dma_wait3A_130 = tpu.memref_slice %arg10[%multiple_of3A_47, %dma_wait3A_129] : memref<5184x128xf32, #tpu.memory_space<vmem_shared>> -> memref<80x128xf32, #tpu.memory_space<vmem_shared>>
      tpu.wait_dma2 semaphore(%run_scoped3A_122 : memref<!tpu.dma_semaphore, #tpu.memory_space<semaphore_mem>>) src(%arg9 : memref<80x128xf32, #tpu.memory_space<vmem>>) dst(%dma_wait3A_130 : memref<80x128xf32, #tpu.memory_space<vmem_shared>>)
      tpu.yield
    }) : () -> ()
    %barrier3A = arith.constant 0 : index
    tpu.barrier barrier_id(%barrier3A)
    %dma_start3A = arith.constant 0 : i32
    %dma_start3A_48 = arith.constant 0 : i32
    %dma_start3A_49 = arith.constant 0 : i32
    %dma_start3A_50 = arith.constant 0 : i32
    %dma_start3A_51 = tpu.memref_slice %arg8[%dma_start3A_48, %dma_start3A_49, %dma_start3A_50] : memref<2x80x128xf32, #tpu.memory_space<vmem>> -> memref<1x80x128xf32, #tpu.memory_space<vmem>>
    %dma_start3A_52 = tpu.memref_squeeze %dma_start3A_51 : memref<1x80x128xf32, #tpu.memory_space<vmem>> -> memref<80x128xf32, #tpu.memory_space<vmem>>
    %dma_start3A_53 = arith.constant 0 : i32
    %dma_start3A_54 = tpu.memref_slice %arg6[%dma_start3A, %dma_start3A_53] : memref<125x80xi32, #tpu.memory_space<vmem>> -> memref<1x80xi32, #tpu.memory_space<vmem>>
    %dma_start3A_55 = tpu.memref_squeeze %dma_start3A_54 : memref<1x80xi32, #tpu.memory_space<vmem>> -> memref<80xi32, #tpu.memory_space<vmem>>
    %dma_start3A_56 = arith.constant 0 : i32
    %dma_start3A_57 = arith.constant 0 : i32
    %dma_start3A_58 = tpu.memref_slice %arg2[%dma_start3A_56, %dma_start3A_57] : memref<10240x128xf32, #tpu.memory_space<hbm>> -> memref<10240x128xf32, #tpu.memory_space<hbm>>
    tpu.enqueue_indirect_dma source(%dma_start3A_58 : memref<10240x128xf32, #tpu.memory_space<hbm>>) target(%dma_start3A_52 : memref<80x128xf32, #tpu.memory_space<vmem>>) offsets(%dma_start3A_55 : memref<80xi32, #tpu.memory_space<vmem>>) semaphore(%arg11 : memref<!tpu.dma_semaphore, #tpu.memory_space<semaphore_mem>>)
    %scan3A_59 = arith.constant 0 : i32
    %scan3A_60 = arith.constant 62 : i32
    %scan3A_61 = arith.addi %scan3A_59, %scan3A_60 : i32
    %scan3A_62 = arith.constant 1 : i32
    scf.for %scan3A_122 = %scan3A_59 to %scan3A_61 step %scan3A_62  : i32 {
      %mul3A_123 = arith.constant 2 : i32
      %mul3A_124 = arith.muli %mul3A_123, %scan3A_122 : i32
      %add3A_125 = arith.constant 1 : i32
      %add3A_126 = arith.addi %mul3A_124, %add3A_125 : i32
      %dma_start3A_127 = arith.constant 1 : i32
      %dma_start3A_128 = arith.constant 0 : i32
      %dma_start3A_129 = arith.constant 0 : i32
      %dma_start3A_130 = tpu.memref_slice %arg8[%dma_start3A_127, %dma_start3A_128, %dma_start3A_129] : memref<2x80x128xf32, #tpu.memory_space<vmem>> -> memref<1x80x128xf32, #tpu.memory_space<vmem>>
      %dma_start3A_131 = tpu.memref_squeeze %dma_start3A_130 : memref<1x80x128xf32, #tpu.memory_space<vmem>> -> memref<80x128xf32, #tpu.memory_space<vmem>>
      %dma_start3A_132 = arith.constant 0 : i32
      %dma_start3A_133 = tpu.memref_slice %arg6[%add3A_126, %dma_start3A_132] : memref<125x80xi32, #tpu.memory_space<vmem>> -> memref<1x80xi32, #tpu.memory_space<vmem>>
      %dma_start3A_134 = tpu.memref_squeeze %dma_start3A_133 : memref<1x80xi32, #tpu.memory_space<vmem>> -> memref<80xi32, #tpu.memory_space<vmem>>
      %dma_start3A_135 = arith.constant 0 : i32
      %dma_start3A_136 = arith.constant 0 : i32
      %dma_start3A_137 = tpu.memref_slice %arg2[%dma_start3A_135, %dma_start3A_136] : memref<10240x128xf32, #tpu.memory_space<hbm>> -> memref<10240x128xf32, #tpu.memory_space<hbm>>
      tpu.enqueue_indirect_dma source(%dma_start3A_137 : memref<10240x128xf32, #tpu.memory_space<hbm>>) target(%dma_start3A_131 : memref<80x128xf32, #tpu.memory_space<vmem>>) offsets(%dma_start3A_134 : memref<80xi32, #tpu.memory_space<vmem>>) semaphore(%arg12 : memref<!tpu.dma_semaphore, #tpu.memory_space<semaphore_mem>>)
      %dma_wait3A_138 = arith.constant 0 : i32
      %dma_wait3A_139 = arith.constant 0 : i32
      %dma_wait3A_140 = arith.constant 0 : i32
      %dma_wait3A_141 = tpu.memref_slice %arg8[%dma_wait3A_138, %dma_wait3A_139, %dma_wait3A_140] : memref<2x80x128xf32, #tpu.memory_space<vmem>> -> memref<1x80x128xf32, #tpu.memory_space<vmem>>
      %dma_wait3A_142 = tpu.memref_squeeze %dma_wait3A_141 : memref<1x80x128xf32, #tpu.memory_space<vmem>> -> memref<80x128xf32, #tpu.memory_space<vmem>>
      %dma_wait3A_143 = arith.constant 0 : i32
      %dma_wait3A_144 = tpu.memref_slice %arg6[%mul3A_124, %dma_wait3A_143] : memref<125x80xi32, #tpu.memory_space<vmem>> -> memref<1x80xi32, #tpu.memory_space<vmem>>
      %dma_wait3A_145 = tpu.memref_squeeze %dma_wait3A_144 : memref<1x80xi32, #tpu.memory_space<vmem>> -> memref<80xi32, #tpu.memory_space<vmem>>
      %dma_wait3A_146 = arith.constant 0 : i32
      %dma_wait3A_147 = arith.constant 0 : i32
      %dma_wait3A_148 = tpu.memref_slice %arg2[%dma_wait3A_146, %dma_wait3A_147] : memref<10240x128xf32, #tpu.memory_space<hbm>> -> memref<10240x128xf32, #tpu.memory_space<hbm>>
      tpu.wait_indirect_dma semaphore(%arg11 : memref<!tpu.dma_semaphore, #tpu.memory_space<semaphore_mem>>) src(%dma_wait3A_148 : memref<10240x128xf32, #tpu.memory_space<hbm>>) dst(%dma_wait3A_142 : memref<80x128xf32, #tpu.memory_space<vmem>>)
      %run_scoped3A_149 = arith.constant 0 : i32
      "tpu.region"() ({
        %run_scoped3A_179 = tpu.sem_alloc : memref<!tpu.dma_semaphore, #tpu.memory_space<semaphore_mem>>
        %dma_start3A_180 = arith.constant 0 : i32
        %dma_start3A_181 = arith.constant 0 : i32
        %dma_start3A_182 = tpu.memref_slice %arg8[%run_scoped3A_149, %dma_start3A_180, %dma_start3A_181] : memref<2x80x128xf32, #tpu.memory_space<vmem>> -> memref<1x80x128xf32, #tpu.memory_space<vmem>>
        %dma_start3A_183 = tpu.memref_squeeze %dma_start3A_182 : memref<1x80x128xf32, #tpu.memory_space<vmem>> -> memref<80x128xf32, #tpu.memory_space<vmem>>
        %dma_start3A_184 = arith.constant 0 : i32
        %dma_start3A_185 = tpu.memref_slice %arg7[%mul3A_124, %dma_start3A_184] : memref<125x80xi32, #tpu.memory_space<vmem>> -> memref<1x80xi32, #tpu.memory_space<vmem>>
        %dma_start3A_186 = tpu.memref_squeeze %dma_start3A_185 : memref<1x80xi32, #tpu.memory_space<vmem>> -> memref<80xi32, #tpu.memory_space<vmem>>
        %dma_start3A_187 = arith.constant 0 : i32
        %dma_start3A_188 = arith.constant 0 : i32
        %dma_start3A_189 = tpu.memref_slice %arg10[%dma_start3A_187, %dma_start3A_188] : memref<5184x128xf32, #tpu.memory_space<vmem_shared>> -> memref<5184x128xf32, #tpu.memory_space<vmem_shared>>
        tpu.enqueue_indirect_dma source(%dma_start3A_183 : memref<80x128xf32, #tpu.memory_space<vmem>>) target(%dma_start3A_189 : memref<5184x128xf32, #tpu.memory_space<vmem_shared>>) offsets(%dma_start3A_186 : memref<80xi32, #tpu.memory_space<vmem>>) semaphore(%run_scoped3A_179 : memref<!tpu.dma_semaphore, #tpu.memory_space<semaphore_mem>>) {add = true}
        %dma_wait3A_190 = arith.constant 0 : i32
        %dma_wait3A_191 = arith.constant 0 : i32
        %dma_wait3A_192 = tpu.memref_slice %arg8[%run_scoped3A_149, %dma_wait3A_190, %dma_wait3A_191] : memref<2x80x128xf32, #tpu.memory_space<vmem>> -> memref<1x80x128xf32, #tpu.memory_space<vmem>>
        %dma_wait3A_193 = tpu.memref_squeeze %dma_wait3A_192 : memref<1x80x128xf32, #tpu.memory_space<vmem>> -> memref<80x128xf32, #tpu.memory_space<vmem>>
        %dma_wait3A_194 = arith.constant 0 : i32
        %dma_wait3A_195 = tpu.memref_slice %arg7[%mul3A_124, %dma_wait3A_194] : memref<125x80xi32, #tpu.memory_space<vmem>> -> memref<1x80xi32, #tpu.memory_space<vmem>>
        %dma_wait3A_196 = tpu.memref_squeeze %dma_wait3A_195 : memref<1x80xi32, #tpu.memory_space<vmem>> -> memref<80xi32, #tpu.memory_space<vmem>>
        %dma_wait3A_197 = arith.constant 0 : i32
        %dma_wait3A_198 = arith.constant 0 : i32
        %dma_wait3A_199 = tpu.memref_slice %arg10[%dma_wait3A_197, %dma_wait3A_198] : memref<5184x128xf32, #tpu.memory_space<vmem_shared>> -> memref<5184x128xf32, #tpu.memory_space<vmem_shared>>
        tpu.wait_indirect_dma semaphore(%run_scoped3A_179 : memref<!tpu.dma_semaphore, #tpu.memory_space<semaphore_mem>>) src(%dma_wait3A_193 : memref<80x128xf32, #tpu.memory_space<vmem>>) dst(%dma_wait3A_199 : memref<5184x128xf32, #tpu.memory_space<vmem_shared>>)
        tpu.yield
      }) : () -> ()
      %add3A_150 = arith.constant 2 : i32
      %add3A_151 = arith.addi %mul3A_124, %add3A_150 : i32
      %dma_start3A_152 = arith.constant 0 : i32
      %dma_start3A_153 = arith.constant 0 : i32
      %dma_start3A_154 = arith.constant 0 : i32
      %dma_start3A_155 = tpu.memref_slice %arg8[%dma_start3A_152, %dma_start3A_153, %dma_start3A_154] : memref<2x80x128xf32, #tpu.memory_space<vmem>> -> memref<1x80x128xf32, #tpu.memory_space<vmem>>
      %dma_start3A_156 = tpu.memref_squeeze %dma_start3A_155 : memref<1x80x128xf32, #tpu.memory_space<vmem>> -> memref<80x128xf32, #tpu.memory_space<vmem>>
      %dma_start3A_157 = arith.constant 0 : i32
      %dma_start3A_158 = tpu.memref_slice %arg6[%add3A_151, %dma_start3A_157] : memref<125x80xi32, #tpu.memory_space<vmem>> -> memref<1x80xi32, #tpu.memory_space<vmem>>
      %dma_start3A_159 = tpu.memref_squeeze %dma_start3A_158 : memref<1x80xi32, #tpu.memory_space<vmem>> -> memref<80xi32, #tpu.memory_space<vmem>>
      %dma_start3A_160 = arith.constant 0 : i32
      %dma_start3A_161 = arith.constant 0 : i32
      %dma_start3A_162 = tpu.memref_slice %arg2[%dma_start3A_160, %dma_start3A_161] : memref<10240x128xf32, #tpu.memory_space<hbm>> -> memref<10240x128xf32, #tpu.memory_space<hbm>>
      tpu.enqueue_indirect_dma source(%dma_start3A_162 : memref<10240x128xf32, #tpu.memory_space<hbm>>) target(%dma_start3A_156 : memref<80x128xf32, #tpu.memory_space<vmem>>) offsets(%dma_start3A_159 : memref<80xi32, #tpu.memory_space<vmem>>) semaphore(%arg11 : memref<!tpu.dma_semaphore, #tpu.memory_space<semaphore_mem>>)
      %add3A_163 = arith.constant 1 : i32
      %add3A_164 = arith.addi %mul3A_124, %add3A_163 : i32
      %dma_wait3A_165 = arith.constant 1 : i32
      %dma_wait3A_166 = arith.constant 0 : i32
      %dma_wait3A_167 = arith.constant 0 : i32
      %dma_wait3A_168 = tpu.memref_slice %arg8[%dma_wait3A_165, %dma_wait3A_166, %dma_wait3A_167] : memref<2x80x128xf32, #tpu.memory_space<vmem>> -> memref<1x80x128xf32, #tpu.memory_space<vmem>>
      %dma_wait3A_169 = tpu.memref_squeeze %dma_wait3A_168 : memref<1x80x128xf32, #tpu.memory_space<vmem>> -> memref<80x128xf32, #tpu.memory_space<vmem>>
      %dma_wait3A_170 = arith.constant 0 : i32
      %dma_wait3A_171 = tpu.memref_slice %arg6[%add3A_164, %dma_wait3A_170] : memref<125x80xi32, #tpu.memory_space<vmem>> -> memref<1x80xi32, #tpu.memory_space<vmem>>
      %dma_wait3A_172 = tpu.memref_squeeze %dma_wait3A_171 : memref<1x80xi32, #tpu.memory_space<vmem>> -> memref<80xi32, #tpu.memory_space<vmem>>
      %dma_wait3A_173 = arith.constant 0 : i32
      %dma_wait3A_174 = arith.constant 0 : i32
      %dma_wait3A_175 = tpu.memref_slice %arg2[%dma_wait3A_173, %dma_wait3A_174] : memref<10240x128xf32, #tpu.memory_space<hbm>> -> memref<10240x128xf32, #tpu.memory_space<hbm>>
      tpu.wait_indirect_dma semaphore(%arg12 : memref<!tpu.dma_semaphore, #tpu.memory_space<semaphore_mem>>) src(%dma_wait3A_175 : memref<10240x128xf32, #tpu.memory_space<hbm>>) dst(%dma_wait3A_169 : memref<80x128xf32, #tpu.memory_space<vmem>>)
      %add3A_176 = arith.constant 1 : i32
      %add3A_177 = arith.addi %mul3A_124, %add3A_176 : i32
      %run_scoped3A_178 = arith.constant 1 : i32
      "tpu.region"() ({
        %run_scoped3A_179 = tpu.sem_alloc : memref<!tpu.dma_semaphore, #tpu.memory_space<semaphore_mem>>
        %dma_start3A_180 = arith.constant 0 : i32
        %dma_start3A_181 = arith.constant 0 : i32
        %dma_start3A_182 = tpu.memref_slice %arg8[%run_scoped3A_178, %dma_start3A_180, %dma_start3A_181] : memref<2x80x128xf32, #tpu.memory_space<vmem>> -> memref<1x80x128xf32, #tpu.memory_space<vmem>>
        %dma_start3A_183 = tpu.memref_squeeze %dma_start3A_182 : memref<1x80x128xf32, #tpu.memory_space<vmem>> -> memref<80x128xf32, #tpu.memory_space<vmem>>
        %dma_start3A_184 = arith.constant 0 : i32
        %dma_start3A_185 = tpu.memref_slice %arg7[%add3A_177, %dma_start3A_184] : memref<125x80xi32, #tpu.memory_space<vmem>> -> memref<1x80xi32, #tpu.memory_space<vmem>>
        %dma_start3A_186 = tpu.memref_squeeze %dma_start3A_185 : memref<1x80xi32, #tpu.memory_space<vmem>> -> memref<80xi32, #tpu.memory_space<vmem>>
        %dma_start3A_187 = arith.constant 0 : i32
        %dma_start3A_188 = arith.constant 0 : i32
        %dma_start3A_189 = tpu.memref_slice %arg10[%dma_start3A_187, %dma_start3A_188] : memref<5184x128xf32, #tpu.memory_space<vmem_shared>> -> memref<5184x128xf32, #tpu.memory_space<vmem_shared>>
        tpu.enqueue_indirect_dma source(%dma_start3A_183 : memref<80x128xf32, #tpu.memory_space<vmem>>) target(%dma_start3A_189 : memref<5184x128xf32, #tpu.memory_space<vmem_shared>>) offsets(%dma_start3A_186 : memref<80xi32, #tpu.memory_space<vmem>>) semaphore(%run_scoped3A_179 : memref<!tpu.dma_semaphore, #tpu.memory_space<semaphore_mem>>) {add = true}
        %dma_wait3A_190 = arith.constant 0 : i32
        %dma_wait3A_191 = arith.constant 0 : i32
        %dma_wait3A_192 = tpu.memref_slice %arg8[%run_scoped3A_178, %dma_wait3A_190, %dma_wait3A_191] : memref<2x80x128xf32, #tpu.memory_space<vmem>> -> memref<1x80x128xf32, #tpu.memory_space<vmem>>
        %dma_wait3A_193 = tpu.memref_squeeze %dma_wait3A_192 : memref<1x80x128xf32, #tpu.memory_space<vmem>> -> memref<80x128xf32, #tpu.memory_space<vmem>>
        %dma_wait3A_194 = arith.constant 0 : i32
        %dma_wait3A_195 = tpu.memref_slice %arg7[%add3A_177, %dma_wait3A_194] : memref<125x80xi32, #tpu.memory_space<vmem>> -> memref<1x80xi32, #tpu.memory_space<vmem>>
        %dma_wait3A_196 = tpu.memref_squeeze %dma_wait3A_195 : memref<1x80xi32, #tpu.memory_space<vmem>> -> memref<80xi32, #tpu.memory_space<vmem>>
        %dma_wait3A_197 = arith.constant 0 : i32
        %dma_wait3A_198 = arith.constant 0 : i32
        %dma_wait3A_199 = tpu.memref_slice %arg10[%dma_wait3A_197, %dma_wait3A_198] : memref<5184x128xf32, #tpu.memory_space<vmem_shared>> -> memref<5184x128xf32, #tpu.memory_space<vmem_shared>>
        tpu.wait_indirect_dma semaphore(%run_scoped3A_179 : memref<!tpu.dma_semaphore, #tpu.memory_space<semaphore_mem>>) src(%dma_wait3A_193 : memref<80x128xf32, #tpu.memory_space<vmem>>) dst(%dma_wait3A_199 : memref<5184x128xf32, #tpu.memory_space<vmem_shared>>)
        tpu.yield
      }) : () -> ()
    }
    %scan3A_63 = arith.constant 62 : i32
    %dma_wait3A = arith.constant 124 : i32
    %dma_wait3A_64 = arith.constant 0 : i32
    %dma_wait3A_65 = arith.constant 0 : i32
    %dma_wait3A_66 = arith.constant 0 : i32
    %dma_wait3A_67 = tpu.memref_slice %arg8[%dma_wait3A_64, %dma_wait3A_65, %dma_wait3A_66] : memref<2x80x128xf32, #tpu.memory_space<vmem>> -> memref<1x80x128xf32, #tpu.memory_space<vmem>>
    %dma_wait3A_68 = tpu.memref_squeeze %dma_wait3A_67 : memref<1x80x128xf32, #tpu.memory_space<vmem>> -> memref<80x128xf32, #tpu.memory_space<vmem>>
    %dma_wait3A_69 = arith.constant 0 : i32
    %dma_wait3A_70 = tpu.memref_slice %arg6[%dma_wait3A, %dma_wait3A_69] : memref<125x80xi32, #tpu.memory_space<vmem>> -> memref<1x80xi32, #tpu.memory_space<vmem>>
    %dma_wait3A_71 = tpu.memref_squeeze %dma_wait3A_70 : memref<1x80xi32, #tpu.memory_space<vmem>> -> memref<80xi32, #tpu.memory_space<vmem>>
    %dma_wait3A_72 = arith.constant 0 : i32
    %dma_wait3A_73 = arith.constant 0 : i32
    %dma_wait3A_74 = tpu.memref_slice %arg2[%dma_wait3A_72, %dma_wait3A_73] : memref<10240x128xf32, #tpu.memory_space<hbm>> -> memref<10240x128xf32, #tpu.memory_space<hbm>>
    tpu.wait_indirect_dma semaphore(%arg11 : memref<!tpu.dma_semaphore, #tpu.memory_space<semaphore_mem>>) src(%dma_wait3A_74 : memref<10240x128xf32, #tpu.memory_space<hbm>>) dst(%dma_wait3A_68 : memref<80x128xf32, #tpu.memory_space<vmem>>)
    %run_scoped3A = arith.constant 0 : i32
    %run_scoped3A_75 = arith.constant 124 : i32
    "tpu.region"() ({
      %run_scoped3A_122 = tpu.sem_alloc : memref<!tpu.dma_semaphore, #tpu.memory_space<semaphore_mem>>
      %dma_start3A_123 = arith.constant 0 : i32
      %dma_start3A_124 = arith.constant 0 : i32
      %dma_start3A_125 = tpu.memref_slice %arg8[%run_scoped3A, %dma_start3A_123, %dma_start3A_124] : memref<2x80x128xf32, #tpu.memory_space<vmem>> -> memref<1x80x128xf32, #tpu.memory_space<vmem>>
      %dma_start3A_126 = tpu.memref_squeeze %dma_start3A_125 : memref<1x80x128xf32, #tpu.memory_space<vmem>> -> memref<80x128xf32, #tpu.memory_space<vmem>>
      %dma_start3A_127 = arith.constant 0 : i32
      %dma_start3A_128 = tpu.memref_slice %arg7[%run_scoped3A_75, %dma_start3A_127] : memref<125x80xi32, #tpu.memory_space<vmem>> -> memref<1x80xi32, #tpu.memory_space<vmem>>
      %dma_start3A_129 = tpu.memref_squeeze %dma_start3A_128 : memref<1x80xi32, #tpu.memory_space<vmem>> -> memref<80xi32, #tpu.memory_space<vmem>>
      %dma_start3A_130 = arith.constant 0 : i32
      %dma_start3A_131 = arith.constant 0 : i32
      %dma_start3A_132 = tpu.memref_slice %arg10[%dma_start3A_130, %dma_start3A_131] : memref<5184x128xf32, #tpu.memory_space<vmem_shared>> -> memref<5184x128xf32, #tpu.memory_space<vmem_shared>>
      tpu.enqueue_indirect_dma source(%dma_start3A_126 : memref<80x128xf32, #tpu.memory_space<vmem>>) target(%dma_start3A_132 : memref<5184x128xf32, #tpu.memory_space<vmem_shared>>) offsets(%dma_start3A_129 : memref<80xi32, #tpu.memory_space<vmem>>) semaphore(%run_scoped3A_122 : memref<!tpu.dma_semaphore, #tpu.memory_space<semaphore_mem>>) {add = true}
      %dma_wait3A_133 = arith.constant 0 : i32
      %dma_wait3A_134 = arith.constant 0 : i32
      %dma_wait3A_135 = tpu.memref_slice %arg8[%run_scoped3A, %dma_wait3A_133, %dma_wait3A_134] : memref<2x80x128xf32, #tpu.memory_space<vmem>> -> memref<1x80x128xf32, #tpu.memory_space<vmem>>
      %dma_wait3A_136 = tpu.memref_squeeze %dma_wait3A_135 : memref<1x80x128xf32, #tpu.memory_space<vmem>> -> memref<80x128xf32, #tpu.memory_space<vmem>>
      %dma_wait3A_137 = arith.constant 0 : i32
      %dma_wait3A_138 = tpu.memref_slice %arg7[%run_scoped3A_75, %dma_wait3A_137] : memref<125x80xi32, #tpu.memory_space<vmem>> -> memref<1x80xi32, #tpu.memory_space<vmem>>
      %dma_wait3A_139 = tpu.memref_squeeze %dma_wait3A_138 : memref<1x80xi32, #tpu.memory_space<vmem>> -> memref<80xi32, #tpu.memory_space<vmem>>
      %dma_wait3A_140 = arith.constant 0 : i32
      %dma_wait3A_141 = arith.constant 0 : i32
      %dma_wait3A_142 = tpu.memref_slice %arg10[%dma_wait3A_140, %dma_wait3A_141] : memref<5184x128xf32, #tpu.memory_space<vmem_shared>> -> memref<5184x128xf32, #tpu.memory_space<vmem_shared>>
      tpu.wait_indirect_dma semaphore(%run_scoped3A_122 : memref<!tpu.dma_semaphore, #tpu.memory_space<semaphore_mem>>) src(%dma_wait3A_136 : memref<80x128xf32, #tpu.memory_space<vmem>>) dst(%dma_wait3A_142 : memref<5184x128xf32, #tpu.memory_space<vmem_shared>>)
      tpu.yield
    }) : () -> ()
    %barrier3A_76 = arith.constant 0 : index
    tpu.barrier barrier_id(%barrier3A_76)
    %mul3A_77 = arith.constant 320 : i32
    %mul3A_78 = arith.muli %arg1, %mul3A_77 : i32
    %add3A_79 = arith.addi %multiple_of3A, %mul3A_78 : i32
    %add3A_80 = arith.constant 0 : i32
    %add3A_81 = arith.addi %add3A_79, %add3A_80 : i32
    %multiple_of3A_82 = tpu.assume_multiple %add3A_81, 8 : i32
    %mul3A_83 = arith.constant 320 : i32
    %mul3A_84 = arith.muli %arg1, %mul3A_83 : i32
    %add3A_85 = arith.constant 0 : i32
    %add3A_86 = arith.addi %mul3A_84, %add3A_85 : i32
    %multiple_of3A_87 = tpu.assume_multiple %add3A_86, 8 : i32
    "tpu.region"() ({
      %run_scoped3A_122 = tpu.sem_alloc : memref<!tpu.dma_semaphore, #tpu.memory_space<semaphore_mem>>
      %dma_start3A_123 = arith.constant 0 : i32
      %dma_start3A_124 = tpu.memref_slice %arg10[%multiple_of3A_87, %dma_start3A_123] : memref<5184x128xf32, #tpu.memory_space<vmem_shared>> -> memref<80x128xf32, #tpu.memory_space<vmem_shared>>
      %dma_start3A_125 = arith.constant 0 : i32
      %dma_start3A_126 = tpu.memref_slice %arg10[%multiple_of3A_87, %dma_start3A_125] : memref<5184x128xf32, #tpu.memory_space<vmem_shared>> -> memref<80x128xf32, #tpu.memory_space<vmem_shared>>
      tpu.enqueue_dma source(%dma_start3A_126 : memref<80x128xf32, #tpu.memory_space<vmem_shared>>) target(%arg9 : memref<80x128xf32, #tpu.memory_space<vmem>>) target_semaphore(%run_scoped3A_122 : memref<!tpu.dma_semaphore, #tpu.memory_space<semaphore_mem>>)
      %dma_wait3A_127 = arith.constant 0 : i32
      %dma_wait3A_128 = tpu.memref_slice %arg10[%multiple_of3A_87, %dma_wait3A_127] : memref<5184x128xf32, #tpu.memory_space<vmem_shared>> -> memref<80x128xf32, #tpu.memory_space<vmem_shared>>
      %dma_wait3A_129 = arith.constant 0 : i32
      %dma_wait3A_130 = tpu.memref_slice %arg10[%multiple_of3A_87, %dma_wait3A_129] : memref<5184x128xf32, #tpu.memory_space<vmem_shared>> -> memref<80x128xf32, #tpu.memory_space<vmem_shared>>
      tpu.wait_dma2 semaphore(%run_scoped3A_122 : memref<!tpu.dma_semaphore, #tpu.memory_space<semaphore_mem>>) src(%dma_wait3A_130 : memref<80x128xf32, #tpu.memory_space<vmem_shared>>) dst(%arg9 : memref<80x128xf32, #tpu.memory_space<vmem>>)
      tpu.yield
    }) : () -> ()
    "tpu.region"() ({
      %run_scoped3A_122 = tpu.sem_alloc : memref<!tpu.dma_semaphore, #tpu.memory_space<semaphore_mem>>
      %dma_start3A_123 = arith.constant 0 : i32
      %dma_start3A_124 = tpu.memref_slice %arg5[%multiple_of3A_82, %dma_start3A_123] : memref<10240x128xf32, #tpu.memory_space<hbm>> -> memref<80x128xf32, #tpu.memory_space<hbm>>
      %dma_start3A_125 = arith.constant 0 : i32
      %dma_start3A_126 = tpu.memref_slice %arg5[%multiple_of3A_82, %dma_start3A_125] : memref<10240x128xf32, #tpu.memory_space<hbm>> -> memref<80x128xf32, #tpu.memory_space<hbm>>
      tpu.enqueue_dma source(%arg9 : memref<80x128xf32, #tpu.memory_space<vmem>>) target(%dma_start3A_126 : memref<80x128xf32, #tpu.memory_space<hbm>>) target_semaphore(%run_scoped3A_122 : memref<!tpu.dma_semaphore, #tpu.memory_space<semaphore_mem>>)
      %dma_wait3A_127 = arith.constant 0 : i32
      %dma_wait3A_128 = tpu.memref_slice %arg5[%multiple_of3A_82, %dma_wait3A_127] : memref<10240x128xf32, #tpu.memory_space<hbm>> -> memref<80x128xf32, #tpu.memory_space<hbm>>
      %dma_wait3A_129 = arith.constant 0 : i32
      %dma_wait3A_130 = tpu.memref_slice %arg5[%multiple_of3A_82, %dma_wait3A_129] : memref<10240x128xf32, #tpu.memory_space<hbm>> -> memref<80x128xf32, #tpu.memory_space<hbm>>
      tpu.wait_dma2 semaphore(%run_scoped3A_122 : memref<!tpu.dma_semaphore, #tpu.memory_space<semaphore_mem>>) src(%arg9 : memref<80x128xf32, #tpu.memory_space<vmem>>) dst(%dma_wait3A_130 : memref<80x128xf32, #tpu.memory_space<hbm>>)
      tpu.yield
    }) : () -> ()
    %mul3A_88 = arith.constant 320 : i32
    %mul3A_89 = arith.muli %arg1, %mul3A_88 : i32
    %add3A_90 = arith.addi %multiple_of3A, %mul3A_89 : i32
    %add3A_91 = arith.constant 80 : i32
    %add3A_92 = arith.addi %add3A_90, %add3A_91 : i32
    %multiple_of3A_93 = tpu.assume_multiple %add3A_92, 8 : i32
    %mul3A_94 = arith.constant 320 : i32
    %mul3A_95 = arith.muli %arg1, %mul3A_94 : i32
    %add3A_96 = arith.constant 80 : i32
    %add3A_97 = arith.addi %mul3A_95, %add3A_96 : i32
    %multiple_of3A_98 = tpu.assume_multiple %add3A_97, 8 : i32
    "tpu.region"() ({
      %run_scoped3A_122 = tpu.sem_alloc : memref<!tpu.dma_semaphore, #tpu.memory_space<semaphore_mem>>
      %dma_start3A_123 = arith.constant 0 : i32
      %dma_start3A_124 = tpu.memref_slice %arg10[%multiple_of3A_98, %dma_start3A_123] : memref<5184x128xf32, #tpu.memory_space<vmem_shared>> -> memref<80x128xf32, #tpu.memory_space<vmem_shared>>
      %dma_start3A_125 = arith.constant 0 : i32
      %dma_start3A_126 = tpu.memref_slice %arg10[%multiple_of3A_98, %dma_start3A_125] : memref<5184x128xf32, #tpu.memory_space<vmem_shared>> -> memref<80x128xf32, #tpu.memory_space<vmem_shared>>
      tpu.enqueue_dma source(%dma_start3A_126 : memref<80x128xf32, #tpu.memory_space<vmem_shared>>) target(%arg9 : memref<80x128xf32, #tpu.memory_space<vmem>>) target_semaphore(%run_scoped3A_122 : memref<!tpu.dma_semaphore, #tpu.memory_space<semaphore_mem>>)
      %dma_wait3A_127 = arith.constant 0 : i32
      %dma_wait3A_128 = tpu.memref_slice %arg10[%multiple_of3A_98, %dma_wait3A_127] : memref<5184x128xf32, #tpu.memory_space<vmem_shared>> -> memref<80x128xf32, #tpu.memory_space<vmem_shared>>
      %dma_wait3A_129 = arith.constant 0 : i32
      %dma_wait3A_130 = tpu.memref_slice %arg10[%multiple_of3A_98, %dma_wait3A_129] : memref<5184x128xf32, #tpu.memory_space<vmem_shared>> -> memref<80x128xf32, #tpu.memory_space<vmem_shared>>
      tpu.wait_dma2 semaphore(%run_scoped3A_122 : memref<!tpu.dma_semaphore, #tpu.memory_space<semaphore_mem>>) src(%dma_wait3A_130 : memref<80x128xf32, #tpu.memory_space<vmem_shared>>) dst(%arg9 : memref<80x128xf32, #tpu.memory_space<vmem>>)
      tpu.yield
    }) : () -> ()
    "tpu.region"() ({
      %run_scoped3A_122 = tpu.sem_alloc : memref<!tpu.dma_semaphore, #tpu.memory_space<semaphore_mem>>
      %dma_start3A_123 = arith.constant 0 : i32
      %dma_start3A_124 = tpu.memref_slice %arg5[%multiple_of3A_93, %dma_start3A_123] : memref<10240x128xf32, #tpu.memory_space<hbm>> -> memref<80x128xf32, #tpu.memory_space<hbm>>
      %dma_start3A_125 = arith.constant 0 : i32
      %dma_start3A_126 = tpu.memref_slice %arg5[%multiple_of3A_93, %dma_start3A_125] : memref<10240x128xf32, #tpu.memory_space<hbm>> -> memref<80x128xf32, #tpu.memory_space<hbm>>
      tpu.enqueue_dma source(%arg9 : memref<80x128xf32, #tpu.memory_space<vmem>>) target(%dma_start3A_126 : memref<80x128xf32, #tpu.memory_space<hbm>>) target_semaphore(%run_scoped3A_122 : memref<!tpu.dma_semaphore, #tpu.memory_space<semaphore_mem>>)
      %dma_wait3A_127 = arith.constant 0 : i32
      %dma_wait3A_128 = tpu.memref_slice %arg5[%multiple_of3A_93, %dma_wait3A_127] : memref<10240x128xf32, #tpu.memory_space<hbm>> -> memref<80x128xf32, #tpu.memory_space<hbm>>
      %dma_wait3A_129 = arith.constant 0 : i32
      %dma_wait3A_130 = tpu.memref_slice %arg5[%multiple_of3A_93, %dma_wait3A_129] : memref<10240x128xf32, #tpu.memory_space<hbm>> -> memref<80x128xf32, #tpu.memory_space<hbm>>
      tpu.wait_dma2 semaphore(%run_scoped3A_122 : memref<!tpu.dma_semaphore, #tpu.memory_space<semaphore_mem>>) src(%arg9 : memref<80x128xf32, #tpu.memory_space<vmem>>) dst(%dma_wait3A_130 : memref<80x128xf32, #tpu.memory_space<hbm>>)
      tpu.yield
    }) : () -> ()
    %mul3A_99 = arith.constant 320 : i32
    %mul3A_100 = arith.muli %arg1, %mul3A_99 : i32
    %add3A_101 = arith.addi %multiple_of3A, %mul3A_100 : i32
    %add3A_102 = arith.constant 160 : i32
    %add3A_103 = arith.addi %add3A_101, %add3A_102 : i32
    %multiple_of3A_104 = tpu.assume_multiple %add3A_103, 8 : i32
    %mul3A_105 = arith.constant 320 : i32
    %mul3A_106 = arith.muli %arg1, %mul3A_105 : i32
    %add3A_107 = arith.constant 160 : i32
    %add3A_108 = arith.addi %mul3A_106, %add3A_107 : i32
    %multiple_of3A_109 = tpu.assume_multiple %add3A_108, 8 : i32
    "tpu.region"() ({
      %run_scoped3A_122 = tpu.sem_alloc : memref<!tpu.dma_semaphore, #tpu.memory_space<semaphore_mem>>
      %dma_start3A_123 = arith.constant 0 : i32
      %dma_start3A_124 = tpu.memref_slice %arg10[%multiple_of3A_109, %dma_start3A_123] : memref<5184x128xf32, #tpu.memory_space<vmem_shared>> -> memref<80x128xf32, #tpu.memory_space<vmem_shared>>
      %dma_start3A_125 = arith.constant 0 : i32
      %dma_start3A_126 = tpu.memref_slice %arg10[%multiple_of3A_109, %dma_start3A_125] : memref<5184x128xf32, #tpu.memory_space<vmem_shared>> -> memref<80x128xf32, #tpu.memory_space<vmem_shared>>
      tpu.enqueue_dma source(%dma_start3A_126 : memref<80x128xf32, #tpu.memory_space<vmem_shared>>) target(%arg9 : memref<80x128xf32, #tpu.memory_space<vmem>>) target_semaphore(%run_scoped3A_122 : memref<!tpu.dma_semaphore, #tpu.memory_space<semaphore_mem>>)
      %dma_wait3A_127 = arith.constant 0 : i32
      %dma_wait3A_128 = tpu.memref_slice %arg10[%multiple_of3A_109, %dma_wait3A_127] : memref<5184x128xf32, #tpu.memory_space<vmem_shared>> -> memref<80x128xf32, #tpu.memory_space<vmem_shared>>
      %dma_wait3A_129 = arith.constant 0 : i32
      %dma_wait3A_130 = tpu.memref_slice %arg10[%multiple_of3A_109, %dma_wait3A_129] : memref<5184x128xf32, #tpu.memory_space<vmem_shared>> -> memref<80x128xf32, #tpu.memory_space<vmem_shared>>
      tpu.wait_dma2 semaphore(%run_scoped3A_122 : memref<!tpu.dma_semaphore, #tpu.memory_space<semaphore_mem>>) src(%dma_wait3A_130 : memref<80x128xf32, #tpu.memory_space<vmem_shared>>) dst(%arg9 : memref<80x128xf32, #tpu.memory_space<vmem>>)
      tpu.yield
    }) : () -> ()
    "tpu.region"() ({
      %run_scoped3A_122 = tpu.sem_alloc : memref<!tpu.dma_semaphore, #tpu.memory_space<semaphore_mem>>
      %dma_start3A_123 = arith.constant 0 : i32
      %dma_start3A_124 = tpu.memref_slice %arg5[%multiple_of3A_104, %dma_start3A_123] : memref<10240x128xf32, #tpu.memory_space<hbm>> -> memref<80x128xf32, #tpu.memory_space<hbm>>
      %dma_start3A_125 = arith.constant 0 : i32
      %dma_start3A_126 = tpu.memref_slice %arg5[%multiple_of3A_104, %dma_start3A_125] : memref<10240x128xf32, #tpu.memory_space<hbm>> -> memref<80x128xf32, #tpu.memory_space<hbm>>
      tpu.enqueue_dma source(%arg9 : memref<80x128xf32, #tpu.memory_space<vmem>>) target(%dma_start3A_126 : memref<80x128xf32, #tpu.memory_space<hbm>>) target_semaphore(%run_scoped3A_122 : memref<!tpu.dma_semaphore, #tpu.memory_space<semaphore_mem>>)
      %dma_wait3A_127 = arith.constant 0 : i32
      %dma_wait3A_128 = tpu.memref_slice %arg5[%multiple_of3A_104, %dma_wait3A_127] : memref<10240x128xf32, #tpu.memory_space<hbm>> -> memref<80x128xf32, #tpu.memory_space<hbm>>
      %dma_wait3A_129 = arith.constant 0 : i32
      %dma_wait3A_130 = tpu.memref_slice %arg5[%multiple_of3A_104, %dma_wait3A_129] : memref<10240x128xf32, #tpu.memory_space<hbm>> -> memref<80x128xf32, #tpu.memory_space<hbm>>
      tpu.wait_dma2 semaphore(%run_scoped3A_122 : memref<!tpu.dma_semaphore, #tpu.memory_space<semaphore_mem>>) src(%arg9 : memref<80x128xf32, #tpu.memory_space<vmem>>) dst(%dma_wait3A_130 : memref<80x128xf32, #tpu.memory_space<hbm>>)
      tpu.yield
    }) : () -> ()
    %mul3A_110 = arith.constant 320 : i32
    %mul3A_111 = arith.muli %arg1, %mul3A_110 : i32
    %add3A_112 = arith.addi %multiple_of3A, %mul3A_111 : i32
    %add3A_113 = arith.constant 240 : i32
    %add3A_114 = arith.addi %add3A_112, %add3A_113 : i32
    %multiple_of3A_115 = tpu.assume_multiple %add3A_114, 8 : i32
    %mul3A_116 = arith.constant 320 : i32
    %mul3A_117 = arith.muli %arg1, %mul3A_116 : i32
    %add3A_118 = arith.constant 240 : i32
    %add3A_119 = arith.addi %mul3A_117, %add3A_118 : i32
    %multiple_of3A_120 = tpu.assume_multiple %add3A_119, 8 : i32
    "tpu.region"() ({
      %run_scoped3A_122 = tpu.sem_alloc : memref<!tpu.dma_semaphore, #tpu.memory_space<semaphore_mem>>
      %dma_start3A_123 = arith.constant 0 : i32
      %dma_start3A_124 = tpu.memref_slice %arg10[%multiple_of3A_120, %dma_start3A_123] : memref<5184x128xf32, #tpu.memory_space<vmem_shared>> -> memref<80x128xf32, #tpu.memory_space<vmem_shared>>
      %dma_start3A_125 = arith.constant 0 : i32
      %dma_start3A_126 = tpu.memref_slice %arg10[%multiple_of3A_120, %dma_start3A_125] : memref<5184x128xf32, #tpu.memory_space<vmem_shared>> -> memref<80x128xf32, #tpu.memory_space<vmem_shared>>
      tpu.enqueue_dma source(%dma_start3A_126 : memref<80x128xf32, #tpu.memory_space<vmem_shared>>) target(%arg9 : memref<80x128xf32, #tpu.memory_space<vmem>>) target_semaphore(%run_scoped3A_122 : memref<!tpu.dma_semaphore, #tpu.memory_space<semaphore_mem>>)
      %dma_wait3A_127 = arith.constant 0 : i32
      %dma_wait3A_128 = tpu.memref_slice %arg10[%multiple_of3A_120, %dma_wait3A_127] : memref<5184x128xf32, #tpu.memory_space<vmem_shared>> -> memref<80x128xf32, #tpu.memory_space<vmem_shared>>
      %dma_wait3A_129 = arith.constant 0 : i32
      %dma_wait3A_130 = tpu.memref_slice %arg10[%multiple_of3A_120, %dma_wait3A_129] : memref<5184x128xf32, #tpu.memory_space<vmem_shared>> -> memref<80x128xf32, #tpu.memory_space<vmem_shared>>
      tpu.wait_dma2 semaphore(%run_scoped3A_122 : memref<!tpu.dma_semaphore, #tpu.memory_space<semaphore_mem>>) src(%dma_wait3A_130 : memref<80x128xf32, #tpu.memory_space<vmem_shared>>) dst(%arg9 : memref<80x128xf32, #tpu.memory_space<vmem>>)
      tpu.yield
    }) : () -> ()
    "tpu.region"() ({
      %run_scoped3A_122 = tpu.sem_alloc : memref<!tpu.dma_semaphore, #tpu.memory_space<semaphore_mem>>
      %dma_start3A_123 = arith.constant 0 : i32
      %dma_start3A_124 = tpu.memref_slice %arg5[%multiple_of3A_115, %dma_start3A_123] : memref<10240x128xf32, #tpu.memory_space<hbm>> -> memref<80x128xf32, #tpu.memory_space<hbm>>
      %dma_start3A_125 = arith.constant 0 : i32
      %dma_start3A_126 = tpu.memref_slice %arg5[%multiple_of3A_115, %dma_start3A_125] : memref<10240x128xf32, #tpu.memory_space<hbm>> -> memref<80x128xf32, #tpu.memory_space<hbm>>
      tpu.enqueue_dma source(%arg9 : memref<80x128xf32, #tpu.memory_space<vmem>>) target(%dma_start3A_126 : memref<80x128xf32, #tpu.memory_space<hbm>>) target_semaphore(%run_scoped3A_122 : memref<!tpu.dma_semaphore, #tpu.memory_space<semaphore_mem>>)
      %dma_wait3A_127 = arith.constant 0 : i32
      %dma_wait3A_128 = tpu.memref_slice %arg5[%multiple_of3A_115, %dma_wait3A_127] : memref<10240x128xf32, #tpu.memory_space<hbm>> -> memref<80x128xf32, #tpu.memory_space<hbm>>
      %dma_wait3A_129 = arith.constant 0 : i32
      %dma_wait3A_130 = tpu.memref_slice %arg5[%multiple_of3A_115, %dma_wait3A_129] : memref<10240x128xf32, #tpu.memory_space<hbm>> -> memref<80x128xf32, #tpu.memory_space<hbm>>
      tpu.wait_dma2 semaphore(%run_scoped3A_122 : memref<!tpu.dma_semaphore, #tpu.memory_space<semaphore_mem>>) src(%arg9 : memref<80x128xf32, #tpu.memory_space<vmem>>) dst(%dma_wait3A_130 : memref<80x128xf32, #tpu.memory_space<hbm>>)
      tpu.yield
    }) : () -> ()
    %barrier3A_121 = arith.constant 0 : index
    tpu.barrier barrier_id(%barrier3A_121)
    return
  }
}

module attributes {stable_mosaic.version = 14 : i64} {
  func.func @_scale_body(%arg0: i32, %arg1: memref<1024x256xf32, #tpu.memory_space<vmem>>, %arg2: memref<1024x1xf32, #tpu.memory_space<vmem>>, %arg3: memref<2x1024x128xf32, #tpu.memory_space<vmem>>, %arg4: memref<1024x1xf32, #tpu.memory_space<vmem>>) attributes {dimension_semantics = [#tpu.dimension_semantics<arbitrary>], iteration_bounds = array<i64: 10>, scalar_prefetch = 0 : i64, scratch_operands = 0 : i64, tpu.core_type = #tpu.core_type<tc>, window_params = [{transform_indices = @transform_0, window_bounds = array<i64: 1024, 256>}, {transform_indices = @transform_1, window_bounds = array<i64: 1024, 1>}, {transform_indices = @transform_2, window_bounds = array<i64: 2, 1024, 128>}, {transform_indices = @transform_3, window_bounds = array<i64: 1024, 1>}]} {
    %get3A = arith.constant 0 : index
    %get3A_0 = arith.constant 0 : index
    %get3A_1 = vector.load %arg2[%get3A, %get3A_0] : memref<1024x1xf32, #tpu.memory_space<vmem>>, vector<1024x1xf32>
    %rsqrt3A = math.rsqrt %get3A_1 : vector<1024x1xf32>
    %swap3A = arith.constant 0 : index
    %swap3A_2 = arith.constant 0 : index
    %swap3A_3 = vector.load %arg4[%swap3A, %swap3A_2] : memref<1024x1xf32, #tpu.memory_space<vmem>>, vector<1024x1xf32>
    tpu.vector_store %arg4[%swap3A, %swap3A_2], %rsqrt3A {strides = array<i32>} : memref<1024x1xf32, #tpu.memory_space<vmem>>, vector<1024x1xf32>,
    %get3A_4 = arith.constant 0 : index
    %get3A_5 = arith.constant 0 : index
    %get3A_6 = vector.load %arg1[%get3A_4, %get3A_5] : memref<1024x256xf32, #tpu.memory_space<vmem>>, vector<1024x256xf32>
    %mul3A = vector.broadcast %rsqrt3A : vector<1024x1xf32> to vector<1024x256xf32>
    %mul3A_7 = arith.mulf %get3A_6, %mul3A : vector<1024x256xf32>
    %slice3A = vector.extract_strided_slice %mul3A_7 {offsets = [0, 0], sizes = [1024, 128], strides = [1, 1]} : vector<1024x256xf32> to vector<1024x128xf32>
    %swap3A_8 = arith.constant 0 : index
    %swap3A_9 = arith.constant 0 : index
    %swap3A_10 = arith.constant 0 : index
    %swap3A_11 = vector.load %arg3[%swap3A_8, %swap3A_9, %swap3A_10] : memref<2x1024x128xf32, #tpu.memory_space<vmem>>, vector<1x1024x128xf32>
    %swap3A_12 = vector.shape_cast %swap3A_11 : vector<1x1024x128xf32> to vector<1024x128xf32>
    %swap3A_13 = vector.shape_cast %slice3A : vector<1024x128xf32> to vector<1x1024x128xf32>
    tpu.vector_store %arg3[%swap3A_8, %swap3A_9, %swap3A_10], %swap3A_13 {strides = array<i32>} : memref<2x1024x128xf32, #tpu.memory_space<vmem>>, vector<1x1024x128xf32>,
    %slice3A_14 = vector.extract_strided_slice %mul3A_7 {offsets = [0, 128], sizes = [1024, 128], strides = [1, 1]} : vector<1024x256xf32> to vector<1024x128xf32>
    %swap3A_15 = arith.constant 1 : index
    %swap3A_16 = arith.constant 0 : index
    %swap3A_17 = arith.constant 0 : index
    %swap3A_18 = vector.load %arg3[%swap3A_15, %swap3A_16, %swap3A_17] : memref<2x1024x128xf32, #tpu.memory_space<vmem>>, vector<1x1024x128xf32>
    %swap3A_19 = vector.shape_cast %swap3A_18 : vector<1x1024x128xf32> to vector<1024x128xf32>
    %swap3A_20 = vector.shape_cast %slice3A_14 : vector<1024x128xf32> to vector<1x1024x128xf32>
    tpu.vector_store %arg3[%swap3A_15, %swap3A_16, %swap3A_17], %swap3A_20 {strides = array<i32>} : memref<2x1024x128xf32, #tpu.memory_space<vmem>>, vector<1x1024x128xf32>,
    return
  }
  func.func @transform_0(%arg0: i32) -> (i32, i32) {
    %c0_i32 = arith.constant 0 : i32
    %c0_i32_0 = arith.constant 0 : i32
    return %arg0, %c0_i32 : i32, i32
  }
  func.func @transform_1(%arg0: i32) -> (i32, i32) {
    %c0_i32 = arith.constant 0 : i32
    %c0_i32_0 = arith.constant 0 : i32
    return %arg0, %c0_i32 : i32, i32
  }
  func.func @transform_2(%arg0: i32) -> (i32, i32, i32) {
    %c0_i32 = arith.constant 0 : i32
    %c0_i32_0 = arith.constant 0 : i32
    %c0_i32_1 = arith.constant 0 : i32
    return %c0_i32, %arg0, %c0_i32_0 : i32, i32, i32
  }
  func.func @transform_3(%arg0: i32) -> (i32, i32) {
    %c0_i32 = arith.constant 0 : i32
    %c0_i32_0 = arith.constant 0 : i32
    return %arg0, %c0_i32 : i32, i32
  }
}

module attributes {stable_mosaic.version = 14 : i64} {
  func.func @_mid_body(%arg0: i32, %arg1: memref<2x1024x128xf32, #tpu.memory_space<vmem>>, %arg2: memref<1024x1xf32, #tpu.memory_space<vmem>>, %arg3: memref<256x512xf32, #tpu.memory_space<vmem>>, %arg4: memref<512xf32, #tpu.memory_space<vmem>>, %arg5: memref<512x128xf32, #tpu.memory_space<vmem>>, %arg6: memref<1024x128xf32, #tpu.memory_space<vmem>>) attributes {dimension_semantics = [#tpu.dimension_semantics<arbitrary>], iteration_bounds = array<i64: 10>, scalar_prefetch = 0 : i64, scratch_operands = 0 : i64, tpu.core_type = #tpu.core_type<tc>, window_params = [{transform_indices = @transform_0, window_bounds = array<i64: 2, 1024, 128>}, {transform_indices = @transform_1, window_bounds = array<i64: 1024, 1>}, {pipeline_mode = #tpu.pipeline_mode<synchronous>, transform_indices = @transform_2, window_bounds = array<i64: 256, 512>}, {pipeline_mode = #tpu.pipeline_mode<synchronous>, transform_indices = @transform_3, window_bounds = array<i64: 512>}, {pipeline_mode = #tpu.pipeline_mode<synchronous>, transform_indices = @transform_4, window_bounds = array<i64: 512, 128>}, {transform_indices = @transform_5, window_bounds = array<i64: 1024, 128>}]} {
    %get3A = arith.constant 0 : index
    %get3A_0 = arith.constant 0 : index
    %get3A_1 = arith.constant 0 : index
    %get3A_2 = vector.load %arg1[%get3A, %get3A_0, %get3A_1] : memref<2x1024x128xf32, #tpu.memory_space<vmem>>, vector<1x1024x128xf32>
    %get3A_3 = vector.shape_cast %get3A_2 : vector<1x1024x128xf32> to vector<1024x128xf32>
    %get3A_4 = arith.constant 1 : index
    %get3A_5 = arith.constant 0 : index
    %get3A_6 = arith.constant 0 : index
    %get3A_7 = vector.load %arg1[%get3A_4, %get3A_5, %get3A_6] : memref<2x1024x128xf32, #tpu.memory_space<vmem>>, vector<1x1024x128xf32>
    %get3A_8 = vector.shape_cast %get3A_7 : vector<1x1024x128xf32> to vector<1024x128xf32>
    %concatenate3A = tpu.concatenate %get3A_3, %get3A_8 in 1 : vector<1024x128xf32>, vector<1024x128xf32> -> vector<1024x256xf32>
    %get3A_9 = arith.constant 0 : index
    %get3A_10 = arith.constant 0 : index
    %get3A_11 = vector.load %arg2[%get3A_9, %get3A_10] : memref<1024x1xf32, #tpu.memory_space<vmem>>, vector<1024x1xf32>
    %mul3A = vector.broadcast %get3A_11 : vector<1024x1xf32> to vector<1024x256xf32>
    %mul3A_12 = arith.mulf %concatenate3A, %mul3A : vector<1024x256xf32>
    %get3A_13 = arith.constant 0 : index
    %get3A_14 = arith.constant 0 : index
    %get3A_15 = vector.load %arg3[%get3A_13, %get3A_14] : memref<256x512xf32, #tpu.memory_space<vmem>>, vector<256x512xf32>
    %dot_general3A = arith.constant dense<0.000000e+00> : vector<1024x512xf32>
    %dot_general3A_16 = tpu.matmul %mul3A_12, %get3A_15, %dot_general3A {dimension_numbers = #tpu.dot_dimension_numbers<[1], [0], [0], [1], [0, 0, 1, 1], [], []>, transpose_lhs_hint = false} : vector<1024x256xf32>, vector<256x512xf32>, vector<1024x512xf32> -> vector<1024x512xf32>
    %get3A_17 = arith.constant 0 : index
    %get3A_18 = vector.load %arg4[%get3A_17] : memref<512xf32, #tpu.memory_space<vmem>>, vector<512xf32>
    %broadcast_in_dim3A = vector.shape_cast %get3A_18 : vector<512xf32> to vector<1x512xf32>
    %add3A = vector.broadcast %broadcast_in_dim3A : vector<1x512xf32> to vector<1024x512xf32>
    %add3A_19 = arith.addf %dot_general3A_16, %add3A : vector<1024x512xf32>
    %max3A = arith.constant 0.000000e+00 : f32
    %max3A_20 = vector.broadcast %max3A : f32 to vector<1024x512xf32>
    %max3A_21 = arith.maximumf %add3A_19, %max3A_20 : vector<1024x512xf32>
    %get3A_22 = arith.constant 0 : index
    %get3A_23 = arith.constant 0 : index
    %get3A_24 = vector.load %arg5[%get3A_22, %get3A_23] : memref<512x128xf32, #tpu.memory_space<vmem>>, vector<512x128xf32>
    %dot_general3A_25 = arith.constant dense<0.000000e+00> : vector<1024x128xf32>
    %dot_general3A_26 = tpu.matmul %max3A_21, %get3A_24, %dot_general3A_25 {dimension_numbers = #tpu.dot_dimension_numbers<[1], [0], [0], [1], [0, 0, 1, 1], [], []>, transpose_lhs_hint = false} : vector<1024x512xf32>, vector<512x128xf32>, vector<1024x128xf32> -> vector<1024x128xf32>
    %get3A_27 = arith.constant 0 : index
    %get3A_28 = arith.constant 0 : index
    %get3A_29 = vector.load %arg2[%get3A_27, %get3A_28] : memref<1024x1xf32, #tpu.memory_space<vmem>>, vector<1024x1xf32>
    %mul3A_30 = vector.broadcast %get3A_29 : vector<1024x1xf32> to vector<1024x128xf32>
    %mul3A_31 = arith.mulf %dot_general3A_26, %mul3A_30 : vector<1024x128xf32>
    %swap3A = arith.constant 0 : index
    %swap3A_32 = arith.constant 0 : index
    %swap3A_33 = vector.load %arg6[%swap3A, %swap3A_32] : memref<1024x128xf32, #tpu.memory_space<vmem>>, vector<1024x128xf32>
    tpu.vector_store %arg6[%swap3A, %swap3A_32], %mul3A_31 {strides = array<i32>} : memref<1024x128xf32, #tpu.memory_space<vmem>>, vector<1024x128xf32>,
    return
  }
  func.func @transform_0(%arg0: i32) -> (i32, i32, i32) {
    %c0_i32 = arith.constant 0 : i32
    %c0_i32_0 = arith.constant 0 : i32
    %c0_i32_1 = arith.constant 0 : i32
    return %c0_i32, %arg0, %c0_i32_0 : i32, i32, i32
  }
  func.func @transform_1(%arg0: i32) -> (i32, i32) {
    %c0_i32 = arith.constant 0 : i32
    %c0_i32_0 = arith.constant 0 : i32
    return %arg0, %c0_i32 : i32, i32
  }
  func.func @transform_2(%arg0: i32) -> (i32, i32) {
    %c0_i32 = arith.constant 0 : i32
    %c0_i32_0 = arith.constant 0 : i32
    %c0_i32_1 = arith.constant 0 : i32
    return %c0_i32, %c0_i32_0 : i32, i32
  }
  func.func @transform_3(%arg0: i32) -> i32 {
    %c0_i32 = arith.constant 0 : i32
    %c0_i32_0 = arith.constant 0 : i32
    return %c0_i32 : i32
  }
  func.func @transform_4(%arg0: i32) -> (i32, i32) {
    %c0_i32 = arith.constant 0 : i32
    %c0_i32_0 = arith.constant 0 : i32
    %c0_i32_1 = arith.constant 0 : i32
    return %c0_i32, %c0_i32_0 : i32, i32
  }
  func.func @transform_5(%arg0: i32) -> (i32, i32) {
    %c0_i32 = arith.constant 0 : i32
    %c0_i32_0 = arith.constant 0 : i32
    return %arg0, %c0_i32 : i32, i32
  }
}

module attributes {stable_mosaic.version = 14 : i64} {
  func.func @_final_body(%arg0: i32, %arg1: memref<1024x128xf32, #tpu.memory_space<vmem>>, %arg2: memref<1024x1xf32, #tpu.memory_space<vmem>>, %arg3: memref<128xf32, #tpu.memory_space<vmem>>, %arg4: memref<1024x128xf32, #tpu.memory_space<vmem>>) attributes {dimension_semantics = [#tpu.dimension_semantics<arbitrary>], iteration_bounds = array<i64: 10>, scalar_prefetch = 0 : i64, scratch_operands = 0 : i64, tpu.core_type = #tpu.core_type<tc>, window_params = [{transform_indices = @transform_0, window_bounds = array<i64: 1024, 128>}, {transform_indices = @transform_1, window_bounds = array<i64: 1024, 1>}, {pipeline_mode = #tpu.pipeline_mode<synchronous>, transform_indices = @transform_2, window_bounds = array<i64: 128>}, {transform_indices = @transform_3, window_bounds = array<i64: 1024, 128>}]} {
    %get3A = arith.constant 0 : index
    %get3A_0 = arith.constant 0 : index
    %get3A_1 = vector.load %arg1[%get3A, %get3A_0] : memref<1024x128xf32, #tpu.memory_space<vmem>>, vector<1024x128xf32>
    %get3A_2 = arith.constant 0 : index
    %get3A_3 = arith.constant 0 : index
    %get3A_4 = vector.load %arg2[%get3A_2, %get3A_3] : memref<1024x1xf32, #tpu.memory_space<vmem>>, vector<1024x1xf32>
    %mul3A = vector.broadcast %get3A_4 : vector<1024x1xf32> to vector<1024x128xf32>
    %mul3A_5 = arith.mulf %get3A_1, %mul3A : vector<1024x128xf32>
    %get3A_6 = arith.constant 0 : index
    %get3A_7 = vector.load %arg3[%get3A_6] : memref<128xf32, #tpu.memory_space<vmem>>, vector<128xf32>
    %broadcast_in_dim3A = vector.shape_cast %get3A_7 : vector<128xf32> to vector<1x128xf32>
    %add3A = vector.broadcast %broadcast_in_dim3A : vector<1x128xf32> to vector<1024x128xf32>
    %add3A_8 = arith.addf %mul3A_5, %add3A : vector<1024x128xf32>
    %swap3A = arith.constant 0 : index
    %swap3A_9 = arith.constant 0 : index
    %swap3A_10 = vector.load %arg4[%swap3A, %swap3A_9] : memref<1024x128xf32, #tpu.memory_space<vmem>>, vector<1024x128xf32>
    tpu.vector_store %arg4[%swap3A, %swap3A_9], %add3A_8 {strides = array<i32>} : memref<1024x128xf32, #tpu.memory_space<vmem>>, vector<1024x128xf32>,
    return
  }
  func.func @transform_0(%arg0: i32) -> (i32, i32) {
    %c0_i32 = arith.constant 0 : i32
    %c0_i32_0 = arith.constant 0 : i32
    return %arg0, %c0_i32 : i32, i32
  }
  func.func @transform_1(%arg0: i32) -> (i32, i32) {
    %c0_i32 = arith.constant 0 : i32
    %c0_i32_0 = arith.constant 0 : i32
    return %arg0, %c0_i32 : i32, i32
  }
  func.func @transform_2(%arg0: i32) -> i32 {
    %c0_i32 = arith.constant 0 : i32
    %c0_i32_0 = arith.constant 0 : i32
    return %c0_i32 : i32
  }
  func.func @transform_3(%arg0: i32) -> (i32, i32) {
    %c0_i32 = arith.constant 0 : i32
    %c0_i32_0 = arith.constant 0 : i32
    return %arg0, %c0_i32 : i32, i32
  }
}

</mosaic_0001>

<sc_bundles>
// kernel: kernel.11.cloned.1.call-start
scs
__scs_entry_jumppad:
0x0: {  	(pc) =	sbr.rel $0x88, $3  }
0x1: {  	(tag) =	ssettag $0x0;
	lr =	simm.s32 $0x1  }
0x2: {  	[smem:$0x3F9B] =	sst lr;
	_ =	strace $0xD0000000  }
0x3: {  	_ = 	snop  }
0x4: {  	_ = 	snop  }
0x5: {  	_ = 	snop  }
0x6: {  	_ = 	snop  }
0x7: {  	_ = 	snop  }
__scs_overlays_trampoline_lowered:
0x8: {  	[smem:$0x3FAA] =	sst s0  }
0x9: {  	[smem:$0x3FAB] =	sst s1  }
0xa: {  	[smem:$0x3FAC] =	sst s2  }
0xb: {  	[smem:$0x3FAD] =	sst s3  }
0xc: {  	[smem:$0x3FAE] =	sst s4  }
0xd: {  	[smem:$0x3FAF] =	sst s5  }
0xe: {  	[smem:$0x3FB0] =	sst s6  }
0xf: {  	[smem:$0x3FB1] =	sst s7  }
0x10: {  	[smem:$0x3FB2] =	sst s8  }
0x11: {  	[smem:$0x3FB3] =	sst s9;
	s0 =	simm.s32 @!p0 $0x0  }
0x12: {  	s1 =	sld [smem:$0x3F99];
	s0 =	simm.s32 @p0 $0x1  }
0x13: {  	[smem:$0x3FB4] =	sst s0;
	s0 =	simm.s32 @!p1 $0x0  }
0x14: {  	s2 =	sld [smem:$0x3F98];
	s0 =	simm.s32 @p1 $0x1  }
0x15: {  	[smem:$0x3FB5] =	sst s0;
	s0 =	simm.s32 @!p2 $0x0  }
0x16: {  	s3 =	sld [smem:$0x3FDB];
	s0 =	simm.s32 @p2 $0x1  }
0x17: {  	s4 =	simm.s32 $0x1BF5;
	[smem:$0x3FB7] =	sst s0  }
0x18: {  	s0 =	sld [smem:$0x3F9A];
	_ =	swait.ge [sflag:s4], $0x0  }
0x19: {  	s7 =	sld [smem:$0x3F9B]  }
0x1a: {  	s8 =	sadd.s32 $0xFFFFE003, lr  }
0x1b: {  	s9 =	sadd.s32 $0xFFFFFEF7, lr;
	s5 =	simm.s32 $0xFFFFFFFF;
	p2 =	slt.u32 s8, $0xFFFFF086  }
0x1c: {  	p1 =	slt.u32 s9, $0xF7A;
	s5 =	simm.s32 @!p2 $0x0  }
0x1d: {  	s5 =	simm.s32 @p1 $0x1;
	p0 =	seq.s32 s7, s2  }
0x1e: {  	s7 =	smul.u32 @!p0 $0xF7A, s2;
	p2 =	seq.s32 @!p0 s5, $0x0  }
0x1f: {  	s9 =	smul.u32 $0xF7A, s1;
	s8 =	simm.s32 @!p0 $0x1BF5;
	p2 =	por !p2, p0  }
0x20: {  	[sflag:s8] =	ssyncset.s32 @!p0 $0xFFFFF086;
	s6 =	sadd.s32 @!p0 s3, s7;
	s7 =	simm.s32 @!p0 $0x108  }
0x21: {  	s3 =	sadd.s32 s3, s9;
	s6 =	sadd.s32 @!p0 $0x88, s6;
	s7 =	simm.s32 @p2 $0x1082  }
0x22: {  	[simem:s7], [sflag:s8] =	dma.local @!p0 [hbm:s6], $0xF7A  }
0x23: {  	s9 =	sor.u32 $0xD0000000, s2;
	s6 =	simm.s32 $0x108;
	_ =	swait.ge @!p0 [sflag:s8], $0x0  }
0x24: {  	s3 =	sadd.s32 $0x88, s3;
	s6 =	simm.s32 @!p1 $0x1082;
	[sflag:s4] =	ssyncset.s32 $0xFFFFF086  }
0x25: {  	[simem:s6], [sflag:s4] =	dma.local [hbm:s3], $0xF7A  }
0x26: {  	[smem:$0x3F9B] =	sst s1;
	(tag) =	ssettag s2;
	_ =	strace s9  }
0x27: {  	s1 =	sld [smem:$0x3FAB]  }
0x28: {  	s2 =	sld [smem:$0x3FAC]  }
0x29: {  	s4 =	sld [smem:$0x3FAE]  }
0x2a: {  	p0 =	seq.s32 s5, $0x0;
	s5 =	sld [smem:$0x3FAF]  }
0x2b: {  	s6 =	sld [smem:$0x3FB0]  }
0x2c: {  	s7 =	sld [smem:$0x3FB1]  }
0x2d: {  	s3 =	simm.s32 $0x108;
	s8 =	sld [smem:$0x3FB2]  }
0x2e: {  	s3 =	simm.s32 @!p0 $0x1082;
	s9 =	sld [smem:$0x3FB3]  }
0x2f: {  	lr =	sadd.s32 s0, s3;
	s0 =	sld [smem:$0x3FAA]  }
0x30: {  	s3 =	sld [smem:$0x3FAD]  }
0x31: {  	[smem:$0x3FB6] =	sst s10  }
0x32: {  	s10 =	sld [smem:$0x3FB4];
	_ =	sdelay $0x3  }
0x33: {  	p0 =	seq.s32 s10, $0x1;
	s10 =	sld [smem:$0x3FB6];
	_ =	sdelay $0x3  }
0x34: {  	[smem:$0x3FB6] =	sst s10  }
0x35: {  	s10 =	sld [smem:$0x3FB5];
	_ =	sdelay $0x3  }
0x36: {  	p1 =	seq.s32 s10, $0x1;
	s10 =	sld [smem:$0x3FB6];
	_ =	sdelay $0x3  }
0x37: {  	[smem:$0x3FB6] =	sst s10  }
0x38: {  	s10 =	sld [smem:$0x3FB7]  }
0x39: {  	_ = 	snop;
	(pc) =	sbr.ind lr, $3  }
0x3a: {  	_ = 	snop  }
0x3b: {  	_ = 	snop  }
0x3c: {  	p2 =	seq.s32 s10, $0x1;
	s10 =	sld [smem:$0x3FB6]  }
0x3d: {  	_ =	shalt  }
0x3e: {  	_ =	shalt  }
0x3f: {  	_ =	shalt  }
0x40: {  	_ =	shalt  }
0x41: {  	_ =	shalt  }
0x42: {  	_ =	shalt  }
0x43: {  	_ =	shalt  }
0x44: {  	_ =	shalt  }
0x45: {  	_ =	shalt  }
0x46: {  	_ =	shalt  }
0x47: {  	_ =	shalt  }
0x48: {  	_ =	shalt  }
0x49: {  	_ =	shalt  }
0x4a: {  	_ =	shalt  }
0x4b: {  	_ =	shalt  }
0x4c: {  	_ =	shalt  }
0x4d: {  	_ =	shalt  }
0x4e: {  	_ =	shalt  }
0x4f: {  	_ =	shalt  }
0x50: {  	_ =	shalt  }
0x51: {  	_ =	shalt  }
0x52: {  	_ =	shalt  }
0x53: {  	_ =	shalt  }
0x54: {  	_ =	shalt  }
0x55: {  	_ =	shalt  }
0x56: {  	_ =	shalt  }
0x57: {  	_ =	shalt  }
0x58: {  	_ =	shalt  }
0x59: {  	_ =	shalt  }
0x5a: {  	_ =	shalt  }
0x5b: {  	_ =	shalt  }
0x5c: {  	_ =	shalt  }
0x5d: {  	_ =	shalt  }
0x5e: {  	_ =	shalt  }
0x5f: {  	_ =	shalt  }
0x60: {  	_ =	shalt  }
0x61: {  	_ =	shalt  }
0x62: {  	_ =	shalt  }
0x63: {  	_ =	shalt  }
0x64: {  	_ =	shalt  }
0x65: {  	_ =	shalt  }
0x66: {  	_ =	shalt  }
0x67: {  	_ =	shalt  }
0x68: {  	_ =	shalt  }
0x69: {  	_ =	shalt  }
0x6a: {  	_ =	shalt  }
0x6b: {  	_ =	shalt  }
0x6c: {  	_ =	shalt  }
0x6d: {  	_ =	shalt  }
0x6e: {  	_ =	shalt  }
0x6f: {  	_ =	shalt  }
0x70: {  	_ =	shalt  }
0x71: {  	_ =	shalt  }
0x72: {  	_ =	shalt  }
0x73: {  	_ =	shalt  }
0x74: {  	_ =	shalt  }
0x75: {  	_ =	shalt  }
0x76: {  	_ =	shalt  }
0x77: {  	_ =	shalt  }
0x78: {  	_ =	shalt  }
0x79: {  	_ =	shalt  }
0x7a: {  	_ =	shalt  }
0x7b: {  	_ =	shalt  }
0x7c: {  	_ =	shalt  }
0x7d: {  	_ =	shalt  }
0x7e: {  	_ =	shalt  }
0x7f: {  	_ =	shalt  }
0x80: {  	_ =	shalt  }
0x81: {  	_ =	shalt  }
0x82: {  	_ =	shalt  }
0x83: {  	_ =	shalt  }
0x84: {  	_ =	shalt  }
0x85: {  	_ =	shalt  }
0x86: {  	_ =	shalt  }
0x87: {  	_ =	shalt  }
.Lfunc_end0:
.L_simem_size_0:
called_computation.1_lowered:
.L_overlay_start_0:
0x88: {  	s2 =	sld [smem:$0x3FD9]  }
0x89: {  	s3 =	sld [smem:$0x3FFE];
	_ =	sdelay $0x1  }
0x8a: {  	s1 =	srdreg.scid  }
0x8b: {  	s0 =	sand.u32 $0x1, s1  }
0x8c: {  	s17 =	sshll.u32 s0, $0xA;
	s2 =	sadd.s32 s3, s2  }
0x8d: {  	s2 =	sadd.s32 s2, s17  }
0x8e: {  	[smem:$0x3FC2] =	sst s2  }
0x8f: {  	_ = 	snop  }
0x90: {  	s2 =	sld [smem:$0x3FD0];
	(tm) =	ssettm $0x1  }
0x91: {  	s18 =	sld [smem:$0x3FFB];
	_ =	sdelay $0x3  }
0x92: {  	_ =	strace s18  }
0x93: {  	s3 =	sld [smem:$0x3FFC];
	_ =	sdelay $0x3  }
0x94: {  	_ =	strace s3  }
0x95: {  	s3 =	sld [smem:$0x3FFD];
	_ =	sdelay $0x3  }
0x96: {  	_ =	strace s3  }
0x97: {  	_ =	strace $0x8FFFFFFF  }
0x98: {  	s19 =	sld [smem:$0x3FDB];
	_ =	sdelay $0x1  }
0x99: {  	s4 =	simm.s32 $_scs_section_size  }
0x9a: {  	s5 =	simm.s32 $_size__tile_overlayer_lowered;
	s6 =	simm.s32 $_tile_overlayer_lowered  }
0x9b: {  	s22 =	simm.s32 $0x1BFF;
	s21 =	sshll.u32 s6, $0x1;
	s3 =	sadd.s32 s4, s19  }
0x9c: {  	s7 =	simm.s32 $0x0;
	s20 =	sshll.u32 s5, $0x1;
	s5 =	sadd.s32 s21, s3  }
0x9d: {  	[timem:s7], [sflag:s22] =	dma.local [hbm:s5], s20  }
0x9e: {  	_ =	swait.ge [sflag:s22], s20  }
0x9f: {  	s4 =	ssub.s32 $0x0, s20;
	[sflag:s22] =	ssyncset.done $0x0  }
0xa0: {  	[sflag:s22] =	ssyncadd.s32 s4;
	_ =	sdelay $0x1  }
0xa1: {  	s23 =	simm.s32 $0x1B8B  }
0xa2: {  	_ =	swait.ge [sflag:s23], $0x1  }
0xa3: {  	[sflag:s23] =	ssyncset.done $0x0  }
0xa4: {  	s25 =	simm.s32 $0x1B8E;
	s24 =	sld [smem:$0x3FFE];
	[sflag:s23] =	ssyncadd.s32 $0xFFFFFFFF  }
0xa5: {  	s26 =	simm.s32 $execute0_lowered;
	[smem:$0x3FD2] =	sst s25  }
0xa6: {  	s5 =	sshll.u32 s26, $0x1;
	_ =	strace $0x80000049;
	[dreg:$0x1] =	wrdreg $0xFFFFFFFF  }
0xa7: {  	s28 =	simm.s32 $_size_execute0_lowered;
	s3 =	sadd.s32 s3, s5;
	[dreg:$0x0] =	wrdreg $0x0  }
0xa8: {  	s5 =	sshll.u32 s28, $0x1;
	[dreg:$0x2] =	wrdreg s3  }
0xa9: {  	[dreg:$0x3] =	wrdreg s5  }
0xaa: {  	[dreg:$0x4] =	wrdreg $0xC0  }
0xab: {  	_ =	task [dreg:s7], $0x5FFFF  }
0xac: {  	[dreg:$0x1] =	wrdreg $0xFFFFFFFF  }
0xad: {  	[dreg:$0x0] =	wrdreg $0x60  }
0xae: {  	[dreg:$0x2] =	wrdreg s24  }
0xaf: {  	[dreg:$0x3] =	wrdreg s2  }
0xb0: {  	[dreg:$0x4] =	wrdreg $0xF8000  }
0xb1: {  	[dreg:$0x5] =	wrdreg $0x9  }
0xb2: {  	_ =	task.clear_ibuf [dreg:s7], $0x6FFFF;
	_ =	strace $0x90000049  }
0xb3: {  	s29 =	simm.s32 $0x9;
	_ =	strace $0x8000004B  }
0xb4: {  	_ =	swait.ge [sflag:s29], $0x1  }
0xb5: {  	[sflag:s29] =	ssyncadd.s32 $0xFFFFFFFF  }
0xb6: {  	_ =	strace $0x9000004B  }
0xb7: {  	_ =	sfence  }
0xb8: {  	s30 =	sld [smem:$0x0];
	_ =	sdelay $0x2  }
0xb9: {  	s31 =	sshll.u32 s1, $0xD;
	s1 =	sshrl.u32 s1, $0x2  }
0xba: {  	s3 =	sand.u32 $0x4000, s31;
	s1 =	sadd.s32 s1, s30  }
0xbb: {  	s0 =	sor.u32 s3, s0;
	s1 =	sshll.u32 s1, $0x11  }
0xbc: {  	s0 =	sor.u32 s1, s0  }
0xbd: {  	s0 =	sadd.s32 $0x8F2B, s0  }
0xbe: {  	[sflag:s0] =	ssyncadd.remote.s32 $0x1  }
0xbf: {  	_ =	sfence.sel $0xFFFF  }
0xc0: {  	[dreg:$0x0] =	wrdreg $0xFFFFFFFF;
	(pc) =	sbr.abs _section_cstart, $3  }
0xc1: {  	[dreg:$0x1] =	wrdreg $0xFFFFFFFF  }
0xc2: {  	_ =	task.clear_ibuf [dreg:s7], $0x2FFFF;
	_ =	strace $0x9FFFFFFF  }
0xc3: {  	(tm) =	ssettm $0x7FFFFFFF  }
tec
execute0_lowered:
.L_overlay_start_1:
0x0: {  	(tag) =	ssettag $0x1  }
0x1: {  	s0 =	rddreg [dreg:$0x0]  }
0x2: {  	s2 =	rddreg [dreg:$0x1]  }
0x3: {  	s1 =	rddreg [dreg:$0x2];
	s3 =	simm.s32 $0x0;
	s15 =	stileid.u32  }
0x4: {  	s4 =	srdreg.scid;
	s28 =	simm.s32 $0x1;
	s12 =	smul.u32 $0x140, s15  }
0x5: {  	s29 =	simm.s32 $0x2;
	s31 =	simm.s32 $0x0;
	s21 =	smul.u32 $0x28000, s15  }
0x6: {  	[smem:$0x7FF] =	sst s3;
	s4 =	sand.u32 $0x1, s4;
	s16 =	smul.u32 $0xA000, s15  }
0x7: {  	s5 =	sshll.u32 s15, $0xB;
	_ =	strace $0x8000004A;
	s6 =	smul.u32 $0x28000, s4  }
0x8: {  	s4 =	ssub.s32 $0x2, s4;
	s7 =	sadd.s32 s5, s0;
	s5 =	sadd.s32 s2, s5  }
0x9: {  	s8 =	sshrl.u32 s4, $0x1;
	s22 =	sadd.s32 $0x2200, s7;
	s7 =	smul.u32 $0x1400, s15  }
0xa: {  	s23 =	sshrl.u32 s21, $0x2;
	s9 =	sadd.s32 $0x50, s12;
	s13 =	sadd.s32 $0xA0, s12  }
0xb: {  	s14 =	sadd.s32 $0xF0, s12;
	s30 =	sshrl.u32 s16, $0x3;
	s21 =	simm.s32 $0x3  }
0xc: {  	s0 =	sadd.s32 s6, s0;
	s4 =	ssub.s32 s4, s8;
	[dreg:$0x4] =	wrdreg s22  }
0xd: {  	s8 =	sadd.s32 s23, s1;
	s24 =	sshll.u32 s9, $0x7;
	s9 =	sshll.u32 s9, $0x4  }
0xe: {  	s11 =	sshll.u32 s13, $0x4;
	s25 =	sshll.u32 s13, $0x7;
	s13 =	sshll.u32 s14, $0x4  }
0xf: {  	s26 =	sshll.u32 s14, $0x7;
	s16 =	sadd.s32 $0x14000, s30;
	s17 =	sadd.s32 $0x14500, s30  }
0x10: {  	s18 =	sadd.s32 $0x14A00, s30;
	s19 =	sadd.s32 $0x14F00, s30;
	s23 =	simm.s32 $0xD000  }
0x11: {  	s6 =	sadd.s32 $0xA200, s0;
	s10 =	sadd.s32 s24, s1;
	s12 =	sadd.s32 s25, s1  }
0x12: {  	s14 =	sadd.s32 s26, s1;
	s15 =	sadd.s32 $0x5A200, s0;
	s20 =	smax.u32 s4, $0x1  }
0x13: {  	s24 =	simm.s32 $0x50;
	s25 =	simm.s32 $0x8000;
	s26 =	simm.s32 $0xA800  }
.LBB2_1:
0x14: {  	s0 =	rddreg [dreg:$0x4]  }
0x15: {  	[tilespmem:s3], [sflag:$0x3] =	stream.linear.gather [hbm4b:s0+s3], $0x3E80, $0x38;
	[tilespmem:$0x19A00] =	vst v63  }
0x16: {  	_ =	swait.ge [sflag:s21], $0x3E80  }
0x17: {  	[sflag:s21] =	ssyncset.done $0x0  }
0x18: {  	s30 =	simm.s32 $0x4000;
	[sflag:s21] =	ssyncadd.s32 $0xFFFFC180  }
0x19: {  	[tilespmem:s30], [sflag:$0x3] =	stream.linear.gather [hbm4b:s5+s3], $0x3E80, $0x38;
	[tilespmem:$0x19A00] =	vst v63  }
0x1a: {  	_ =	swait.ge [sflag:s21], $0x3E80  }
0x1b: {  	[sflag:s21] =	ssyncset.done $0x0  }
0x1c: {  	s0 =	simm.s32 $0x0;
	[sflag:s21] =	ssyncadd.s32 $0xFFFFC180  }
0x1d: {  	v6 =	vld [tilespmem:s0+$0x4040]  }
0x1e: {  	v3 =	vld [tilespmem:s0+$0x4000]  }
0x1f: {  	v2 =	vld [tilespmem:s0+$0x4010];
	_ =	sdelay $0x2  }
0x20: {  	v0 =	vld [tilespmem:s0+$0x4030];
	vm1 =	vlt.u32 v6, $0x1400;
	v1 =	vand.u32 $0x3F, v6  }
0x21: {  	vm0 =	vlt.u32 v3, $0x1400;
	v4 =	vand.u32 $0x3F, v3;
	v7 =	vor.u32 $0x1400, v1;
	v1 =	vld [tilespmem:s0+$0x4020]  }
0x22: {  	s4 =	simm.s32 $0x200;
	s2 =	simm.s32 $0x400;
	v5 =	vor.u32 $0x1400, v4;
	v4 =	vand.u32 $0x3F, v2;
	v6 =	vsel vm1, v6, v7  }
.LBB2_2:
0x23: {  	p0 =	sne.s32 s2, $0xF800  }
0x24: {  	s22 =	sshra.s32 s4, $0x2;
	v3 =	vsel vm0, v3, v5;
	vm0 =	vlt.u32 v2, $0x1400;
	v4 =	vor.u32 $0x1400, v4;
	[tilespmem:s0+$0x4040] =	vst v6;
	s4 =	smov.u32 s2;
	s2 =	sadd.s32 $0x200, s2  }
0x25: {  	v6 =	vld [tilespmem:s22+$0x4040];
	[tilespmem:s0+$0x4000] =	vst v3;
	v2 =	vsel vm0, v2, v4;
	vm0 =	vlt.u32 v0, $0x1400;
	v4 =	vand.u32 $0x3F, v0  }
0x26: {  	v3 =	vld [tilespmem:s22+$0x4000];
	[tilespmem:s0+$0x4010] =	vst v2;
	vm1 =	vlt.u32 v1, $0x1400;
	v5 =	vand.u32 $0x3F, v1;
	v4 =	vor.u32 $0x1400, v4  }
0x27: {  	v2 =	vld [tilespmem:s22+$0x4010];
	v5 =	vor.u32 $0x1400, v5;
	v0 =	vsel vm0, v0, v4  }
.Ltmp0:
0x28: {  	v1 =	vsel vm1, v1, v5;
	[tilespmem:s0+$0x4030] =	vst v0;
	(pc) =	sbr.rel @p0 .LBB2_2-.Ltmp0, $4  }
0x29: {  	v0 =	vld [tilespmem:s22+$0x4030];
	[tilespmem:s0+$0x4020] =	vst v1;
	s0 =	smov.u32 s22  }
0x2a: {  	v1 =	vld [tilespmem:s0+$0x4020];
	vm1 =	vlt.u32 v6, $0x1400;
	v4 =	vand.u32 $0x3F, v6  }
0x2b: {  	vm0 =	vlt.u32 v3, $0x1400;
	v5 =	vand.u32 $0x3F, v3;
	v7 =	vor.u32 $0x1400, v4  }
0x2c: {  	v5 =	vor.u32 $0x1400, v5;
	v4 =	vand.u32 $0x3F, v2;
	v6 =	vsel vm1, v6, v7  }
0x2d: {  	s2 =	sshra.s32 s4, $0x2;
	[tilespmem:s0+$0x4040] =	vst v6;
	v3 =	vsel vm0, v3, v5;
	vm9 =	vlt.u32 v2, $0x1400;
	v4 =	vor.u32 $0x1400, v4  }
0x2e: {  	v49 =	vld [tilespmem:s2+$0x4040];
	[tilespmem:s0+$0x4000] =	vst v3;
	v2 =	vsel vm9, v2, v4;
	v50 =	vand.u32 $0x3F, v0  }
0x2f: {  	vm10 =	vlt.u32 v0, $0x1400;
	v51 =	vld [tilespmem:s2+$0x4000];
	[tilespmem:s0+$0x4010] =	vst v2;
	v52 =	vor.u32 $0x1400, v50;
	v53 =	vand.u32 $0x3F, v1  }
0x30: {  	vm11 =	vlt.u32 v1, $0x1400;
	v6 =	vld [tilespmem:s2+$0x4010];
	v0 =	vsel vm10, v0, v52;
	v54 =	vor.u32 $0x1400, v53  }
0x31: {  	[tilespmem:s0+$0x4030] =	vst v0;
	v55 =	vsel vm11, v1, v54  }
0x32: {  	v56 =	vld [tilespmem:s2+$0x4030];
	[tilespmem:s0+$0x4020] =	vst v55  }
0x33: {  	v0 =	vld [tilespmem:s2+$0x4020];
	vm12 =	vlt.u32 v49, $0x1400  }
0x34: {  	v57 =	vand.u32 $0x3F, v49;
	vm1 =	vlt.u32 v51, $0x1400;
	v58 =	vand.u32 $0x3F, v51  }
0x35: {  	v2 =	vor.u32 $0x1400, v57;
	v3 =	vor.u32 $0x1400, v58;
	v7 =	vand.u32 $0x3F, v6  }
0x36: {  	v2 =	vsel vm12, v49, v2;
	vm13 =	vlt.u32 v6, $0x1400;
	v59 =	vor.u32 $0x1400, v7  }
0x37: {  	v3 =	vsel vm1, v51, v3;
	[tilespmem:s2+$0x4040] =	vst v2;
	v60 =	vsel vm13, v6, v59;
	v61 =	vand.u32 $0x3F, v56  }
0x38: {  	[tilespmem:s2+$0x4000] =	vst v3;
	vm14 =	vlt.u32 v56, $0x1400;
	v62 =	vand.u32 $0x3F, v0;
	v4 =	vor.u32 $0x1400, v61  }
0x39: {  	[tilespmem:s2+$0x4010] =	vst v60;
	vm15 =	vlt.u32 v0, $0x1400;
	v63 =	vor.u32 $0x1400, v62;
	v1 =	vsel vm14, v56, v4  }
0x3a: {  	v0 =	vsel vm15, v0, v63;
	[tilespmem:s2+$0x4030] =	vst v1  }
0x3b: {  	s30 =	sadd.s32 s7, s6;
	[tilespmem:s2+$0x4020] =	vst v0;
	s2 =	simm.s32 $0x0  }
0x3c: {  	[tilespmem:s23], [sflag:$0x3] =	stream.linear.gather [hbm4b:s30+s2], $0x2800, $0x38;
	[tilespmem:$0x19A00] =	vst v63  }
0x3d: {  	_ =	swait.ge [sflag:s21], $0x2800  }
0x3e: {  	[sflag:s21] =	ssyncset.done $0x0  }
0x3f: {  	[sflag:s21] =	ssyncadd.s32 $0xFFFFD800  }
0x40: {  	[spmem:s8] =	stream.linear.scatter [tilespmem:s23], [sflag:$0x3], $0x2800, $0x38;
	[tilespmem:$0x19A00] =	vst v63  }
0x41: {  	_ =	swait.ge [sflag:s21], $0x2800  }
0x42: {  	[sflag:s21] =	ssyncset.done $0x0  }
0x43: {  	s4 =	sadd.s32 s9, s6;
	[sflag:s21] =	ssyncadd.s32 $0xFFFFD800  }
0x44: {  	[tilespmem:s23], [sflag:$0x3] =	stream.linear.gather [hbm4b:s4+s2], $0x2800, $0x38;
	[tilespmem:$0x19A00] =	vst v63  }
0x45: {  	_ =	swait.ge [sflag:s21], $0x2800  }
0x46: {  	[sflag:s21] =	ssyncset.done $0x0  }
0x47: {  	[sflag:s21] =	ssyncadd.s32 $0xFFFFD800  }
0x48: {  	[spmem:s10] =	stream.linear.scatter [tilespmem:s23], [sflag:$0x3], $0x2800, $0x38;
	[tilespmem:$0x19A00] =	vst v63  }
0x49: {  	_ =	swait.ge [sflag:s21], $0x2800  }
0x4a: {  	[sflag:s21] =	ssyncset.done $0x0  }
0x4b: {  	s22 =	sadd.s32 s11, s6;
	[sflag:s21] =	ssyncadd.s32 $0xFFFFD800  }
0x4c: {  	[tilespmem:s23], [sflag:$0x3] =	stream.linear.gather [hbm4b:s22+s2], $0x2800, $0x38;
	[tilespmem:$0x19A00] =	vst v63  }
0x4d: {  	_ =	swait.ge [sflag:s21], $0x2800  }
0x4e: {  	[sflag:s21] =	ssyncset.done $0x0  }
0x4f: {  	[sflag:s21] =	ssyncadd.s32 $0xFFFFD800  }
0x50: {  	[spmem:s12] =	stream.linear.scatter [tilespmem:s23], [sflag:$0x3], $0x2800, $0x38;
	[tilespmem:$0x19A00] =	vst v63  }
0x51: {  	_ =	swait.ge [sflag:s21], $0x2800  }
0x52: {  	[sflag:s21] =	ssyncset.done $0x0  }
0x53: {  	s30 =	sadd.s32 s13, s6;
	[sflag:s21] =	ssyncadd.s32 $0xFFFFD800  }
0x54: {  	[tilespmem:s23], [sflag:$0x3] =	stream.linear.gather [hbm4b:s30+s2], $0x2800, $0x38;
	[tilespmem:$0x19A00] =	vst v63  }
0x55: {  	_ =	swait.ge [sflag:s21], $0x2800  }
0x56: {  	[sflag:s21] =	ssyncset.done $0x0  }
0x57: {  	[sflag:s21] =	ssyncadd.s32 $0xFFFFD800  }
0x58: {  	[spmem:s14] =	stream.linear.scatter [tilespmem:s23], [sflag:$0x3], $0x2800, $0x38;
	[tilespmem:$0x19A00] =	vst v63  }
0x59: {  	_ =	swait.ge [sflag:s21], $0x2800  }
0x5a: {  	[sflag:s21] =	ssyncset.done $0x0  }
0x5b: {  	[sflag:s21] =	ssyncadd.s32 $0xFFFFD800  }
0x5c: {  	[bflag:$0x0] =	sbarrier.arrive $0xFFFF  }
0x5d: {  	[tilespmem:s25], [sflag:$0x1] =	stream.indirect.gather [hbm4b:s6+s24], $0x80, s2, s24, $0xb8;
	[tilespmem:$0x19A00] =	vst v63  }
0x5e: {  	s2 =	simm.s32 $0x80  }
0x5f: {  	[tilespmem:s26], [sflag:$0x2] =	stream.indirect.gather [hbm4b:s6+s24], $0x80, s2, s24, $0xb8;
	[tilespmem:$0x19A00] =	vst v63  }
0x60: {  	_ =	swait.ge [sflag:s28], $0x2800  }
0x61: {  	[sflag:s28] =	ssyncset.done $0x0  }
0x62: {  	s4 =	simm.s32 $0x4000;
	[sflag:s28] =	ssyncadd.s32 $0xFFFFD800  }
0x63: {  	[spmem:s1] =	stream.indirect.scatter.add.f32 [tilespmem:s25], [sflag:$0x3], $0x80, s4, s24, $0xb8;
	[tilespmem:$0x19A00] =	vst v63  }
0x64: {  	_ =	swait.ge [sflag:s21], $0x2800  }
0x65: {  	[sflag:s21] =	ssyncset.done $0x0  }
0x66: {  	s22 =	simm.s32 $0x100;
	[sflag:s21] =	ssyncadd.s32 $0xFFFFD800  }
0x67: {  	[tilespmem:s25], [sflag:$0x1] =	stream.indirect.gather [hbm4b:s6+s24], $0x80, s22, s24, $0xb8;
	[tilespmem:$0x19A00] =	vst v63  }
0x68: {  	_ =	swait.ge [sflag:s29], $0x2800  }
0x69: {  	[sflag:s29] =	ssyncset.done $0x0  }
0x6a: {  	s30 =	simm.s32 $0x4080;
	[sflag:s29] =	ssyncadd.s32 $0xFFFFD800  }
0x6b: {  	[spmem:s1] =	stream.indirect.scatter.add.f32 [tilespmem:s26], [sflag:$0x3], $0x80, s30, s24, $0xb8;
	[tilespmem:$0x19A00] =	vst v63  }
0x6c: {  	_ =	swait.ge [sflag:s21], $0x2800  }
0x6d: {  	s0 =	simm.s32 $0x100;
	s2 =	simm.s32 $0x800;
	[sflag:s21] =	ssyncset.done $0x0  }
.LBB2_4:
0x6e: {  	s4 =	sadd.s32 $0x80, s0  }
0x6f: {  	[sflag:s21] =	ssyncadd.s32 $0xFFFFD800;
	s22 =	smov.u32 s2;
	s30 =	sadd.s32 $0x400, s2  }
0x70: {  	[tilespmem:s26], [sflag:$0x2] =	stream.indirect.gather [hbm4b:s6+s24], $0x80, s4, s24, $0xb8;
	[tilespmem:$0x19A00] =	vst v63  }
0x71: {  	p0 =	sne.s32 s2, $0xF400;
	_ =	swait.ge [sflag:s28], $0x2800  }
0x72: {  	[sflag:s28] =	ssyncset.done $0x0  }
0x73: {  	s2 =	sadd.s32 $0x4000, s0;
	[sflag:s28] =	ssyncadd.s32 $0xFFFFD800  }
0x74: {  	[spmem:s1] =	stream.indirect.scatter.add.f32 [tilespmem:s25], [sflag:$0x3], $0x80, s2, s24, $0xb8;
	[tilespmem:$0x19A00] =	vst v63  }
0x75: {  	_ =	swait.ge [sflag:s21], $0x2800  }
0x76: {  	[sflag:s21] =	ssyncset.done $0x0  }
0x77: {  	s2 =	sadd.s32 $0x100, s0;
	[sflag:s21] =	ssyncadd.s32 $0xFFFFD800  }
0x78: {  	[tilespmem:s25], [sflag:$0x1] =	stream.indirect.gather [hbm4b:s6+s24], $0x80, s2, s24, $0xb8;
	[tilespmem:$0x19A00] =	vst v63  }
0x79: {  	_ =	swait.ge [sflag:s29], $0x2800  }
.Ltmp1:
0x7a: {  	[sflag:s29] =	ssyncset.done $0x0;
	(pc) =	sbr.rel @p0 .LBB2_4-.Ltmp1, $4  }
0x7b: {  	s0 =	sadd.s32 $0x4080, s0;
	[sflag:s29] =	ssyncadd.s32 $0xFFFFD800  }
0x7c: {  	[spmem:s1] =	stream.indirect.scatter.add.f32 [tilespmem:s26], [sflag:$0x3], $0x80, s0, s24, $0xb8;
	[tilespmem:$0x19A00] =	vst v63  }
0x7d: {  	_ =	swait.ge [sflag:s21], $0x2800  }
0x7e: {  	s2 =	smov.u32 s30;
	s0 =	sshra.s32 s22, $0x2;
	[sflag:s21] =	ssyncset.done $0x0  }
0x7f: {  	s2 =	sadd.s32 $0x80, s0;
	[sflag:s21] =	ssyncadd.s32 $0xFFFFD800  }
0x80: {  	[tilespmem:s26], [sflag:$0x2] =	stream.indirect.gather [hbm4b:s6+s24], $0x80, s2, s24, $0xb8;
	[tilespmem:$0x19A00] =	vst v63  }
0x81: {  	_ =	swait.ge [sflag:s28], $0x2800  }
0x82: {  	[sflag:s28] =	ssyncset.done $0x0  }
0x83: {  	s22 =	sadd.s32 $0x4000, s0;
	[sflag:s28] =	ssyncadd.s32 $0xFFFFD800  }
0x84: {  	[spmem:s1] =	stream.indirect.scatter.add.f32 [tilespmem:s25], [sflag:$0x3], $0x80, s22, s24, $0xb8;
	[tilespmem:$0x19A00] =	vst v63  }
0x85: {  	_ =	swait.ge [sflag:s21], $0x2800  }
0x86: {  	[sflag:s21] =	ssyncset.done $0x0  }
0x87: {  	s30 =	sadd.s32 $0x100, s0;
	[sflag:s21] =	ssyncadd.s32 $0xFFFFD800  }
0x88: {  	[tilespmem:s25], [sflag:$0x1] =	stream.indirect.gather [hbm4b:s6+s24], $0x80, s30, s24, $0xb8;
	[tilespmem:$0x19A00] =	vst v63  }
0x89: {  	_ =	swait.ge [sflag:s29], $0x2800  }
0x8a: {  	[sflag:s29] =	ssyncset.done $0x0  }
0x8b: {  	s2 =	sadd.s32 $0x4080, s0;
	[sflag:s29] =	ssyncadd.s32 $0xFFFFD800  }
0x8c: {  	[spmem:s1] =	stream.indirect.scatter.add.f32 [tilespmem:s26], [sflag:$0x3], $0x80, s2, s24, $0xb8;
	[tilespmem:$0x19A00] =	vst v63  }
0x8d: {  	_ =	swait.ge [sflag:s21], $0x2800  }
0x8e: {  	[sflag:s21] =	ssyncset.done $0x0  }
0x8f: {  	[sflag:s21] =	ssyncadd.s32 $0xFFFFD800  }
0x90: {  	_ =	swait.ge [sflag:s28], $0x2800  }
0x91: {  	[sflag:s28] =	ssyncset.done $0x0  }
0x92: {  	s4 =	simm.s32 $0x7E00;
	[sflag:s28] =	ssyncadd.s32 $0xFFFFD800  }
0x93: {  	[spmem:s1] =	stream.indirect.scatter.add.f32 [tilespmem:s25], [sflag:$0x3], $0x80, s4, s24, $0xb8;
	[tilespmem:$0x19A00] =	vst v63  }
0x94: {  	_ =	swait.ge [sflag:s21], $0x2800  }
0x95: {  	[sflag:s21] =	ssyncset.done $0x0  }
0x96: {  	[sflag:s21] =	ssyncadd.s32 $0xFFFFD800  }
0x97: {  	[bflag:$0x0] =	sbarrier.arrive $0xFFFF  }
0x98: {  	[tilespmem:s23], [sflag:$0x3] =	stream.linear.gather [spmem:s8], $0x2800, $0x38;
	[tilespmem:$0x19A00] =	vst v63  }
0x99: {  	_ =	swait.ge [sflag:s21], $0x2800  }
0x9a: {  	[sflag:s21] =	ssyncset.done $0x0  }
0x9b: {  	s22 =	sadd.s32 s7, s15;
	s2 =	simm.s32 $0x0;
	[sflag:s21] =	ssyncadd.s32 $0xFFFFD800  }
0x9c: {  	[hbm4b:s22+s2] =	stream.linear.scatter [tilespmem:s23], [sflag:$0x3], $0x2800, $0x38;
	[tilespmem:$0x19A00] =	vst v63  }
0x9d: {  	_ =	swait.ge [sflag:s21], $0x2800  }
0x9e: {  	[sflag:s21] =	ssyncset.done $0x0  }
0x9f: {  	[sflag:s21] =	ssyncadd.s32 $0xFFFFD800  }
0xa0: {  	[tilespmem:s23], [sflag:$0x3] =	stream.linear.gather [spmem:s10], $0x2800, $0x38;
	[tilespmem:$0x19A00] =	vst v63  }
0xa1: {  	_ =	swait.ge [sflag:s21], $0x2800  }
0xa2: {  	[sflag:s21] =	ssyncset.done $0x0  }
0xa3: {  	s30 =	sadd.s32 s9, s15;
	[sflag:s21] =	ssyncadd.s32 $0xFFFFD800  }
0xa4: {  	[hbm4b:s30+s2] =	stream.linear.scatter [tilespmem:s23], [sflag:$0x3], $0x2800, $0x38;
	[tilespmem:$0x19A00] =	vst v63  }
0xa5: {  	_ =	swait.ge [sflag:s21], $0x2800  }
0xa6: {  	[sflag:s21] =	ssyncset.done $0x0  }
0xa7: {  	[sflag:s21] =	ssyncadd.s32 $0xFFFFD800  }
0xa8: {  	[tilespmem:s23], [sflag:$0x3] =	stream.linear.gather [spmem:s12], $0x2800, $0x38;
	[tilespmem:$0x19A00] =	vst v63  }
0xa9: {  	_ =	swait.ge [sflag:s21], $0x2800  }
0xaa: {  	[sflag:s21] =	ssyncset.done $0x0  }
0xab: {  	s4 =	sadd.s32 s11, s15;
	[sflag:s21] =	ssyncadd.s32 $0xFFFFD800  }
0xac: {  	[hbm4b:s4+s2] =	stream.linear.scatter [tilespmem:s23], [sflag:$0x3], $0x2800, $0x38;
	[tilespmem:$0x19A00] =	vst v63  }
0xad: {  	_ =	swait.ge [sflag:s21], $0x2800  }
0xae: {  	[sflag:s21] =	ssyncset.done $0x0  }
0xaf: {  	[sflag:s21] =	ssyncadd.s32 $0xFFFFD800  }
0xb0: {  	[tilespmem:s23], [sflag:$0x3] =	stream.linear.gather [spmem:s14], $0x2800, $0x38;
	[tilespmem:$0x19A00] =	vst v63  }
0xb1: {  	_ =	swait.ge [sflag:s21], $0x2800  }
0xb2: {  	[sflag:s21] =	ssyncset.done $0x0  }
0xb3: {  	s22 =	sadd.s32 s13, s15;
	[sflag:s21] =	ssyncadd.s32 $0xFFFFD800  }
0xb4: {  	[hbm4b:s22+s2] =	stream.linear.scatter [tilespmem:s23], [sflag:$0x3], $0x2800, $0x38;
	[tilespmem:$0x19A00] =	vst v63  }
0xb5: {  	_ =	swait.ge [sflag:s21], $0x2800  }
0xb6: {  	[sflag:s21] =	ssyncset.done $0x0  }
0xb7: {  	[sflag:s21] =	ssyncadd.s32 $0xFFFFD800  }
0xb8: {  	s30 =	simm.s32 $0x4000;
	[bflag:$0x0] =	sbarrier.arrive $0xFFFF  }
0xb9: {  	[tilespmem:s30], [sflag:$0x3] =	stream.linear.gather [hbm4b:s5+s2], $0x3E80, $0x38;
	[tilespmem:$0x19A00] =	vst v63  }
0xba: {  	_ =	swait.ge [sflag:s21], $0x3E80  }
0xbb: {  	[sflag:s21] =	ssyncset.done $0x0  }
0xbc: {  	s2 =	simm.s32 $0x0;
	[sflag:s21] =	ssyncadd.s32 $0xFFFFC180  }
0xbd: {  	v0 =	vld [tilespmem:s2+$0x4030]  }
0xbe: {  	v2 =	vld [tilespmem:s2+$0x4020]  }
0xbf: {  	v1 =	vld [tilespmem:s2+$0x4000];
	_ =	sdelay $0x2  }
0xc0: {  	v4 =	vld [tilespmem:s2+$0x4010];
	v3 =	vadd.s32 $0xFFFFEC00, v0;
	v0 =	vand.u32 $0x3F, v0  }
0xc1: {  	v6 =	vand.u32 $0x3F, v2;
	vm0 =	vlt.u32 v3, $0x1400;
	v0 =	vor.u32 $0x1400, v0  }
0xc2: {  	v0 =	vsel vm0, v3, v0;
	v3 =	vadd.s32 $0xFFFFEC00, v1;
	v1 =	vand.u32 $0x3F, v1  }
0xc3: {  	s0 =	simm.s32 $0x80;
	v5 =	vld [tilespmem:s2+$0x4040];
	[tilespmem:s2+$0x4030] =	vst v0;
	vm13 =	vlt.u32 v3, $0x1400;
	v0 =	vor.u32 $0x1400, v1;
	v1 =	vadd.s32 $0xFFFFEC00, v2  }
0xc4: {  	v2 =	vld [tilespmem:s0+$0x4030];
	v0 =	vsel vm13, v3, v0;
	vm14 =	vlt.u32 v1, $0x1400;
	v3 =	vor.u32 $0x1400, v6  }
0xc5: {  	v6 =	vadd.s32 $0xFFFFEC00, v4;
	[tilespmem:s2+$0x4000] =	vst v0;
	v0 =	vand.u32 $0x3F, v4;
	v3 =	vsel vm14, v1, v3  }
0xc6: {  	vm15 =	vlt.u32 v6, $0x1400;
	v1 =	vld [tilespmem:s0+$0x4000];
	v4 =	vor.u32 $0x1400, v0;
	[tilespmem:s2+$0x4020] =	vst v3  }
0xc7: {  	v0 =	vld [tilespmem:s0+$0x4020];
	v3 =	vsel vm15, v6, v4  }
0xc8: {  	s4 =	simm.s32 $0x400;
	v4 =	vand.u32 $0x3F, v5;
	[tilespmem:s2+$0x4010] =	vst v3;
	v3 =	vadd.s32 $0xFFFFEC00, v5  }
.LBB2_6:
0xc9: {  	s22 =	sshra.s32 s4, $0x2;
	p0 =	sne.s32 s4, $0xF800;
	s4 =	sadd.s32 $0x200, s4;
	v5 =	vadd.s32 $0xFFFFEC00, v2;
	v2 =	vand.u32 $0x3F, v2;
	v4 =	vor.u32 $0x1400, v4  }
0xca: {  	vm1 =	vlt.u32 v3, $0x1400;
	v6 =	vld [tilespmem:s0+$0x4010];
	vm0 =	vlt.u32 v5, $0x1400;
	v2 =	vor.u32 $0x1400, v2  }
0xcb: {  	v3 =	vsel vm1, v3, v4;
	v7 =	vadd.s32 $0xFFFFEC00, v1;
	v2 =	vsel vm0, v5, v2  }
0xcc: {  	v1 =	vand.u32 $0x3F, v1;
	vm0 =	vlt.u32 v7, $0x1400;
	v4 =	vadd.s32 $0xFFFFEC00, v0;
	[tilespmem:s2+$0x4040] =	vst v3;
	s2 =	smov.u32 s0;
	s0 =	smov.u32 s22  }
0xcd: {  	v1 =	vor.u32 $0x1400, v1;
	v0 =	vand.u32 $0x3F, v0;
	vm1 =	vlt.u32 v4, $0x1400;
	[tilespmem:s2+$0x4030] =	vst v2;
	v5 =	vld [tilespmem:s2+$0x4040]  }
.Ltmp2:
0xce: {  	v1 =	vsel vm0, v7, v1;
	v0 =	vor.u32 $0x1400, v0;
	v2 =	vld [tilespmem:s0+$0x4030];
	(pc) =	sbr.rel @p0 .LBB2_6-.Ltmp2, $4  }
0xcf: {  	v0 =	vsel vm1, v4, v0;
	[tilespmem:s2+$0x4000] =	vst v1;
	v3 =	vadd.s32 $0xFFFFEC00, v6;
	v6 =	vand.u32 $0x3F, v6  }
0xd0: {  	v1 =	vld [tilespmem:s0+$0x4000];
	vm0 =	vlt.u32 v3, $0x1400;
	v4 =	vor.u32 $0x1400, v6;
	[tilespmem:s2+$0x4020] =	vst v0  }
0xd1: {  	v0 =	vld [tilespmem:s0+$0x4020];
	v3 =	vsel vm0, v3, v4  }
0xd2: {  	[tilespmem:s2+$0x4010] =	vst v3;
	v3 =	vadd.s32 $0xFFFFEC00, v5;
	v4 =	vand.u32 $0x3F, v5  }
0xd3: {  	v4 =	vor.u32 $0x1400, v4;
	vm0 =	vlt.u32 v3, $0x1400  }
0xd4: {  	v5 =	vadd.s32 $0xFFFFEC00, v2;
	v52 =	vand.u32 $0x3F, v2;
	v6 =	vld [tilespmem:s0+$0x4010];
	v3 =	vsel vm0, v3, v4  }
0xd5: {  	vm1 =	vlt.u32 v5, $0x1400;
	v2 =	vor.u32 $0x1400, v52;
	[tilespmem:s2+$0x4040] =	vst v3  }
0xd6: {  	v2 =	vsel vm1, v5, v2;
	v53 =	vadd.s32 $0xFFFFEC00, v1;
	v3 =	vld [tilespmem:s0+$0x4040]  }
0xd7: {  	v54 =	vand.u32 $0x3F, v1;
	vm12 =	vlt.u32 v53, $0x1400;
	v55 =	vadd.s32 $0xFFFFEC00, v0  }
0xd8: {  	v1 =	vor.u32 $0x1400, v54;
	v56 =	vand.u32 $0x3F, v0;
	vm13 =	vlt.u32 v55, $0x1400  }
0xd9: {  	v1 =	vsel vm12, v53, v1;
	v0 =	vor.u32 $0x1400, v56;
	v57 =	vadd.s32 $0xFFFFEC00, v6  }
0xda: {  	[tilespmem:s0+$0x4030] =	vst v2;
	v58 =	vand.u32 $0x3F, v6;
	v0 =	vsel vm13, v55, v0;
	vm14 =	vlt.u32 v57, $0x1400  }
0xdb: {  	[tilespmem:s0+$0x4000] =	vst v1;
	v59 =	vor.u32 $0x1400, v58;
	v60 =	vadd.s32 $0xFFFFEC00, v3;
	v3 =	vand.u32 $0x3F, v3  }
0xdc: {  	[tilespmem:s0+$0x4020] =	vst v0;
	v61 =	vsel vm14, v57, v59;
	v62 =	vor.u32 $0x1400, v3;
	vm15 =	vlt.u32 v60, $0x1400  }
0xdd: {  	[tilespmem:s0+$0x4010] =	vst v61;
	v63 =	vsel vm15, v60, v62  }
0xde: {  	s30 =	sadd.s32 s16, s6;
	s2 =	simm.s32 $0x0;
	[tilespmem:s0+$0x4040] =	vst v63  }
0xdf: {  	[tilespmem:s23], [sflag:$0x3] =	stream.linear.gather [hbm4b:s30+s2], $0x2800, $0x38;
	[tilespmem:$0x19A00] =	vst v63  }
0xe0: {  	_ =	swait.ge [sflag:s21], $0x2800  }
0xe1: {  	[sflag:s21] =	ssyncset.done $0x0  }
0xe2: {  	[sflag:s21] =	ssyncadd.s32 $0xFFFFD800  }
0xe3: {  	[spmem:s8] =	stream.linear.scatter [tilespmem:s23], [sflag:$0x3], $0x2800, $0x38;
	[tilespmem:$0x19A00] =	vst v63  }
0xe4: {  	_ =	swait.ge [sflag:s21], $0x2800  }
0xe5: {  	[sflag:s21] =	ssyncset.done $0x0  }
0xe6: {  	s4 =	sadd.s32 s17, s6;
	[sflag:s21] =	ssyncadd.s32 $0xFFFFD800  }
0xe7: {  	[tilespmem:s23], [sflag:$0x3] =	stream.linear.gather [hbm4b:s4+s2], $0x2800, $0x38;
	[tilespmem:$0x19A00] =	vst v63  }
0xe8: {  	_ =	swait.ge [sflag:s21], $0x2800  }
0xe9: {  	[sflag:s21] =	ssyncset.done $0x0  }
0xea: {  	[sflag:s21] =	ssyncadd.s32 $0xFFFFD800  }
0xeb: {  	[spmem:s10] =	stream.linear.scatter [tilespmem:s23], [sflag:$0x3], $0x2800, $0x38;
	[tilespmem:$0x19A00] =	vst v63  }
0xec: {  	_ =	swait.ge [sflag:s21], $0x2800  }
0xed: {  	[sflag:s21] =	ssyncset.done $0x0  }
0xee: {  	s22 =	sadd.s32 s18, s6;
	[sflag:s21] =	ssyncadd.s32 $0xFFFFD800  }
0xef: {  	[tilespmem:s23], [sflag:$0x3] =	stream.linear.gather [hbm4b:s22+s2], $0x2800, $0x38;
	[tilespmem:$0x19A00] =	vst v63  }
0xf0: {  	_ =	swait.ge [sflag:s21], $0x2800  }
0xf1: {  	[sflag:s21] =	ssyncset.done $0x0  }
0xf2: {  	[sflag:s21] =	ssyncadd.s32 $0xFFFFD800  }
0xf3: {  	[spmem:s12] =	stream.linear.scatter [tilespmem:s23], [sflag:$0x3], $0x2800, $0x38;
	[tilespmem:$0x19A00] =	vst v63  }
0xf4: {  	_ =	swait.ge [sflag:s21], $0x2800  }
0xf5: {  	[sflag:s21] =	ssyncset.done $0x0  }
0xf6: {  	s30 =	sadd.s32 s19, s6;
	[sflag:s21] =	ssyncadd.s32 $0xFFFFD800  }
0xf7: {  	[tilespmem:s23], [sflag:$0x3] =	stream.linear.gather [hbm4b:s30+s2], $0x2800, $0x38;
	[tilespmem:$0x19A00] =	vst v63  }
0xf8: {  	_ =	swait.ge [sflag:s21], $0x2800  }
0xf9: {  	[sflag:s21] =	ssyncset.done $0x0  }
0xfa: {  	[sflag:s21] =	ssyncadd.s32 $0xFFFFD800  }
0xfb: {  	[spmem:s14] =	stream.linear.scatter [tilespmem:s23], [sflag:$0x3], $0x2800, $0x38;
	[tilespmem:$0x19A00] =	vst v63  }
0xfc: {  	_ =	swait.ge [sflag:s21], $0x2800  }
0xfd: {  	[sflag:s21] =	ssyncset.done $0x0  }
0xfe: {  	[sflag:s21] =	ssyncadd.s32 $0xFFFFD800  }
0xff: {  	[bflag:$0x0] =	sbarrier.arrive $0xFFFF  }
0x100: {  	[tilespmem:s25], [sflag:$0x1] =	stream.indirect.gather [hbm4b:s6+s24], $0x80, s2, s24, $0xb8;
	[tilespmem:$0x19A00] =	vst v63  }
0x101: {  	s2 =	simm.s32 $0x80  }
0x102: {  	[tilespmem:s26], [sflag:$0x2] =	stream.indirect.gather [hbm4b:s6+s24], $0x80, s2, s24, $0xb8;
	[tilespmem:$0x19A00] =	vst v63  }
0x103: {  	_ =	swait.ge [sflag:s28], $0x2800  }
0x104: {  	[sflag:s28] =	ssyncset.done $0x0  }
0x105: {  	s4 =	simm.s32 $0x4000;
	[sflag:s28] =	ssyncadd.s32 $0xFFFFD800  }
0x106: {  	[spmem:s1] =	stream.indirect.scatter.add.f32 [tilespmem:s25], [sflag:$0x3], $0x80, s4, s24, $0xb8;
	[tilespmem:$0x19A00] =	vst v63  }
0x107: {  	_ =	swait.ge [sflag:s21], $0x2800  }
0x108: {  	[sflag:s21] =	ssyncset.done $0x0  }
0x109: {  	s22 =	simm.s32 $0x100;
	[sflag:s21] =	ssyncadd.s32 $0xFFFFD800  }
0x10a: {  	[tilespmem:s25], [sflag:$0x1] =	stream.indirect.gather [hbm4b:s6+s24], $0x80, s22, s24, $0xb8;
	[tilespmem:$0x19A00] =	vst v63  }
0x10b: {  	_ =	swait.ge [sflag:s29], $0x2800  }
0x10c: {  	[sflag:s29] =	ssyncset.done $0x0  }
0x10d: {  	s30 =	simm.s32 $0x4080;
	[sflag:s29] =	ssyncadd.s32 $0xFFFFD800  }
0x10e: {  	[spmem:s1] =	stream.indirect.scatter.add.f32 [tilespmem:s26], [sflag:$0x3], $0x80, s30, s24, $0xb8;
	[tilespmem:$0x19A00] =	vst v63  }
0x10f: {  	_ =	swait.ge [sflag:s21], $0x2800  }
0x110: {  	s0 =	simm.s32 $0x100;
	s2 =	simm.s32 $0x800;
	[sflag:s21] =	ssyncset.done $0x0  }
.LBB2_8:
0x111: {  	s4 =	sadd.s32 $0x80, s0  }
0x112: {  	[sflag:s21] =	ssyncadd.s32 $0xFFFFD800;
	s22 =	smov.u32 s2;
	s30 =	sadd.s32 $0x400, s2  }
0x113: {  	[tilespmem:s26], [sflag:$0x2] =	stream.indirect.gather [hbm4b:s6+s24], $0x80, s4, s24, $0xb8;
	[tilespmem:$0x19A00] =	vst v63  }
0x114: {  	p0 =	sne.s32 s2, $0xF400;
	_ =	swait.ge [sflag:s28], $0x2800  }
0x115: {  	[sflag:s28] =	ssyncset.done $0x0  }
0x116: {  	s2 =	sadd.s32 $0x4000, s0;
	[sflag:s28] =	ssyncadd.s32 $0xFFFFD800  }
0x117: {  	[spmem:s1] =	stream.indirect.scatter.add.f32 [tilespmem:s25], [sflag:$0x3], $0x80, s2, s24, $0xb8;
	[tilespmem:$0x19A00] =	vst v63  }
0x118: {  	_ =	swait.ge [sflag:s21], $0x2800  }
0x119: {  	[sflag:s21] =	ssyncset.done $0x0  }
0x11a: {  	s2 =	sadd.s32 $0x100, s0;
	[sflag:s21] =	ssyncadd.s32 $0xFFFFD800  }
0x11b: {  	[tilespmem:s25], [sflag:$0x1] =	stream.indirect.gather [hbm4b:s6+s24], $0x80, s2, s24, $0xb8;
	[tilespmem:$0x19A00] =	vst v63  }
0x11c: {  	_ =	swait.ge [sflag:s29], $0x2800  }
.Ltmp3:
0x11d: {  	[sflag:s29] =	ssyncset.done $0x0;
	(pc) =	sbr.rel @p0 .LBB2_8-.Ltmp3, $4  }
0x11e: {  	s0 =	sadd.s32 $0x4080, s0;
	[sflag:s29] =	ssyncadd.s32 $0xFFFFD800  }
0x11f: {  	[spmem:s1] =	stream.indirect.scatter.add.f32 [tilespmem:s26], [sflag:$0x3], $0x80, s0, s24, $0xb8;
	[tilespmem:$0x19A00] =	vst v63  }
0x120: {  	_ =	swait.ge [sflag:s21], $0x2800  }
0x121: {  	s2 =	smov.u32 s30;
	s0 =	sshra.s32 s22, $0x2;
	[sflag:s21] =	ssyncset.done $0x0  }
0x122: {  	s2 =	sadd.s32 $0x80, s0;
	[sflag:s21] =	ssyncadd.s32 $0xFFFFD800  }
0x123: {  	[tilespmem:s26], [sflag:$0x2] =	stream.indirect.gather [hbm4b:s6+s24], $0x80, s2, s24, $0xb8;
	[tilespmem:$0x19A00] =	vst v63  }
0x124: {  	_ =	swait.ge [sflag:s28], $0x2800  }
0x125: {  	[sflag:s28] =	ssyncset.done $0x0  }
0x126: {  	s30 =	sadd.s32 $0x4000, s0;
	[sflag:s28] =	ssyncadd.s32 $0xFFFFD800  }
0x127: {  	[spmem:s1] =	stream.indirect.scatter.add.f32 [tilespmem:s25], [sflag:$0x3], $0x80, s30, s24, $0xb8;
	[tilespmem:$0x19A00] =	vst v63  }
0x128: {  	_ =	swait.ge [sflag:s21], $0x2800  }
0x129: {  	[sflag:s21] =	ssyncset.done $0x0  }
0x12a: {  	s4 =	sadd.s32 $0x100, s0;
	[sflag:s21] =	ssyncadd.s32 $0xFFFFD800  }
0x12b: {  	[tilespmem:s25], [sflag:$0x1] =	stream.indirect.gather [hbm4b:s6+s24], $0x80, s4, s24, $0xb8;
	[tilespmem:$0x19A00] =	vst v63  }
0x12c: {  	_ =	swait.ge [sflag:s29], $0x2800  }
0x12d: {  	[sflag:s29] =	ssyncset.done $0x0  }
0x12e: {  	s22 =	sadd.s32 $0x4080, s0;
	[sflag:s29] =	ssyncadd.s32 $0xFFFFD800  }
0x12f: {  	[spmem:s1] =	stream.indirect.scatter.add.f32 [tilespmem:s26], [sflag:$0x3], $0x80, s22, s24, $0xb8;
	[tilespmem:$0x19A00] =	vst v63  }
0x130: {  	_ =	swait.ge [sflag:s21], $0x2800  }
0x131: {  	[sflag:s21] =	ssyncset.done $0x0  }
0x132: {  	[sflag:s21] =	ssyncadd.s32 $0xFFFFD800  }
0x133: {  	_ =	swait.ge [sflag:s28], $0x2800  }
0x134: {  	[sflag:s28] =	ssyncset.done $0x0  }
0x135: {  	s30 =	simm.s32 $0x7E00;
	[sflag:s28] =	ssyncadd.s32 $0xFFFFD800  }
0x136: {  	[spmem:s1] =	stream.indirect.scatter.add.f32 [tilespmem:s25], [sflag:$0x3], $0x80, s30, s24, $0xb8;
	[tilespmem:$0x19A00] =	vst v63  }
0x137: {  	_ =	swait.ge [sflag:s21], $0x2800  }
0x138: {  	[sflag:s21] =	ssyncset.done $0x0  }
0x139: {  	[sflag:s21] =	ssyncadd.s32 $0xFFFFD800  }
0x13a: {  	[bflag:$0x0] =	sbarrier.arrive $0xFFFF  }
0x13b: {  	[tilespmem:s23], [sflag:$0x3] =	stream.linear.gather [spmem:s8], $0x2800, $0x38;
	[tilespmem:$0x19A00] =	vst v63  }
0x13c: {  	_ =	swait.ge [sflag:s21], $0x2800  }
0x13d: {  	[sflag:s21] =	ssyncset.done $0x0  }
0x13e: {  	s2 =	sadd.s32 s16, s15;
	[sflag:s21] =	ssyncadd.s32 $0xFFFFD800  }
0x13f: {  	[hbm4b:s2+s3] =	stream.linear.scatter [tilespmem:s23], [sflag:$0x3], $0x2800, $0x38;
	[tilespmem:$0x19A00] =	vst v63  }
0x140: {  	_ =	swait.ge [sflag:s21], $0x2800  }
0x141: {  	[sflag:s21] =	ssyncset.done $0x0  }
0x142: {  	[sflag:s21] =	ssyncadd.s32 $0xFFFFD800  }
0x143: {  	[tilespmem:s23], [sflag:$0x3] =	stream.linear.gather [spmem:s10], $0x2800, $0x38;
	[tilespmem:$0x19A00] =	vst v63  }
0x144: {  	_ =	swait.ge [sflag:s21], $0x2800  }
0x145: {  	[sflag:s21] =	ssyncset.done $0x0  }
0x146: {  	s4 =	sadd.s32 s17, s15;
	[sflag:s21] =	ssyncadd.s32 $0xFFFFD800  }
0x147: {  	[hbm4b:s4+s3] =	stream.linear.scatter [tilespmem:s23], [sflag:$0x3], $0x2800, $0x38;
	[tilespmem:$0x19A00] =	vst v63  }
0x148: {  	_ =	swait.ge [sflag:s21], $0x2800  }
0x149: {  	[sflag:s21] =	ssyncset.done $0x0  }
0x14a: {  	[sflag:s21] =	ssyncadd.s32 $0xFFFFD800  }
0x14b: {  	[tilespmem:s23], [sflag:$0x3] =	stream.linear.gather [spmem:s12], $0x2800, $0x38;
	[tilespmem:$0x19A00] =	vst v63  }
0x14c: {  	_ =	swait.ge [sflag:s21], $0x2800  }
0x14d: {  	[sflag:s21] =	ssyncset.done $0x0  }
0x14e: {  	s22 =	sadd.s32 s18, s15;
	[sflag:s21] =	ssyncadd.s32 $0xFFFFD800  }
0x14f: {  	[hbm4b:s22+s3] =	stream.linear.scatter [tilespmem:s23], [sflag:$0x3], $0x2800, $0x38;
	[tilespmem:$0x19A00] =	vst v63  }
0x150: {  	_ =	swait.ge [sflag:s21], $0x2800  }
0x151: {  	[sflag:s21] =	ssyncset.done $0x0  }
0x152: {  	[sflag:s21] =	ssyncadd.s32 $0xFFFFD800  }
0x153: {  	[tilespmem:s23], [sflag:$0x3] =	stream.linear.gather [spmem:s14], $0x2800, $0x38;
	[tilespmem:$0x19A00] =	vst v63  }
0x154: {  	_ =	swait.ge [sflag:s21], $0x2800  }
0x155: {  	s31 =	sadd.s32 $0x1, s31;
	[sflag:s21] =	ssyncset.done $0x0  }
0x156: {  	p0 =	sne.s32 s31, s20;
	s30 =	sadd.s32 s19, s15;
	[sflag:s21] =	ssyncadd.s32 $0xFFFFD800  }
0x157: {  	[hbm4b:s30+s3] =	stream.linear.scatter [tilespmem:s23], [sflag:$0x3], $0x2800, $0x38;
	[tilespmem:$0x19A00] =	vst v63  }
.Ltmp4:
0x158: {  	_ =	swait.ge [sflag:s21], $0x2800;
	(pc) =	sbr.rel @p0 .LBB2_1-.Ltmp4, $3  }
0x159: {  	[sflag:s21] =	ssyncset.done $0x0  }
0x15a: {  	[sflag:s21] =	ssyncadd.s32 $0xFFFFD800  }
0x15b: {  	[bflag:$0x0] =	sbarrier.arrive $0xFFFF;
	_ =	sdelay $0x1  }
0x15c: {  	_ =	sfence.sel $0x180000  }
0x15d: {  	[bflag:$0x0] =	sbarrier.arrive $0xFFFF  }
0x15e: {  	_ =	strace $0x9000004A  }
0x15f: {  	s0 =	stileid.u32;
	[bflag:$0x2] =	sbarrier.arrive $0xFFFF  }
0x160: {  	p0 =	sne.s32 s0, $0x0;
	s0 =	rddreg [dreg:$0x3]  }
0x161: {  	s0 =	sadd.s32 @!p0 $0x100000, s0  }
0x162: {  	[sflag:s0] =	ssyncadd.tile.s32 @!p0 $0x1;
	_ =	shalt  }
.Lfunc_end2:
_tile_overlayer_lowered:
.L_overlay_start_2:
0x163: {  	(tag) =	ssettag $0x2  }
0x164: {  	s0 =	rddreg [dreg:$0x0];
	s2 =	stileid.u32  }
0x165: {  	s1 =	rddreg [dreg:$0x1];
	p0 =	sne.s32 s2, $0x0  }
0x166: {  	s3 =	rddreg [dreg:$0x2];
	[bflag:$0x3] =	sbarrier.arrive $0xFFFF;
	s2 =	simm.s32 @!p0 $0x1C03  }
0x167: {  	[timem:s3], [sflag:s2] =	dma.local @!p0 [hbm:s0], s1  }
0x168: {  	s0 =	simm.s32 @!p0 $0x3  }
0x169: {  	_ =	swait.ge @!p0 [sflag:s0], s1  }
0x16a: {  	s1 =	ssub.s32 @!p0 $0x0, s1;
	[sflag:s0] =	ssyncset.done @!p0 $0x0  }
0x16b: {  	[sflag:s0] =	ssyncadd.s32 @!p0 s1  }
0x16c: {  	[bflag:$0x3] =	sbarrier.arrive $0xFFFF  }
0x16d: {  	_ =	shalt  }

// kernel: kernel.14.cloned.1.call-start
scs
__scs_entry_jumppad:
0x0: {  	(pc) =	sbr.rel $0x88, $3  }
0x1: {  	(tag) =	ssettag $0x0;
	lr =	simm.s32 $0x1  }
0x2: {  	[smem:$0x3F9B] =	sst lr;
	_ =	strace $0xD0000000  }
0x3: {  	_ = 	snop  }
0x4: {  	_ = 	snop  }
0x5: {  	_ = 	snop  }
0x6: {  	_ = 	snop  }
0x7: {  	_ = 	snop  }
__scs_overlays_trampoline_lowered:
0x8: {  	[smem:$0x3FAA] =	sst s0  }
0x9: {  	[smem:$0x3FAB] =	sst s1  }
0xa: {  	[smem:$0x3FAC] =	sst s2  }
0xb: {  	[smem:$0x3FAD] =	sst s3  }
0xc: {  	[smem:$0x3FAE] =	sst s4  }
0xd: {  	[smem:$0x3FAF] =	sst s5  }
0xe: {  	[smem:$0x3FB0] =	sst s6  }
0xf: {  	[smem:$0x3FB1] =	sst s7  }
0x10: {  	[smem:$0x3FB2] =	sst s8  }
0x11: {  	[smem:$0x3FB3] =	sst s9;
	s0 =	simm.s32 @!p0 $0x0  }
0x12: {  	s1 =	sld [smem:$0x3F99];
	s0 =	simm.s32 @p0 $0x1  }
0x13: {  	[smem:$0x3FB4] =	sst s0;
	s0 =	simm.s32 @!p1 $0x0  }
0x14: {  	s2 =	sld [smem:$0x3F98];
	s0 =	simm.s32 @p1 $0x1  }
0x15: {  	[smem:$0x3FB5] =	sst s0;
	s0 =	simm.s32 @!p2 $0x0  }
0x16: {  	s3 =	sld [smem:$0x3FDB];
	s0 =	simm.s32 @p2 $0x1  }
0x17: {  	s4 =	simm.s32 $0x1BF5;
	[smem:$0x3FB7] =	sst s0  }
0x18: {  	s0 =	sld [smem:$0x3F9A];
	_ =	swait.ge [sflag:s4], $0x0  }
0x19: {  	s7 =	sld [smem:$0x3F9B]  }
0x1a: {  	s8 =	sadd.s32 $0xFFFFE003, lr  }
0x1b: {  	s9 =	sadd.s32 $0xFFFFFEF7, lr;
	s5 =	simm.s32 $0xFFFFFFFF;
	p2 =	slt.u32 s8, $0xFFFFF086  }
0x1c: {  	p1 =	slt.u32 s9, $0xF7A;
	s5 =	simm.s32 @!p2 $0x0  }
0x1d: {  	s5 =	simm.s32 @p1 $0x1;
	p0 =	seq.s32 s7, s2  }
0x1e: {  	s7 =	smul.u32 @!p0 $0xF7A, s2;
	p2 =	seq.s32 @!p0 s5, $0x0  }
0x1f: {  	s9 =	smul.u32 $0xF7A, s1;
	s8 =	simm.s32 @!p0 $0x1BF5;
	p2 =	por !p2, p0  }
0x20: {  	[sflag:s8] =	ssyncset.s32 @!p0 $0xFFFFF086;
	s6 =	sadd.s32 @!p0 s3, s7;
	s7 =	simm.s32 @!p0 $0x108  }
0x21: {  	s3 =	sadd.s32 s3, s9;
	s6 =	sadd.s32 @!p0 $0x88, s6;
	s7 =	simm.s32 @p2 $0x1082  }
0x22: {  	[simem:s7], [sflag:s8] =	dma.local @!p0 [hbm:s6], $0xF7A  }
0x23: {  	s9 =	sor.u32 $0xD0000000, s2;
	s6 =	simm.s32 $0x108;
	_ =	swait.ge @!p0 [sflag:s8], $0x0  }
0x24: {  	s3 =	sadd.s32 $0x88, s3;
	s6 =	simm.s32 @!p1 $0x1082;
	[sflag:s4] =	ssyncset.s32 $0xFFFFF086  }
0x25: {  	[simem:s6], [sflag:s4] =	dma.local [hbm:s3], $0xF7A  }
0x26: {  	[smem:$0x3F9B] =	sst s1;
	(tag) =	ssettag s2;
	_ =	strace s9  }
0x27: {  	s1 =	sld [smem:$0x3FAB]  }
0x28: {  	s2 =	sld [smem:$0x3FAC]  }
0x29: {  	s4 =	sld [smem:$0x3FAE]  }
0x2a: {  	p0 =	seq.s32 s5, $0x0;
	s5 =	sld [smem:$0x3FAF]  }
0x2b: {  	s6 =	sld [smem:$0x3FB0]  }
0x2c: {  	s7 =	sld [smem:$0x3FB1]  }
0x2d: {  	s3 =	simm.s32 $0x108;
	s8 =	sld [smem:$0x3FB2]  }
0x2e: {  	s3 =	simm.s32 @!p0 $0x1082;
	s9 =	sld [smem:$0x3FB3]  }
0x2f: {  	lr =	sadd.s32 s0, s3;
	s0 =	sld [smem:$0x3FAA]  }
0x30: {  	s3 =	sld [smem:$0x3FAD]  }
0x31: {  	[smem:$0x3FB6] =	sst s10  }
0x32: {  	s10 =	sld [smem:$0x3FB4];
	_ =	sdelay $0x3  }
0x33: {  	p0 =	seq.s32 s10, $0x1;
	s10 =	sld [smem:$0x3FB6];
	_ =	sdelay $0x3  }
0x34: {  	[smem:$0x3FB6] =	sst s10  }
0x35: {  	s10 =	sld [smem:$0x3FB5];
	_ =	sdelay $0x3  }
0x36: {  	p1 =	seq.s32 s10, $0x1;
	s10 =	sld [smem:$0x3FB6];
	_ =	sdelay $0x3  }
0x37: {  	[smem:$0x3FB6] =	sst s10  }
0x38: {  	s10 =	sld [smem:$0x3FB7]  }
0x39: {  	_ = 	snop;
	(pc) =	sbr.ind lr, $3  }
0x3a: {  	_ = 	snop  }
0x3b: {  	_ = 	snop  }
0x3c: {  	p2 =	seq.s32 s10, $0x1;
	s10 =	sld [smem:$0x3FB6]  }
0x3d: {  	_ =	shalt  }
0x3e: {  	_ =	shalt  }
0x3f: {  	_ =	shalt  }
0x40: {  	_ =	shalt  }
0x41: {  	_ =	shalt  }
0x42: {  	_ =	shalt  }
0x43: {  	_ =	shalt  }
0x44: {  	_ =	shalt  }
0x45: {  	_ =	shalt  }
0x46: {  	_ =	shalt  }
0x47: {  	_ =	shalt  }
0x48: {  	_ =	shalt  }
0x49: {  	_ =	shalt  }
0x4a: {  	_ =	shalt  }
0x4b: {  	_ =	shalt  }
0x4c: {  	_ =	shalt  }
0x4d: {  	_ =	shalt  }
0x4e: {  	_ =	shalt  }
0x4f: {  	_ =	shalt  }
0x50: {  	_ =	shalt  }
0x51: {  	_ =	shalt  }
0x52: {  	_ =	shalt  }
0x53: {  	_ =	shalt  }
0x54: {  	_ =	shalt  }
0x55: {  	_ =	shalt  }
0x56: {  	_ =	shalt  }
0x57: {  	_ =	shalt  }
0x58: {  	_ =	shalt  }
0x59: {  	_ =	shalt  }
0x5a: {  	_ =	shalt  }
0x5b: {  	_ =	shalt  }
0x5c: {  	_ =	shalt  }
0x5d: {  	_ =	shalt  }
0x5e: {  	_ =	shalt  }
0x5f: {  	_ =	shalt  }
0x60: {  	_ =	shalt  }
0x61: {  	_ =	shalt  }
0x62: {  	_ =	shalt  }
0x63: {  	_ =	shalt  }
0x64: {  	_ =	shalt  }
0x65: {  	_ =	shalt  }
0x66: {  	_ =	shalt  }
0x67: {  	_ =	shalt  }
0x68: {  	_ =	shalt  }
0x69: {  	_ =	shalt  }
0x6a: {  	_ =	shalt  }
0x6b: {  	_ =	shalt  }
0x6c: {  	_ =	shalt  }
0x6d: {  	_ =	shalt  }
0x6e: {  	_ =	shalt  }
0x6f: {  	_ =	shalt  }
0x70: {  	_ =	shalt  }
0x71: {  	_ =	shalt  }
0x72: {  	_ =	shalt  }
0x73: {  	_ =	shalt  }
0x74: {  	_ =	shalt  }
0x75: {  	_ =	shalt  }
0x76: {  	_ =	shalt  }
0x77: {  	_ =	shalt  }
0x78: {  	_ =	shalt  }
0x79: {  	_ =	shalt  }
0x7a: {  	_ =	shalt  }
0x7b: {  	_ =	shalt  }
0x7c: {  	_ =	shalt  }
0x7d: {  	_ =	shalt  }
0x7e: {  	_ =	shalt  }
0x7f: {  	_ =	shalt  }
0x80: {  	_ =	shalt  }
0x81: {  	_ =	shalt  }
0x82: {  	_ =	shalt  }
0x83: {  	_ =	shalt  }
0x84: {  	_ =	shalt  }
0x85: {  	_ =	shalt  }
0x86: {  	_ =	shalt  }
0x87: {  	_ =	shalt  }
.Lfunc_end0:
.L_simem_size_0:
called_computation.2_lowered:
.L_overlay_start_0:
0x88: {  	s2 =	sld [smem:$0x3FD9]  }
0x89: {  	s3 =	sld [smem:$0x3FFE];
	_ =	sdelay $0x1  }
0x8a: {  	s1 =	srdreg.scid  }
0x8b: {  	s0 =	sand.u32 $0x1, s1  }
0x8c: {  	s17 =	sshll.u32 s0, $0xA;
	s2 =	sadd.s32 s3, s2  }
0x8d: {  	s2 =	sadd.s32 s2, s17  }
0x8e: {  	[smem:$0x3FC2] =	sst s2  }
0x8f: {  	_ = 	snop  }
0x90: {  	s2 =	sld [smem:$0x3FD0];
	(tm) =	ssettm $0x1  }
0x91: {  	s18 =	sld [smem:$0x3FFB];
	_ =	sdelay $0x3  }
0x92: {  	_ =	strace s18  }
0x93: {  	s3 =	sld [smem:$0x3FFC];
	_ =	sdelay $0x3  }
0x94: {  	_ =	strace s3  }
0x95: {  	s3 =	sld [smem:$0x3FFD];
	_ =	sdelay $0x3  }
0x96: {  	_ =	strace s3  }
0x97: {  	_ =	strace $0x8FFFFFFF  }
0x98: {  	s19 =	sld [smem:$0x3FDB];
	_ =	sdelay $0x1  }
0x99: {  	s4 =	simm.s32 $_scs_section_size  }
0x9a: {  	s5 =	simm.s32 $_size__tile_overlayer_lowered;
	s6 =	simm.s32 $_tile_overlayer_lowered  }
0x9b: {  	s22 =	simm.s32 $0x1BFF;
	s21 =	sshll.u32 s6, $0x1;
	s3 =	sadd.s32 s4, s19  }
0x9c: {  	s7 =	simm.s32 $0x0;
	s20 =	sshll.u32 s5, $0x1;
	s5 =	sadd.s32 s21, s3  }
0x9d: {  	[timem:s7], [sflag:s22] =	dma.local [hbm:s5], s20  }
0x9e: {  	_ =	swait.ge [sflag:s22], s20  }
0x9f: {  	s4 =	ssub.s32 $0x0, s20;
	[sflag:s22] =	ssyncset.done $0x0  }
0xa0: {  	[sflag:s22] =	ssyncadd.s32 s4;
	_ =	sdelay $0x1  }
0xa1: {  	s23 =	simm.s32 $0x1B8B  }
0xa2: {  	_ =	swait.ge [sflag:s23], $0x1  }
0xa3: {  	[sflag:s23] =	ssyncset.done $0x0  }
0xa4: {  	s25 =	simm.s32 $0x1B8E;
	s24 =	sld [smem:$0x3FFE];
	[sflag:s23] =	ssyncadd.s32 $0xFFFFFFFF  }
0xa5: {  	s26 =	simm.s32 $execute0_lowered;
	[smem:$0x3FD2] =	sst s25  }
0xa6: {  	s5 =	sshll.u32 s26, $0x1;
	_ =	strace $0x8000004C;
	[dreg:$0x1] =	wrdreg $0xFFFFFFFF  }
0xa7: {  	s28 =	simm.s32 $_size_execute0_lowered;
	s3 =	sadd.s32 s3, s5;
	[dreg:$0x0] =	wrdreg $0x0  }
0xa8: {  	s5 =	sshll.u32 s28, $0x1;
	[dreg:$0x2] =	wrdreg s3  }
0xa9: {  	[dreg:$0x3] =	wrdreg s5  }
0xaa: {  	[dreg:$0x4] =	wrdreg $0xC0  }
0xab: {  	_ =	task [dreg:s7], $0x5FFFF  }
0xac: {  	[dreg:$0x1] =	wrdreg $0xFFFFFFFF  }
0xad: {  	[dreg:$0x0] =	wrdreg $0x60  }
0xae: {  	[dreg:$0x2] =	wrdreg s24  }
0xaf: {  	[dreg:$0x3] =	wrdreg s2  }
0xb0: {  	[dreg:$0x4] =	wrdreg $0xF8000  }
0xb1: {  	[dreg:$0x5] =	wrdreg $0x9  }
0xb2: {  	_ =	task.clear_ibuf [dreg:s7], $0x6FFFF;
	_ =	strace $0x9000004C  }
0xb3: {  	s29 =	simm.s32 $0x9;
	_ =	strace $0x8000004E  }
0xb4: {  	_ =	swait.ge [sflag:s29], $0x1  }
0xb5: {  	[sflag:s29] =	ssyncadd.s32 $0xFFFFFFFF  }
0xb6: {  	_ =	strace $0x9000004E  }
0xb7: {  	_ =	sfence  }
0xb8: {  	s30 =	sld [smem:$0x0];
	_ =	sdelay $0x2  }
0xb9: {  	s31 =	sshll.u32 s1, $0xD;
	s1 =	sshrl.u32 s1, $0x2  }
0xba: {  	s3 =	sand.u32 $0x4000, s31;
	s1 =	sadd.s32 s1, s30  }
0xbb: {  	s0 =	sor.u32 s3, s0;
	s1 =	sshll.u32 s1, $0x11  }
0xbc: {  	s0 =	sor.u32 s1, s0  }
0xbd: {  	s0 =	sadd.s32 $0x8F2B, s0  }
0xbe: {  	[sflag:s0] =	ssyncadd.remote.s32 $0x1  }
0xbf: {  	_ =	sfence.sel $0xFFFF  }
0xc0: {  	[dreg:$0x0] =	wrdreg $0xFFFFFFFF;
	(pc) =	sbr.abs _section_cstart, $3  }
0xc1: {  	[dreg:$0x1] =	wrdreg $0xFFFFFFFF  }
0xc2: {  	_ =	task.clear_ibuf [dreg:s7], $0x2FFFF;
	_ =	strace $0x9FFFFFFF  }
0xc3: {  	(tm) =	ssettm $0x7FFFFFFF  }
tec
execute0_lowered:
.L_overlay_start_1:
0x0: {  	(tag) =	ssettag $0x1  }
0x1: {  	s0 =	rddreg [dreg:$0x0]  }
0x2: {  	s3 =	rddreg [dreg:$0x1]  }
0x3: {  	s1 =	rddreg [dreg:$0x2]  }
0x4: {  	s2 =	simm.s32 $0x0;
	s4 =	srdreg.scid;
	s10 =	stileid.u32  }
0x5: {  	s20 =	simm.s32 $0x3;
	s22 =	simm.s32 $0xD000;
	s23 =	simm.s32 $0x50  }
0x6: {  	s24 =	simm.s32 $0x8000;
	s25 =	simm.s32 $0xA800;
	s30 =	simm.s32 $0x0  }
0x7: {  	[smem:$0x7FF] =	sst s2;
	s5 =	sand.u32 $0x1, s4;
	s7 =	smul.u32 $0x140, s10  }
0x8: {  	s4 =	sadd.s32 $0xA200, s0;
	s6 =	sshll.u32 s10, $0xB;
	s26 =	smul.u32 $0x28000, s10  }
0x9: {  	_ =	strace $0x8000004D;
	s28 =	smul.u32 $0x1400, s5;
	s5 =	ssub.s32 $0x2, s5  }
0xa: {  	s8 =	sadd.s32 s6, s0;
	s0 =	sadd.s32 $0x32200, s0;
	s6 =	sadd.s32 s3, s6  }
0xb: {  	s9 =	sshrl.u32 s5, $0x1;
	s31 =	sshrl.u32 s26, $0x2;
	s26 =	simm.s32 $0x1  }
0xc: {  	s19 =	ssub.s32 s5, s9;
	s7 =	sadd.s32 s7, s28;
	s5 =	sadd.s32 $0x2200, s8  }
0xd: {  	s8 =	sadd.s32 s31, s1;
	v0 =	vmov s28;
	s28 =	simm.s32 $0x2;
	s29 =	sshll.u32 s7, $0x4  }
0xe: {  	s10 =	sadd.s32 $0x2800, s8;
	s12 =	sadd.s32 $0x5000, s8;
	s14 =	sadd.s32 $0x7800, s8  }
0xf: {  	s19 =	smax.u32 s19, $0x1;
	s7 =	sadd.s32 s4, s29;
	s16 =	sadd.s32 $0x500, s29  }
0x10: {  	s17 =	sadd.s32 $0xA00, s29;
	s18 =	sadd.s32 $0xF00, s29;
	s15 =	sadd.s32 s0, s29  }
0x11: {  	s9 =	sadd.s32 s4, s16;
	s11 =	sadd.s32 s4, s17;
	s13 =	sadd.s32 s4, s18  }
0x12: {  	s16 =	sadd.s32 s0, s16;
	s17 =	sadd.s32 s0, s17;
	s18 =	sadd.s32 s0, s18  }
.LBB2_1:
0x13: {  	[tilespmem:s2], [sflag:$0x3] =	stream.linear.gather [hbm4b:s5+s2], $0x3E80, $0x38;
	[tilespmem:$0x19A00] =	vst v63  }
0x14: {  	_ =	swait.ge [sflag:s20], $0x3E80  }
0x15: {  	[sflag:s20] =	ssyncset.done $0x0  }
0x16: {  	s0 =	simm.s32 $0x4000;
	[sflag:s20] =	ssyncadd.s32 $0xFFFFC180  }
0x17: {  	[tilespmem:s0], [sflag:$0x3] =	stream.linear.gather [hbm4b:s6+s2], $0x3E80, $0x38;
	[tilespmem:$0x19A00] =	vst v63  }
0x18: {  	_ =	swait.ge [sflag:s20], $0x3E80  }
0x19: {  	[sflag:s20] =	ssyncset.done $0x0  }
0x1a: {  	s0 =	simm.s32 $0x0;
	[sflag:s20] =	ssyncadd.s32 $0xFFFFC180  }
0x1b: {  	v1 =	vld [tilespmem:s0+$0x4030]  }
0x1c: {  	v3 =	vld [tilespmem:s0+$0x4020]  }
0x1d: {  	v2 =	vld [tilespmem:s0+$0x4000];
	_ =	sdelay $0x2  }
0x1e: {  	v5 =	vld [tilespmem:s0+$0x4010];
	v4 =	vsub.s32 v1, v0;
	v1 =	vand.u32 $0x3F, v1  }
0x1f: {  	v7 =	vand.u32 $0x3F, v3;
	vm0 =	vlt.u32 v4, $0x1400;
	v1 =	vor.u32 $0x1400, v1  }
0x20: {  	v1 =	vsel vm0, v4, v1;
	v4 =	vsub.s32 v2, v0;
	v2 =	vand.u32 $0x3F, v2  }
0x21: {  	s31 =	simm.s32 $0x80;
	v6 =	vld [tilespmem:s0+$0x4040];
	[tilespmem:s0+$0x4030] =	vst v1;
	vm13 =	vlt.u32 v4, $0x1400;
	v1 =	vor.u32 $0x1400, v2;
	v2 =	vsub.s32 v3, v0  }
0x22: {  	v3 =	vld [tilespmem:s31+$0x4030];
	v1 =	vsel vm13, v4, v1;
	vm14 =	vlt.u32 v2, $0x1400;
	v4 =	vor.u32 $0x1400, v7  }
0x23: {  	v7 =	vsub.s32 v5, v0;
	[tilespmem:s0+$0x4000] =	vst v1;
	v1 =	vand.u32 $0x3F, v5;
	v4 =	vsel vm14, v2, v4  }
0x24: {  	vm15 =	vlt.u32 v7, $0x1400;
	v2 =	vld [tilespmem:s31+$0x4000];
	v5 =	vor.u32 $0x1400, v1;
	[tilespmem:s0+$0x4020] =	vst v4  }
0x25: {  	v1 =	vld [tilespmem:s31+$0x4020];
	v4 =	vsel vm15, v7, v5  }
0x26: {  	s3 =	simm.s32 $0x400;
	v5 =	vand.u32 $0x3F, v6;
	[tilespmem:s0+$0x4010] =	vst v4;
	v4 =	vsub.s32 v6, v0  }
.LBB2_2:
0x27: {  	s21 =	sshra.s32 s3, $0x2;
	p0 =	sne.s32 s3, $0xF800;
	s3 =	sadd.s32 $0x200, s3;
	v6 =	vsub.s32 v3, v0;
	v3 =	vand.u32 $0x3F, v3;
	v5 =	vor.u32 $0x1400, v5  }
0x28: {  	vm1 =	vlt.u32 v4, $0x1400;
	v7 =	vld [tilespmem:s31+$0x4010];
	vm0 =	vlt.u32 v6, $0x1400;
	v3 =	vor.u32 $0x1400, v3  }
0x29: {  	v4 =	vsel vm1, v4, v5;
	v8 =	vsub.s32 v2, v0;
	v3 =	vsel vm0, v6, v3  }
0x2a: {  	v2 =	vand.u32 $0x3F, v2;
	vm0 =	vlt.u32 v8, $0x1400;
	v5 =	vsub.s32 v1, v0;
	[tilespmem:s0+$0x4040] =	vst v4;
	s0 =	smov.u32 s31;
	s31 =	smov.u32 s21  }
0x2b: {  	v2 =	vor.u32 $0x1400, v2;
	v1 =	vand.u32 $0x3F, v1;
	vm1 =	vlt.u32 v5, $0x1400;
	[tilespmem:s0+$0x4030] =	vst v3;
	v6 =	vld [tilespmem:s0+$0x4040]  }
.Ltmp0:
0x2c: {  	v2 =	vsel vm0, v8, v2;
	v1 =	vor.u32 $0x1400, v1;
	v3 =	vld [tilespmem:s31+$0x4030];
	(pc) =	sbr.rel @p0 .LBB2_2-.Ltmp0, $4  }
0x2d: {  	v1 =	vsel vm1, v5, v1;
	[tilespmem:s0+$0x4000] =	vst v2;
	v4 =	vsub.s32 v7, v0;
	v7 =	vand.u32 $0x3F, v7  }
0x2e: {  	v2 =	vld [tilespmem:s31+$0x4000];
	vm0 =	vlt.u32 v4, $0x1400;
	v5 =	vor.u32 $0x1400, v7;
	[tilespmem:s0+$0x4020] =	vst v1  }
0x2f: {  	v1 =	vld [tilespmem:s31+$0x4020];
	v4 =	vsel vm0, v4, v5  }
0x30: {  	[tilespmem:s0+$0x4010] =	vst v4;
	v4 =	vsub.s32 v6, v0;
	v5 =	vand.u32 $0x3F, v6  }
0x31: {  	v6 =	vsub.s32 v3, v0  }
0x32: {  	v3 =	vand.u32 $0x3F, v3;
	v5 =	vor.u32 $0x1400, v5;
	vm0 =	vlt.u32 v4, $0x1400  }
0x33: {  	v7 =	vld [tilespmem:s31+$0x4010];
	vm1 =	vlt.u32 v6, $0x1400;
	v3 =	vor.u32 $0x1400, v3;
	v4 =	vsel vm0, v4, v5  }
0x34: {  	v3 =	vsel vm1, v6, v3;
	[tilespmem:s0+$0x4040] =	vst v4  }
0x35: {  	[tilespmem:s31+$0x4030] =	vst v3;
	v3 =	vsub.s32 v2, v0;
	v4 =	vld [tilespmem:s31+$0x4040]  }
0x36: {  	v2 =	vand.u32 $0x3F, v2;
	v61 =	vsub.s32 v1, v0;
	v1 =	vand.u32 $0x3F, v1  }
0x37: {  	vm12 =	vlt.u32 v3, $0x1400;
	v2 =	vor.u32 $0x1400, v2;
	vm13 =	vlt.u32 v61, $0x1400  }
0x38: {  	v1 =	vor.u32 $0x1400, v1;
	v2 =	vsel vm12, v3, v2;
	v3 =	vsub.s32 v7, v0  }
0x39: {  	v62 =	vand.u32 $0x3F, v7;
	v1 =	vsel vm13, v61, v1;
	vm14 =	vlt.u32 v3, $0x1400  }
0x3a: {  	[tilespmem:s31+$0x4000] =	vst v2;
	v2 =	vor.u32 $0x1400, v62;
	v63 =	vsub.s32 v4, v0;
	v4 =	vand.u32 $0x3F, v4  }
0x3b: {  	[tilespmem:s31+$0x4020] =	vst v1;
	v1 =	vsel vm14, v3, v2;
	v2 =	vor.u32 $0x1400, v4;
	vm15 =	vlt.u32 v63, $0x1400  }
0x3c: {  	[tilespmem:s31+$0x4010] =	vst v1;
	v1 =	vsel vm15, v63, v2  }
0x3d: {  	[tilespmem:s31+$0x4040] =	vst v1;
	s31 =	simm.s32 $0x0  }
0x3e: {  	[tilespmem:s22], [sflag:$0x3] =	stream.linear.gather [hbm4b:s7+s31], $0x2800, $0x38;
	[tilespmem:$0x19A00] =	vst v63  }
0x3f: {  	_ =	swait.ge [sflag:s20], $0x2800  }
0x40: {  	[sflag:s20] =	ssyncset.done $0x0  }
0x41: {  	[sflag:s20] =	ssyncadd.s32 $0xFFFFD800  }
0x42: {  	[spmem:s8] =	stream.linear.scatter [tilespmem:s22], [sflag:$0x3], $0x2800, $0x38;
	[tilespmem:$0x19A00] =	vst v63  }
0x43: {  	_ =	swait.ge [sflag:s20], $0x2800  }
0x44: {  	[sflag:s20] =	ssyncset.done $0x0  }
0x45: {  	[sflag:s20] =	ssyncadd.s32 $0xFFFFD800  }
0x46: {  	[tilespmem:s22], [sflag:$0x3] =	stream.linear.gather [hbm4b:s9+s31], $0x2800, $0x38;
	[tilespmem:$0x19A00] =	vst v63  }
0x47: {  	_ =	swait.ge [sflag:s20], $0x2800  }
0x48: {  	[sflag:s20] =	ssyncset.done $0x0  }
0x49: {  	[sflag:s20] =	ssyncadd.s32 $0xFFFFD800  }
0x4a: {  	[spmem:s10] =	stream.linear.scatter [tilespmem:s22], [sflag:$0x3], $0x2800, $0x38;
	[tilespmem:$0x19A00] =	vst v63  }
0x4b: {  	_ =	swait.ge [sflag:s20], $0x2800  }
0x4c: {  	[sflag:s20] =	ssyncset.done $0x0  }
0x4d: {  	[sflag:s20] =	ssyncadd.s32 $0xFFFFD800  }
0x4e: {  	[tilespmem:s22], [sflag:$0x3] =	stream.linear.gather [hbm4b:s11+s31], $0x2800, $0x38;
	[tilespmem:$0x19A00] =	vst v63  }
0x4f: {  	_ =	swait.ge [sflag:s20], $0x2800  }
0x50: {  	[sflag:s20] =	ssyncset.done $0x0  }
0x51: {  	[sflag:s20] =	ssyncadd.s32 $0xFFFFD800  }
0x52: {  	[spmem:s12] =	stream.linear.scatter [tilespmem:s22], [sflag:$0x3], $0x2800, $0x38;
	[tilespmem:$0x19A00] =	vst v63  }
0x53: {  	_ =	swait.ge [sflag:s20], $0x2800  }
0x54: {  	[sflag:s20] =	ssyncset.done $0x0  }
0x55: {  	[sflag:s20] =	ssyncadd.s32 $0xFFFFD800  }
0x56: {  	[tilespmem:s22], [sflag:$0x3] =	stream.linear.gather [hbm4b:s13+s31], $0x2800, $0x38;
	[tilespmem:$0x19A00] =	vst v63  }
0x57: {  	_ =	swait.ge [sflag:s20], $0x2800  }
0x58: {  	[sflag:s20] =	ssyncset.done $0x0  }
0x59: {  	[sflag:s20] =	ssyncadd.s32 $0xFFFFD800  }
0x5a: {  	[spmem:s14] =	stream.linear.scatter [tilespmem:s22], [sflag:$0x3], $0x2800, $0x38;
	[tilespmem:$0x19A00] =	vst v63  }
0x5b: {  	_ =	swait.ge [sflag:s20], $0x2800  }
0x5c: {  	[sflag:s20] =	ssyncset.done $0x0  }
0x5d: {  	[sflag:s20] =	ssyncadd.s32 $0xFFFFD800  }
0x5e: {  	[bflag:$0x0] =	sbarrier.arrive $0xFFFF  }
0x5f: {  	[tilespmem:s24], [sflag:$0x1] =	stream.indirect.gather [hbm4b:s4+s23], $0x80, s31, s23, $0xb8;
	[tilespmem:$0x19A00] =	vst v63  }
0x60: {  	s3 =	simm.s32 $0x80  }
0x61: {  	[tilespmem:s25], [sflag:$0x2] =	stream.indirect.gather [hbm4b:s4+s23], $0x80, s3, s23, $0xb8;
	[tilespmem:$0x19A00] =	vst v63  }
0x62: {  	_ =	swait.ge [sflag:s26], $0x2800  }
0x63: {  	[sflag:s26] =	ssyncset.done $0x0  }
0x64: {  	s21 =	simm.s32 $0x4000;
	[sflag:s26] =	ssyncadd.s32 $0xFFFFD800  }
0x65: {  	[spmem:s1] =	stream.indirect.scatter.add.f32 [tilespmem:s24], [sflag:$0x3], $0x80, s21, s23, $0xb8;
	[tilespmem:$0x19A00] =	vst v63  }
0x66: {  	_ =	swait.ge [sflag:s20], $0x2800  }
0x67: {  	[sflag:s20] =	ssyncset.done $0x0  }
0x68: {  	s29 =	simm.s32 $0x100;
	[sflag:s20] =	ssyncadd.s32 $0xFFFFD800  }
0x69: {  	[tilespmem:s24], [sflag:$0x1] =	stream.indirect.gather [hbm4b:s4+s23], $0x80, s29, s23, $0xb8;
	[tilespmem:$0x19A00] =	vst v63  }
0x6a: {  	_ =	swait.ge [sflag:s28], $0x2800  }
0x6b: {  	[sflag:s28] =	ssyncset.done $0x0  }
0x6c: {  	s31 =	simm.s32 $0x4080;
	[sflag:s28] =	ssyncadd.s32 $0xFFFFD800  }
0x6d: {  	[spmem:s1] =	stream.indirect.scatter.add.f32 [tilespmem:s25], [sflag:$0x3], $0x80, s31, s23, $0xb8;
	[tilespmem:$0x19A00] =	vst v63  }
0x6e: {  	_ =	swait.ge [sflag:s20], $0x2800  }
0x6f: {  	s0 =	simm.s32 $0x100;
	s3 =	simm.s32 $0x800;
	[sflag:s20] =	ssyncset.done $0x0  }
.LBB2_4:
0x70: {  	s21 =	sadd.s32 $0x80, s0  }
0x71: {  	[sflag:s20] =	ssyncadd.s32 $0xFFFFD800;
	s31 =	smov.u32 s3;
	s29 =	sadd.s32 $0x400, s3  }
0x72: {  	[tilespmem:s25], [sflag:$0x2] =	stream.indirect.gather [hbm4b:s4+s23], $0x80, s21, s23, $0xb8;
	[tilespmem:$0x19A00] =	vst v63  }
0x73: {  	p0 =	sne.s32 s3, $0xF400;
	_ =	swait.ge [sflag:s26], $0x2800  }
0x74: {  	[sflag:s26] =	ssyncset.done $0x0  }
0x75: {  	s3 =	sadd.s32 $0x4000, s0;
	[sflag:s26] =	ssyncadd.s32 $0xFFFFD800  }
0x76: {  	[spmem:s1] =	stream.indirect.scatter.add.f32 [tilespmem:s24], [sflag:$0x3], $0x80, s3, s23, $0xb8;
	[tilespmem:$0x19A00] =	vst v63  }
0x77: {  	_ =	swait.ge [sflag:s20], $0x2800  }
0x78: {  	[sflag:s20] =	ssyncset.done $0x0  }
0x79: {  	s3 =	sadd.s32 $0x100, s0;
	[sflag:s20] =	ssyncadd.s32 $0xFFFFD800  }
0x7a: {  	[tilespmem:s24], [sflag:$0x1] =	stream.indirect.gather [hbm4b:s4+s23], $0x80, s3, s23, $0xb8;
	[tilespmem:$0x19A00] =	vst v63  }
0x7b: {  	_ =	swait.ge [sflag:s28], $0x2800  }
.Ltmp1:
0x7c: {  	[sflag:s28] =	ssyncset.done $0x0;
	(pc) =	sbr.rel @p0 .LBB2_4-.Ltmp1, $4  }
0x7d: {  	s0 =	sadd.s32 $0x4080, s0;
	[sflag:s28] =	ssyncadd.s32 $0xFFFFD800  }
0x7e: {  	[spmem:s1] =	stream.indirect.scatter.add.f32 [tilespmem:s25], [sflag:$0x3], $0x80, s0, s23, $0xb8;
	[tilespmem:$0x19A00] =	vst v63  }
0x7f: {  	_ =	swait.ge [sflag:s20], $0x2800  }
0x80: {  	s3 =	smov.u32 s29;
	s0 =	sshra.s32 s31, $0x2;
	[sflag:s20] =	ssyncset.done $0x0  }
0x81: {  	s3 =	sadd.s32 $0x80, s0;
	[sflag:s20] =	ssyncadd.s32 $0xFFFFD800  }
0x82: {  	[tilespmem:s25], [sflag:$0x2] =	stream.indirect.gather [hbm4b:s4+s23], $0x80, s3, s23, $0xb8;
	[tilespmem:$0x19A00] =	vst v63  }
0x83: {  	_ =	swait.ge [sflag:s26], $0x2800  }
0x84: {  	[sflag:s26] =	ssyncset.done $0x0  }
0x85: {  	s31 =	sadd.s32 $0x4000, s0;
	[sflag:s26] =	ssyncadd.s32 $0xFFFFD800  }
0x86: {  	[spmem:s1] =	stream.indirect.scatter.add.f32 [tilespmem:s24], [sflag:$0x3], $0x80, s31, s23, $0xb8;
	[tilespmem:$0x19A00] =	vst v63  }
0x87: {  	_ =	swait.ge [sflag:s20], $0x2800  }
0x88: {  	[sflag:s20] =	ssyncset.done $0x0  }
0x89: {  	s21 =	sadd.s32 $0x100, s0;
	[sflag:s20] =	ssyncadd.s32 $0xFFFFD800  }
0x8a: {  	[tilespmem:s24], [sflag:$0x1] =	stream.indirect.gather [hbm4b:s4+s23], $0x80, s21, s23, $0xb8;
	[tilespmem:$0x19A00] =	vst v63  }
0x8b: {  	_ =	swait.ge [sflag:s28], $0x2800  }
0x8c: {  	[sflag:s28] =	ssyncset.done $0x0  }
0x8d: {  	s29 =	sadd.s32 $0x4080, s0;
	[sflag:s28] =	ssyncadd.s32 $0xFFFFD800  }
0x8e: {  	[spmem:s1] =	stream.indirect.scatter.add.f32 [tilespmem:s25], [sflag:$0x3], $0x80, s29, s23, $0xb8;
	[tilespmem:$0x19A00] =	vst v63  }
0x8f: {  	_ =	swait.ge [sflag:s20], $0x2800  }
0x90: {  	[sflag:s20] =	ssyncset.done $0x0  }
0x91: {  	[sflag:s20] =	ssyncadd.s32 $0xFFFFD800  }
0x92: {  	_ =	swait.ge [sflag:s26], $0x2800  }
0x93: {  	[sflag:s26] =	ssyncset.done $0x0  }
0x94: {  	s31 =	simm.s32 $0x7E00;
	[sflag:s26] =	ssyncadd.s32 $0xFFFFD800  }
0x95: {  	[spmem:s1] =	stream.indirect.scatter.add.f32 [tilespmem:s24], [sflag:$0x3], $0x80, s31, s23, $0xb8;
	[tilespmem:$0x19A00] =	vst v63  }
0x96: {  	_ =	swait.ge [sflag:s20], $0x2800  }
0x97: {  	[sflag:s20] =	ssyncset.done $0x0  }
0x98: {  	[sflag:s20] =	ssyncadd.s32 $0xFFFFD800  }
0x99: {  	[bflag:$0x0] =	sbarrier.arrive $0xFFFF  }
0x9a: {  	[tilespmem:s22], [sflag:$0x3] =	stream.linear.gather [spmem:s8], $0x2800, $0x38;
	[tilespmem:$0x19A00] =	vst v63  }
0x9b: {  	_ =	swait.ge [sflag:s20], $0x2800  }
0x9c: {  	[sflag:s20] =	ssyncset.done $0x0  }
0x9d: {  	[sflag:s20] =	ssyncadd.s32 $0xFFFFD800  }
0x9e: {  	[hbm4b:s15+s2] =	stream.linear.scatter [tilespmem:s22], [sflag:$0x3], $0x2800, $0x38;
	[tilespmem:$0x19A00] =	vst v63  }
0x9f: {  	_ =	swait.ge [sflag:s20], $0x2800  }
0xa0: {  	[sflag:s20] =	ssyncset.done $0x0  }
0xa1: {  	[sflag:s20] =	ssyncadd.s32 $0xFFFFD800  }
0xa2: {  	[tilespmem:s22], [sflag:$0x3] =	stream.linear.gather [spmem:s10], $0x2800, $0x38;
	[tilespmem:$0x19A00] =	vst v63  }
0xa3: {  	_ =	swait.ge [sflag:s20], $0x2800  }
0xa4: {  	[sflag:s20] =	ssyncset.done $0x0  }
0xa5: {  	[sflag:s20] =	ssyncadd.s32 $0xFFFFD800  }
0xa6: {  	[hbm4b:s16+s2] =	stream.linear.scatter [tilespmem:s22], [sflag:$0x3], $0x2800, $0x38;
	[tilespmem:$0x19A00] =	vst v63  }
0xa7: {  	_ =	swait.ge [sflag:s20], $0x2800  }
0xa8: {  	[sflag:s20] =	ssyncset.done $0x0  }
0xa9: {  	[sflag:s20] =	ssyncadd.s32 $0xFFFFD800  }
0xaa: {  	[tilespmem:s22], [sflag:$0x3] =	stream.linear.gather [spmem:s12], $0x2800, $0x38;
	[tilespmem:$0x19A00] =	vst v63  }
0xab: {  	_ =	swait.ge [sflag:s20], $0x2800  }
0xac: {  	[sflag:s20] =	ssyncset.done $0x0  }
0xad: {  	[sflag:s20] =	ssyncadd.s32 $0xFFFFD800  }
0xae: {  	[hbm4b:s17+s2] =	stream.linear.scatter [tilespmem:s22], [sflag:$0x3], $0x2800, $0x38;
	[tilespmem:$0x19A00] =	vst v63  }
0xaf: {  	_ =	swait.ge [sflag:s20], $0x2800  }
0xb0: {  	[sflag:s20] =	ssyncset.done $0x0  }
0xb1: {  	[sflag:s20] =	ssyncadd.s32 $0xFFFFD800  }
0xb2: {  	[tilespmem:s22], [sflag:$0x3] =	stream.linear.gather [spmem:s14], $0x2800, $0x38;
	[tilespmem:$0x19A00] =	vst v63  }
0xb3: {  	_ =	swait.ge [sflag:s20], $0x2800  }
0xb4: {  	s30 =	sadd.s32 $0x1, s30;
	[sflag:s20] =	ssyncset.done $0x0  }
0xb5: {  	p0 =	sne.s32 s30, s19;
	[sflag:s20] =	ssyncadd.s32 $0xFFFFD800  }
0xb6: {  	[hbm4b:s18+s2] =	stream.linear.scatter [tilespmem:s22], [sflag:$0x3], $0x2800, $0x38;
	[tilespmem:$0x19A00] =	vst v63  }
.Ltmp2:
0xb7: {  	_ =	swait.ge [sflag:s20], $0x2800;
	(pc) =	sbr.rel @p0 .LBB2_1-.Ltmp2, $3  }
0xb8: {  	[sflag:s20] =	ssyncset.done $0x0  }
0xb9: {  	[sflag:s20] =	ssyncadd.s32 $0xFFFFD800  }
0xba: {  	[bflag:$0x0] =	sbarrier.arrive $0xFFFF;
	_ =	sdelay $0x1  }
0xbb: {  	_ =	sfence.sel $0x180000  }
0xbc: {  	[bflag:$0x0] =	sbarrier.arrive $0xFFFF  }
0xbd: {  	_ =	strace $0x9000004D  }
0xbe: {  	s0 =	stileid.u32;
	[bflag:$0x2] =	sbarrier.arrive $0xFFFF  }
0xbf: {  	p0 =	sne.s32 s0, $0x0;
	s0 =	rddreg [dreg:$0x3]  }
0xc0: {  	s0 =	sadd.s32 @!p0 $0x100000, s0  }
0xc1: {  	[sflag:s0] =	ssyncadd.tile.s32 @!p0 $0x1;
	_ =	shalt  }
.Lfunc_end2:
_tile_overlayer_lowered:
.L_overlay_start_2:
0xc2: {  	(tag) =	ssettag $0x2  }
0xc3: {  	s0 =	rddreg [dreg:$0x0];
	s2 =	stileid.u32  }
0xc4: {  	s1 =	rddreg [dreg:$0x1];
	p0 =	sne.s32 s2, $0x0  }
0xc5: {  	s3 =	rddreg [dreg:$0x2];
	[bflag:$0x3] =	sbarrier.arrive $0xFFFF;
	s2 =	simm.s32 @!p0 $0x1C03  }
0xc6: {  	[timem:s3], [sflag:s2] =	dma.local @!p0 [hbm:s0], s1  }
0xc7: {  	s0 =	simm.s32 @!p0 $0x3  }
0xc8: {  	_ =	swait.ge @!p0 [sflag:s0], s1  }
0xc9: {  	s1 =	ssub.s32 @!p0 $0x0, s1;
	[sflag:s0] =	ssyncset.done @!p0 $0x0  }
0xca: {  	[sflag:s0] =	ssyncadd.s32 @!p0 s1  }
0xcb: {  	[bflag:$0x3] =	sbarrier.arrive $0xFFFF  }
0xcc: {  	_ =	shalt  }

// kernel: kernel.8.cloned.1.call-start
scs
__scs_entry_jumppad:
0x0: {  	(pc) =	sbr.rel $0x88, $3  }
0x1: {  	(tag) =	ssettag $0x0;
	lr =	simm.s32 $0x1  }
0x2: {  	[smem:$0x3F9B] =	sst lr;
	_ =	strace $0xD0000000  }
0x3: {  	_ = 	snop  }
0x4: {  	_ = 	snop  }
0x5: {  	_ = 	snop  }
0x6: {  	_ = 	snop  }
0x7: {  	_ = 	snop  }
__scs_overlays_trampoline_lowered:
0x8: {  	[smem:$0x3FAA] =	sst s0  }
0x9: {  	[smem:$0x3FAB] =	sst s1  }
0xa: {  	[smem:$0x3FAC] =	sst s2  }
0xb: {  	[smem:$0x3FAD] =	sst s3  }
0xc: {  	[smem:$0x3FAE] =	sst s4  }
0xd: {  	[smem:$0x3FAF] =	sst s5  }
0xe: {  	[smem:$0x3FB0] =	sst s6  }
0xf: {  	[smem:$0x3FB1] =	sst s7  }
0x10: {  	[smem:$0x3FB2] =	sst s8  }
0x11: {  	[smem:$0x3FB3] =	sst s9;
	s0 =	simm.s32 @!p0 $0x0  }
0x12: {  	s1 =	sld [smem:$0x3F99];
	s0 =	simm.s32 @p0 $0x1  }
0x13: {  	[smem:$0x3FB4] =	sst s0;
	s0 =	simm.s32 @!p1 $0x0  }
0x14: {  	s2 =	sld [smem:$0x3F98];
	s0 =	simm.s32 @p1 $0x1  }
0x15: {  	[smem:$0x3FB5] =	sst s0;
	s0 =	simm.s32 @!p2 $0x0  }
0x16: {  	s3 =	sld [smem:$0x3FDB];
	s0 =	simm.s32 @p2 $0x1  }
0x17: {  	s4 =	simm.s32 $0x1BF5;
	[smem:$0x3FB7] =	sst s0  }
0x18: {  	s0 =	sld [smem:$0x3F9A];
	_ =	swait.ge [sflag:s4], $0x0  }
0x19: {  	s7 =	sld [smem:$0x3F9B]  }
0x1a: {  	s8 =	sadd.s32 $0xFFFFE003, lr  }
0x1b: {  	s9 =	sadd.s32 $0xFFFFFEF7, lr;
	s5 =	simm.s32 $0xFFFFFFFF;
	p2 =	slt.u32 s8, $0xFFFFF086  }
0x1c: {  	p1 =	slt.u32 s9, $0xF7A;
	s5 =	simm.s32 @!p2 $0x0  }
0x1d: {  	s5 =	simm.s32 @p1 $0x1;
	p0 =	seq.s32 s7, s2  }
0x1e: {  	s7 =	smul.u32 @!p0 $0xF7A, s2;
	p2 =	seq.s32 @!p0 s5, $0x0  }
0x1f: {  	s9 =	smul.u32 $0xF7A, s1;
	s8 =	simm.s32 @!p0 $0x1BF5;
	p2 =	por !p2, p0  }
0x20: {  	[sflag:s8] =	ssyncset.s32 @!p0 $0xFFFFF086;
	s6 =	sadd.s32 @!p0 s3, s7;
	s7 =	simm.s32 @!p0 $0x108  }
0x21: {  	s3 =	sadd.s32 s3, s9;
	s6 =	sadd.s32 @!p0 $0x88, s6;
	s7 =	simm.s32 @p2 $0x1082  }
0x22: {  	[simem:s7], [sflag:s8] =	dma.local @!p0 [hbm:s6], $0xF7A  }
0x23: {  	s9 =	sor.u32 $0xD0000000, s2;
	s6 =	simm.s32 $0x108;
	_ =	swait.ge @!p0 [sflag:s8], $0x0  }
0x24: {  	s3 =	sadd.s32 $0x88, s3;
	s6 =	simm.s32 @!p1 $0x1082;
	[sflag:s4] =	ssyncset.s32 $0xFFFFF086  }
0x25: {  	[simem:s6], [sflag:s4] =	dma.local [hbm:s3], $0xF7A  }
0x26: {  	[smem:$0x3F9B] =	sst s1;
	(tag) =	ssettag s2;
	_ =	strace s9  }
0x27: {  	s1 =	sld [smem:$0x3FAB]  }
0x28: {  	s2 =	sld [smem:$0x3FAC]  }
0x29: {  	s4 =	sld [smem:$0x3FAE]  }
0x2a: {  	p0 =	seq.s32 s5, $0x0;
	s5 =	sld [smem:$0x3FAF]  }
0x2b: {  	s6 =	sld [smem:$0x3FB0]  }
0x2c: {  	s7 =	sld [smem:$0x3FB1]  }
0x2d: {  	s3 =	simm.s32 $0x108;
	s8 =	sld [smem:$0x3FB2]  }
0x2e: {  	s3 =	simm.s32 @!p0 $0x1082;
	s9 =	sld [smem:$0x3FB3]  }
0x2f: {  	lr =	sadd.s32 s0, s3;
	s0 =	sld [smem:$0x3FAA]  }
0x30: {  	s3 =	sld [smem:$0x3FAD]  }
0x31: {  	[smem:$0x3FB6] =	sst s10  }
0x32: {  	s10 =	sld [smem:$0x3FB4];
	_ =	sdelay $0x3  }
0x33: {  	p0 =	seq.s32 s10, $0x1;
	s10 =	sld [smem:$0x3FB6];
	_ =	sdelay $0x3  }
0x34: {  	[smem:$0x3FB6] =	sst s10  }
0x35: {  	s10 =	sld [smem:$0x3FB5];
	_ =	sdelay $0x3  }
0x36: {  	p1 =	seq.s32 s10, $0x1;
	s10 =	sld [smem:$0x3FB6];
	_ =	sdelay $0x3  }
0x37: {  	[smem:$0x3FB6] =	sst s10  }
0x38: {  	s10 =	sld [smem:$0x3FB7]  }
0x39: {  	_ = 	snop;
	(pc) =	sbr.ind lr, $3  }
0x3a: {  	_ = 	snop  }
0x3b: {  	_ = 	snop  }
0x3c: {  	p2 =	seq.s32 s10, $0x1;
	s10 =	sld [smem:$0x3FB6]  }
0x3d: {  	_ =	shalt  }
0x3e: {  	_ =	shalt  }
0x3f: {  	_ =	shalt  }
0x40: {  	_ =	shalt  }
0x41: {  	_ =	shalt  }
0x42: {  	_ =	shalt  }
0x43: {  	_ =	shalt  }
0x44: {  	_ =	shalt  }
0x45: {  	_ =	shalt  }
0x46: {  	_ =	shalt  }
0x47: {  	_ =	shalt  }
0x48: {  	_ =	shalt  }
0x49: {  	_ =	shalt  }
0x4a: {  	_ =	shalt  }
0x4b: {  	_ =	shalt  }
0x4c: {  	_ =	shalt  }
0x4d: {  	_ =	shalt  }
0x4e: {  	_ =	shalt  }
0x4f: {  	_ =	shalt  }
0x50: {  	_ =	shalt  }
0x51: {  	_ =	shalt  }
0x52: {  	_ =	shalt  }
0x53: {  	_ =	shalt  }
0x54: {  	_ =	shalt  }
0x55: {  	_ =	shalt  }
0x56: {  	_ =	shalt  }
0x57: {  	_ =	shalt  }
0x58: {  	_ =	shalt  }
0x59: {  	_ =	shalt  }
0x5a: {  	_ =	shalt  }
0x5b: {  	_ =	shalt  }
0x5c: {  	_ =	shalt  }
0x5d: {  	_ =	shalt  }
0x5e: {  	_ =	shalt  }
0x5f: {  	_ =	shalt  }
0x60: {  	_ =	shalt  }
0x61: {  	_ =	shalt  }
0x62: {  	_ =	shalt  }
0x63: {  	_ =	shalt  }
0x64: {  	_ =	shalt  }
0x65: {  	_ =	shalt  }
0x66: {  	_ =	shalt  }
0x67: {  	_ =	shalt  }
0x68: {  	_ =	shalt  }
0x69: {  	_ =	shalt  }
0x6a: {  	_ =	shalt  }
0x6b: {  	_ =	shalt  }
0x6c: {  	_ =	shalt  }
0x6d: {  	_ =	shalt  }
0x6e: {  	_ =	shalt  }
0x6f: {  	_ =	shalt  }
0x70: {  	_ =	shalt  }
0x71: {  	_ =	shalt  }
0x72: {  	_ =	shalt  }
0x73: {  	_ =	shalt  }
0x74: {  	_ =	shalt  }
0x75: {  	_ =	shalt  }
0x76: {  	_ =	shalt  }
0x77: {  	_ =	shalt  }
0x78: {  	_ =	shalt  }
0x79: {  	_ =	shalt  }
0x7a: {  	_ =	shalt  }
0x7b: {  	_ =	shalt  }
0x7c: {  	_ =	shalt  }
0x7d: {  	_ =	shalt  }
0x7e: {  	_ =	shalt  }
0x7f: {  	_ =	shalt  }
0x80: {  	_ =	shalt  }
0x81: {  	_ =	shalt  }
0x82: {  	_ =	shalt  }
0x83: {  	_ =	shalt  }
0x84: {  	_ =	shalt  }
0x85: {  	_ =	shalt  }
0x86: {  	_ =	shalt  }
0x87: {  	_ =	shalt  }
.Lfunc_end0:
.L_simem_size_0:
called_computation_lowered:
.L_overlay_start_0:
0x88: {  	s2 =	sld [smem:$0x3FD9]  }
0x89: {  	s3 =	sld [smem:$0x3FFE];
	_ =	sdelay $0x1  }
0x8a: {  	s1 =	srdreg.scid  }
0x8b: {  	s0 =	sand.u32 $0x1, s1  }
0x8c: {  	s17 =	sshll.u32 s0, $0xA;
	s2 =	sadd.s32 s3, s2  }
0x8d: {  	s2 =	sadd.s32 s2, s17  }
0x8e: {  	[smem:$0x3FC2] =	sst s2  }
0x8f: {  	_ = 	snop  }
0x90: {  	s2 =	sld [smem:$0x3FD0];
	(tm) =	ssettm $0x1  }
0x91: {  	s18 =	sld [smem:$0x3FFB];
	_ =	sdelay $0x3  }
0x92: {  	_ =	strace s18  }
0x93: {  	s3 =	sld [smem:$0x3FFC];
	_ =	sdelay $0x3  }
0x94: {  	_ =	strace s3  }
0x95: {  	s3 =	sld [smem:$0x3FFD];
	_ =	sdelay $0x3  }
0x96: {  	_ =	strace s3  }
0x97: {  	_ =	strace $0x8FFFFFFF  }
0x98: {  	s19 =	sld [smem:$0x3FDB];
	_ =	sdelay $0x1  }
0x99: {  	s4 =	simm.s32 $_scs_section_size  }
0x9a: {  	s5 =	simm.s32 $_size__tile_overlayer_lowered;
	s6 =	simm.s32 $_tile_overlayer_lowered  }
0x9b: {  	s22 =	simm.s32 $0x1BFF;
	s21 =	sshll.u32 s6, $0x1;
	s3 =	sadd.s32 s4, s19  }
0x9c: {  	s7 =	simm.s32 $0x0;
	s20 =	sshll.u32 s5, $0x1;
	s5 =	sadd.s32 s21, s3  }
0x9d: {  	[timem:s7], [sflag:s22] =	dma.local [hbm:s5], s20  }
0x9e: {  	_ =	swait.ge [sflag:s22], s20  }
0x9f: {  	s4 =	ssub.s32 $0x0, s20;
	[sflag:s22] =	ssyncset.done $0x0  }
0xa0: {  	[sflag:s22] =	ssyncadd.s32 s4;
	_ =	sdelay $0x1  }
0xa1: {  	s23 =	simm.s32 $0x1B8B  }
0xa2: {  	_ =	swait.ge [sflag:s23], $0x1  }
0xa3: {  	[sflag:s23] =	ssyncset.done $0x0  }
0xa4: {  	s25 =	simm.s32 $0x1B8E;
	s24 =	sld [smem:$0x3FFE];
	[sflag:s23] =	ssyncadd.s32 $0xFFFFFFFF  }
0xa5: {  	s26 =	simm.s32 $execute0_lowered;
	[smem:$0x3FD2] =	sst s25  }
0xa6: {  	s5 =	sshll.u32 s26, $0x1;
	_ =	strace $0x80000046;
	[dreg:$0x1] =	wrdreg $0xFFFFFFFF  }
0xa7: {  	s28 =	simm.s32 $_size_execute0_lowered;
	s3 =	sadd.s32 s3, s5;
	[dreg:$0x0] =	wrdreg $0x0  }
0xa8: {  	s5 =	sshll.u32 s28, $0x1;
	[dreg:$0x2] =	wrdreg s3  }
0xa9: {  	[dreg:$0x3] =	wrdreg s5  }
0xaa: {  	[dreg:$0x4] =	wrdreg $0xC0  }
0xab: {  	_ =	task [dreg:s7], $0x5FFFF  }
0xac: {  	[dreg:$0x1] =	wrdreg $0xFFFFFFFF  }
0xad: {  	[dreg:$0x0] =	wrdreg $0x60  }
0xae: {  	[dreg:$0x2] =	wrdreg s2  }
0xaf: {  	[dreg:$0x3] =	wrdreg s24  }
0xb0: {  	[dreg:$0x4] =	wrdreg $0x44000  }
0xb1: {  	[dreg:$0x5] =	wrdreg $0x9  }
0xb2: {  	_ =	task.clear_ibuf [dreg:s7], $0x6FFFF;
	_ =	strace $0x90000046  }
0xb3: {  	s29 =	simm.s32 $0x9;
	_ =	strace $0x80000048  }
0xb4: {  	_ =	swait.ge [sflag:s29], $0x1  }
0xb5: {  	[sflag:s29] =	ssyncadd.s32 $0xFFFFFFFF  }
0xb6: {  	_ =	strace $0x90000048  }
0xb7: {  	_ =	sfence  }
0xb8: {  	s30 =	sld [smem:$0x0];
	_ =	sdelay $0x2  }
0xb9: {  	s31 =	sshll.u32 s1, $0xD;
	s1 =	sshrl.u32 s1, $0x2  }
0xba: {  	s3 =	sand.u32 $0x4000, s31;
	s1 =	sadd.s32 s1, s30  }
0xbb: {  	s0 =	sor.u32 s3, s0;
	s1 =	sshll.u32 s1, $0x11  }
0xbc: {  	s0 =	sor.u32 s1, s0  }
0xbd: {  	s0 =	sadd.s32 $0x8F2B, s0  }
0xbe: {  	[sflag:s0] =	ssyncadd.remote.s32 $0x1  }
0xbf: {  	_ =	sfence.sel $0xFFFF  }
0xc0: {  	[dreg:$0x0] =	wrdreg $0xFFFFFFFF;
	(pc) =	sbr.abs _section_cstart, $3  }
0xc1: {  	[dreg:$0x1] =	wrdreg $0xFFFFFFFF  }
0xc2: {  	_ =	task.clear_ibuf [dreg:s7], $0x2FFFF;
	_ =	strace $0x9FFFFFFF  }
0xc3: {  	(tm) =	ssettm $0x7FFFFFFF  }
tec
execute0_lowered:
.L_overlay_start_1:
0x0: {  	(tag) =	ssettag $0x1  }
0x1: {  	s5 =	rddreg [dreg:$0x0]  }
0x2: {  	s0 =	srdreg.scid;
	s6 =	rddreg [dreg:$0x1]  }
0x3: {  	s2 =	rddreg [dreg:$0x2];
	s1 =	stileid.u32  }
0x4: {  	s3 =	simm.s32 $0x0;
	s7 =	sand.u32 $0x1, s0;
	s0 =	rddreg [dreg:$0x3]  }
0x5: {  	s13 =	simm.s32 $0x4280;
	s14 =	simm.s32 $0x0;
	[smem:$0x7FF] =	sst s3  }
0x6: {  	s10 =	smul.u32 $0xA00, s1;
	s11 =	sshll.u32 s1, $0xB;
	s4 =	sshll.u32 s7, $0x4  }
0x7: {  	_ =	strace $0x80000047;
	s7 =	ssub.s32 $0x2, s7;
	s4 =	sor.u32 s1, s4  }
0x8: {  	s5 =	sadd.s32 s5, s11;
	s11 =	simm.s32 $0x4000;
	s8 =	smul.u32 $0x140, s4  }
0x9: {  	s30 =	sshrl.u32 s7, $0x1;
	s31 =	sshrl.u32 s10, $0x2;
	s10 =	simm.s32 $0x1  }
0xa: {  	s4 =	sadd.s32 $0x1600, s6;
	s12 =	ssub.s32 s7, s30;
	s9 =	sshrl.u32 s8, $0x3  }
0xb: {  	s7 =	sadd.s32 s8, s2;
	s9 =	sadd.s32 s9, s6;
	s6 =	sadd.s32 s31, s2  }
0xc: {  	s8 =	sadd.s32 $0x1C00, s9;
	s9 =	smax.u32 s12, $0x1;
	s12 =	simm.s32 $0x50  }
.LBB2_1:
0xd: {  	[tilespmem:s3], [sflag:$0x1] =	stream.linear.gather [hbm4b:s5+s3], $0x3E80, $0x38;
	[tilespmem:$0x4680] =	vst v63  }
0xe: {  	_ =	swait.ge [sflag:s10], $0x3E80  }
0xf: {  	[sflag:s10] =	ssyncset.done $0x0  }
0x10: {  	[sflag:s10] =	ssyncadd.s32 $0xFFFFC180  }
0x11: {  	[tilespmem:s11], [sflag:$0x1] =	stream.linear.gather [hbm4b:s4+s3], $0x280, $0x38;
	[tilespmem:$0x4680] =	vst v63  }
0x12: {  	_ =	swait.ge [sflag:s10], $0x280  }
0x13: {  	[sflag:s10] =	ssyncset.done $0x0  }
0x14: {  	[sflag:s10] =	ssyncadd.s32 $0xFFFFFD80  }
0x15: {  	[spmem:s6] =	stream.linear.scatter [tilespmem:s11], [sflag:$0x1], $0x280, $0x38;
	[tilespmem:$0x4680] =	vst v63  }
0x16: {  	_ =	swait.ge [sflag:s10], $0x280  }
0x17: {  	[sflag:s10] =	ssyncset.done $0x0  }
0x18: {  	[sflag:s10] =	ssyncadd.s32 $0xFFFFFD80  }
0x19: {  	s15 =	simm.s32 $0x0;
	[bflag:$0x0] =	sbarrier.arrive $0xFFFF  }
0x1a: {  	[spmem:s2] =	stream.indirect.scatter.add.f32 [tilespmem:s11], [sflag:$0x1], $0x1, s15, s12, $0xb8;
	[tilespmem:$0x4680] =	vst v63  }
0x1b: {  	_ =	swait.ge [sflag:s10], $0x50  }
0x1c: {  	s15 =	simm.s32 $0x200;
	[sflag:s10] =	ssyncset.done $0x0  }
.LBB2_2:
0x1d: {  	s16 =	sshra.s32 s15, $0x2;
	[sflag:s10] =	ssyncadd.s32 $0xFFFFFFB0;
	p0 =	sne.s32 s15, $0xF800  }
0x1e: {  	[spmem:s2] =	stream.indirect.scatter.add.f32 [tilespmem:s11], [sflag:$0x1], $0x1, s16, s12, $0xb8;
	[tilespmem:$0x4680] =	vst v63  }
.Ltmp0:
0x1f: {  	_ = 	snop;
	(pc) =	sbr.rel @p0 .LBB2_2-.Ltmp0, $4  }
0x20: {  	_ = 	snop  }
0x21: {  	s15 =	sadd.s32 $0x200, s15  }
0x22: {  	_ =	swait.ge [sflag:s10], $0x50  }
0x23: {  	[sflag:s10] =	ssyncset.done $0x0  }
0x24: {  	[sflag:s10] =	ssyncadd.s32 $0xFFFFFFB0  }
0x25: {  	[bflag:$0x0] =	sbarrier.arrive $0xFFFF  }
0x26: {  	[tilespmem:s13], [sflag:$0x1] =	stream.linear.gather [spmem:s7], $0x140, $0x38;
	[tilespmem:$0x4680] =	vst v63  }
0x27: {  	s14 =	sadd.s32 $0x1, s14;
	_ =	swait.ge [sflag:s10], $0x140  }
0x28: {  	p0 =	sne.s32 s14, s9;
	[sflag:s10] =	ssyncset.done $0x0  }
.Ltmp1:
0x29: {  	[sflag:s10] =	ssyncadd.s32 $0xFFFFFEC0;
	(pc) =	sbr.rel @p0 .LBB2_1-.Ltmp1, $4  }
0x2a: {  	[hbm4b:s8+s3] =	stream.linear.scatter [tilespmem:s13], [sflag:$0x1], $0x140, $0x38;
	[tilespmem:$0x4680] =	vst v63  }
0x2b: {  	_ =	swait.ge [sflag:s10], $0x140  }
0x2c: {  	[sflag:s10] =	ssyncset.done $0x0  }
0x2d: {  	[sflag:s10] =	ssyncadd.s32 $0xFFFFFEC0  }
0x2e: {  	_ =	sfence.sel $0x180000  }
0x2f: {  	[bflag:$0x0] =	sbarrier.arrive $0xFFFF  }
0x30: {  	p0 =	sne.s32 s1, $0x0;
	_ =	strace $0x90000047  }
0x31: {  	s0 =	sadd.s32 @!p0 $0x100000, s0;
	[bflag:$0x2] =	sbarrier.arrive $0xFFFF  }
0x32: {  	[sflag:s0] =	ssyncadd.tile.s32 @!p0 $0x1;
	_ =	shalt  }
.Lfunc_end2:
_tile_overlayer_lowered:
.L_overlay_start_2:
0x33: {  	(tag) =	ssettag $0x2  }
0x34: {  	s0 =	rddreg [dreg:$0x0];
	s2 =	stileid.u32  }
0x35: {  	s1 =	rddreg [dreg:$0x1];
	p0 =	sne.s32 s2, $0x0  }
0x36: {  	s3 =	rddreg [dreg:$0x2];
	[bflag:$0x3] =	sbarrier.arrive $0xFFFF;
	s2 =	simm.s32 @!p0 $0x1C01  }
0x37: {  	[timem:s3], [sflag:s2] =	dma.local @!p0 [hbm:s0], s1  }
0x38: {  	s0 =	simm.s32 @!p0 $0x1  }
0x39: {  	_ =	swait.ge @!p0 [sflag:s0], s1  }
0x3a: {  	s1 =	ssub.s32 @!p0 $0x0, s1;
	[sflag:s0] =	ssyncset.done @!p0 $0x0  }
0x3b: {  	[sflag:s0] =	ssyncadd.s32 @!p0 s1  }
0x3c: {  	[bflag:$0x3] =	sbarrier.arrive $0xFFFF  }
0x3d: {  	_ =	shalt  }

</sc_bundles>
